<compile_context>
chip_gen: v7x
topology: tpu7x:2x2x1
jax: 0.10.2.dev20260603
libtpu: 0.0.44.dev20260713+nightly
codegen_flags: <defaults>
</compile_context>

<pallas_src>
import functools

import jax
import jax.numpy as jnp
from jax import lax
from jax.experimental import pallas as pl
from jax.experimental.pallas import tpu as pltpu
from jax.experimental.pallas import tpu_sc as plsc

TOPK = 8
POOL = 64
TM = 1024
SUB = 8


def _vw_body(value_pool_ref, w2_ref, vw_ref):
    vw_ref[...] = lax.dot_general(
        value_pool_ref[...], w2_ref[...],
        (((1,), (1,)), ((), ())),
        preferred_element_type=jnp.float32,
    )


def _build_vw(value_pool, fc_w, emb_dim):
    return pl.pallas_call(
        _vw_body,
        grid=(TOPK,),
        in_specs=[
            pl.BlockSpec((POOL, emb_dim), lambda j: (0, 0)),
            pl.BlockSpec((emb_dim, emb_dim), lambda j: (0, j + 1)),
        ],
        out_specs=pl.BlockSpec((POOL, emb_dim), lambda j: (j, 0)),
        out_shape=jax.ShapeDtypeStruct((TOPK * POOL, emb_dim), jnp.float32),
    )(value_pool, fc_w)


def _main_body(hn_ref, nrm_ref, kn_ref, w1_ref, b_ref,
               out_ref, idx_ref, sim_ref, sim_acc):
    i = pl.program_id(0)
    n_steps = pl.num_programs(0)

    hn = hn_ref[...]
    kn = kn_ref[...]

    w = lax.dot_general(hn, kn, (((1,), (1,)), ((), ())),
                        preferred_element_type=jnp.float32)

    dense = lax.dot_general(hn.astype(jnp.bfloat16), w1_ref[...],
                            (((1,), (1,)), ((), ())),
                            preferred_element_type=jnp.float32)

    iota = lax.broadcasted_iota(jnp.int32, (TM, POOL), 1).astype(jnp.float32)
    topsum = jnp.zeros((TM, 1), jnp.float32)
    for j in range(TOPK):
        m = jnp.max(w, axis=1, keepdims=True)
        sel = w == m
        idx_f = jnp.min(jnp.where(sel, iota, float(POOL)),
                        axis=1, keepdims=True)
        oh = (iota == idx_f)
        w = jnp.where(oh, -jnp.inf, w)
        topsum = topsum + m
        idx_ref[j, :] = (idx_f[:, 0] + float(POOL) * j).astype(jnp.int32)

    out_ref[...] = dense * nrm_ref[...] + b_ref[...]

    @pl.when(i == 0)
    def _():
        sim_acc[0] = 0.0
    sim_acc[0] += jnp.sum(topsum)

    @pl.when(i == n_steps - 1)
    def _():
        sim_ref[...] = jnp.reshape(sim_acc[0], (1, 1))


def _sc_pool_accumulate(vw, idx_flat, dense, n_tokens, emb_dim):
    mesh = plsc.VectorSubcoreMesh(core_axis_name="c", subcore_axis_name="s")
    info = plsc.get_sparse_core_info()
    nc, ns = info.num_cores, info.num_subcores
    nw = nc * ns
    per_w = n_tokens // nw
    n_chunks = per_w // SUB

    @functools.partial(
        pl.kernel, mesh=mesh,
        out_type=jax.ShapeDtypeStruct((n_tokens, emb_dim), jnp.float32),
        scratch_types=[
            pltpu.VMEM((TOPK * per_w,), jnp.int32),
            pltpu.VMEM((TOPK * SUB, emb_dim), jnp.float32),
            pltpu.VMEM((SUB, emb_dim), jnp.float32),
            pltpu.SemaphoreType.DMA,
        ],
    )
    def k(vw_hbm, idx_hbm, dense_hbm, out_hbm, idxv, rows, acc, sem):
        wid = lax.axis_index("s") * nc + lax.axis_index("c")
        base = wid * per_w

        for j in range(TOPK):
            pltpu.sync_copy(idx_hbm.at[pl.ds(j * n_tokens + base, per_w)],
                            idxv.at[pl.ds(j * per_w, per_w)])

        def chunk_body(cstep, carry):
            tok = base + cstep * SUB
            copies = [
                pltpu.async_copy(dense_hbm.at[pl.ds(tok, SUB), :], acc, sem)
            ] + [
                pltpu.async_copy(
                    vw_hbm.at[idxv.at[pl.ds(j * per_w + cstep * SUB, SUB)]],
                    rows.at[pl.ds(j * SUB, SUB), :], sem)
                for j in range(TOPK)
            ]
            for c in copies:
                c.wait()
            for t in range(SUB):
                def add_body(kk, c2, _t=t):
                    s = kk * 64
                    for u in range(4):
                        sl = pl.ds(s + u * 16, 16)
                        x = rows[_t, sl]
                        for j in range(1, TOPK):
                            x = x + rows[j * SUB + _t, sl]
                        plsc.addupdate(acc.at[_t, sl], x)
                    return c2
                lax.fori_loop(0, emb_dim // 64, add_body, 0)
            pltpu.sync_copy(acc, out_hbm.at[pl.ds(tok, SUB), :])
            return carry

        lax.fori_loop(0, n_chunks, chunk_body, 0)

    return k(vw, idx_flat, dense)


def kernel(hidden_states, key_pool, value_pool, fc_w, fc_b):
    B, T, D = hidden_states.shape
    O = fc_w.shape[0]
    N = B * T

    def _l2n(x):
        n = jnp.maximum(jnp.sqrt(jnp.sum(x * x, axis=-1, keepdims=True)), 1e-12)
        return x / n, n

    hn, nrm = _l2n(hidden_states)
    hn2 = hn.reshape(N, D)
    nrm2 = nrm.reshape(N, 1)
    kn, _ = _l2n(key_pool)
    w1b = fc_w[:, :D].astype(jnp.bfloat16)
    vw = _build_vw(value_pool, fc_w, D)

    grid = (N // TM,)
    dense2, idx, sim = pl.pallas_call(
        _main_body,
        grid=grid,
        in_specs=[
            pl.BlockSpec((TM, D), lambda i: (i, 0)),
            pl.BlockSpec((TM, 1), lambda i: (i, 0)),
            pl.BlockSpec((POOL, D), lambda i: (0, 0)),
            pl.BlockSpec((O, D), lambda i: (0, 0)),
            pl.BlockSpec((1, O), lambda i: (0, 0)),
        ],
        out_specs=[
            pl.BlockSpec((TM, O), lambda i: (i, 0)),
            pl.BlockSpec((TOPK, TM), lambda i: (0, i)),
            pl.BlockSpec((1, 1), lambda i: (0, 0)),
        ],
        out_shape=[
            jax.ShapeDtypeStruct((N, O), jnp.float32),
            jax.ShapeDtypeStruct((TOPK, N), jnp.int32),
            jax.ShapeDtypeStruct((1, 1), jnp.float32),
        ],
        scratch_shapes=[pltpu.SMEM((1,), jnp.float32)],
    )(hn2, nrm2, kn, w1b, fc_b.reshape(1, O))

    idx_flat = idx.reshape(TOPK * N)
    out2 = _sc_pool_accumulate(vw, idx_flat, dense2, N, O)

    out = out2.reshape(B, T, O)
    sim_loss = sim[0, 0] / B
    return (out, sim_loss)

# --- scband reference (transcript-rebuilt; emitter-appended) ---
"""Pipeline reference for scband-prompt-pool-33801392619565 (READ-ONLY COPY).

The authoritative reference and input builder live on the scoring server;
editing this copy changes nothing except your own understanding.
"""

import jax, jax.numpy as jnp
import numpy as np

TOP_K = 8
POOL_SIZE = 64
EMB_DIM = 1024
PP_DIM = 1024

def _l2norm(x, axis=-1, eps=1e-12):
    n = jnp.sqrt(jnp.sum(x * x, axis=axis, keepdims=True))
    return x / jnp.maximum(n, eps)

def setup_inputs(seed: int = 0) -> dict:
    key = jax.random.key(seed)
    k1, k2, k3, k4 = jax.random.split(key, 4)
    hidden_states = jax.random.normal(k1, (2, 4096, EMB_DIM), dtype=jnp.float32)
    key_pool = jax.random.normal(k2, (POOL_SIZE, EMB_DIM), dtype=jnp.float32)
    value_pool = jax.random.normal(k3, (POOL_SIZE, PP_DIM), dtype=jnp.float32)
    fc_w = jax.random.normal(k4, (EMB_DIM, TOP_K * PP_DIM + EMB_DIM), dtype=jnp.float32) * 0.02
    fc_b = jnp.zeros((EMB_DIM,), dtype=jnp.float32)
    return {"hidden_states": hidden_states, "key_pool": key_pool, "value_pool": value_pool, "fc_w": fc_w, "fc_b": fc_b}

def reference(hidden_states, key_pool, value_pool, fc_w, fc_b):
    B, T, D = hidden_states.shape
    hn = _l2norm(hidden_states, axis=-1)
    kn = _l2norm(key_pool, axis=-1)
    weights = jnp.einsum('btd,pd->btp', hn, kn)
    _, indices = jax.lax.top_k(weights, TOP_K)  # [B, T, k]
    pool_states = jnp.take(value_pool, indices.reshape(-1), axis=0).reshape(B, T, TOP_K * PP_DIM)
    cat = jnp.concatenate((hidden_states, pool_states), axis=-1)
    out = jnp.einsum('bti,oi->bto', cat, fc_w) + fc_b
    kn_topk = jnp.take(kn, indices.reshape(-1), axis=0).reshape(B, T, TOP_K, D)
    sim_loss = jnp.sum(hn[:, :, None, :] * kn_topk) / B
    return (out, sim_loss)

if __name__ == "__main__":
    import jax
    _d = setup_inputs()
    print(jax.jit(kernel)(*tuple(_d.values())))

</pallas_src>

<mosaic_0001>
#map = affine_map<(d0, d1) -> (0, 0)>
#map1 = affine_map<(d0, d1) -> (0)>
module attributes {stable_mosaic.version = 14 : i64} {
  func.func @k(%arg0: i32, %arg1: i32, %arg2: memref<512x1024xf32, #tpu.memory_space<hbm>>, %arg3: memref<65536xi32, #tpu.memory_space<hbm>>, %arg4: memref<8192x1024xf32, #tpu.memory_space<hbm>>, %arg5: memref<8192x1024xf32, #tpu.memory_space<hbm>>, %arg6: memref<2048xi32, #tpu.memory_space<vmem>>, %arg7: memref<64x1024xf32, #tpu.memory_space<vmem>>, %arg8: memref<8x1024xf32, #tpu.memory_space<vmem>>, %arg9: memref<!tpu.dma_semaphore, #tpu.memory_space<semaphore_mem>>) attributes {dimension_semantics = [#tpu.dimension_semantics<core_parallel>, #tpu.dimension_semantics<subcore_parallel>], iteration_bounds = array<i64: 2, 16>, scalar_prefetch = 0 : i64, scratch_operands = 4 : i64, tpu.core_type = #tpu.core_type<sc_vector_subcore>, window_params = [{transform_indices = #map}, {transform_indices = #map1}, {transform_indices = #map}, {transform_indices = #map}]} {
    %mul3A = arith.constant 2 : i32
    %mul3A_0 = arith.muli %arg1, %mul3A : i32
    %add3A = arith.addi %mul3A_0, %arg0 : i32
    %mul3A_1 = arith.constant 256 : i32
    %mul3A_2 = arith.muli %add3A, %mul3A_1 : i32
    %add3A_3 = arith.constant 0 : i32
    %add3A_4 = arith.addi %add3A_3, %mul3A_2 : i32
    "tpu.region"() ({
      %run_scoped3A = tpu.sem_alloc : memref<!tpu.dma_semaphore, #tpu.memory_space<semaphore_mem>>
      %dma_start3A = arith.constant 0 : i32
      %dma_start3A_24 = tpu.memref_slice %arg6[%dma_start3A] : memref<2048xi32, #tpu.memory_space<vmem>> -> memref<256xi32, #tpu.memory_space<vmem>>
      %dma_start3A_25 = tpu.memref_slice %arg3[%add3A_4] : memref<65536xi32, #tpu.memory_space<hbm>> -> memref<256xi32, #tpu.memory_space<hbm>>
      %dma_start3A_26 = arith.constant 0 : i32
      %dma_start3A_27 = tpu.memref_slice %arg6[%dma_start3A_26] : memref<2048xi32, #tpu.memory_space<vmem>> -> memref<256xi32, #tpu.memory_space<vmem>>
      %dma_start3A_28 = tpu.memref_slice %arg3[%add3A_4] : memref<65536xi32, #tpu.memory_space<hbm>> -> memref<256xi32, #tpu.memory_space<hbm>>
      tpu.enqueue_dma source(%dma_start3A_28 : memref<256xi32, #tpu.memory_space<hbm>>) target(%dma_start3A_27 : memref<256xi32, #tpu.memory_space<vmem>>) target_semaphore(%run_scoped3A : memref<!tpu.dma_semaphore, #tpu.memory_space<semaphore_mem>>)
      %dma_wait3A = arith.constant 0 : i32
      %dma_wait3A_29 = tpu.memref_slice %arg6[%dma_wait3A] : memref<2048xi32, #tpu.memory_space<vmem>> -> memref<256xi32, #tpu.memory_space<vmem>>
      %dma_wait3A_30 = tpu.memref_slice %arg3[%add3A_4] : memref<65536xi32, #tpu.memory_space<hbm>> -> memref<256xi32, #tpu.memory_space<hbm>>
      %dma_wait3A_31 = arith.constant 0 : i32
      %dma_wait3A_32 = tpu.memref_slice %arg6[%dma_wait3A_31] : memref<2048xi32, #tpu.memory_space<vmem>> -> memref<256xi32, #tpu.memory_space<vmem>>
      %dma_wait3A_33 = tpu.memref_slice %arg3[%add3A_4] : memref<65536xi32, #tpu.memory_space<hbm>> -> memref<256xi32, #tpu.memory_space<hbm>>
      tpu.wait_dma2 semaphore(%run_scoped3A : memref<!tpu.dma_semaphore, #tpu.memory_space<semaphore_mem>>) src(%dma_wait3A_33 : memref<256xi32, #tpu.memory_space<hbm>>) dst(%dma_wait3A_32 : memref<256xi32, #tpu.memory_space<vmem>>)
      tpu.yield
    }) : () -> ()
    %add3A_5 = arith.constant 8192 : i32
    %add3A_6 = arith.addi %add3A_5, %mul3A_2 : i32
    "tpu.region"() ({
      %run_scoped3A = tpu.sem_alloc : memref<!tpu.dma_semaphore, #tpu.memory_space<semaphore_mem>>
      %dma_start3A = arith.constant 256 : i32
      %dma_start3A_24 = tpu.memref_slice %arg6[%dma_start3A] : memref<2048xi32, #tpu.memory_space<vmem>> -> memref<256xi32, #tpu.memory_space<vmem>>
      %dma_start3A_25 = tpu.memref_slice %arg3[%add3A_6] : memref<65536xi32, #tpu.memory_space<hbm>> -> memref<256xi32, #tpu.memory_space<hbm>>
      %dma_start3A_26 = arith.constant 256 : i32
      %dma_start3A_27 = tpu.memref_slice %arg6[%dma_start3A_26] : memref<2048xi32, #tpu.memory_space<vmem>> -> memref<256xi32, #tpu.memory_space<vmem>>
      %dma_start3A_28 = tpu.memref_slice %arg3[%add3A_6] : memref<65536xi32, #tpu.memory_space<hbm>> -> memref<256xi32, #tpu.memory_space<hbm>>
      tpu.enqueue_dma source(%dma_start3A_28 : memref<256xi32, #tpu.memory_space<hbm>>) target(%dma_start3A_27 : memref<256xi32, #tpu.memory_space<vmem>>) target_semaphore(%run_scoped3A : memref<!tpu.dma_semaphore, #tpu.memory_space<semaphore_mem>>)
      %dma_wait3A = arith.constant 256 : i32
      %dma_wait3A_29 = tpu.memref_slice %arg6[%dma_wait3A] : memref<2048xi32, #tpu.memory_space<vmem>> -> memref<256xi32, #tpu.memory_space<vmem>>
      %dma_wait3A_30 = tpu.memref_slice %arg3[%add3A_6] : memref<65536xi32, #tpu.memory_space<hbm>> -> memref<256xi32, #tpu.memory_space<hbm>>
      %dma_wait3A_31 = arith.constant 256 : i32
      %dma_wait3A_32 = tpu.memref_slice %arg6[%dma_wait3A_31] : memref<2048xi32, #tpu.memory_space<vmem>> -> memref<256xi32, #tpu.memory_space<vmem>>
      %dma_wait3A_33 = tpu.memref_slice %arg3[%add3A_6] : memref<65536xi32, #tpu.memory_space<hbm>> -> memref<256xi32, #tpu.memory_space<hbm>>
      tpu.wait_dma2 semaphore(%run_scoped3A : memref<!tpu.dma_semaphore, #tpu.memory_space<semaphore_mem>>) src(%dma_wait3A_33 : memref<256xi32, #tpu.memory_space<hbm>>) dst(%dma_wait3A_32 : memref<256xi32, #tpu.memory_space<vmem>>)
      tpu.yield
    }) : () -> ()
    %add3A_7 = arith.constant 16384 : i32
    %add3A_8 = arith.addi %add3A_7, %mul3A_2 : i32
    "tpu.region"() ({
      %run_scoped3A = tpu.sem_alloc : memref<!tpu.dma_semaphore, #tpu.memory_space<semaphore_mem>>
      %dma_start3A = arith.constant 512 : i32
      %dma_start3A_24 = tpu.memref_slice %arg6[%dma_start3A] : memref<2048xi32, #tpu.memory_space<vmem>> -> memref<256xi32, #tpu.memory_space<vmem>>
      %dma_start3A_25 = tpu.memref_slice %arg3[%add3A_8] : memref<65536xi32, #tpu.memory_space<hbm>> -> memref<256xi32, #tpu.memory_space<hbm>>
      %dma_start3A_26 = arith.constant 512 : i32
      %dma_start3A_27 = tpu.memref_slice %arg6[%dma_start3A_26] : memref<2048xi32, #tpu.memory_space<vmem>> -> memref<256xi32, #tpu.memory_space<vmem>>
      %dma_start3A_28 = tpu.memref_slice %arg3[%add3A_8] : memref<65536xi32, #tpu.memory_space<hbm>> -> memref<256xi32, #tpu.memory_space<hbm>>
      tpu.enqueue_dma source(%dma_start3A_28 : memref<256xi32, #tpu.memory_space<hbm>>) target(%dma_start3A_27 : memref<256xi32, #tpu.memory_space<vmem>>) target_semaphore(%run_scoped3A : memref<!tpu.dma_semaphore, #tpu.memory_space<semaphore_mem>>)
      %dma_wait3A = arith.constant 512 : i32
      %dma_wait3A_29 = tpu.memref_slice %arg6[%dma_wait3A] : memref<2048xi32, #tpu.memory_space<vmem>> -> memref<256xi32, #tpu.memory_space<vmem>>
      %dma_wait3A_30 = tpu.memref_slice %arg3[%add3A_8] : memref<65536xi32, #tpu.memory_space<hbm>> -> memref<256xi32, #tpu.memory_space<hbm>>
      %dma_wait3A_31 = arith.constant 512 : i32
      %dma_wait3A_32 = tpu.memref_slice %arg6[%dma_wait3A_31] : memref<2048xi32, #tpu.memory_space<vmem>> -> memref<256xi32, #tpu.memory_space<vmem>>
      %dma_wait3A_33 = tpu.memref_slice %arg3[%add3A_8] : memref<65536xi32, #tpu.memory_space<hbm>> -> memref<256xi32, #tpu.memory_space<hbm>>
      tpu.wait_dma2 semaphore(%run_scoped3A : memref<!tpu.dma_semaphore, #tpu.memory_space<semaphore_mem>>) src(%dma_wait3A_33 : memref<256xi32, #tpu.memory_space<hbm>>) dst(%dma_wait3A_32 : memref<256xi32, #tpu.memory_space<vmem>>)
      tpu.yield
    }) : () -> ()
    %add3A_9 = arith.constant 24576 : i32
    %add3A_10 = arith.addi %add3A_9, %mul3A_2 : i32
    "tpu.region"() ({
      %run_scoped3A = tpu.sem_alloc : memref<!tpu.dma_semaphore, #tpu.memory_space<semaphore_mem>>
      %dma_start3A = arith.constant 768 : i32
      %dma_start3A_24 = tpu.memref_slice %arg6[%dma_start3A] : memref<2048xi32, #tpu.memory_space<vmem>> -> memref<256xi32, #tpu.memory_space<vmem>>
      %dma_start3A_25 = tpu.memref_slice %arg3[%add3A_10] : memref<65536xi32, #tpu.memory_space<hbm>> -> memref<256xi32, #tpu.memory_space<hbm>>
      %dma_start3A_26 = arith.constant 768 : i32
      %dma_start3A_27 = tpu.memref_slice %arg6[%dma_start3A_26] : memref<2048xi32, #tpu.memory_space<vmem>> -> memref<256xi32, #tpu.memory_space<vmem>>
      %dma_start3A_28 = tpu.memref_slice %arg3[%add3A_10] : memref<65536xi32, #tpu.memory_space<hbm>> -> memref<256xi32, #tpu.memory_space<hbm>>
      tpu.enqueue_dma source(%dma_start3A_28 : memref<256xi32, #tpu.memory_space<hbm>>) target(%dma_start3A_27 : memref<256xi32, #tpu.memory_space<vmem>>) target_semaphore(%run_scoped3A : memref<!tpu.dma_semaphore, #tpu.memory_space<semaphore_mem>>)
      %dma_wait3A = arith.constant 768 : i32
      %dma_wait3A_29 = tpu.memref_slice %arg6[%dma_wait3A] : memref<2048xi32, #tpu.memory_space<vmem>> -> memref<256xi32, #tpu.memory_space<vmem>>
      %dma_wait3A_30 = tpu.memref_slice %arg3[%add3A_10] : memref<65536xi32, #tpu.memory_space<hbm>> -> memref<256xi32, #tpu.memory_space<hbm>>
      %dma_wait3A_31 = arith.constant 768 : i32
      %dma_wait3A_32 = tpu.memref_slice %arg6[%dma_wait3A_31] : memref<2048xi32, #tpu.memory_space<vmem>> -> memref<256xi32, #tpu.memory_space<vmem>>
      %dma_wait3A_33 = tpu.memref_slice %arg3[%add3A_10] : memref<65536xi32, #tpu.memory_space<hbm>> -> memref<256xi32, #tpu.memory_space<hbm>>
      tpu.wait_dma2 semaphore(%run_scoped3A : memref<!tpu.dma_semaphore, #tpu.memory_space<semaphore_mem>>) src(%dma_wait3A_33 : memref<256xi32, #tpu.memory_space<hbm>>) dst(%dma_wait3A_32 : memref<256xi32, #tpu.memory_space<vmem>>)
      tpu.yield
    }) : () -> ()
    %add3A_11 = arith.constant 32768 : i32
    %add3A_12 = arith.addi %add3A_11, %mul3A_2 : i32
    "tpu.region"() ({
      %run_scoped3A = tpu.sem_alloc : memref<!tpu.dma_semaphore, #tpu.memory_space<semaphore_mem>>
      %dma_start3A = arith.constant 1024 : i32
      %dma_start3A_24 = tpu.memref_slice %arg6[%dma_start3A] : memref<2048xi32, #tpu.memory_space<vmem>> -> memref<256xi32, #tpu.memory_space<vmem>>
      %dma_start3A_25 = tpu.memref_slice %arg3[%add3A_12] : memref<65536xi32, #tpu.memory_space<hbm>> -> memref<256xi32, #tpu.memory_space<hbm>>
      %dma_start3A_26 = arith.constant 1024 : i32
      %dma_start3A_27 = tpu.memref_slice %arg6[%dma_start3A_26] : memref<2048xi32, #tpu.memory_space<vmem>> -> memref<256xi32, #tpu.memory_space<vmem>>
      %dma_start3A_28 = tpu.memref_slice %arg3[%add3A_12] : memref<65536xi32, #tpu.memory_space<hbm>> -> memref<256xi32, #tpu.memory_space<hbm>>
      tpu.enqueue_dma source(%dma_start3A_28 : memref<256xi32, #tpu.memory_space<hbm>>) target(%dma_start3A_27 : memref<256xi32, #tpu.memory_space<vmem>>) target_semaphore(%run_scoped3A : memref<!tpu.dma_semaphore, #tpu.memory_space<semaphore_mem>>)
      %dma_wait3A = arith.constant 1024 : i32
      %dma_wait3A_29 = tpu.memref_slice %arg6[%dma_wait3A] : memref<2048xi32, #tpu.memory_space<vmem>> -> memref<256xi32, #tpu.memory_space<vmem>>
      %dma_wait3A_30 = tpu.memref_slice %arg3[%add3A_12] : memref<65536xi32, #tpu.memory_space<hbm>> -> memref<256xi32, #tpu.memory_space<hbm>>
      %dma_wait3A_31 = arith.constant 1024 : i32
      %dma_wait3A_32 = tpu.memref_slice %arg6[%dma_wait3A_31] : memref<2048xi32, #tpu.memory_space<vmem>> -> memref<256xi32, #tpu.memory_space<vmem>>
      %dma_wait3A_33 = tpu.memref_slice %arg3[%add3A_12] : memref<65536xi32, #tpu.memory_space<hbm>> -> memref<256xi32, #tpu.memory_space<hbm>>
      tpu.wait_dma2 semaphore(%run_scoped3A : memref<!tpu.dma_semaphore, #tpu.memory_space<semaphore_mem>>) src(%dma_wait3A_33 : memref<256xi32, #tpu.memory_space<hbm>>) dst(%dma_wait3A_32 : memref<256xi32, #tpu.memory_space<vmem>>)
      tpu.yield
    }) : () -> ()
    %add3A_13 = arith.constant 40960 : i32
    %add3A_14 = arith.addi %add3A_13, %mul3A_2 : i32
    "tpu.region"() ({
      %run_scoped3A = tpu.sem_alloc : memref<!tpu.dma_semaphore, #tpu.memory_space<semaphore_mem>>
      %dma_start3A = arith.constant 1280 : i32
      %dma_start3A_24 = tpu.memref_slice %arg6[%dma_start3A] : memref<2048xi32, #tpu.memory_space<vmem>> -> memref<256xi32, #tpu.memory_space<vmem>>
      %dma_start3A_25 = tpu.memref_slice %arg3[%add3A_14] : memref<65536xi32, #tpu.memory_space<hbm>> -> memref<256xi32, #tpu.memory_space<hbm>>
      %dma_start3A_26 = arith.constant 1280 : i32
      %dma_start3A_27 = tpu.memref_slice %arg6[%dma_start3A_26] : memref<2048xi32, #tpu.memory_space<vmem>> -> memref<256xi32, #tpu.memory_space<vmem>>
      %dma_start3A_28 = tpu.memref_slice %arg3[%add3A_14] : memref<65536xi32, #tpu.memory_space<hbm>> -> memref<256xi32, #tpu.memory_space<hbm>>
      tpu.enqueue_dma source(%dma_start3A_28 : memref<256xi32, #tpu.memory_space<hbm>>) target(%dma_start3A_27 : memref<256xi32, #tpu.memory_space<vmem>>) target_semaphore(%run_scoped3A : memref<!tpu.dma_semaphore, #tpu.memory_space<semaphore_mem>>)
      %dma_wait3A = arith.constant 1280 : i32
      %dma_wait3A_29 = tpu.memref_slice %arg6[%dma_wait3A] : memref<2048xi32, #tpu.memory_space<vmem>> -> memref<256xi32, #tpu.memory_space<vmem>>
      %dma_wait3A_30 = tpu.memref_slice %arg3[%add3A_14] : memref<65536xi32, #tpu.memory_space<hbm>> -> memref<256xi32, #tpu.memory_space<hbm>>
      %dma_wait3A_31 = arith.constant 1280 : i32
      %dma_wait3A_32 = tpu.memref_slice %arg6[%dma_wait3A_31] : memref<2048xi32, #tpu.memory_space<vmem>> -> memref<256xi32, #tpu.memory_space<vmem>>
      %dma_wait3A_33 = tpu.memref_slice %arg3[%add3A_14] : memref<65536xi32, #tpu.memory_space<hbm>> -> memref<256xi32, #tpu.memory_space<hbm>>
      tpu.wait_dma2 semaphore(%run_scoped3A : memref<!tpu.dma_semaphore, #tpu.memory_space<semaphore_mem>>) src(%dma_wait3A_33 : memref<256xi32, #tpu.memory_space<hbm>>) dst(%dma_wait3A_32 : memref<256xi32, #tpu.memory_space<vmem>>)
      tpu.yield
    }) : () -> ()
    %add3A_15 = arith.constant 49152 : i32
    %add3A_16 = arith.addi %add3A_15, %mul3A_2 : i32
    "tpu.region"() ({
      %run_scoped3A = tpu.sem_alloc : memref<!tpu.dma_semaphore, #tpu.memory_space<semaphore_mem>>
      %dma_start3A = arith.constant 1536 : i32
      %dma_start3A_24 = tpu.memref_slice %arg6[%dma_start3A] : memref<2048xi32, #tpu.memory_space<vmem>> -> memref<256xi32, #tpu.memory_space<vmem>>
      %dma_start3A_25 = tpu.memref_slice %arg3[%add3A_16] : memref<65536xi32, #tpu.memory_space<hbm>> -> memref<256xi32, #tpu.memory_space<hbm>>
      %dma_start3A_26 = arith.constant 1536 : i32
      %dma_start3A_27 = tpu.memref_slice %arg6[%dma_start3A_26] : memref<2048xi32, #tpu.memory_space<vmem>> -> memref<256xi32, #tpu.memory_space<vmem>>
      %dma_start3A_28 = tpu.memref_slice %arg3[%add3A_16] : memref<65536xi32, #tpu.memory_space<hbm>> -> memref<256xi32, #tpu.memory_space<hbm>>
      tpu.enqueue_dma source(%dma_start3A_28 : memref<256xi32, #tpu.memory_space<hbm>>) target(%dma_start3A_27 : memref<256xi32, #tpu.memory_space<vmem>>) target_semaphore(%run_scoped3A : memref<!tpu.dma_semaphore, #tpu.memory_space<semaphore_mem>>)
      %dma_wait3A = arith.constant 1536 : i32
      %dma_wait3A_29 = tpu.memref_slice %arg6[%dma_wait3A] : memref<2048xi32, #tpu.memory_space<vmem>> -> memref<256xi32, #tpu.memory_space<vmem>>
      %dma_wait3A_30 = tpu.memref_slice %arg3[%add3A_16] : memref<65536xi32, #tpu.memory_space<hbm>> -> memref<256xi32, #tpu.memory_space<hbm>>
      %dma_wait3A_31 = arith.constant 1536 : i32
      %dma_wait3A_32 = tpu.memref_slice %arg6[%dma_wait3A_31] : memref<2048xi32, #tpu.memory_space<vmem>> -> memref<256xi32, #tpu.memory_space<vmem>>
      %dma_wait3A_33 = tpu.memref_slice %arg3[%add3A_16] : memref<65536xi32, #tpu.memory_space<hbm>> -> memref<256xi32, #tpu.memory_space<hbm>>
      tpu.wait_dma2 semaphore(%run_scoped3A : memref<!tpu.dma_semaphore, #tpu.memory_space<semaphore_mem>>) src(%dma_wait3A_33 : memref<256xi32, #tpu.memory_space<hbm>>) dst(%dma_wait3A_32 : memref<256xi32, #tpu.memory_space<vmem>>)
      tpu.yield
    }) : () -> ()
    %add3A_17 = arith.constant 57344 : i32
    %add3A_18 = arith.addi %add3A_17, %mul3A_2 : i32
    "tpu.region"() ({
      %run_scoped3A = tpu.sem_alloc : memref<!tpu.dma_semaphore, #tpu.memory_space<semaphore_mem>>
      %dma_start3A = arith.constant 1792 : i32
      %dma_start3A_24 = tpu.memref_slice %arg6[%dma_start3A] : memref<2048xi32, #tpu.memory_space<vmem>> -> memref<256xi32, #tpu.memory_space<vmem>>
      %dma_start3A_25 = tpu.memref_slice %arg3[%add3A_18] : memref<65536xi32, #tpu.memory_space<hbm>> -> memref<256xi32, #tpu.memory_space<hbm>>
      %dma_start3A_26 = arith.constant 1792 : i32
      %dma_start3A_27 = tpu.memref_slice %arg6[%dma_start3A_26] : memref<2048xi32, #tpu.memory_space<vmem>> -> memref<256xi32, #tpu.memory_space<vmem>>
      %dma_start3A_28 = tpu.memref_slice %arg3[%add3A_18] : memref<65536xi32, #tpu.memory_space<hbm>> -> memref<256xi32, #tpu.memory_space<hbm>>
      tpu.enqueue_dma source(%dma_start3A_28 : memref<256xi32, #tpu.memory_space<hbm>>) target(%dma_start3A_27 : memref<256xi32, #tpu.memory_space<vmem>>) target_semaphore(%run_scoped3A : memref<!tpu.dma_semaphore, #tpu.memory_space<semaphore_mem>>)
      %dma_wait3A = arith.constant 1792 : i32
      %dma_wait3A_29 = tpu.memref_slice %arg6[%dma_wait3A] : memref<2048xi32, #tpu.memory_space<vmem>> -> memref<256xi32, #tpu.memory_space<vmem>>
      %dma_wait3A_30 = tpu.memref_slice %arg3[%add3A_18] : memref<65536xi32, #tpu.memory_space<hbm>> -> memref<256xi32, #tpu.memory_space<hbm>>
      %dma_wait3A_31 = arith.constant 1792 : i32
      %dma_wait3A_32 = tpu.memref_slice %arg6[%dma_wait3A_31] : memref<2048xi32, #tpu.memory_space<vmem>> -> memref<256xi32, #tpu.memory_space<vmem>>
      %dma_wait3A_33 = tpu.memref_slice %arg3[%add3A_18] : memref<65536xi32, #tpu.memory_space<hbm>> -> memref<256xi32, #tpu.memory_space<hbm>>
      tpu.wait_dma2 semaphore(%run_scoped3A : memref<!tpu.dma_semaphore, #tpu.memory_space<semaphore_mem>>) src(%dma_wait3A_33 : memref<256xi32, #tpu.memory_space<hbm>>) dst(%dma_wait3A_32 : memref<256xi32, #tpu.memory_space<vmem>>)
      tpu.yield
    }) : () -> ()
    %scan3A = arith.constant 0 : i32
    %scan3A_19 = arith.constant 0 : i32
    %scan3A_20 = arith.constant 32 : i32
    %scan3A_21 = arith.addi %scan3A_19, %scan3A_20 : i32
    %scan3A_22 = arith.constant 1 : i32
    scf.for %scan3A_24 = %scan3A_19 to %scan3A_21 step %scan3A_22  : i32 {
      %mul3A_25 = arith.constant 8 : i32
      %mul3A_26 = arith.muli %scan3A_24, %mul3A_25 : i32
      %add3A_27 = arith.addi %mul3A_2, %mul3A_26 : i32
      %dma_start3A = arith.constant 0 : i32
      %dma_start3A_28 = tpu.memref_slice %arg4[%add3A_27, %dma_start3A] : memref<8192x1024xf32, #tpu.memory_space<hbm>> -> memref<8x1024xf32, #tpu.memory_space<hbm>>
      %dma_start3A_29 = arith.constant 0 : i32
      %dma_start3A_30 = tpu.memref_slice %arg4[%add3A_27, %dma_start3A_29] : memref<8192x1024xf32, #tpu.memory_space<hbm>> -> memref<8x1024xf32, #tpu.memory_space<hbm>>
      tpu.enqueue_dma source(%dma_start3A_30 : memref<8x1024xf32, #tpu.memory_space<hbm>>) target(%arg8 : memref<8x1024xf32, #tpu.memory_space<vmem>>) target_semaphore(%arg9 : memref<!tpu.dma_semaphore, #tpu.memory_space<semaphore_mem>>)
      %mul3A_31 = arith.constant 8 : i32
      %mul3A_32 = arith.muli %scan3A_24, %mul3A_31 : i32
      %add3A_33 = arith.constant 0 : i32
      %add3A_34 = arith.addi %add3A_33, %mul3A_32 : i32
      %dma_start3A_35 = arith.constant 0 : i32
      %dma_start3A_36 = arith.constant 0 : i32
      %dma_start3A_37 = tpu.memref_slice %arg7[%dma_start3A_35, %dma_start3A_36] : memref<64x1024xf32, #tpu.memory_space<vmem>> -> memref<8x1024xf32, #tpu.memory_space<vmem>>
      %dma_start3A_38 = tpu.memref_slice %arg6[%add3A_34] : memref<2048xi32, #tpu.memory_space<vmem>> -> memref<8xi32, #tpu.memory_space<vmem>>
      %dma_start3A_39 = arith.constant 0 : i32
      %dma_start3A_40 = arith.constant 0 : i32
      %dma_start3A_41 = tpu.memref_slice %arg2[%dma_start3A_39, %dma_start3A_40] : memref<512x1024xf32, #tpu.memory_space<hbm>> -> memref<512x1024xf32, #tpu.memory_space<hbm>>
      tpu.enqueue_indirect_dma source(%dma_start3A_41 : memref<512x1024xf32, #tpu.memory_space<hbm>>) target(%dma_start3A_37 : memref<8x1024xf32, #tpu.memory_space<vmem>>) offsets(%dma_start3A_38 : memref<8xi32, #tpu.memory_space<vmem>>) semaphore(%arg9 : memref<!tpu.dma_semaphore, #tpu.memory_space<semaphore_mem>>)
      %mul3A_42 = arith.constant 8 : i32
      %mul3A_43 = arith.muli %scan3A_24, %mul3A_42 : i32
      %add3A_44 = arith.constant 256 : i32
      %add3A_45 = arith.addi %add3A_44, %mul3A_43 : i32
      %dma_start3A_46 = arith.constant 8 : i32
      %dma_start3A_47 = arith.constant 0 : i32
      %dma_start3A_48 = tpu.memref_slice %arg7[%dma_start3A_46, %dma_start3A_47] : memref<64x1024xf32, #tpu.memory_space<vmem>> -> memref<8x1024xf32, #tpu.memory_space<vmem>>
      %dma_start3A_49 = tpu.memref_slice %arg6[%add3A_45] : memref<2048xi32, #tpu.memory_space<vmem>> -> memref<8xi32, #tpu.memory_space<vmem>>
      %dma_start3A_50 = arith.constant 0 : i32
      %dma_start3A_51 = arith.constant 0 : i32
      %dma_start3A_52 = tpu.memref_slice %arg2[%dma_start3A_50, %dma_start3A_51] : memref<512x1024xf32, #tpu.memory_space<hbm>> -> memref<512x1024xf32, #tpu.memory_space<hbm>>
      tpu.enqueue_indirect_dma source(%dma_start3A_52 : memref<512x1024xf32, #tpu.memory_space<hbm>>) target(%dma_start3A_48 : memref<8x1024xf32, #tpu.memory_space<vmem>>) offsets(%dma_start3A_49 : memref<8xi32, #tpu.memory_space<vmem>>) semaphore(%arg9 : memref<!tpu.dma_semaphore, #tpu.memory_space<semaphore_mem>>)
      %mul3A_53 = arith.constant 8 : i32
      %mul3A_54 = arith.muli %scan3A_24, %mul3A_53 : i32
      %add3A_55 = arith.constant 512 : i32
      %add3A_56 = arith.addi %add3A_55, %mul3A_54 : i32
      %dma_start3A_57 = arith.constant 16 : i32
      %dma_start3A_58 = arith.constant 0 : i32
      %dma_start3A_59 = tpu.memref_slice %arg7[%dma_start3A_57, %dma_start3A_58] : memref<64x1024xf32, #tpu.memory_space<vmem>> -> memref<8x1024xf32, #tpu.memory_space<vmem>>
      %dma_start3A_60 = tpu.memref_slice %arg6[%add3A_56] : memref<2048xi32, #tpu.memory_space<vmem>> -> memref<8xi32, #tpu.memory_space<vmem>>
      %dma_start3A_61 = arith.constant 0 : i32
      %dma_start3A_62 = arith.constant 0 : i32
      %dma_start3A_63 = tpu.memref_slice %arg2[%dma_start3A_61, %dma_start3A_62] : memref<512x1024xf32, #tpu.memory_space<hbm>> -> memref<512x1024xf32, #tpu.memory_space<hbm>>
      tpu.enqueue_indirect_dma source(%dma_start3A_63 : memref<512x1024xf32, #tpu.memory_space<hbm>>) target(%dma_start3A_59 : memref<8x1024xf32, #tpu.memory_space<vmem>>) offsets(%dma_start3A_60 : memref<8xi32, #tpu.memory_space<vmem>>) semaphore(%arg9 : memref<!tpu.dma_semaphore, #tpu.memory_space<semaphore_mem>>)
      %mul3A_64 = arith.constant 8 : i32
      %mul3A_65 = arith.muli %scan3A_24, %mul3A_64 : i32
      %add3A_66 = arith.constant 768 : i32
      %add3A_67 = arith.addi %add3A_66, %mul3A_65 : i32
      %dma_start3A_68 = arith.constant 24 : i32
      %dma_start3A_69 = arith.constant 0 : i32
      %dma_start3A_70 = tpu.memref_slice %arg7[%dma_start3A_68, %dma_start3A_69] : memref<64x1024xf32, #tpu.memory_space<vmem>> -> memref<8x1024xf32, #tpu.memory_space<vmem>>
      %dma_start3A_71 = tpu.memref_slice %arg6[%add3A_67] : memref<2048xi32, #tpu.memory_space<vmem>> -> memref<8xi32, #tpu.memory_space<vmem>>
      %dma_start3A_72 = arith.constant 0 : i32
      %dma_start3A_73 = arith.constant 0 : i32
      %dma_start3A_74 = tpu.memref_slice %arg2[%dma_start3A_72, %dma_start3A_73] : memref<512x1024xf32, #tpu.memory_space<hbm>> -> memref<512x1024xf32, #tpu.memory_space<hbm>>
      tpu.enqueue_indirect_dma source(%dma_start3A_74 : memref<512x1024xf32, #tpu.memory_space<hbm>>) target(%dma_start3A_70 : memref<8x1024xf32, #tpu.memory_space<vmem>>) offsets(%dma_start3A_71 : memref<8xi32, #tpu.memory_space<vmem>>) semaphore(%arg9 : memref<!tpu.dma_semaphore, #tpu.memory_space<semaphore_mem>>)
      %mul3A_75 = arith.constant 8 : i32
      %mul3A_76 = arith.muli %scan3A_24, %mul3A_75 : i32
      %add3A_77 = arith.constant 1024 : i32
      %add3A_78 = arith.addi %add3A_77, %mul3A_76 : i32
      %dma_start3A_79 = arith.constant 32 : i32
      %dma_start3A_80 = arith.constant 0 : i32
      %dma_start3A_81 = tpu.memref_slice %arg7[%dma_start3A_79, %dma_start3A_80] : memref<64x1024xf32, #tpu.memory_space<vmem>> -> memref<8x1024xf32, #tpu.memory_space<vmem>>
      %dma_start3A_82 = tpu.memref_slice %arg6[%add3A_78] : memref<2048xi32, #tpu.memory_space<vmem>> -> memref<8xi32, #tpu.memory_space<vmem>>
      %dma_start3A_83 = arith.constant 0 : i32
      %dma_start3A_84 = arith.constant 0 : i32
      %dma_start3A_85 = tpu.memref_slice %arg2[%dma_start3A_83, %dma_start3A_84] : memref<512x1024xf32, #tpu.memory_space<hbm>> -> memref<512x1024xf32, #tpu.memory_space<hbm>>
      tpu.enqueue_indirect_dma source(%dma_start3A_85 : memref<512x1024xf32, #tpu.memory_space<hbm>>) target(%dma_start3A_81 : memref<8x1024xf32, #tpu.memory_space<vmem>>) offsets(%dma_start3A_82 : memref<8xi32, #tpu.memory_space<vmem>>) semaphore(%arg9 : memref<!tpu.dma_semaphore, #tpu.memory_space<semaphore_mem>>)
      %mul3A_86 = arith.constant 8 : i32
      %mul3A_87 = arith.muli %scan3A_24, %mul3A_86 : i32
      %add3A_88 = arith.constant 1280 : i32
      %add3A_89 = arith.addi %add3A_88, %mul3A_87 : i32
      %dma_start3A_90 = arith.constant 40 : i32
      %dma_start3A_91 = arith.constant 0 : i32
      %dma_start3A_92 = tpu.memref_slice %arg7[%dma_start3A_90, %dma_start3A_91] : memref<64x1024xf32, #tpu.memory_space<vmem>> -> memref<8x1024xf32, #tpu.memory_space<vmem>>
      %dma_start3A_93 = tpu.memref_slice %arg6[%add3A_89] : memref<2048xi32, #tpu.memory_space<vmem>> -> memref<8xi32, #tpu.memory_space<vmem>>
      %dma_start3A_94 = arith.constant 0 : i32
      %dma_start3A_95 = arith.constant 0 : i32
      %dma_start3A_96 = tpu.memref_slice %arg2[%dma_start3A_94, %dma_start3A_95] : memref<512x1024xf32, #tpu.memory_space<hbm>> -> memref<512x1024xf32, #tpu.memory_space<hbm>>
      tpu.enqueue_indirect_dma source(%dma_start3A_96 : memref<512x1024xf32, #tpu.memory_space<hbm>>) target(%dma_start3A_92 : memref<8x1024xf32, #tpu.memory_space<vmem>>) offsets(%dma_start3A_93 : memref<8xi32, #tpu.memory_space<vmem>>) semaphore(%arg9 : memref<!tpu.dma_semaphore, #tpu.memory_space<semaphore_mem>>)
      %mul3A_97 = arith.constant 8 : i32
      %mul3A_98 = arith.muli %scan3A_24, %mul3A_97 : i32
      %add3A_99 = arith.constant 1536 : i32
      %add3A_100 = arith.addi %add3A_99, %mul3A_98 : i32
      %dma_start3A_101 = arith.constant 48 : i32
      %dma_start3A_102 = arith.constant 0 : i32
      %dma_start3A_103 = tpu.memref_slice %arg7[%dma_start3A_101, %dma_start3A_102] : memref<64x1024xf32, #tpu.memory_space<vmem>> -> memref<8x1024xf32, #tpu.memory_space<vmem>>
      %dma_start3A_104 = tpu.memref_slice %arg6[%add3A_100] : memref<2048xi32, #tpu.memory_space<vmem>> -> memref<8xi32, #tpu.memory_space<vmem>>
      %dma_start3A_105 = arith.constant 0 : i32
      %dma_start3A_106 = arith.constant 0 : i32
      %dma_start3A_107 = tpu.memref_slice %arg2[%dma_start3A_105, %dma_start3A_106] : memref<512x1024xf32, #tpu.memory_space<hbm>> -> memref<512x1024xf32, #tpu.memory_space<hbm>>
      tpu.enqueue_indirect_dma source(%dma_start3A_107 : memref<512x1024xf32, #tpu.memory_space<hbm>>) target(%dma_start3A_103 : memref<8x1024xf32, #tpu.memory_space<vmem>>) offsets(%dma_start3A_104 : memref<8xi32, #tpu.memory_space<vmem>>) semaphore(%arg9 : memref<!tpu.dma_semaphore, #tpu.memory_space<semaphore_mem>>)
      %mul3A_108 = arith.constant 8 : i32
      %mul3A_109 = arith.muli %scan3A_24, %mul3A_108 : i32
      %add3A_110 = arith.constant 1792 : i32
      %add3A_111 = arith.addi %add3A_110, %mul3A_109 : i32
      %dma_start3A_112 = arith.constant 56 : i32
      %dma_start3A_113 = arith.constant 0 : i32
      %dma_start3A_114 = tpu.memref_slice %arg7[%dma_start3A_112, %dma_start3A_113] : memref<64x1024xf32, #tpu.memory_space<vmem>> -> memref<8x1024xf32, #tpu.memory_space<vmem>>
      %dma_start3A_115 = tpu.memref_slice %arg6[%add3A_111] : memref<2048xi32, #tpu.memory_space<vmem>> -> memref<8xi32, #tpu.memory_space<vmem>>
      %dma_start3A_116 = arith.constant 0 : i32
      %dma_start3A_117 = arith.constant 0 : i32
      %dma_start3A_118 = tpu.memref_slice %arg2[%dma_start3A_116, %dma_start3A_117] : memref<512x1024xf32, #tpu.memory_space<hbm>> -> memref<512x1024xf32, #tpu.memory_space<hbm>>
      tpu.enqueue_indirect_dma source(%dma_start3A_118 : memref<512x1024xf32, #tpu.memory_space<hbm>>) target(%dma_start3A_114 : memref<8x1024xf32, #tpu.memory_space<vmem>>) offsets(%dma_start3A_115 : memref<8xi32, #tpu.memory_space<vmem>>) semaphore(%arg9 : memref<!tpu.dma_semaphore, #tpu.memory_space<semaphore_mem>>)
      %dma_wait3A = arith.constant 0 : i32
      %dma_wait3A_119 = tpu.memref_slice %arg4[%add3A_27, %dma_wait3A] : memref<8192x1024xf32, #tpu.memory_space<hbm>> -> memref<8x1024xf32, #tpu.memory_space<hbm>>
      %dma_wait3A_120 = arith.constant 0 : i32
      %dma_wait3A_121 = tpu.memref_slice %arg4[%add3A_27, %dma_wait3A_120] : memref<8192x1024xf32, #tpu.memory_space<hbm>> -> memref<8x1024xf32, #tpu.memory_space<hbm>>
      tpu.wait_dma2 semaphore(%arg9 : memref<!tpu.dma_semaphore, #tpu.memory_space<semaphore_mem>>) src(%dma_wait3A_121 : memref<8x1024xf32, #tpu.memory_space<hbm>>) dst(%arg8 : memref<8x1024xf32, #tpu.memory_space<vmem>>)
      %dma_wait3A_122 = arith.constant 0 : i32
      %dma_wait3A_123 = arith.constant 0 : i32
      %dma_wait3A_124 = tpu.memref_slice %arg7[%dma_wait3A_122, %dma_wait3A_123] : memref<64x1024xf32, #tpu.memory_space<vmem>> -> memref<8x1024xf32, #tpu.memory_space<vmem>>
      %dma_wait3A_125 = tpu.memref_slice %arg6[%add3A_34] : memref<2048xi32, #tpu.memory_space<vmem>> -> memref<8xi32, #tpu.memory_space<vmem>>
      %dma_wait3A_126 = arith.constant 0 : i32
      %dma_wait3A_127 = arith.constant 0 : i32
      %dma_wait3A_128 = tpu.memref_slice %arg2[%dma_wait3A_126, %dma_wait3A_127] : memref<512x1024xf32, #tpu.memory_space<hbm>> -> memref<512x1024xf32, #tpu.memory_space<hbm>>
      tpu.wait_indirect_dma semaphore(%arg9 : memref<!tpu.dma_semaphore, #tpu.memory_space<semaphore_mem>>) src(%dma_wait3A_128 : memref<512x1024xf32, #tpu.memory_space<hbm>>) dst(%dma_wait3A_124 : memref<8x1024xf32, #tpu.memory_space<vmem>>)
      %dma_wait3A_129 = arith.constant 8 : i32
      %dma_wait3A_130 = arith.constant 0 : i32
      %dma_wait3A_131 = tpu.memref_slice %arg7[%dma_wait3A_129, %dma_wait3A_130] : memref<64x1024xf32, #tpu.memory_space<vmem>> -> memref<8x1024xf32, #tpu.memory_space<vmem>>
      %dma_wait3A_132 = tpu.memref_slice %arg6[%add3A_45] : memref<2048xi32, #tpu.memory_space<vmem>> -> memref<8xi32, #tpu.memory_space<vmem>>
      %dma_wait3A_133 = arith.constant 0 : i32
      %dma_wait3A_134 = arith.constant 0 : i32
      %dma_wait3A_135 = tpu.memref_slice %arg2[%dma_wait3A_133, %dma_wait3A_134] : memref<512x1024xf32, #tpu.memory_space<hbm>> -> memref<512x1024xf32, #tpu.memory_space<hbm>>
      tpu.wait_indirect_dma semaphore(%arg9 : memref<!tpu.dma_semaphore, #tpu.memory_space<semaphore_mem>>) src(%dma_wait3A_135 : memref<512x1024xf32, #tpu.memory_space<hbm>>) dst(%dma_wait3A_131 : memref<8x1024xf32, #tpu.memory_space<vmem>>)
      %dma_wait3A_136 = arith.constant 16 : i32
      %dma_wait3A_137 = arith.constant 0 : i32
      %dma_wait3A_138 = tpu.memref_slice %arg7[%dma_wait3A_136, %dma_wait3A_137] : memref<64x1024xf32, #tpu.memory_space<vmem>> -> memref<8x1024xf32, #tpu.memory_space<vmem>>
      %dma_wait3A_139 = tpu.memref_slice %arg6[%add3A_56] : memref<2048xi32, #tpu.memory_space<vmem>> -> memref<8xi32, #tpu.memory_space<vmem>>
      %dma_wait3A_140 = arith.constant 0 : i32
      %dma_wait3A_141 = arith.constant 0 : i32
      %dma_wait3A_142 = tpu.memref_slice %arg2[%dma_wait3A_140, %dma_wait3A_141] : memref<512x1024xf32, #tpu.memory_space<hbm>> -> memref<512x1024xf32, #tpu.memory_space<hbm>>
      tpu.wait_indirect_dma semaphore(%arg9 : memref<!tpu.dma_semaphore, #tpu.memory_space<semaphore_mem>>) src(%dma_wait3A_142 : memref<512x1024xf32, #tpu.memory_space<hbm>>) dst(%dma_wait3A_138 : memref<8x1024xf32, #tpu.memory_space<vmem>>)
      %dma_wait3A_143 = arith.constant 24 : i32
      %dma_wait3A_144 = arith.constant 0 : i32
      %dma_wait3A_145 = tpu.memref_slice %arg7[%dma_wait3A_143, %dma_wait3A_144] : memref<64x1024xf32, #tpu.memory_space<vmem>> -> memref<8x1024xf32, #tpu.memory_space<vmem>>
      %dma_wait3A_146 = tpu.memref_slice %arg6[%add3A_67] : memref<2048xi32, #tpu.memory_space<vmem>> -> memref<8xi32, #tpu.memory_space<vmem>>
      %dma_wait3A_147 = arith.constant 0 : i32
      %dma_wait3A_148 = arith.constant 0 : i32
      %dma_wait3A_149 = tpu.memref_slice %arg2[%dma_wait3A_147, %dma_wait3A_148] : memref<512x1024xf32, #tpu.memory_space<hbm>> -> memref<512x1024xf32, #tpu.memory_space<hbm>>
      tpu.wait_indirect_dma semaphore(%arg9 : memref<!tpu.dma_semaphore, #tpu.memory_space<semaphore_mem>>) src(%dma_wait3A_149 : memref<512x1024xf32, #tpu.memory_space<hbm>>) dst(%dma_wait3A_145 : memref<8x1024xf32, #tpu.memory_space<vmem>>)
      %dma_wait3A_150 = arith.constant 32 : i32
      %dma_wait3A_151 = arith.constant 0 : i32
      %dma_wait3A_152 = tpu.memref_slice %arg7[%dma_wait3A_150, %dma_wait3A_151] : memref<64x1024xf32, #tpu.memory_space<vmem>> -> memref<8x1024xf32, #tpu.memory_space<vmem>>
      %dma_wait3A_153 = tpu.memref_slice %arg6[%add3A_78] : memref<2048xi32, #tpu.memory_space<vmem>> -> memref<8xi32, #tpu.memory_space<vmem>>
      %dma_wait3A_154 = arith.constant 0 : i32
      %dma_wait3A_155 = arith.constant 0 : i32
      %dma_wait3A_156 = tpu.memref_slice %arg2[%dma_wait3A_154, %dma_wait3A_155] : memref<512x1024xf32, #tpu.memory_space<hbm>> -> memref<512x1024xf32, #tpu.memory_space<hbm>>
      tpu.wait_indirect_dma semaphore(%arg9 : memref<!tpu.dma_semaphore, #tpu.memory_space<semaphore_mem>>) src(%dma_wait3A_156 : memref<512x1024xf32, #tpu.memory_space<hbm>>) dst(%dma_wait3A_152 : memref<8x1024xf32, #tpu.memory_space<vmem>>)
      %dma_wait3A_157 = arith.constant 40 : i32
      %dma_wait3A_158 = arith.constant 0 : i32
      %dma_wait3A_159 = tpu.memref_slice %arg7[%dma_wait3A_157, %dma_wait3A_158] : memref<64x1024xf32, #tpu.memory_space<vmem>> -> memref<8x1024xf32, #tpu.memory_space<vmem>>
      %dma_wait3A_160 = tpu.memref_slice %arg6[%add3A_89] : memref<2048xi32, #tpu.memory_space<vmem>> -> memref<8xi32, #tpu.memory_space<vmem>>
      %dma_wait3A_161 = arith.constant 0 : i32
      %dma_wait3A_162 = arith.constant 0 : i32
      %dma_wait3A_163 = tpu.memref_slice %arg2[%dma_wait3A_161, %dma_wait3A_162] : memref<512x1024xf32, #tpu.memory_space<hbm>> -> memref<512x1024xf32, #tpu.memory_space<hbm>>
      tpu.wait_indirect_dma semaphore(%arg9 : memref<!tpu.dma_semaphore, #tpu.memory_space<semaphore_mem>>) src(%dma_wait3A_163 : memref<512x1024xf32, #tpu.memory_space<hbm>>) dst(%dma_wait3A_159 : memref<8x1024xf32, #tpu.memory_space<vmem>>)
      %dma_wait3A_164 = arith.constant 48 : i32
      %dma_wait3A_165 = arith.constant 0 : i32
      %dma_wait3A_166 = tpu.memref_slice %arg7[%dma_wait3A_164, %dma_wait3A_165] : memref<64x1024xf32, #tpu.memory_space<vmem>> -> memref<8x1024xf32, #tpu.memory_space<vmem>>
      %dma_wait3A_167 = tpu.memref_slice %arg6[%add3A_100] : memref<2048xi32, #tpu.memory_space<vmem>> -> memref<8xi32, #tpu.memory_space<vmem>>
      %dma_wait3A_168 = arith.constant 0 : i32
      %dma_wait3A_169 = arith.constant 0 : i32
      %dma_wait3A_170 = tpu.memref_slice %arg2[%dma_wait3A_168, %dma_wait3A_169] : memref<512x1024xf32, #tpu.memory_space<hbm>> -> memref<512x1024xf32, #tpu.memory_space<hbm>>
      tpu.wait_indirect_dma semaphore(%arg9 : memref<!tpu.dma_semaphore, #tpu.memory_space<semaphore_mem>>) src(%dma_wait3A_170 : memref<512x1024xf32, #tpu.memory_space<hbm>>) dst(%dma_wait3A_166 : memref<8x1024xf32, #tpu.memory_space<vmem>>)
      %dma_wait3A_171 = arith.constant 56 : i32
      %dma_wait3A_172 = arith.constant 0 : i32
      %dma_wait3A_173 = tpu.memref_slice %arg7[%dma_wait3A_171, %dma_wait3A_172] : memref<64x1024xf32, #tpu.memory_space<vmem>> -> memref<8x1024xf32, #tpu.memory_space<vmem>>
      %dma_wait3A_174 = tpu.memref_slice %arg6[%add3A_111] : memref<2048xi32, #tpu.memory_space<vmem>> -> memref<8xi32, #tpu.memory_space<vmem>>
      %dma_wait3A_175 = arith.constant 0 : i32
      %dma_wait3A_176 = arith.constant 0 : i32
      %dma_wait3A_177 = tpu.memref_slice %arg2[%dma_wait3A_175, %dma_wait3A_176] : memref<512x1024xf32, #tpu.memory_space<hbm>> -> memref<512x1024xf32, #tpu.memory_space<hbm>>
      tpu.wait_indirect_dma semaphore(%arg9 : memref<!tpu.dma_semaphore, #tpu.memory_space<semaphore_mem>>) src(%dma_wait3A_177 : memref<512x1024xf32, #tpu.memory_space<hbm>>) dst(%dma_wait3A_173 : memref<8x1024xf32, #tpu.memory_space<vmem>>)
      %scan3A_178 = arith.constant 0 : i32
      %scan3A_179 = arith.constant 0 : i32
      %scan3A_180 = arith.constant 16 : i32
      %scan3A_181 = arith.addi %scan3A_179, %scan3A_180 : i32
      %scan3A_182 = arith.constant 1 : i32
      scf.for %scan3A_226 = %scan3A_179 to %scan3A_181 step %scan3A_182  : i32 {
        %mul3A_227 = arith.constant 64 : i32
        %mul3A_228 = arith.muli %scan3A_226, %mul3A_227 : i32
        %add3A_229 = arith.constant 0 : i32
        %add3A_230 = arith.addi %mul3A_228, %add3A_229 : i32
        %get3A = arith.constant 0 : i32
        %get3A_231 = arith.index_cast %get3A : i32 to index
        %get3A_232 = arith.index_cast %add3A_230 : i32 to index
        %get3A_233 = tpu.vector_load %arg7[%get3A_231, %get3A_232] {strides = array<i32>} : memref<64x1024xf32, #tpu.memory_space<vmem>>, vector<1x16xf32>,
        %get3A_234 = vector.shape_cast %get3A_233 : vector<1x16xf32> to vector<16xf32>
        %get3A_235 = arith.constant 8 : i32
        %get3A_236 = arith.index_cast %get3A_235 : i32 to index
        %get3A_237 = arith.index_cast %add3A_230 : i32 to index
        %get3A_238 = tpu.vector_load %arg7[%get3A_236, %get3A_237] {strides = array<i32>} : memref<64x1024xf32, #tpu.memory_space<vmem>>, vector<1x16xf32>,
        %get3A_239 = vector.shape_cast %get3A_238 : vector<1x16xf32> to vector<16xf32>
        %add3A_240 = arith.addf %get3A_234, %get3A_239 : vector<16xf32>
        %get3A_241 = arith.constant 16 : i32
        %get3A_242 = arith.index_cast %get3A_241 : i32 to index
        %get3A_243 = arith.index_cast %add3A_230 : i32 to index
        %get3A_244 = tpu.vector_load %arg7[%get3A_242, %get3A_243] {strides = array<i32>} : memref<64x1024xf32, #tpu.memory_space<vmem>>, vector<1x16xf32>,
        %get3A_245 = vector.shape_cast %get3A_244 : vector<1x16xf32> to vector<16xf32>
        %add3A_246 = arith.addf %add3A_240, %get3A_245 : vector<16xf32>
        %get3A_247 = arith.constant 24 : i32
        %get3A_248 = arith.index_cast %get3A_247 : i32 to index
        %get3A_249 = arith.index_cast %add3A_230 : i32 to index
        %get3A_250 = tpu.vector_load %arg7[%get3A_248, %get3A_249] {strides = array<i32>} : memref<64x1024xf32, #tpu.memory_space<vmem>>, vector<1x16xf32>,
        %get3A_251 = vector.shape_cast %get3A_250 : vector<1x16xf32> to vector<16xf32>
        %add3A_252 = arith.addf %add3A_246, %get3A_251 : vector<16xf32>
        %get3A_253 = arith.constant 32 : i32
        %get3A_254 = arith.index_cast %get3A_253 : i32 to index
        %get3A_255 = arith.index_cast %add3A_230 : i32 to index
        %get3A_256 = tpu.vector_load %arg7[%get3A_254, %get3A_255] {strides = array<i32>} : memref<64x1024xf32, #tpu.memory_space<vmem>>, vector<1x16xf32>,
        %get3A_257 = vector.shape_cast %get3A_256 : vector<1x16xf32> to vector<16xf32>
        %add3A_258 = arith.addf %add3A_252, %get3A_257 : vector<16xf32>
        %get3A_259 = arith.constant 40 : i32
        %get3A_260 = arith.index_cast %get3A_259 : i32 to index
        %get3A_261 = arith.index_cast %add3A_230 : i32 to index
        %get3A_262 = tpu.vector_load %arg7[%get3A_260, %get3A_261] {strides = array<i32>} : memref<64x1024xf32, #tpu.memory_space<vmem>>, vector<1x16xf32>,
        %get3A_263 = vector.shape_cast %get3A_262 : vector<1x16xf32> to vector<16xf32>
        %add3A_264 = arith.addf %add3A_258, %get3A_263 : vector<16xf32>
        %get3A_265 = arith.constant 48 : i32
        %get3A_266 = arith.index_cast %get3A_265 : i32 to index
        %get3A_267 = arith.index_cast %add3A_230 : i32 to index
        %get3A_268 = tpu.vector_load %arg7[%get3A_266, %get3A_267] {strides = array<i32>} : memref<64x1024xf32, #tpu.memory_space<vmem>>, vector<1x16xf32>,
        %get3A_269 = vector.shape_cast %get3A_268 : vector<1x16xf32> to vector<16xf32>
        %add3A_270 = arith.addf %add3A_264, %get3A_269 : vector<16xf32>
        %get3A_271 = arith.constant 56 : i32
        %get3A_272 = arith.index_cast %get3A_271 : i32 to index
        %get3A_273 = arith.index_cast %add3A_230 : i32 to index
        %get3A_274 = tpu.vector_load %arg7[%get3A_272, %get3A_273] {strides = array<i32>} : memref<64x1024xf32, #tpu.memory_space<vmem>>, vector<1x16xf32>,
        %get3A_275 = vector.shape_cast %get3A_274 : vector<1x16xf32> to vector<16xf32>
        %add3A_276 = arith.addf %add3A_270, %get3A_275 : vector<16xf32>
        %swap3A = arith.constant 0 : i32
        %swap3A_277 = arith.index_cast %swap3A : i32 to index
        %swap3A_278 = arith.index_cast %add3A_230 : i32 to index
        %swap3A_279 = tpu.vector_load %arg8[%swap3A_277, %swap3A_278] {strides = array<i32>} : memref<8x1024xf32, #tpu.memory_space<vmem>>, vector<1x16xf32>,
        %swap3A_280 = vector.shape_cast %swap3A_279 : vector<1x16xf32> to vector<16xf32>
        %swap3A_281 = vector.shape_cast %add3A_276 : vector<16xf32> to vector<1x16xf32>
        tpu.vector_store %arg8[%swap3A_277, %swap3A_278], %swap3A_281 {add = true, strides = array<i32>} : memref<8x1024xf32, #tpu.memory_space<vmem>>, vector<1x16xf32>,
        %add3A_282 = arith.constant 16 : i32
        %add3A_283 = arith.addi %mul3A_228, %add3A_282 : i32
        %get3A_284 = arith.constant 0 : i32
        %get3A_285 = arith.index_cast %get3A_284 : i32 to index
        %get3A_286 = arith.index_cast %add3A_283 : i32 to index
        %get3A_287 = tpu.vector_load %arg7[%get3A_285, %get3A_286] {strides = array<i32>} : memref<64x1024xf32, #tpu.memory_space<vmem>>, vector<1x16xf32>,
        %get3A_288 = vector.shape_cast %get3A_287 : vector<1x16xf32> to vector<16xf32>
        %get3A_289 = arith.constant 8 : i32
        %get3A_290 = arith.index_cast %get3A_289 : i32 to index
        %get3A_291 = arith.index_cast %add3A_283 : i32 to index
        %get3A_292 = tpu.vector_load %arg7[%get3A_290, %get3A_291] {strides = array<i32>} : memref<64x1024xf32, #tpu.memory_space<vmem>>, vector<1x16xf32>,
        %get3A_293 = vector.shape_cast %get3A_292 : vector<1x16xf32> to vector<16xf32>
        %add3A_294 = arith.addf %get3A_288, %get3A_293 : vector<16xf32>
        %get3A_295 = arith.constant 16 : i32
        %get3A_296 = arith.index_cast %get3A_295 : i32 to index
        %get3A_297 = arith.index_cast %add3A_283 : i32 to index
        %get3A_298 = tpu.vector_load %arg7[%get3A_296, %get3A_297] {strides = array<i32>} : memref<64x1024xf32, #tpu.memory_space<vmem>>, vector<1x16xf32>,
        %get3A_299 = vector.shape_cast %get3A_298 : vector<1x16xf32> to vector<16xf32>
        %add3A_300 = arith.addf %add3A_294, %get3A_299 : vector<16xf32>
        %get3A_301 = arith.constant 24 : i32
        %get3A_302 = arith.index_cast %get3A_301 : i32 to index
        %get3A_303 = arith.index_cast %add3A_283 : i32 to index
        %get3A_304 = tpu.vector_load %arg7[%get3A_302, %get3A_303] {strides = array<i32>} : memref<64x1024xf32, #tpu.memory_space<vmem>>, vector<1x16xf32>,
        %get3A_305 = vector.shape_cast %get3A_304 : vector<1x16xf32> to vector<16xf32>
        %add3A_306 = arith.addf %add3A_300, %get3A_305 : vector<16xf32>
        %get3A_307 = arith.constant 32 : i32
        %get3A_308 = arith.index_cast %get3A_307 : i32 to index
        %get3A_309 = arith.index_cast %add3A_283 : i32 to index
        %get3A_310 = tpu.vector_load %arg7[%get3A_308, %get3A_309] {strides = array<i32>} : memref<64x1024xf32, #tpu.memory_space<vmem>>, vector<1x16xf32>,
        %get3A_311 = vector.shape_cast %get3A_310 : vector<1x16xf32> to vector<16xf32>
        %add3A_312 = arith.addf %add3A_306, %get3A_311 : vector<16xf32>
        %get3A_313 = arith.constant 40 : i32
        %get3A_314 = arith.index_cast %get3A_313 : i32 to index
        %get3A_315 = arith.index_cast %add3A_283 : i32 to index
        %get3A_316 = tpu.vector_load %arg7[%get3A_314, %get3A_315] {strides = array<i32>} : memref<64x1024xf32, #tpu.memory_space<vmem>>, vector<1x16xf32>,
        %get3A_317 = vector.shape_cast %get3A_316 : vector<1x16xf32> to vector<16xf32>
        %add3A_318 = arith.addf %add3A_312, %get3A_317 : vector<16xf32>
        %get3A_319 = arith.constant 48 : i32
        %get3A_320 = arith.index_cast %get3A_319 : i32 to index
        %get3A_321 = arith.index_cast %add3A_283 : i32 to index
        %get3A_322 = tpu.vector_load %arg7[%get3A_320, %get3A_321] {strides = array<i32>} : memref<64x1024xf32, #tpu.memory_space<vmem>>, vector<1x16xf32>,
        %get3A_323 = vector.shape_cast %get3A_322 : vector<1x16xf32> to vector<16xf32>
        %add3A_324 = arith.addf %add3A_318, %get3A_323 : vector<16xf32>
        %get3A_325 = arith.constant 56 : i32
        %get3A_326 = arith.index_cast %get3A_325 : i32 to index
        %get3A_327 = arith.index_cast %add3A_283 : i32 to index
        %get3A_328 = tpu.vector_load %arg7[%get3A_326, %get3A_327] {strides = array<i32>} : memref<64x1024xf32, #tpu.memory_space<vmem>>, vector<1x16xf32>,
        %get3A_329 = vector.shape_cast %get3A_328 : vector<1x16xf32> to vector<16xf32>
        %add3A_330 = arith.addf %add3A_324, %get3A_329 : vector<16xf32>
        %swap3A_331 = arith.constant 0 : i32
        %swap3A_332 = arith.index_cast %swap3A_331 : i32 to index
        %swap3A_333 = arith.index_cast %add3A_283 : i32 to index
        %swap3A_334 = tpu.vector_load %arg8[%swap3A_332, %swap3A_333] {strides = array<i32>} : memref<8x1024xf32, #tpu.memory_space<vmem>>, vector<1x16xf32>,
        %swap3A_335 = vector.shape_cast %swap3A_334 : vector<1x16xf32> to vector<16xf32>
        %swap3A_336 = vector.shape_cast %add3A_330 : vector<16xf32> to vector<1x16xf32>
        tpu.vector_store %arg8[%swap3A_332, %swap3A_333], %swap3A_336 {add = true, strides = array<i32>} : memref<8x1024xf32, #tpu.memory_space<vmem>>, vector<1x16xf32>,
        %add3A_337 = arith.constant 32 : i32
        %add3A_338 = arith.addi %mul3A_228, %add3A_337 : i32
        %get3A_339 = arith.constant 0 : i32
        %get3A_340 = arith.index_cast %get3A_339 : i32 to index
        %get3A_341 = arith.index_cast %add3A_338 : i32 to index
        %get3A_342 = tpu.vector_load %arg7[%get3A_340, %get3A_341] {strides = array<i32>} : memref<64x1024xf32, #tpu.memory_space<vmem>>, vector<1x16xf32>,
        %get3A_343 = vector.shape_cast %get3A_342 : vector<1x16xf32> to vector<16xf32>
        %get3A_344 = arith.constant 8 : i32
        %get3A_345 = arith.index_cast %get3A_344 : i32 to index
        %get3A_346 = arith.index_cast %add3A_338 : i32 to index
        %get3A_347 = tpu.vector_load %arg7[%get3A_345, %get3A_346] {strides = array<i32>} : memref<64x1024xf32, #tpu.memory_space<vmem>>, vector<1x16xf32>,
        %get3A_348 = vector.shape_cast %get3A_347 : vector<1x16xf32> to vector<16xf32>
        %add3A_349 = arith.addf %get3A_343, %get3A_348 : vector<16xf32>
        %get3A_350 = arith.constant 16 : i32
        %get3A_351 = arith.index_cast %get3A_350 : i32 to index
        %get3A_352 = arith.index_cast %add3A_338 : i32 to index
        %get3A_353 = tpu.vector_load %arg7[%get3A_351, %get3A_352] {strides = array<i32>} : memref<64x1024xf32, #tpu.memory_space<vmem>>, vector<1x16xf32>,
        %get3A_354 = vector.shape_cast %get3A_353 : vector<1x16xf32> to vector<16xf32>
        %add3A_355 = arith.addf %add3A_349, %get3A_354 : vector<16xf32>
        %get3A_356 = arith.constant 24 : i32
        %get3A_357 = arith.index_cast %get3A_356 : i32 to index
        %get3A_358 = arith.index_cast %add3A_338 : i32 to index
        %get3A_359 = tpu.vector_load %arg7[%get3A_357, %get3A_358] {strides = array<i32>} : memref<64x1024xf32, #tpu.memory_space<vmem>>, vector<1x16xf32>,
        %get3A_360 = vector.shape_cast %get3A_359 : vector<1x16xf32> to vector<16xf32>
        %add3A_361 = arith.addf %add3A_355, %get3A_360 : vector<16xf32>
        %get3A_362 = arith.constant 32 : i32
        %get3A_363 = arith.index_cast %get3A_362 : i32 to index
        %get3A_364 = arith.index_cast %add3A_338 : i32 to index
        %get3A_365 = tpu.vector_load %arg7[%get3A_363, %get3A_364] {strides = array<i32>} : memref<64x1024xf32, #tpu.memory_space<vmem>>, vector<1x16xf32>,
        %get3A_366 = vector.shape_cast %get3A_365 : vector<1x16xf32> to vector<16xf32>
        %add3A_367 = arith.addf %add3A_361, %get3A_366 : vector<16xf32>
        %get3A_368 = arith.constant 40 : i32
        %get3A_369 = arith.index_cast %get3A_368 : i32 to index
        %get3A_370 = arith.index_cast %add3A_338 : i32 to index
        %get3A_371 = tpu.vector_load %arg7[%get3A_369, %get3A_370] {strides = array<i32>} : memref<64x1024xf32, #tpu.memory_space<vmem>>, vector<1x16xf32>,
        %get3A_372 = vector.shape_cast %get3A_371 : vector<1x16xf32> to vector<16xf32>
        %add3A_373 = arith.addf %add3A_367, %get3A_372 : vector<16xf32>
        %get3A_374 = arith.constant 48 : i32
        %get3A_375 = arith.index_cast %get3A_374 : i32 to index
        %get3A_376 = arith.index_cast %add3A_338 : i32 to index
        %get3A_377 = tpu.vector_load %arg7[%get3A_375, %get3A_376] {strides = array<i32>} : memref<64x1024xf32, #tpu.memory_space<vmem>>, vector<1x16xf32>,
        %get3A_378 = vector.shape_cast %get3A_377 : vector<1x16xf32> to vector<16xf32>
        %add3A_379 = arith.addf %add3A_373, %get3A_378 : vector<16xf32>
        %get3A_380 = arith.constant 56 : i32
        %get3A_381 = arith.index_cast %get3A_380 : i32 to index
        %get3A_382 = arith.index_cast %add3A_338 : i32 to index
        %get3A_383 = tpu.vector_load %arg7[%get3A_381, %get3A_382] {strides = array<i32>} : memref<64x1024xf32, #tpu.memory_space<vmem>>, vector<1x16xf32>,
        %get3A_384 = vector.shape_cast %get3A_383 : vector<1x16xf32> to vector<16xf32>
        %add3A_385 = arith.addf %add3A_379, %get3A_384 : vector<16xf32>
        %swap3A_386 = arith.constant 0 : i32
        %swap3A_387 = arith.index_cast %swap3A_386 : i32 to index
        %swap3A_388 = arith.index_cast %add3A_338 : i32 to index
        %swap3A_389 = tpu.vector_load %arg8[%swap3A_387, %swap3A_388] {strides = array<i32>} : memref<8x1024xf32, #tpu.memory_space<vmem>>, vector<1x16xf32>,
        %swap3A_390 = vector.shape_cast %swap3A_389 : vector<1x16xf32> to vector<16xf32>
        %swap3A_391 = vector.shape_cast %add3A_385 : vector<16xf32> to vector<1x16xf32>
        tpu.vector_store %arg8[%swap3A_387, %swap3A_388], %swap3A_391 {add = true, strides = array<i32>} : memref<8x1024xf32, #tpu.memory_space<vmem>>, vector<1x16xf32>,
        %add3A_392 = arith.constant 48 : i32
        %add3A_393 = arith.addi %mul3A_228, %add3A_392 : i32
        %get3A_394 = arith.constant 0 : i32
        %get3A_395 = arith.index_cast %get3A_394 : i32 to index
        %get3A_396 = arith.index_cast %add3A_393 : i32 to index
        %get3A_397 = tpu.vector_load %arg7[%get3A_395, %get3A_396] {strides = array<i32>} : memref<64x1024xf32, #tpu.memory_space<vmem>>, vector<1x16xf32>,
        %get3A_398 = vector.shape_cast %get3A_397 : vector<1x16xf32> to vector<16xf32>
        %get3A_399 = arith.constant 8 : i32
        %get3A_400 = arith.index_cast %get3A_399 : i32 to index
        %get3A_401 = arith.index_cast %add3A_393 : i32 to index
        %get3A_402 = tpu.vector_load %arg7[%get3A_400, %get3A_401] {strides = array<i32>} : memref<64x1024xf32, #tpu.memory_space<vmem>>, vector<1x16xf32>,
        %get3A_403 = vector.shape_cast %get3A_402 : vector<1x16xf32> to vector<16xf32>
        %add3A_404 = arith.addf %get3A_398, %get3A_403 : vector<16xf32>
        %get3A_405 = arith.constant 16 : i32
        %get3A_406 = arith.index_cast %get3A_405 : i32 to index
        %get3A_407 = arith.index_cast %add3A_393 : i32 to index
        %get3A_408 = tpu.vector_load %arg7[%get3A_406, %get3A_407] {strides = array<i32>} : memref<64x1024xf32, #tpu.memory_space<vmem>>, vector<1x16xf32>,
        %get3A_409 = vector.shape_cast %get3A_408 : vector<1x16xf32> to vector<16xf32>
        %add3A_410 = arith.addf %add3A_404, %get3A_409 : vector<16xf32>
        %get3A_411 = arith.constant 24 : i32
        %get3A_412 = arith.index_cast %get3A_411 : i32 to index
        %get3A_413 = arith.index_cast %add3A_393 : i32 to index
        %get3A_414 = tpu.vector_load %arg7[%get3A_412, %get3A_413] {strides = array<i32>} : memref<64x1024xf32, #tpu.memory_space<vmem>>, vector<1x16xf32>,
        %get3A_415 = vector.shape_cast %get3A_414 : vector<1x16xf32> to vector<16xf32>
        %add3A_416 = arith.addf %add3A_410, %get3A_415 : vector<16xf32>
        %get3A_417 = arith.constant 32 : i32
        %get3A_418 = arith.index_cast %get3A_417 : i32 to index
        %get3A_419 = arith.index_cast %add3A_393 : i32 to index
        %get3A_420 = tpu.vector_load %arg7[%get3A_418, %get3A_419] {strides = array<i32>} : memref<64x1024xf32, #tpu.memory_space<vmem>>, vector<1x16xf32>,
        %get3A_421 = vector.shape_cast %get3A_420 : vector<1x16xf32> to vector<16xf32>
        %add3A_422 = arith.addf %add3A_416, %get3A_421 : vector<16xf32>
        %get3A_423 = arith.constant 40 : i32
        %get3A_424 = arith.index_cast %get3A_423 : i32 to index
        %get3A_425 = arith.index_cast %add3A_393 : i32 to index
        %get3A_426 = tpu.vector_load %arg7[%get3A_424, %get3A_425] {strides = array<i32>} : memref<64x1024xf32, #tpu.memory_space<vmem>>, vector<1x16xf32>,
        %get3A_427 = vector.shape_cast %get3A_426 : vector<1x16xf32> to vector<16xf32>
        %add3A_428 = arith.addf %add3A_422, %get3A_427 : vector<16xf32>
        %get3A_429 = arith.constant 48 : i32
        %get3A_430 = arith.index_cast %get3A_429 : i32 to index
        %get3A_431 = arith.index_cast %add3A_393 : i32 to index
        %get3A_432 = tpu.vector_load %arg7[%get3A_430, %get3A_431] {strides = array<i32>} : memref<64x1024xf32, #tpu.memory_space<vmem>>, vector<1x16xf32>,
        %get3A_433 = vector.shape_cast %get3A_432 : vector<1x16xf32> to vector<16xf32>
        %add3A_434 = arith.addf %add3A_428, %get3A_433 : vector<16xf32>
        %get3A_435 = arith.constant 56 : i32
        %get3A_436 = arith.index_cast %get3A_435 : i32 to index
        %get3A_437 = arith.index_cast %add3A_393 : i32 to index
        %get3A_438 = tpu.vector_load %arg7[%get3A_436, %get3A_437] {strides = array<i32>} : memref<64x1024xf32, #tpu.memory_space<vmem>>, vector<1x16xf32>,
        %get3A_439 = vector.shape_cast %get3A_438 : vector<1x16xf32> to vector<16xf32>
        %add3A_440 = arith.addf %add3A_434, %get3A_439 : vector<16xf32>
        %swap3A_441 = arith.constant 0 : i32
        %swap3A_442 = arith.index_cast %swap3A_441 : i32 to index
        %swap3A_443 = arith.index_cast %add3A_393 : i32 to index
        %swap3A_444 = tpu.vector_load %arg8[%swap3A_442, %swap3A_443] {strides = array<i32>} : memref<8x1024xf32, #tpu.memory_space<vmem>>, vector<1x16xf32>,
        %swap3A_445 = vector.shape_cast %swap3A_444 : vector<1x16xf32> to vector<16xf32>
        %swap3A_446 = vector.shape_cast %add3A_440 : vector<16xf32> to vector<1x16xf32>
        tpu.vector_store %arg8[%swap3A_442, %swap3A_443], %swap3A_446 {add = true, strides = array<i32>} : memref<8x1024xf32, #tpu.memory_space<vmem>>, vector<1x16xf32>,
      }
      %scan3A_183 = arith.constant 16 : i32
      %scan3A_184 = arith.constant 0 : i32
      %scan3A_185 = arith.constant 0 : i32
      %scan3A_186 = arith.constant 16 : i32
      %scan3A_187 = arith.addi %scan3A_185, %scan3A_186 : i32
      %scan3A_188 = arith.constant 1 : i32
      scf.for %scan3A_226 = %scan3A_185 to %scan3A_187 step %scan3A_188  : i32 {
        %mul3A_227 = arith.constant 64 : i32
        %mul3A_228 = arith.muli %scan3A_226, %mul3A_227 : i32
        %add3A_229 = arith.constant 0 : i32
        %add3A_230 = arith.addi %mul3A_228, %add3A_229 : i32
        %get3A = arith.constant 1 : i32
        %get3A_231 = arith.index_cast %get3A : i32 to index
        %get3A_232 = arith.index_cast %add3A_230 : i32 to index
        %get3A_233 = tpu.vector_load %arg7[%get3A_231, %get3A_232] {strides = array<i32>} : memref<64x1024xf32, #tpu.memory_space<vmem>>, vector<1x16xf32>,
        %get3A_234 = vector.shape_cast %get3A_233 : vector<1x16xf32> to vector<16xf32>
        %get3A_235 = arith.constant 9 : i32
        %get3A_236 = arith.index_cast %get3A_235 : i32 to index
        %get3A_237 = arith.index_cast %add3A_230 : i32 to index
        %get3A_238 = tpu.vector_load %arg7[%get3A_236, %get3A_237] {strides = array<i32>} : memref<64x1024xf32, #tpu.memory_space<vmem>>, vector<1x16xf32>,
        %get3A_239 = vector.shape_cast %get3A_238 : vector<1x16xf32> to vector<16xf32>
        %add3A_240 = arith.addf %get3A_234, %get3A_239 : vector<16xf32>
        %get3A_241 = arith.constant 17 : i32
        %get3A_242 = arith.index_cast %get3A_241 : i32 to index
        %get3A_243 = arith.index_cast %add3A_230 : i32 to index
        %get3A_244 = tpu.vector_load %arg7[%get3A_242, %get3A_243] {strides = array<i32>} : memref<64x1024xf32, #tpu.memory_space<vmem>>, vector<1x16xf32>,
        %get3A_245 = vector.shape_cast %get3A_244 : vector<1x16xf32> to vector<16xf32>
        %add3A_246 = arith.addf %add3A_240, %get3A_245 : vector<16xf32>
        %get3A_247 = arith.constant 25 : i32
        %get3A_248 = arith.index_cast %get3A_247 : i32 to index
        %get3A_249 = arith.index_cast %add3A_230 : i32 to index
        %get3A_250 = tpu.vector_load %arg7[%get3A_248, %get3A_249] {strides = array<i32>} : memref<64x1024xf32, #tpu.memory_space<vmem>>, vector<1x16xf32>,
        %get3A_251 = vector.shape_cast %get3A_250 : vector<1x16xf32> to vector<16xf32>
        %add3A_252 = arith.addf %add3A_246, %get3A_251 : vector<16xf32>
        %get3A_253 = arith.constant 33 : i32
        %get3A_254 = arith.index_cast %get3A_253 : i32 to index
        %get3A_255 = arith.index_cast %add3A_230 : i32 to index
        %get3A_256 = tpu.vector_load %arg7[%get3A_254, %get3A_255] {strides = array<i32>} : memref<64x1024xf32, #tpu.memory_space<vmem>>, vector<1x16xf32>,
        %get3A_257 = vector.shape_cast %get3A_256 : vector<1x16xf32> to vector<16xf32>
        %add3A_258 = arith.addf %add3A_252, %get3A_257 : vector<16xf32>
        %get3A_259 = arith.constant 41 : i32
        %get3A_260 = arith.index_cast %get3A_259 : i32 to index
        %get3A_261 = arith.index_cast %add3A_230 : i32 to index
        %get3A_262 = tpu.vector_load %arg7[%get3A_260, %get3A_261] {strides = array<i32>} : memref<64x1024xf32, #tpu.memory_space<vmem>>, vector<1x16xf32>,
        %get3A_263 = vector.shape_cast %get3A_262 : vector<1x16xf32> to vector<16xf32>
        %add3A_264 = arith.addf %add3A_258, %get3A_263 : vector<16xf32>
        %get3A_265 = arith.constant 49 : i32
        %get3A_266 = arith.index_cast %get3A_265 : i32 to index
        %get3A_267 = arith.index_cast %add3A_230 : i32 to index
        %get3A_268 = tpu.vector_load %arg7[%get3A_266, %get3A_267] {strides = array<i32>} : memref<64x1024xf32, #tpu.memory_space<vmem>>, vector<1x16xf32>,
        %get3A_269 = vector.shape_cast %get3A_268 : vector<1x16xf32> to vector<16xf32>
        %add3A_270 = arith.addf %add3A_264, %get3A_269 : vector<16xf32>
        %get3A_271 = arith.constant 57 : i32
        %get3A_272 = arith.index_cast %get3A_271 : i32 to index
        %get3A_273 = arith.index_cast %add3A_230 : i32 to index
        %get3A_274 = tpu.vector_load %arg7[%get3A_272, %get3A_273] {strides = array<i32>} : memref<64x1024xf32, #tpu.memory_space<vmem>>, vector<1x16xf32>,
        %get3A_275 = vector.shape_cast %get3A_274 : vector<1x16xf32> to vector<16xf32>
        %add3A_276 = arith.addf %add3A_270, %get3A_275 : vector<16xf32>
        %swap3A = arith.constant 1 : i32
        %swap3A_277 = arith.index_cast %swap3A : i32 to index
        %swap3A_278 = arith.index_cast %add3A_230 : i32 to index
        %swap3A_279 = tpu.vector_load %arg8[%swap3A_277, %swap3A_278] {strides = array<i32>} : memref<8x1024xf32, #tpu.memory_space<vmem>>, vector<1x16xf32>,
        %swap3A_280 = vector.shape_cast %swap3A_279 : vector<1x16xf32> to vector<16xf32>
        %swap3A_281 = vector.shape_cast %add3A_276 : vector<16xf32> to vector<1x16xf32>
        tpu.vector_store %arg8[%swap3A_277, %swap3A_278], %swap3A_281 {add = true, strides = array<i32>} : memref<8x1024xf32, #tpu.memory_space<vmem>>, vector<1x16xf32>,
        %add3A_282 = arith.constant 16 : i32
        %add3A_283 = arith.addi %mul3A_228, %add3A_282 : i32
        %get3A_284 = arith.constant 1 : i32
        %get3A_285 = arith.index_cast %get3A_284 : i32 to index
        %get3A_286 = arith.index_cast %add3A_283 : i32 to index
        %get3A_287 = tpu.vector_load %arg7[%get3A_285, %get3A_286] {strides = array<i32>} : memref<64x1024xf32, #tpu.memory_space<vmem>>, vector<1x16xf32>,
        %get3A_288 = vector.shape_cast %get3A_287 : vector<1x16xf32> to vector<16xf32>
        %get3A_289 = arith.constant 9 : i32
        %get3A_290 = arith.index_cast %get3A_289 : i32 to index
        %get3A_291 = arith.index_cast %add3A_283 : i32 to index
        %get3A_292 = tpu.vector_load %arg7[%get3A_290, %get3A_291] {strides = array<i32>} : memref<64x1024xf32, #tpu.memory_space<vmem>>, vector<1x16xf32>,
        %get3A_293 = vector.shape_cast %get3A_292 : vector<1x16xf32> to vector<16xf32>
        %add3A_294 = arith.addf %get3A_288, %get3A_293 : vector<16xf32>
        %get3A_295 = arith.constant 17 : i32
        %get3A_296 = arith.index_cast %get3A_295 : i32 to index
        %get3A_297 = arith.index_cast %add3A_283 : i32 to index
        %get3A_298 = tpu.vector_load %arg7[%get3A_296, %get3A_297] {strides = array<i32>} : memref<64x1024xf32, #tpu.memory_space<vmem>>, vector<1x16xf32>,
        %get3A_299 = vector.shape_cast %get3A_298 : vector<1x16xf32> to vector<16xf32>
        %add3A_300 = arith.addf %add3A_294, %get3A_299 : vector<16xf32>
        %get3A_301 = arith.constant 25 : i32
        %get3A_302 = arith.index_cast %get3A_301 : i32 to index
        %get3A_303 = arith.index_cast %add3A_283 : i32 to index
        %get3A_304 = tpu.vector_load %arg7[%get3A_302, %get3A_303] {strides = array<i32>} : memref<64x1024xf32, #tpu.memory_space<vmem>>, vector<1x16xf32>,
        %get3A_305 = vector.shape_cast %get3A_304 : vector<1x16xf32> to vector<16xf32>
        %add3A_306 = arith.addf %add3A_300, %get3A_305 : vector<16xf32>
        %get3A_307 = arith.constant 33 : i32
        %get3A_308 = arith.index_cast %get3A_307 : i32 to index
        %get3A_309 = arith.index_cast %add3A_283 : i32 to index
        %get3A_310 = tpu.vector_load %arg7[%get3A_308, %get3A_309] {strides = array<i32>} : memref<64x1024xf32, #tpu.memory_space<vmem>>, vector<1x16xf32>,
        %get3A_311 = vector.shape_cast %get3A_310 : vector<1x16xf32> to vector<16xf32>
        %add3A_312 = arith.addf %add3A_306, %get3A_311 : vector<16xf32>
        %get3A_313 = arith.constant 41 : i32
        %get3A_314 = arith.index_cast %get3A_313 : i32 to index
        %get3A_315 = arith.index_cast %add3A_283 : i32 to index
        %get3A_316 = tpu.vector_load %arg7[%get3A_314, %get3A_315] {strides = array<i32>} : memref<64x1024xf32, #tpu.memory_space<vmem>>, vector<1x16xf32>,
        %get3A_317 = vector.shape_cast %get3A_316 : vector<1x16xf32> to vector<16xf32>
        %add3A_318 = arith.addf %add3A_312, %get3A_317 : vector<16xf32>
        %get3A_319 = arith.constant 49 : i32
        %get3A_320 = arith.index_cast %get3A_319 : i32 to index
        %get3A_321 = arith.index_cast %add3A_283 : i32 to index
        %get3A_322 = tpu.vector_load %arg7[%get3A_320, %get3A_321] {strides = array<i32>} : memref<64x1024xf32, #tpu.memory_space<vmem>>, vector<1x16xf32>,
        %get3A_323 = vector.shape_cast %get3A_322 : vector<1x16xf32> to vector<16xf32>
        %add3A_324 = arith.addf %add3A_318, %get3A_323 : vector<16xf32>
        %get3A_325 = arith.constant 57 : i32
        %get3A_326 = arith.index_cast %get3A_325 : i32 to index
        %get3A_327 = arith.index_cast %add3A_283 : i32 to index
        %get3A_328 = tpu.vector_load %arg7[%get3A_326, %get3A_327] {strides = array<i32>} : memref<64x1024xf32, #tpu.memory_space<vmem>>, vector<1x16xf32>,
        %get3A_329 = vector.shape_cast %get3A_328 : vector<1x16xf32> to vector<16xf32>
        %add3A_330 = arith.addf %add3A_324, %get3A_329 : vector<16xf32>
        %swap3A_331 = arith.constant 1 : i32
        %swap3A_332 = arith.index_cast %swap3A_331 : i32 to index
        %swap3A_333 = arith.index_cast %add3A_283 : i32 to index
        %swap3A_334 = tpu.vector_load %arg8[%swap3A_332, %swap3A_333] {strides = array<i32>} : memref<8x1024xf32, #tpu.memory_space<vmem>>, vector<1x16xf32>,
        %swap3A_335 = vector.shape_cast %swap3A_334 : vector<1x16xf32> to vector<16xf32>
        %swap3A_336 = vector.shape_cast %add3A_330 : vector<16xf32> to vector<1x16xf32>
        tpu.vector_store %arg8[%swap3A_332, %swap3A_333], %swap3A_336 {add = true, strides = array<i32>} : memref<8x1024xf32, #tpu.memory_space<vmem>>, vector<1x16xf32>,
        %add3A_337 = arith.constant 32 : i32
        %add3A_338 = arith.addi %mul3A_228, %add3A_337 : i32
        %get3A_339 = arith.constant 1 : i32
        %get3A_340 = arith.index_cast %get3A_339 : i32 to index
        %get3A_341 = arith.index_cast %add3A_338 : i32 to index
        %get3A_342 = tpu.vector_load %arg7[%get3A_340, %get3A_341] {strides = array<i32>} : memref<64x1024xf32, #tpu.memory_space<vmem>>, vector<1x16xf32>,
        %get3A_343 = vector.shape_cast %get3A_342 : vector<1x16xf32> to vector<16xf32>
        %get3A_344 = arith.constant 9 : i32
        %get3A_345 = arith.index_cast %get3A_344 : i32 to index
        %get3A_346 = arith.index_cast %add3A_338 : i32 to index
        %get3A_347 = tpu.vector_load %arg7[%get3A_345, %get3A_346] {strides = array<i32>} : memref<64x1024xf32, #tpu.memory_space<vmem>>, vector<1x16xf32>,
        %get3A_348 = vector.shape_cast %get3A_347 : vector<1x16xf32> to vector<16xf32>
        %add3A_349 = arith.addf %get3A_343, %get3A_348 : vector<16xf32>
        %get3A_350 = arith.constant 17 : i32
        %get3A_351 = arith.index_cast %get3A_350 : i32 to index
        %get3A_352 = arith.index_cast %add3A_338 : i32 to index
        %get3A_353 = tpu.vector_load %arg7[%get3A_351, %get3A_352] {strides = array<i32>} : memref<64x1024xf32, #tpu.memory_space<vmem>>, vector<1x16xf32>,
        %get3A_354 = vector.shape_cast %get3A_353 : vector<1x16xf32> to vector<16xf32>
        %add3A_355 = arith.addf %add3A_349, %get3A_354 : vector<16xf32>
        %get3A_356 = arith.constant 25 : i32
        %get3A_357 = arith.index_cast %get3A_356 : i32 to index
        %get3A_358 = arith.index_cast %add3A_338 : i32 to index
        %get3A_359 = tpu.vector_load %arg7[%get3A_357, %get3A_358] {strides = array<i32>} : memref<64x1024xf32, #tpu.memory_space<vmem>>, vector<1x16xf32>,
        %get3A_360 = vector.shape_cast %get3A_359 : vector<1x16xf32> to vector<16xf32>
        %add3A_361 = arith.addf %add3A_355, %get3A_360 : vector<16xf32>
        %get3A_362 = arith.constant 33 : i32
        %get3A_363 = arith.index_cast %get3A_362 : i32 to index
        %get3A_364 = arith.index_cast %add3A_338 : i32 to index
        %get3A_365 = tpu.vector_load %arg7[%get3A_363, %get3A_364] {strides = array<i32>} : memref<64x1024xf32, #tpu.memory_space<vmem>>, vector<1x16xf32>,
        %get3A_366 = vector.shape_cast %get3A_365 : vector<1x16xf32> to vector<16xf32>
        %add3A_367 = arith.addf %add3A_361, %get3A_366 : vector<16xf32>
        %get3A_368 = arith.constant 41 : i32
        %get3A_369 = arith.index_cast %get3A_368 : i32 to index
        %get3A_370 = arith.index_cast %add3A_338 : i32 to index
        %get3A_371 = tpu.vector_load %arg7[%get3A_369, %get3A_370] {strides = array<i32>} : memref<64x1024xf32, #tpu.memory_space<vmem>>, vector<1x16xf32>,
        %get3A_372 = vector.shape_cast %get3A_371 : vector<1x16xf32> to vector<16xf32>
        %add3A_373 = arith.addf %add3A_367, %get3A_372 : vector<16xf32>
        %get3A_374 = arith.constant 49 : i32
        %get3A_375 = arith.index_cast %get3A_374 : i32 to index
        %get3A_376 = arith.index_cast %add3A_338 : i32 to index
        %get3A_377 = tpu.vector_load %arg7[%get3A_375, %get3A_376] {strides = array<i32>} : memref<64x1024xf32, #tpu.memory_space<vmem>>, vector<1x16xf32>,
        %get3A_378 = vector.shape_cast %get3A_377 : vector<1x16xf32> to vector<16xf32>
        %add3A_379 = arith.addf %add3A_373, %get3A_378 : vector<16xf32>
        %get3A_380 = arith.constant 57 : i32
        %get3A_381 = arith.index_cast %get3A_380 : i32 to index
        %get3A_382 = arith.index_cast %add3A_338 : i32 to index
        %get3A_383 = tpu.vector_load %arg7[%get3A_381, %get3A_382] {strides = array<i32>} : memref<64x1024xf32, #tpu.memory_space<vmem>>, vector<1x16xf32>,
        %get3A_384 = vector.shape_cast %get3A_383 : vector<1x16xf32> to vector<16xf32>
        %add3A_385 = arith.addf %add3A_379, %get3A_384 : vector<16xf32>
        %swap3A_386 = arith.constant 1 : i32
        %swap3A_387 = arith.index_cast %swap3A_386 : i32 to index
        %swap3A_388 = arith.index_cast %add3A_338 : i32 to index
        %swap3A_389 = tpu.vector_load %arg8[%swap3A_387, %swap3A_388] {strides = array<i32>} : memref<8x1024xf32, #tpu.memory_space<vmem>>, vector<1x16xf32>,
        %swap3A_390 = vector.shape_cast %swap3A_389 : vector<1x16xf32> to vector<16xf32>
        %swap3A_391 = vector.shape_cast %add3A_385 : vector<16xf32> to vector<1x16xf32>
        tpu.vector_store %arg8[%swap3A_387, %swap3A_388], %swap3A_391 {add = true, strides = array<i32>} : memref<8x1024xf32, #tpu.memory_space<vmem>>, vector<1x16xf32>,
        %add3A_392 = arith.constant 48 : i32
        %add3A_393 = arith.addi %mul3A_228, %add3A_392 : i32
        %get3A_394 = arith.constant 1 : i32
        %get3A_395 = arith.index_cast %get3A_394 : i32 to index
        %get3A_396 = arith.index_cast %add3A_393 : i32 to index
        %get3A_397 = tpu.vector_load %arg7[%get3A_395, %get3A_396] {strides = array<i32>} : memref<64x1024xf32, #tpu.memory_space<vmem>>, vector<1x16xf32>,
        %get3A_398 = vector.shape_cast %get3A_397 : vector<1x16xf32> to vector<16xf32>
        %get3A_399 = arith.constant 9 : i32
        %get3A_400 = arith.index_cast %get3A_399 : i32 to index
        %get3A_401 = arith.index_cast %add3A_393 : i32 to index
        %get3A_402 = tpu.vector_load %arg7[%get3A_400, %get3A_401] {strides = array<i32>} : memref<64x1024xf32, #tpu.memory_space<vmem>>, vector<1x16xf32>,
        %get3A_403 = vector.shape_cast %get3A_402 : vector<1x16xf32> to vector<16xf32>
        %add3A_404 = arith.addf %get3A_398, %get3A_403 : vector<16xf32>
        %get3A_405 = arith.constant 17 : i32
        %get3A_406 = arith.index_cast %get3A_405 : i32 to index
        %get3A_407 = arith.index_cast %add3A_393 : i32 to index
        %get3A_408 = tpu.vector_load %arg7[%get3A_406, %get3A_407] {strides = array<i32>} : memref<64x1024xf32, #tpu.memory_space<vmem>>, vector<1x16xf32>,
        %get3A_409 = vector.shape_cast %get3A_408 : vector<1x16xf32> to vector<16xf32>
        %add3A_410 = arith.addf %add3A_404, %get3A_409 : vector<16xf32>
        %get3A_411 = arith.constant 25 : i32
        %get3A_412 = arith.index_cast %get3A_411 : i32 to index
        %get3A_413 = arith.index_cast %add3A_393 : i32 to index
        %get3A_414 = tpu.vector_load %arg7[%get3A_412, %get3A_413] {strides = array<i32>} : memref<64x1024xf32, #tpu.memory_space<vmem>>, vector<1x16xf32>,
        %get3A_415 = vector.shape_cast %get3A_414 : vector<1x16xf32> to vector<16xf32>
        %add3A_416 = arith.addf %add3A_410, %get3A_415 : vector<16xf32>
        %get3A_417 = arith.constant 33 : i32
        %get3A_418 = arith.index_cast %get3A_417 : i32 to index
        %get3A_419 = arith.index_cast %add3A_393 : i32 to index
        %get3A_420 = tpu.vector_load %arg7[%get3A_418, %get3A_419] {strides = array<i32>} : memref<64x1024xf32, #tpu.memory_space<vmem>>, vector<1x16xf32>,
        %get3A_421 = vector.shape_cast %get3A_420 : vector<1x16xf32> to vector<16xf32>
        %add3A_422 = arith.addf %add3A_416, %get3A_421 : vector<16xf32>
        %get3A_423 = arith.constant 41 : i32
        %get3A_424 = arith.index_cast %get3A_423 : i32 to index
        %get3A_425 = arith.index_cast %add3A_393 : i32 to index
        %get3A_426 = tpu.vector_load %arg7[%get3A_424, %get3A_425] {strides = array<i32>} : memref<64x1024xf32, #tpu.memory_space<vmem>>, vector<1x16xf32>,
        %get3A_427 = vector.shape_cast %get3A_426 : vector<1x16xf32> to vector<16xf32>
        %add3A_428 = arith.addf %add3A_422, %get3A_427 : vector<16xf32>
        %get3A_429 = arith.constant 49 : i32
        %get3A_430 = arith.index_cast %get3A_429 : i32 to index
        %get3A_431 = arith.index_cast %add3A_393 : i32 to index
        %get3A_432 = tpu.vector_load %arg7[%get3A_430, %get3A_431] {strides = array<i32>} : memref<64x1024xf32, #tpu.memory_space<vmem>>, vector<1x16xf32>,
        %get3A_433 = vector.shape_cast %get3A_432 : vector<1x16xf32> to vector<16xf32>
        %add3A_434 = arith.addf %add3A_428, %get3A_433 : vector<16xf32>
        %get3A_435 = arith.constant 57 : i32
        %get3A_436 = arith.index_cast %get3A_435 : i32 to index
        %get3A_437 = arith.index_cast %add3A_393 : i32 to index
        %get3A_438 = tpu.vector_load %arg7[%get3A_436, %get3A_437] {strides = array<i32>} : memref<64x1024xf32, #tpu.memory_space<vmem>>, vector<1x16xf32>,
        %get3A_439 = vector.shape_cast %get3A_438 : vector<1x16xf32> to vector<16xf32>
        %add3A_440 = arith.addf %add3A_434, %get3A_439 : vector<16xf32>
        %swap3A_441 = arith.constant 1 : i32
        %swap3A_442 = arith.index_cast %swap3A_441 : i32 to index
        %swap3A_443 = arith.index_cast %add3A_393 : i32 to index
        %swap3A_444 = tpu.vector_load %arg8[%swap3A_442, %swap3A_443] {strides = array<i32>} : memref<8x1024xf32, #tpu.memory_space<vmem>>, vector<1x16xf32>,
        %swap3A_445 = vector.shape_cast %swap3A_444 : vector<1x16xf32> to vector<16xf32>
        %swap3A_446 = vector.shape_cast %add3A_440 : vector<16xf32> to vector<1x16xf32>
        tpu.vector_store %arg8[%swap3A_442, %swap3A_443], %swap3A_446 {add = true, strides = array<i32>} : memref<8x1024xf32, #tpu.memory_space<vmem>>, vector<1x16xf32>,
      }
      %scan3A_189 = arith.constant 16 : i32
      %scan3A_190 = arith.constant 0 : i32
      %scan3A_191 = arith.constant 0 : i32
      %scan3A_192 = arith.constant 16 : i32
      %scan3A_193 = arith.addi %scan3A_191, %scan3A_192 : i32
      %scan3A_194 = arith.constant 1 : i32
      scf.for %scan3A_226 = %scan3A_191 to %scan3A_193 step %scan3A_194  : i32 {
        %mul3A_227 = arith.constant 64 : i32
        %mul3A_228 = arith.muli %scan3A_226, %mul3A_227 : i32
        %add3A_229 = arith.constant 0 : i32
        %add3A_230 = arith.addi %mul3A_228, %add3A_229 : i32
        %get3A = arith.constant 2 : i32
        %get3A_231 = arith.index_cast %get3A : i32 to index
        %get3A_232 = arith.index_cast %add3A_230 : i32 to index
        %get3A_233 = tpu.vector_load %arg7[%get3A_231, %get3A_232] {strides = array<i32>} : memref<64x1024xf32, #tpu.memory_space<vmem>>, vector<1x16xf32>,
        %get3A_234 = vector.shape_cast %get3A_233 : vector<1x16xf32> to vector<16xf32>
        %get3A_235 = arith.constant 10 : i32
        %get3A_236 = arith.index_cast %get3A_235 : i32 to index
        %get3A_237 = arith.index_cast %add3A_230 : i32 to index
        %get3A_238 = tpu.vector_load %arg7[%get3A_236, %get3A_237] {strides = array<i32>} : memref<64x1024xf32, #tpu.memory_space<vmem>>, vector<1x16xf32>,
        %get3A_239 = vector.shape_cast %get3A_238 : vector<1x16xf32> to vector<16xf32>
        %add3A_240 = arith.addf %get3A_234, %get3A_239 : vector<16xf32>
        %get3A_241 = arith.constant 18 : i32
        %get3A_242 = arith.index_cast %get3A_241 : i32 to index
        %get3A_243 = arith.index_cast %add3A_230 : i32 to index
        %get3A_244 = tpu.vector_load %arg7[%get3A_242, %get3A_243] {strides = array<i32>} : memref<64x1024xf32, #tpu.memory_space<vmem>>, vector<1x16xf32>,
        %get3A_245 = vector.shape_cast %get3A_244 : vector<1x16xf32> to vector<16xf32>
        %add3A_246 = arith.addf %add3A_240, %get3A_245 : vector<16xf32>
        %get3A_247 = arith.constant 26 : i32
        %get3A_248 = arith.index_cast %get3A_247 : i32 to index
        %get3A_249 = arith.index_cast %add3A_230 : i32 to index
        %get3A_250 = tpu.vector_load %arg7[%get3A_248, %get3A_249] {strides = array<i32>} : memref<64x1024xf32, #tpu.memory_space<vmem>>, vector<1x16xf32>,
        %get3A_251 = vector.shape_cast %get3A_250 : vector<1x16xf32> to vector<16xf32>
        %add3A_252 = arith.addf %add3A_246, %get3A_251 : vector<16xf32>
        %get3A_253 = arith.constant 34 : i32
        %get3A_254 = arith.index_cast %get3A_253 : i32 to index
        %get3A_255 = arith.index_cast %add3A_230 : i32 to index
        %get3A_256 = tpu.vector_load %arg7[%get3A_254, %get3A_255] {strides = array<i32>} : memref<64x1024xf32, #tpu.memory_space<vmem>>, vector<1x16xf32>,
        %get3A_257 = vector.shape_cast %get3A_256 : vector<1x16xf32> to vector<16xf32>
        %add3A_258 = arith.addf %add3A_252, %get3A_257 : vector<16xf32>
        %get3A_259 = arith.constant 42 : i32
        %get3A_260 = arith.index_cast %get3A_259 : i32 to index
        %get3A_261 = arith.index_cast %add3A_230 : i32 to index
        %get3A_262 = tpu.vector_load %arg7[%get3A_260, %get3A_261] {strides = array<i32>} : memref<64x1024xf32, #tpu.memory_space<vmem>>, vector<1x16xf32>,
        %get3A_263 = vector.shape_cast %get3A_262 : vector<1x16xf32> to vector<16xf32>
        %add3A_264 = arith.addf %add3A_258, %get3A_263 : vector<16xf32>
        %get3A_265 = arith.constant 50 : i32
        %get3A_266 = arith.index_cast %get3A_265 : i32 to index
        %get3A_267 = arith.index_cast %add3A_230 : i32 to index
        %get3A_268 = tpu.vector_load %arg7[%get3A_266, %get3A_267] {strides = array<i32>} : memref<64x1024xf32, #tpu.memory_space<vmem>>, vector<1x16xf32>,
        %get3A_269 = vector.shape_cast %get3A_268 : vector<1x16xf32> to vector<16xf32>
        %add3A_270 = arith.addf %add3A_264, %get3A_269 : vector<16xf32>
        %get3A_271 = arith.constant 58 : i32
        %get3A_272 = arith.index_cast %get3A_271 : i32 to index
        %get3A_273 = arith.index_cast %add3A_230 : i32 to index
        %get3A_274 = tpu.vector_load %arg7[%get3A_272, %get3A_273] {strides = array<i32>} : memref<64x1024xf32, #tpu.memory_space<vmem>>, vector<1x16xf32>,
        %get3A_275 = vector.shape_cast %get3A_274 : vector<1x16xf32> to vector<16xf32>
        %add3A_276 = arith.addf %add3A_270, %get3A_275 : vector<16xf32>
        %swap3A = arith.constant 2 : i32
        %swap3A_277 = arith.index_cast %swap3A : i32 to index
        %swap3A_278 = arith.index_cast %add3A_230 : i32 to index
        %swap3A_279 = tpu.vector_load %arg8[%swap3A_277, %swap3A_278] {strides = array<i32>} : memref<8x1024xf32, #tpu.memory_space<vmem>>, vector<1x16xf32>,
        %swap3A_280 = vector.shape_cast %swap3A_279 : vector<1x16xf32> to vector<16xf32>
        %swap3A_281 = vector.shape_cast %add3A_276 : vector<16xf32> to vector<1x16xf32>
        tpu.vector_store %arg8[%swap3A_277, %swap3A_278], %swap3A_281 {add = true, strides = array<i32>} : memref<8x1024xf32, #tpu.memory_space<vmem>>, vector<1x16xf32>,
        %add3A_282 = arith.constant 16 : i32
        %add3A_283 = arith.addi %mul3A_228, %add3A_282 : i32
        %get3A_284 = arith.constant 2 : i32
        %get3A_285 = arith.index_cast %get3A_284 : i32 to index
        %get3A_286 = arith.index_cast %add3A_283 : i32 to index
        %get3A_287 = tpu.vector_load %arg7[%get3A_285, %get3A_286] {strides = array<i32>} : memref<64x1024xf32, #tpu.memory_space<vmem>>, vector<1x16xf32>,
        %get3A_288 = vector.shape_cast %get3A_287 : vector<1x16xf32> to vector<16xf32>
        %get3A_289 = arith.constant 10 : i32
        %get3A_290 = arith.index_cast %get3A_289 : i32 to index
        %get3A_291 = arith.index_cast %add3A_283 : i32 to index
        %get3A_292 = tpu.vector_load %arg7[%get3A_290, %get3A_291] {strides = array<i32>} : memref<64x1024xf32, #tpu.memory_space<vmem>>, vector<1x16xf32>,
        %get3A_293 = vector.shape_cast %get3A_292 : vector<1x16xf32> to vector<16xf32>
        %add3A_294 = arith.addf %get3A_288, %get3A_293 : vector<16xf32>
        %get3A_295 = arith.constant 18 : i32
        %get3A_296 = arith.index_cast %get3A_295 : i32 to index
        %get3A_297 = arith.index_cast %add3A_283 : i32 to index
        %get3A_298 = tpu.vector_load %arg7[%get3A_296, %get3A_297] {strides = array<i32>} : memref<64x1024xf32, #tpu.memory_space<vmem>>, vector<1x16xf32>,
        %get3A_299 = vector.shape_cast %get3A_298 : vector<1x16xf32> to vector<16xf32>
        %add3A_300 = arith.addf %add3A_294, %get3A_299 : vector<16xf32>
        %get3A_301 = arith.constant 26 : i32
        %get3A_302 = arith.index_cast %get3A_301 : i32 to index
        %get3A_303 = arith.index_cast %add3A_283 : i32 to index
        %get3A_304 = tpu.vector_load %arg7[%get3A_302, %get3A_303] {strides = array<i32>} : memref<64x1024xf32, #tpu.memory_space<vmem>>, vector<1x16xf32>,
        %get3A_305 = vector.shape_cast %get3A_304 : vector<1x16xf32> to vector<16xf32>
        %add3A_306 = arith.addf %add3A_300, %get3A_305 : vector<16xf32>
        %get3A_307 = arith.constant 34 : i32
        %get3A_308 = arith.index_cast %get3A_307 : i32 to index
        %get3A_309 = arith.index_cast %add3A_283 : i32 to index
        %get3A_310 = tpu.vector_load %arg7[%get3A_308, %get3A_309] {strides = array<i32>} : memref<64x1024xf32, #tpu.memory_space<vmem>>, vector<1x16xf32>,
        %get3A_311 = vector.shape_cast %get3A_310 : vector<1x16xf32> to vector<16xf32>
        %add3A_312 = arith.addf %add3A_306, %get3A_311 : vector<16xf32>
        %get3A_313 = arith.constant 42 : i32
        %get3A_314 = arith.index_cast %get3A_313 : i32 to index
        %get3A_315 = arith.index_cast %add3A_283 : i32 to index
        %get3A_316 = tpu.vector_load %arg7[%get3A_314, %get3A_315] {strides = array<i32>} : memref<64x1024xf32, #tpu.memory_space<vmem>>, vector<1x16xf32>,
        %get3A_317 = vector.shape_cast %get3A_316 : vector<1x16xf32> to vector<16xf32>
        %add3A_318 = arith.addf %add3A_312, %get3A_317 : vector<16xf32>
        %get3A_319 = arith.constant 50 : i32
        %get3A_320 = arith.index_cast %get3A_319 : i32 to index
        %get3A_321 = arith.index_cast %add3A_283 : i32 to index
        %get3A_322 = tpu.vector_load %arg7[%get3A_320, %get3A_321] {strides = array<i32>} : memref<64x1024xf32, #tpu.memory_space<vmem>>, vector<1x16xf32>,
        %get3A_323 = vector.shape_cast %get3A_322 : vector<1x16xf32> to vector<16xf32>
        %add3A_324 = arith.addf %add3A_318, %get3A_323 : vector<16xf32>
        %get3A_325 = arith.constant 58 : i32
        %get3A_326 = arith.index_cast %get3A_325 : i32 to index
        %get3A_327 = arith.index_cast %add3A_283 : i32 to index
        %get3A_328 = tpu.vector_load %arg7[%get3A_326, %get3A_327] {strides = array<i32>} : memref<64x1024xf32, #tpu.memory_space<vmem>>, vector<1x16xf32>,
        %get3A_329 = vector.shape_cast %get3A_328 : vector<1x16xf32> to vector<16xf32>
        %add3A_330 = arith.addf %add3A_324, %get3A_329 : vector<16xf32>
        %swap3A_331 = arith.constant 2 : i32
        %swap3A_332 = arith.index_cast %swap3A_331 : i32 to index
        %swap3A_333 = arith.index_cast %add3A_283 : i32 to index
        %swap3A_334 = tpu.vector_load %arg8[%swap3A_332, %swap3A_333] {strides = array<i32>} : memref<8x1024xf32, #tpu.memory_space<vmem>>, vector<1x16xf32>,
        %swap3A_335 = vector.shape_cast %swap3A_334 : vector<1x16xf32> to vector<16xf32>
        %swap3A_336 = vector.shape_cast %add3A_330 : vector<16xf32> to vector<1x16xf32>
        tpu.vector_store %arg8[%swap3A_332, %swap3A_333], %swap3A_336 {add = true, strides = array<i32>} : memref<8x1024xf32, #tpu.memory_space<vmem>>, vector<1x16xf32>,
        %add3A_337 = arith.constant 32 : i32
        %add3A_338 = arith.addi %mul3A_228, %add3A_337 : i32
        %get3A_339 = arith.constant 2 : i32
        %get3A_340 = arith.index_cast %get3A_339 : i32 to index
        %get3A_341 = arith.index_cast %add3A_338 : i32 to index
        %get3A_342 = tpu.vector_load %arg7[%get3A_340, %get3A_341] {strides = array<i32>} : memref<64x1024xf32, #tpu.memory_space<vmem>>, vector<1x16xf32>,
        %get3A_343 = vector.shape_cast %get3A_342 : vector<1x16xf32> to vector<16xf32>
        %get3A_344 = arith.constant 10 : i32
        %get3A_345 = arith.index_cast %get3A_344 : i32 to index
        %get3A_346 = arith.index_cast %add3A_338 : i32 to index
        %get3A_347 = tpu.vector_load %arg7[%get3A_345, %get3A_346] {strides = array<i32>} : memref<64x1024xf32, #tpu.memory_space<vmem>>, vector<1x16xf32>,
        %get3A_348 = vector.shape_cast %get3A_347 : vector<1x16xf32> to vector<16xf32>
        %add3A_349 = arith.addf %get3A_343, %get3A_348 : vector<16xf32>
        %get3A_350 = arith.constant 18 : i32
        %get3A_351 = arith.index_cast %get3A_350 : i32 to index
        %get3A_352 = arith.index_cast %add3A_338 : i32 to index
        %get3A_353 = tpu.vector_load %arg7[%get3A_351, %get3A_352] {strides = array<i32>} : memref<64x1024xf32, #tpu.memory_space<vmem>>, vector<1x16xf32>,
        %get3A_354 = vector.shape_cast %get3A_353 : vector<1x16xf32> to vector<16xf32>
        %add3A_355 = arith.addf %add3A_349, %get3A_354 : vector<16xf32>
        %get3A_356 = arith.constant 26 : i32
        %get3A_357 = arith.index_cast %get3A_356 : i32 to index
        %get3A_358 = arith.index_cast %add3A_338 : i32 to index
        %get3A_359 = tpu.vector_load %arg7[%get3A_357, %get3A_358] {strides = array<i32>} : memref<64x1024xf32, #tpu.memory_space<vmem>>, vector<1x16xf32>,
        %get3A_360 = vector.shape_cast %get3A_359 : vector<1x16xf32> to vector<16xf32>
        %add3A_361 = arith.addf %add3A_355, %get3A_360 : vector<16xf32>
        %get3A_362 = arith.constant 34 : i32
        %get3A_363 = arith.index_cast %get3A_362 : i32 to index
        %get3A_364 = arith.index_cast %add3A_338 : i32 to index
        %get3A_365 = tpu.vector_load %arg7[%get3A_363, %get3A_364] {strides = array<i32>} : memref<64x1024xf32, #tpu.memory_space<vmem>>, vector<1x16xf32>,
        %get3A_366 = vector.shape_cast %get3A_365 : vector<1x16xf32> to vector<16xf32>
        %add3A_367 = arith.addf %add3A_361, %get3A_366 : vector<16xf32>
        %get3A_368 = arith.constant 42 : i32
        %get3A_369 = arith.index_cast %get3A_368 : i32 to index
        %get3A_370 = arith.index_cast %add3A_338 : i32 to index
        %get3A_371 = tpu.vector_load %arg7[%get3A_369, %get3A_370] {strides = array<i32>} : memref<64x1024xf32, #tpu.memory_space<vmem>>, vector<1x16xf32>,
        %get3A_372 = vector.shape_cast %get3A_371 : vector<1x16xf32> to vector<16xf32>
        %add3A_373 = arith.addf %add3A_367, %get3A_372 : vector<16xf32>
        %get3A_374 = arith.constant 50 : i32
        %get3A_375 = arith.index_cast %get3A_374 : i32 to index
        %get3A_376 = arith.index_cast %add3A_338 : i32 to index
        %get3A_377 = tpu.vector_load %arg7[%get3A_375, %get3A_376] {strides = array<i32>} : memref<64x1024xf32, #tpu.memory_space<vmem>>, vector<1x16xf32>,
        %get3A_378 = vector.shape_cast %get3A_377 : vector<1x16xf32> to vector<16xf32>
        %add3A_379 = arith.addf %add3A_373, %get3A_378 : vector<16xf32>
        %get3A_380 = arith.constant 58 : i32
        %get3A_381 = arith.index_cast %get3A_380 : i32 to index
        %get3A_382 = arith.index_cast %add3A_338 : i32 to index
        %get3A_383 = tpu.vector_load %arg7[%get3A_381, %get3A_382] {strides = array<i32>} : memref<64x1024xf32, #tpu.memory_space<vmem>>, vector<1x16xf32>,
        %get3A_384 = vector.shape_cast %get3A_383 : vector<1x16xf32> to vector<16xf32>
        %add3A_385 = arith.addf %add3A_379, %get3A_384 : vector<16xf32>
        %swap3A_386 = arith.constant 2 : i32
        %swap3A_387 = arith.index_cast %swap3A_386 : i32 to index
        %swap3A_388 = arith.index_cast %add3A_338 : i32 to index
        %swap3A_389 = tpu.vector_load %arg8[%swap3A_387, %swap3A_388] {strides = array<i32>} : memref<8x1024xf32, #tpu.memory_space<vmem>>, vector<1x16xf32>,
        %swap3A_390 = vector.shape_cast %swap3A_389 : vector<1x16xf32> to vector<16xf32>
        %swap3A_391 = vector.shape_cast %add3A_385 : vector<16xf32> to vector<1x16xf32>
        tpu.vector_store %arg8[%swap3A_387, %swap3A_388], %swap3A_391 {add = true, strides = array<i32>} : memref<8x1024xf32, #tpu.memory_space<vmem>>, vector<1x16xf32>,
        %add3A_392 = arith.constant 48 : i32
        %add3A_393 = arith.addi %mul3A_228, %add3A_392 : i32
        %get3A_394 = arith.constant 2 : i32
        %get3A_395 = arith.index_cast %get3A_394 : i32 to index
        %get3A_396 = arith.index_cast %add3A_393 : i32 to index
        %get3A_397 = tpu.vector_load %arg7[%get3A_395, %get3A_396] {strides = array<i32>} : memref<64x1024xf32, #tpu.memory_space<vmem>>, vector<1x16xf32>,
        %get3A_398 = vector.shape_cast %get3A_397 : vector<1x16xf32> to vector<16xf32>
        %get3A_399 = arith.constant 10 : i32
        %get3A_400 = arith.index_cast %get3A_399 : i32 to index
        %get3A_401 = arith.index_cast %add3A_393 : i32 to index
        %get3A_402 = tpu.vector_load %arg7[%get3A_400, %get3A_401] {strides = array<i32>} : memref<64x1024xf32, #tpu.memory_space<vmem>>, vector<1x16xf32>,
        %get3A_403 = vector.shape_cast %get3A_402 : vector<1x16xf32> to vector<16xf32>
        %add3A_404 = arith.addf %get3A_398, %get3A_403 : vector<16xf32>
        %get3A_405 = arith.constant 18 : i32
        %get3A_406 = arith.index_cast %get3A_405 : i32 to index
        %get3A_407 = arith.index_cast %add3A_393 : i32 to index
        %get3A_408 = tpu.vector_load %arg7[%get3A_406, %get3A_407] {strides = array<i32>} : memref<64x1024xf32, #tpu.memory_space<vmem>>, vector<1x16xf32>,
        %get3A_409 = vector.shape_cast %get3A_408 : vector<1x16xf32> to vector<16xf32>
        %add3A_410 = arith.addf %add3A_404, %get3A_409 : vector<16xf32>
        %get3A_411 = arith.constant 26 : i32
        %get3A_412 = arith.index_cast %get3A_411 : i32 to index
        %get3A_413 = arith.index_cast %add3A_393 : i32 to index
        %get3A_414 = tpu.vector_load %arg7[%get3A_412, %get3A_413] {strides = array<i32>} : memref<64x1024xf32, #tpu.memory_space<vmem>>, vector<1x16xf32>,
        %get3A_415 = vector.shape_cast %get3A_414 : vector<1x16xf32> to vector<16xf32>
        %add3A_416 = arith.addf %add3A_410, %get3A_415 : vector<16xf32>
        %get3A_417 = arith.constant 34 : i32
        %get3A_418 = arith.index_cast %get3A_417 : i32 to index
        %get3A_419 = arith.index_cast %add3A_393 : i32 to index
        %get3A_420 = tpu.vector_load %arg7[%get3A_418, %get3A_419] {strides = array<i32>} : memref<64x1024xf32, #tpu.memory_space<vmem>>, vector<1x16xf32>,
        %get3A_421 = vector.shape_cast %get3A_420 : vector<1x16xf32> to vector<16xf32>
        %add3A_422 = arith.addf %add3A_416, %get3A_421 : vector<16xf32>
        %get3A_423 = arith.constant 42 : i32
        %get3A_424 = arith.index_cast %get3A_423 : i32 to index
        %get3A_425 = arith.index_cast %add3A_393 : i32 to index
        %get3A_426 = tpu.vector_load %arg7[%get3A_424, %get3A_425] {strides = array<i32>} : memref<64x1024xf32, #tpu.memory_space<vmem>>, vector<1x16xf32>,
        %get3A_427 = vector.shape_cast %get3A_426 : vector<1x16xf32> to vector<16xf32>
        %add3A_428 = arith.addf %add3A_422, %get3A_427 : vector<16xf32>
        %get3A_429 = arith.constant 50 : i32
        %get3A_430 = arith.index_cast %get3A_429 : i32 to index
        %get3A_431 = arith.index_cast %add3A_393 : i32 to index
        %get3A_432 = tpu.vector_load %arg7[%get3A_430, %get3A_431] {strides = array<i32>} : memref<64x1024xf32, #tpu.memory_space<vmem>>, vector<1x16xf32>,
        %get3A_433 = vector.shape_cast %get3A_432 : vector<1x16xf32> to vector<16xf32>
        %add3A_434 = arith.addf %add3A_428, %get3A_433 : vector<16xf32>
        %get3A_435 = arith.constant 58 : i32
        %get3A_436 = arith.index_cast %get3A_435 : i32 to index
        %get3A_437 = arith.index_cast %add3A_393 : i32 to index
        %get3A_438 = tpu.vector_load %arg7[%get3A_436, %get3A_437] {strides = array<i32>} : memref<64x1024xf32, #tpu.memory_space<vmem>>, vector<1x16xf32>,
        %get3A_439 = vector.shape_cast %get3A_438 : vector<1x16xf32> to vector<16xf32>
        %add3A_440 = arith.addf %add3A_434, %get3A_439 : vector<16xf32>
        %swap3A_441 = arith.constant 2 : i32
        %swap3A_442 = arith.index_cast %swap3A_441 : i32 to index
        %swap3A_443 = arith.index_cast %add3A_393 : i32 to index
        %swap3A_444 = tpu.vector_load %arg8[%swap3A_442, %swap3A_443] {strides = array<i32>} : memref<8x1024xf32, #tpu.memory_space<vmem>>, vector<1x16xf32>,
        %swap3A_445 = vector.shape_cast %swap3A_444 : vector<1x16xf32> to vector<16xf32>
        %swap3A_446 = vector.shape_cast %add3A_440 : vector<16xf32> to vector<1x16xf32>
        tpu.vector_store %arg8[%swap3A_442, %swap3A_443], %swap3A_446 {add = true, strides = array<i32>} : memref<8x1024xf32, #tpu.memory_space<vmem>>, vector<1x16xf32>,
      }
      %scan3A_195 = arith.constant 16 : i32
      %scan3A_196 = arith.constant 0 : i32
      %scan3A_197 = arith.constant 0 : i32
      %scan3A_198 = arith.constant 16 : i32
      %scan3A_199 = arith.addi %scan3A_197, %scan3A_198 : i32
      %scan3A_200 = arith.constant 1 : i32
      scf.for %scan3A_226 = %scan3A_197 to %scan3A_199 step %scan3A_200  : i32 {
        %mul3A_227 = arith.constant 64 : i32
        %mul3A_228 = arith.muli %scan3A_226, %mul3A_227 : i32
        %add3A_229 = arith.constant 0 : i32
        %add3A_230 = arith.addi %mul3A_228, %add3A_229 : i32
        %get3A = arith.constant 3 : i32
        %get3A_231 = arith.index_cast %get3A : i32 to index
        %get3A_232 = arith.index_cast %add3A_230 : i32 to index
        %get3A_233 = tpu.vector_load %arg7[%get3A_231, %get3A_232] {strides = array<i32>} : memref<64x1024xf32, #tpu.memory_space<vmem>>, vector<1x16xf32>,
        %get3A_234 = vector.shape_cast %get3A_233 : vector<1x16xf32> to vector<16xf32>
        %get3A_235 = arith.constant 11 : i32
        %get3A_236 = arith.index_cast %get3A_235 : i32 to index
        %get3A_237 = arith.index_cast %add3A_230 : i32 to index
        %get3A_238 = tpu.vector_load %arg7[%get3A_236, %get3A_237] {strides = array<i32>} : memref<64x1024xf32, #tpu.memory_space<vmem>>, vector<1x16xf32>,
        %get3A_239 = vector.shape_cast %get3A_238 : vector<1x16xf32> to vector<16xf32>
        %add3A_240 = arith.addf %get3A_234, %get3A_239 : vector<16xf32>
        %get3A_241 = arith.constant 19 : i32
        %get3A_242 = arith.index_cast %get3A_241 : i32 to index
        %get3A_243 = arith.index_cast %add3A_230 : i32 to index
        %get3A_244 = tpu.vector_load %arg7[%get3A_242, %get3A_243] {strides = array<i32>} : memref<64x1024xf32, #tpu.memory_space<vmem>>, vector<1x16xf32>,
        %get3A_245 = vector.shape_cast %get3A_244 : vector<1x16xf32> to vector<16xf32>
        %add3A_246 = arith.addf %add3A_240, %get3A_245 : vector<16xf32>
        %get3A_247 = arith.constant 27 : i32
        %get3A_248 = arith.index_cast %get3A_247 : i32 to index
        %get3A_249 = arith.index_cast %add3A_230 : i32 to index
        %get3A_250 = tpu.vector_load %arg7[%get3A_248, %get3A_249] {strides = array<i32>} : memref<64x1024xf32, #tpu.memory_space<vmem>>, vector<1x16xf32>,
        %get3A_251 = vector.shape_cast %get3A_250 : vector<1x16xf32> to vector<16xf32>
        %add3A_252 = arith.addf %add3A_246, %get3A_251 : vector<16xf32>
        %get3A_253 = arith.constant 35 : i32
        %get3A_254 = arith.index_cast %get3A_253 : i32 to index
        %get3A_255 = arith.index_cast %add3A_230 : i32 to index
        %get3A_256 = tpu.vector_load %arg7[%get3A_254, %get3A_255] {strides = array<i32>} : memref<64x1024xf32, #tpu.memory_space<vmem>>, vector<1x16xf32>,
        %get3A_257 = vector.shape_cast %get3A_256 : vector<1x16xf32> to vector<16xf32>
        %add3A_258 = arith.addf %add3A_252, %get3A_257 : vector<16xf32>
        %get3A_259 = arith.constant 43 : i32
        %get3A_260 = arith.index_cast %get3A_259 : i32 to index
        %get3A_261 = arith.index_cast %add3A_230 : i32 to index
        %get3A_262 = tpu.vector_load %arg7[%get3A_260, %get3A_261] {strides = array<i32>} : memref<64x1024xf32, #tpu.memory_space<vmem>>, vector<1x16xf32>,
        %get3A_263 = vector.shape_cast %get3A_262 : vector<1x16xf32> to vector<16xf32>
        %add3A_264 = arith.addf %add3A_258, %get3A_263 : vector<16xf32>
        %get3A_265 = arith.constant 51 : i32
        %get3A_266 = arith.index_cast %get3A_265 : i32 to index
        %get3A_267 = arith.index_cast %add3A_230 : i32 to index
        %get3A_268 = tpu.vector_load %arg7[%get3A_266, %get3A_267] {strides = array<i32>} : memref<64x1024xf32, #tpu.memory_space<vmem>>, vector<1x16xf32>,
        %get3A_269 = vector.shape_cast %get3A_268 : vector<1x16xf32> to vector<16xf32>
        %add3A_270 = arith.addf %add3A_264, %get3A_269 : vector<16xf32>
        %get3A_271 = arith.constant 59 : i32
        %get3A_272 = arith.index_cast %get3A_271 : i32 to index
        %get3A_273 = arith.index_cast %add3A_230 : i32 to index
        %get3A_274 = tpu.vector_load %arg7[%get3A_272, %get3A_273] {strides = array<i32>} : memref<64x1024xf32, #tpu.memory_space<vmem>>, vector<1x16xf32>,
        %get3A_275 = vector.shape_cast %get3A_274 : vector<1x16xf32> to vector<16xf32>
        %add3A_276 = arith.addf %add3A_270, %get3A_275 : vector<16xf32>
        %swap3A = arith.constant 3 : i32
        %swap3A_277 = arith.index_cast %swap3A : i32 to index
        %swap3A_278 = arith.index_cast %add3A_230 : i32 to index
        %swap3A_279 = tpu.vector_load %arg8[%swap3A_277, %swap3A_278] {strides = array<i32>} : memref<8x1024xf32, #tpu.memory_space<vmem>>, vector<1x16xf32>,
        %swap3A_280 = vector.shape_cast %swap3A_279 : vector<1x16xf32> to vector<16xf32>
        %swap3A_281 = vector.shape_cast %add3A_276 : vector<16xf32> to vector<1x16xf32>
        tpu.vector_store %arg8[%swap3A_277, %swap3A_278], %swap3A_281 {add = true, strides = array<i32>} : memref<8x1024xf32, #tpu.memory_space<vmem>>, vector<1x16xf32>,
        %add3A_282 = arith.constant 16 : i32
        %add3A_283 = arith.addi %mul3A_228, %add3A_282 : i32
        %get3A_284 = arith.constant 3 : i32
        %get3A_285 = arith.index_cast %get3A_284 : i32 to index
        %get3A_286 = arith.index_cast %add3A_283 : i32 to index
        %get3A_287 = tpu.vector_load %arg7[%get3A_285, %get3A_286] {strides = array<i32>} : memref<64x1024xf32, #tpu.memory_space<vmem>>, vector<1x16xf32>,
        %get3A_288 = vector.shape_cast %get3A_287 : vector<1x16xf32> to vector<16xf32>
        %get3A_289 = arith.constant 11 : i32
        %get3A_290 = arith.index_cast %get3A_289 : i32 to index
        %get3A_291 = arith.index_cast %add3A_283 : i32 to index
        %get3A_292 = tpu.vector_load %arg7[%get3A_290, %get3A_291] {strides = array<i32>} : memref<64x1024xf32, #tpu.memory_space<vmem>>, vector<1x16xf32>,
        %get3A_293 = vector.shape_cast %get3A_292 : vector<1x16xf32> to vector<16xf32>
        %add3A_294 = arith.addf %get3A_288, %get3A_293 : vector<16xf32>
        %get3A_295 = arith.constant 19 : i32
        %get3A_296 = arith.index_cast %get3A_295 : i32 to index
        %get3A_297 = arith.index_cast %add3A_283 : i32 to index
        %get3A_298 = tpu.vector_load %arg7[%get3A_296, %get3A_297] {strides = array<i32>} : memref<64x1024xf32, #tpu.memory_space<vmem>>, vector<1x16xf32>,
        %get3A_299 = vector.shape_cast %get3A_298 : vector<1x16xf32> to vector<16xf32>
        %add3A_300 = arith.addf %add3A_294, %get3A_299 : vector<16xf32>
        %get3A_301 = arith.constant 27 : i32
        %get3A_302 = arith.index_cast %get3A_301 : i32 to index
        %get3A_303 = arith.index_cast %add3A_283 : i32 to index
        %get3A_304 = tpu.vector_load %arg7[%get3A_302, %get3A_303] {strides = array<i32>} : memref<64x1024xf32, #tpu.memory_space<vmem>>, vector<1x16xf32>,
        %get3A_305 = vector.shape_cast %get3A_304 : vector<1x16xf32> to vector<16xf32>
        %add3A_306 = arith.addf %add3A_300, %get3A_305 : vector<16xf32>
        %get3A_307 = arith.constant 35 : i32
        %get3A_308 = arith.index_cast %get3A_307 : i32 to index
        %get3A_309 = arith.index_cast %add3A_283 : i32 to index
        %get3A_310 = tpu.vector_load %arg7[%get3A_308, %get3A_309] {strides = array<i32>} : memref<64x1024xf32, #tpu.memory_space<vmem>>, vector<1x16xf32>,
        %get3A_311 = vector.shape_cast %get3A_310 : vector<1x16xf32> to vector<16xf32>
        %add3A_312 = arith.addf %add3A_306, %get3A_311 : vector<16xf32>
        %get3A_313 = arith.constant 43 : i32
        %get3A_314 = arith.index_cast %get3A_313 : i32 to index
        %get3A_315 = arith.index_cast %add3A_283 : i32 to index
        %get3A_316 = tpu.vector_load %arg7[%get3A_314, %get3A_315] {strides = array<i32>} : memref<64x1024xf32, #tpu.memory_space<vmem>>, vector<1x16xf32>,
        %get3A_317 = vector.shape_cast %get3A_316 : vector<1x16xf32> to vector<16xf32>
        %add3A_318 = arith.addf %add3A_312, %get3A_317 : vector<16xf32>
        %get3A_319 = arith.constant 51 : i32
        %get3A_320 = arith.index_cast %get3A_319 : i32 to index
        %get3A_321 = arith.index_cast %add3A_283 : i32 to index
        %get3A_322 = tpu.vector_load %arg7[%get3A_320, %get3A_321] {strides = array<i32>} : memref<64x1024xf32, #tpu.memory_space<vmem>>, vector<1x16xf32>,
        %get3A_323 = vector.shape_cast %get3A_322 : vector<1x16xf32> to vector<16xf32>
        %add3A_324 = arith.addf %add3A_318, %get3A_323 : vector<16xf32>
        %get3A_325 = arith.constant 59 : i32
        %get3A_326 = arith.index_cast %get3A_325 : i32 to index
        %get3A_327 = arith.index_cast %add3A_283 : i32 to index
        %get3A_328 = tpu.vector_load %arg7[%get3A_326, %get3A_327] {strides = array<i32>} : memref<64x1024xf32, #tpu.memory_space<vmem>>, vector<1x16xf32>,
        %get3A_329 = vector.shape_cast %get3A_328 : vector<1x16xf32> to vector<16xf32>
        %add3A_330 = arith.addf %add3A_324, %get3A_329 : vector<16xf32>
        %swap3A_331 = arith.constant 3 : i32
        %swap3A_332 = arith.index_cast %swap3A_331 : i32 to index
        %swap3A_333 = arith.index_cast %add3A_283 : i32 to index
        %swap3A_334 = tpu.vector_load %arg8[%swap3A_332, %swap3A_333] {strides = array<i32>} : memref<8x1024xf32, #tpu.memory_space<vmem>>, vector<1x16xf32>,
        %swap3A_335 = vector.shape_cast %swap3A_334 : vector<1x16xf32> to vector<16xf32>
        %swap3A_336 = vector.shape_cast %add3A_330 : vector<16xf32> to vector<1x16xf32>
        tpu.vector_store %arg8[%swap3A_332, %swap3A_333], %swap3A_336 {add = true, strides = array<i32>} : memref<8x1024xf32, #tpu.memory_space<vmem>>, vector<1x16xf32>,
        %add3A_337 = arith.constant 32 : i32
        %add3A_338 = arith.addi %mul3A_228, %add3A_337 : i32
        %get3A_339 = arith.constant 3 : i32
        %get3A_340 = arith.index_cast %get3A_339 : i32 to index
        %get3A_341 = arith.index_cast %add3A_338 : i32 to index
        %get3A_342 = tpu.vector_load %arg7[%get3A_340, %get3A_341] {strides = array<i32>} : memref<64x1024xf32, #tpu.memory_space<vmem>>, vector<1x16xf32>,
        %get3A_343 = vector.shape_cast %get3A_342 : vector<1x16xf32> to vector<16xf32>
        %get3A_344 = arith.constant 11 : i32
        %get3A_345 = arith.index_cast %get3A_344 : i32 to index
        %get3A_346 = arith.index_cast %add3A_338 : i32 to index
        %get3A_347 = tpu.vector_load %arg7[%get3A_345, %get3A_346] {strides = array<i32>} : memref<64x1024xf32, #tpu.memory_space<vmem>>, vector<1x16xf32>,
        %get3A_348 = vector.shape_cast %get3A_347 : vector<1x16xf32> to vector<16xf32>
        %add3A_349 = arith.addf %get3A_343, %get3A_348 : vector<16xf32>
        %get3A_350 = arith.constant 19 : i32
        %get3A_351 = arith.index_cast %get3A_350 : i32 to index
        %get3A_352 = arith.index_cast %add3A_338 : i32 to index
        %get3A_353 = tpu.vector_load %arg7[%get3A_351, %get3A_352] {strides = array<i32>} : memref<64x1024xf32, #tpu.memory_space<vmem>>, vector<1x16xf32>,
        %get3A_354 = vector.shape_cast %get3A_353 : vector<1x16xf32> to vector<16xf32>
        %add3A_355 = arith.addf %add3A_349, %get3A_354 : vector<16xf32>
        %get3A_356 = arith.constant 27 : i32
        %get3A_357 = arith.index_cast %get3A_356 : i32 to index
        %get3A_358 = arith.index_cast %add3A_338 : i32 to index
        %get3A_359 = tpu.vector_load %arg7[%get3A_357, %get3A_358] {strides = array<i32>} : memref<64x1024xf32, #tpu.memory_space<vmem>>, vector<1x16xf32>,
        %get3A_360 = vector.shape_cast %get3A_359 : vector<1x16xf32> to vector<16xf32>
        %add3A_361 = arith.addf %add3A_355, %get3A_360 : vector<16xf32>
        %get3A_362 = arith.constant 35 : i32
        %get3A_363 = arith.index_cast %get3A_362 : i32 to index
        %get3A_364 = arith.index_cast %add3A_338 : i32 to index
        %get3A_365 = tpu.vector_load %arg7[%get3A_363, %get3A_364] {strides = array<i32>} : memref<64x1024xf32, #tpu.memory_space<vmem>>, vector<1x16xf32>,
        %get3A_366 = vector.shape_cast %get3A_365 : vector<1x16xf32> to vector<16xf32>
        %add3A_367 = arith.addf %add3A_361, %get3A_366 : vector<16xf32>
        %get3A_368 = arith.constant 43 : i32
        %get3A_369 = arith.index_cast %get3A_368 : i32 to index
        %get3A_370 = arith.index_cast %add3A_338 : i32 to index
        %get3A_371 = tpu.vector_load %arg7[%get3A_369, %get3A_370] {strides = array<i32>} : memref<64x1024xf32, #tpu.memory_space<vmem>>, vector<1x16xf32>,
        %get3A_372 = vector.shape_cast %get3A_371 : vector<1x16xf32> to vector<16xf32>
        %add3A_373 = arith.addf %add3A_367, %get3A_372 : vector<16xf32>
        %get3A_374 = arith.constant 51 : i32
        %get3A_375 = arith.index_cast %get3A_374 : i32 to index
        %get3A_376 = arith.index_cast %add3A_338 : i32 to index
        %get3A_377 = tpu.vector_load %arg7[%get3A_375, %get3A_376] {strides = array<i32>} : memref<64x1024xf32, #tpu.memory_space<vmem>>, vector<1x16xf32>,
        %get3A_378 = vector.shape_cast %get3A_377 : vector<1x16xf32> to vector<16xf32>
        %add3A_379 = arith.addf %add3A_373, %get3A_378 : vector<16xf32>
        %get3A_380 = arith.constant 59 : i32
        %get3A_381 = arith.index_cast %get3A_380 : i32 to index
        %get3A_382 = arith.index_cast %add3A_338 : i32 to index
        %get3A_383 = tpu.vector_load %arg7[%get3A_381, %get3A_382] {strides = array<i32>} : memref<64x1024xf32, #tpu.memory_space<vmem>>, vector<1x16xf32>,
        %get3A_384 = vector.shape_cast %get3A_383 : vector<1x16xf32> to vector<16xf32>
        %add3A_385 = arith.addf %add3A_379, %get3A_384 : vector<16xf32>
        %swap3A_386 = arith.constant 3 : i32
        %swap3A_387 = arith.index_cast %swap3A_386 : i32 to index
        %swap3A_388 = arith.index_cast %add3A_338 : i32 to index
        %swap3A_389 = tpu.vector_load %arg8[%swap3A_387, %swap3A_388] {strides = array<i32>} : memref<8x1024xf32, #tpu.memory_space<vmem>>, vector<1x16xf32>,
        %swap3A_390 = vector.shape_cast %swap3A_389 : vector<1x16xf32> to vector<16xf32>
        %swap3A_391 = vector.shape_cast %add3A_385 : vector<16xf32> to vector<1x16xf32>
        tpu.vector_store %arg8[%swap3A_387, %swap3A_388], %swap3A_391 {add = true, strides = array<i32>} : memref<8x1024xf32, #tpu.memory_space<vmem>>, vector<1x16xf32>,
        %add3A_392 = arith.constant 48 : i32
        %add3A_393 = arith.addi %mul3A_228, %add3A_392 : i32
        %get3A_394 = arith.constant 3 : i32
        %get3A_395 = arith.index_cast %get3A_394 : i32 to index
        %get3A_396 = arith.index_cast %add3A_393 : i32 to index
        %get3A_397 = tpu.vector_load %arg7[%get3A_395, %get3A_396] {strides = array<i32>} : memref<64x1024xf32, #tpu.memory_space<vmem>>, vector<1x16xf32>,
        %get3A_398 = vector.shape_cast %get3A_397 : vector<1x16xf32> to vector<16xf32>
        %get3A_399 = arith.constant 11 : i32
        %get3A_400 = arith.index_cast %get3A_399 : i32 to index
        %get3A_401 = arith.index_cast %add3A_393 : i32 to index
        %get3A_402 = tpu.vector_load %arg7[%get3A_400, %get3A_401] {strides = array<i32>} : memref<64x1024xf32, #tpu.memory_space<vmem>>, vector<1x16xf32>,
        %get3A_403 = vector.shape_cast %get3A_402 : vector<1x16xf32> to vector<16xf32>
        %add3A_404 = arith.addf %get3A_398, %get3A_403 : vector<16xf32>
        %get3A_405 = arith.constant 19 : i32
        %get3A_406 = arith.index_cast %get3A_405 : i32 to index
        %get3A_407 = arith.index_cast %add3A_393 : i32 to index
        %get3A_408 = tpu.vector_load %arg7[%get3A_406, %get3A_407] {strides = array<i32>} : memref<64x1024xf32, #tpu.memory_space<vmem>>, vector<1x16xf32>,
        %get3A_409 = vector.shape_cast %get3A_408 : vector<1x16xf32> to vector<16xf32>
        %add3A_410 = arith.addf %add3A_404, %get3A_409 : vector<16xf32>
        %get3A_411 = arith.constant 27 : i32
        %get3A_412 = arith.index_cast %get3A_411 : i32 to index
        %get3A_413 = arith.index_cast %add3A_393 : i32 to index
        %get3A_414 = tpu.vector_load %arg7[%get3A_412, %get3A_413] {strides = array<i32>} : memref<64x1024xf32, #tpu.memory_space<vmem>>, vector<1x16xf32>,
        %get3A_415 = vector.shape_cast %get3A_414 : vector<1x16xf32> to vector<16xf32>
        %add3A_416 = arith.addf %add3A_410, %get3A_415 : vector<16xf32>
        %get3A_417 = arith.constant 35 : i32
        %get3A_418 = arith.index_cast %get3A_417 : i32 to index
        %get3A_419 = arith.index_cast %add3A_393 : i32 to index
        %get3A_420 = tpu.vector_load %arg7[%get3A_418, %get3A_419] {strides = array<i32>} : memref<64x1024xf32, #tpu.memory_space<vmem>>, vector<1x16xf32>,
        %get3A_421 = vector.shape_cast %get3A_420 : vector<1x16xf32> to vector<16xf32>
        %add3A_422 = arith.addf %add3A_416, %get3A_421 : vector<16xf32>
        %get3A_423 = arith.constant 43 : i32
        %get3A_424 = arith.index_cast %get3A_423 : i32 to index
        %get3A_425 = arith.index_cast %add3A_393 : i32 to index
        %get3A_426 = tpu.vector_load %arg7[%get3A_424, %get3A_425] {strides = array<i32>} : memref<64x1024xf32, #tpu.memory_space<vmem>>, vector<1x16xf32>,
        %get3A_427 = vector.shape_cast %get3A_426 : vector<1x16xf32> to vector<16xf32>
        %add3A_428 = arith.addf %add3A_422, %get3A_427 : vector<16xf32>
        %get3A_429 = arith.constant 51 : i32
        %get3A_430 = arith.index_cast %get3A_429 : i32 to index
        %get3A_431 = arith.index_cast %add3A_393 : i32 to index
        %get3A_432 = tpu.vector_load %arg7[%get3A_430, %get3A_431] {strides = array<i32>} : memref<64x1024xf32, #tpu.memory_space<vmem>>, vector<1x16xf32>,
        %get3A_433 = vector.shape_cast %get3A_432 : vector<1x16xf32> to vector<16xf32>
        %add3A_434 = arith.addf %add3A_428, %get3A_433 : vector<16xf32>
        %get3A_435 = arith.constant 59 : i32
        %get3A_436 = arith.index_cast %get3A_435 : i32 to index
        %get3A_437 = arith.index_cast %add3A_393 : i32 to index
        %get3A_438 = tpu.vector_load %arg7[%get3A_436, %get3A_437] {strides = array<i32>} : memref<64x1024xf32, #tpu.memory_space<vmem>>, vector<1x16xf32>,
        %get3A_439 = vector.shape_cast %get3A_438 : vector<1x16xf32> to vector<16xf32>
        %add3A_440 = arith.addf %add3A_434, %get3A_439 : vector<16xf32>
        %swap3A_441 = arith.constant 3 : i32
        %swap3A_442 = arith.index_cast %swap3A_441 : i32 to index
        %swap3A_443 = arith.index_cast %add3A_393 : i32 to index
        %swap3A_444 = tpu.vector_load %arg8[%swap3A_442, %swap3A_443] {strides = array<i32>} : memref<8x1024xf32, #tpu.memory_space<vmem>>, vector<1x16xf32>,
        %swap3A_445 = vector.shape_cast %swap3A_444 : vector<1x16xf32> to vector<16xf32>
        %swap3A_446 = vector.shape_cast %add3A_440 : vector<16xf32> to vector<1x16xf32>
        tpu.vector_store %arg8[%swap3A_442, %swap3A_443], %swap3A_446 {add = true, strides = array<i32>} : memref<8x1024xf32, #tpu.memory_space<vmem>>, vector<1x16xf32>,
      }
      %scan3A_201 = arith.constant 16 : i32
      %scan3A_202 = arith.constant 0 : i32
      %scan3A_203 = arith.constant 0 : i32
      %scan3A_204 = arith.constant 16 : i32
      %scan3A_205 = arith.addi %scan3A_203, %scan3A_204 : i32
      %scan3A_206 = arith.constant 1 : i32
      scf.for %scan3A_226 = %scan3A_203 to %scan3A_205 step %scan3A_206  : i32 {
        %mul3A_227 = arith.constant 64 : i32
        %mul3A_228 = arith.muli %scan3A_226, %mul3A_227 : i32
        %add3A_229 = arith.constant 0 : i32
        %add3A_230 = arith.addi %mul3A_228, %add3A_229 : i32
        %get3A = arith.constant 4 : i32
        %get3A_231 = arith.index_cast %get3A : i32 to index
        %get3A_232 = arith.index_cast %add3A_230 : i32 to index
        %get3A_233 = tpu.vector_load %arg7[%get3A_231, %get3A_232] {strides = array<i32>} : memref<64x1024xf32, #tpu.memory_space<vmem>>, vector<1x16xf32>,
        %get3A_234 = vector.shape_cast %get3A_233 : vector<1x16xf32> to vector<16xf32>
        %get3A_235 = arith.constant 12 : i32
        %get3A_236 = arith.index_cast %get3A_235 : i32 to index
        %get3A_237 = arith.index_cast %add3A_230 : i32 to index
        %get3A_238 = tpu.vector_load %arg7[%get3A_236, %get3A_237] {strides = array<i32>} : memref<64x1024xf32, #tpu.memory_space<vmem>>, vector<1x16xf32>,
        %get3A_239 = vector.shape_cast %get3A_238 : vector<1x16xf32> to vector<16xf32>
        %add3A_240 = arith.addf %get3A_234, %get3A_239 : vector<16xf32>
        %get3A_241 = arith.constant 20 : i32
        %get3A_242 = arith.index_cast %get3A_241 : i32 to index
        %get3A_243 = arith.index_cast %add3A_230 : i32 to index
        %get3A_244 = tpu.vector_load %arg7[%get3A_242, %get3A_243] {strides = array<i32>} : memref<64x1024xf32, #tpu.memory_space<vmem>>, vector<1x16xf32>,
        %get3A_245 = vector.shape_cast %get3A_244 : vector<1x16xf32> to vector<16xf32>
        %add3A_246 = arith.addf %add3A_240, %get3A_245 : vector<16xf32>
        %get3A_247 = arith.constant 28 : i32
        %get3A_248 = arith.index_cast %get3A_247 : i32 to index
        %get3A_249 = arith.index_cast %add3A_230 : i32 to index
        %get3A_250 = tpu.vector_load %arg7[%get3A_248, %get3A_249] {strides = array<i32>} : memref<64x1024xf32, #tpu.memory_space<vmem>>, vector<1x16xf32>,
        %get3A_251 = vector.shape_cast %get3A_250 : vector<1x16xf32> to vector<16xf32>
        %add3A_252 = arith.addf %add3A_246, %get3A_251 : vector<16xf32>
        %get3A_253 = arith.constant 36 : i32
        %get3A_254 = arith.index_cast %get3A_253 : i32 to index
        %get3A_255 = arith.index_cast %add3A_230 : i32 to index
        %get3A_256 = tpu.vector_load %arg7[%get3A_254, %get3A_255] {strides = array<i32>} : memref<64x1024xf32, #tpu.memory_space<vmem>>, vector<1x16xf32>,
        %get3A_257 = vector.shape_cast %get3A_256 : vector<1x16xf32> to vector<16xf32>
        %add3A_258 = arith.addf %add3A_252, %get3A_257 : vector<16xf32>
        %get3A_259 = arith.constant 44 : i32
        %get3A_260 = arith.index_cast %get3A_259 : i32 to index
        %get3A_261 = arith.index_cast %add3A_230 : i32 to index
        %get3A_262 = tpu.vector_load %arg7[%get3A_260, %get3A_261] {strides = array<i32>} : memref<64x1024xf32, #tpu.memory_space<vmem>>, vector<1x16xf32>,
        %get3A_263 = vector.shape_cast %get3A_262 : vector<1x16xf32> to vector<16xf32>
        %add3A_264 = arith.addf %add3A_258, %get3A_263 : vector<16xf32>
        %get3A_265 = arith.constant 52 : i32
        %get3A_266 = arith.index_cast %get3A_265 : i32 to index
        %get3A_267 = arith.index_cast %add3A_230 : i32 to index
        %get3A_268 = tpu.vector_load %arg7[%get3A_266, %get3A_267] {strides = array<i32>} : memref<64x1024xf32, #tpu.memory_space<vmem>>, vector<1x16xf32>,
        %get3A_269 = vector.shape_cast %get3A_268 : vector<1x16xf32> to vector<16xf32>
        %add3A_270 = arith.addf %add3A_264, %get3A_269 : vector<16xf32>
        %get3A_271 = arith.constant 60 : i32
        %get3A_272 = arith.index_cast %get3A_271 : i32 to index
        %get3A_273 = arith.index_cast %add3A_230 : i32 to index
        %get3A_274 = tpu.vector_load %arg7[%get3A_272, %get3A_273] {strides = array<i32>} : memref<64x1024xf32, #tpu.memory_space<vmem>>, vector<1x16xf32>,
        %get3A_275 = vector.shape_cast %get3A_274 : vector<1x16xf32> to vector<16xf32>
        %add3A_276 = arith.addf %add3A_270, %get3A_275 : vector<16xf32>
        %swap3A = arith.constant 4 : i32
        %swap3A_277 = arith.index_cast %swap3A : i32 to index
        %swap3A_278 = arith.index_cast %add3A_230 : i32 to index
        %swap3A_279 = tpu.vector_load %arg8[%swap3A_277, %swap3A_278] {strides = array<i32>} : memref<8x1024xf32, #tpu.memory_space<vmem>>, vector<1x16xf32>,
        %swap3A_280 = vector.shape_cast %swap3A_279 : vector<1x16xf32> to vector<16xf32>
        %swap3A_281 = vector.shape_cast %add3A_276 : vector<16xf32> to vector<1x16xf32>
        tpu.vector_store %arg8[%swap3A_277, %swap3A_278], %swap3A_281 {add = true, strides = array<i32>} : memref<8x1024xf32, #tpu.memory_space<vmem>>, vector<1x16xf32>,
        %add3A_282 = arith.constant 16 : i32
        %add3A_283 = arith.addi %mul3A_228, %add3A_282 : i32
        %get3A_284 = arith.constant 4 : i32
        %get3A_285 = arith.index_cast %get3A_284 : i32 to index
        %get3A_286 = arith.index_cast %add3A_283 : i32 to index
        %get3A_287 = tpu.vector_load %arg7[%get3A_285, %get3A_286] {strides = array<i32>} : memref<64x1024xf32, #tpu.memory_space<vmem>>, vector<1x16xf32>,
        %get3A_288 = vector.shape_cast %get3A_287 : vector<1x16xf32> to vector<16xf32>
        %get3A_289 = arith.constant 12 : i32
        %get3A_290 = arith.index_cast %get3A_289 : i32 to index
        %get3A_291 = arith.index_cast %add3A_283 : i32 to index
        %get3A_292 = tpu.vector_load %arg7[%get3A_290, %get3A_291] {strides = array<i32>} : memref<64x1024xf32, #tpu.memory_space<vmem>>, vector<1x16xf32>,
        %get3A_293 = vector.shape_cast %get3A_292 : vector<1x16xf32> to vector<16xf32>
        %add3A_294 = arith.addf %get3A_288, %get3A_293 : vector<16xf32>
        %get3A_295 = arith.constant 20 : i32
        %get3A_296 = arith.index_cast %get3A_295 : i32 to index
        %get3A_297 = arith.index_cast %add3A_283 : i32 to index
        %get3A_298 = tpu.vector_load %arg7[%get3A_296, %get3A_297] {strides = array<i32>} : memref<64x1024xf32, #tpu.memory_space<vmem>>, vector<1x16xf32>,
        %get3A_299 = vector.shape_cast %get3A_298 : vector<1x16xf32> to vector<16xf32>
        %add3A_300 = arith.addf %add3A_294, %get3A_299 : vector<16xf32>
        %get3A_301 = arith.constant 28 : i32
        %get3A_302 = arith.index_cast %get3A_301 : i32 to index
        %get3A_303 = arith.index_cast %add3A_283 : i32 to index
        %get3A_304 = tpu.vector_load %arg7[%get3A_302, %get3A_303] {strides = array<i32>} : memref<64x1024xf32, #tpu.memory_space<vmem>>, vector<1x16xf32>,
        %get3A_305 = vector.shape_cast %get3A_304 : vector<1x16xf32> to vector<16xf32>
        %add3A_306 = arith.addf %add3A_300, %get3A_305 : vector<16xf32>
        %get3A_307 = arith.constant 36 : i32
        %get3A_308 = arith.index_cast %get3A_307 : i32 to index
        %get3A_309 = arith.index_cast %add3A_283 : i32 to index
        %get3A_310 = tpu.vector_load %arg7[%get3A_308, %get3A_309] {strides = array<i32>} : memref<64x1024xf32, #tpu.memory_space<vmem>>, vector<1x16xf32>,
        %get3A_311 = vector.shape_cast %get3A_310 : vector<1x16xf32> to vector<16xf32>
        %add3A_312 = arith.addf %add3A_306, %get3A_311 : vector<16xf32>
        %get3A_313 = arith.constant 44 : i32
        %get3A_314 = arith.index_cast %get3A_313 : i32 to index
        %get3A_315 = arith.index_cast %add3A_283 : i32 to index
        %get3A_316 = tpu.vector_load %arg7[%get3A_314, %get3A_315] {strides = array<i32>} : memref<64x1024xf32, #tpu.memory_space<vmem>>, vector<1x16xf32>,
        %get3A_317 = vector.shape_cast %get3A_316 : vector<1x16xf32> to vector<16xf32>
        %add3A_318 = arith.addf %add3A_312, %get3A_317 : vector<16xf32>
        %get3A_319 = arith.constant 52 : i32
        %get3A_320 = arith.index_cast %get3A_319 : i32 to index
        %get3A_321 = arith.index_cast %add3A_283 : i32 to index
        %get3A_322 = tpu.vector_load %arg7[%get3A_320, %get3A_321] {strides = array<i32>} : memref<64x1024xf32, #tpu.memory_space<vmem>>, vector<1x16xf32>,
        %get3A_323 = vector.shape_cast %get3A_322 : vector<1x16xf32> to vector<16xf32>
        %add3A_324 = arith.addf %add3A_318, %get3A_323 : vector<16xf32>
        %get3A_325 = arith.constant 60 : i32
        %get3A_326 = arith.index_cast %get3A_325 : i32 to index
        %get3A_327 = arith.index_cast %add3A_283 : i32 to index
        %get3A_328 = tpu.vector_load %arg7[%get3A_326, %get3A_327] {strides = array<i32>} : memref<64x1024xf32, #tpu.memory_space<vmem>>, vector<1x16xf32>,
        %get3A_329 = vector.shape_cast %get3A_328 : vector<1x16xf32> to vector<16xf32>
        %add3A_330 = arith.addf %add3A_324, %get3A_329 : vector<16xf32>
        %swap3A_331 = arith.constant 4 : i32
        %swap3A_332 = arith.index_cast %swap3A_331 : i32 to index
        %swap3A_333 = arith.index_cast %add3A_283 : i32 to index
        %swap3A_334 = tpu.vector_load %arg8[%swap3A_332, %swap3A_333] {strides = array<i32>} : memref<8x1024xf32, #tpu.memory_space<vmem>>, vector<1x16xf32>,
        %swap3A_335 = vector.shape_cast %swap3A_334 : vector<1x16xf32> to vector<16xf32>
        %swap3A_336 = vector.shape_cast %add3A_330 : vector<16xf32> to vector<1x16xf32>
        tpu.vector_store %arg8[%swap3A_332, %swap3A_333], %swap3A_336 {add = true, strides = array<i32>} : memref<8x1024xf32, #tpu.memory_space<vmem>>, vector<1x16xf32>,
        %add3A_337 = arith.constant 32 : i32
        %add3A_338 = arith.addi %mul3A_228, %add3A_337 : i32
        %get3A_339 = arith.constant 4 : i32
        %get3A_340 = arith.index_cast %get3A_339 : i32 to index
        %get3A_341 = arith.index_cast %add3A_338 : i32 to index
        %get3A_342 = tpu.vector_load %arg7[%get3A_340, %get3A_341] {strides = array<i32>} : memref<64x1024xf32, #tpu.memory_space<vmem>>, vector<1x16xf32>,
        %get3A_343 = vector.shape_cast %get3A_342 : vector<1x16xf32> to vector<16xf32>
        %get3A_344 = arith.constant 12 : i32
        %get3A_345 = arith.index_cast %get3A_344 : i32 to index
        %get3A_346 = arith.index_cast %add3A_338 : i32 to index
        %get3A_347 = tpu.vector_load %arg7[%get3A_345, %get3A_346] {strides = array<i32>} : memref<64x1024xf32, #tpu.memory_space<vmem>>, vector<1x16xf32>,
        %get3A_348 = vector.shape_cast %get3A_347 : vector<1x16xf32> to vector<16xf32>
        %add3A_349 = arith.addf %get3A_343, %get3A_348 : vector<16xf32>
        %get3A_350 = arith.constant 20 : i32
        %get3A_351 = arith.index_cast %get3A_350 : i32 to index
        %get3A_352 = arith.index_cast %add3A_338 : i32 to index
        %get3A_353 = tpu.vector_load %arg7[%get3A_351, %get3A_352] {strides = array<i32>} : memref<64x1024xf32, #tpu.memory_space<vmem>>, vector<1x16xf32>,
        %get3A_354 = vector.shape_cast %get3A_353 : vector<1x16xf32> to vector<16xf32>
        %add3A_355 = arith.addf %add3A_349, %get3A_354 : vector<16xf32>
        %get3A_356 = arith.constant 28 : i32
        %get3A_357 = arith.index_cast %get3A_356 : i32 to index
        %get3A_358 = arith.index_cast %add3A_338 : i32 to index
        %get3A_359 = tpu.vector_load %arg7[%get3A_357, %get3A_358] {strides = array<i32>} : memref<64x1024xf32, #tpu.memory_space<vmem>>, vector<1x16xf32>,
        %get3A_360 = vector.shape_cast %get3A_359 : vector<1x16xf32> to vector<16xf32>
        %add3A_361 = arith.addf %add3A_355, %get3A_360 : vector<16xf32>
        %get3A_362 = arith.constant 36 : i32
        %get3A_363 = arith.index_cast %get3A_362 : i32 to index
        %get3A_364 = arith.index_cast %add3A_338 : i32 to index
        %get3A_365 = tpu.vector_load %arg7[%get3A_363, %get3A_364] {strides = array<i32>} : memref<64x1024xf32, #tpu.memory_space<vmem>>, vector<1x16xf32>,
        %get3A_366 = vector.shape_cast %get3A_365 : vector<1x16xf32> to vector<16xf32>
        %add3A_367 = arith.addf %add3A_361, %get3A_366 : vector<16xf32>
        %get3A_368 = arith.constant 44 : i32
        %get3A_369 = arith.index_cast %get3A_368 : i32 to index
        %get3A_370 = arith.index_cast %add3A_338 : i32 to index
        %get3A_371 = tpu.vector_load %arg7[%get3A_369, %get3A_370] {strides = array<i32>} : memref<64x1024xf32, #tpu.memory_space<vmem>>, vector<1x16xf32>,
        %get3A_372 = vector.shape_cast %get3A_371 : vector<1x16xf32> to vector<16xf32>
        %add3A_373 = arith.addf %add3A_367, %get3A_372 : vector<16xf32>
        %get3A_374 = arith.constant 52 : i32
        %get3A_375 = arith.index_cast %get3A_374 : i32 to index
        %get3A_376 = arith.index_cast %add3A_338 : i32 to index
        %get3A_377 = tpu.vector_load %arg7[%get3A_375, %get3A_376] {strides = array<i32>} : memref<64x1024xf32, #tpu.memory_space<vmem>>, vector<1x16xf32>,
        %get3A_378 = vector.shape_cast %get3A_377 : vector<1x16xf32> to vector<16xf32>
        %add3A_379 = arith.addf %add3A_373, %get3A_378 : vector<16xf32>
        %get3A_380 = arith.constant 60 : i32
        %get3A_381 = arith.index_cast %get3A_380 : i32 to index
        %get3A_382 = arith.index_cast %add3A_338 : i32 to index
        %get3A_383 = tpu.vector_load %arg7[%get3A_381, %get3A_382] {strides = array<i32>} : memref<64x1024xf32, #tpu.memory_space<vmem>>, vector<1x16xf32>,
        %get3A_384 = vector.shape_cast %get3A_383 : vector<1x16xf32> to vector<16xf32>
        %add3A_385 = arith.addf %add3A_379, %get3A_384 : vector<16xf32>
        %swap3A_386 = arith.constant 4 : i32
        %swap3A_387 = arith.index_cast %swap3A_386 : i32 to index
        %swap3A_388 = arith.index_cast %add3A_338 : i32 to index
        %swap3A_389 = tpu.vector_load %arg8[%swap3A_387, %swap3A_388] {strides = array<i32>} : memref<8x1024xf32, #tpu.memory_space<vmem>>, vector<1x16xf32>,
        %swap3A_390 = vector.shape_cast %swap3A_389 : vector<1x16xf32> to vector<16xf32>
        %swap3A_391 = vector.shape_cast %add3A_385 : vector<16xf32> to vector<1x16xf32>
        tpu.vector_store %arg8[%swap3A_387, %swap3A_388], %swap3A_391 {add = true, strides = array<i32>} : memref<8x1024xf32, #tpu.memory_space<vmem>>, vector<1x16xf32>,
        %add3A_392 = arith.constant 48 : i32
        %add3A_393 = arith.addi %mul3A_228, %add3A_392 : i32
        %get3A_394 = arith.constant 4 : i32
        %get3A_395 = arith.index_cast %get3A_394 : i32 to index
        %get3A_396 = arith.index_cast %add3A_393 : i32 to index
        %get3A_397 = tpu.vector_load %arg7[%get3A_395, %get3A_396] {strides = array<i32>} : memref<64x1024xf32, #tpu.memory_space<vmem>>, vector<1x16xf32>,
        %get3A_398 = vector.shape_cast %get3A_397 : vector<1x16xf32> to vector<16xf32>
        %get3A_399 = arith.constant 12 : i32
        %get3A_400 = arith.index_cast %get3A_399 : i32 to index
        %get3A_401 = arith.index_cast %add3A_393 : i32 to index
        %get3A_402 = tpu.vector_load %arg7[%get3A_400, %get3A_401] {strides = array<i32>} : memref<64x1024xf32, #tpu.memory_space<vmem>>, vector<1x16xf32>,
        %get3A_403 = vector.shape_cast %get3A_402 : vector<1x16xf32> to vector<16xf32>
        %add3A_404 = arith.addf %get3A_398, %get3A_403 : vector<16xf32>
        %get3A_405 = arith.constant 20 : i32
        %get3A_406 = arith.index_cast %get3A_405 : i32 to index
        %get3A_407 = arith.index_cast %add3A_393 : i32 to index
        %get3A_408 = tpu.vector_load %arg7[%get3A_406, %get3A_407] {strides = array<i32>} : memref<64x1024xf32, #tpu.memory_space<vmem>>, vector<1x16xf32>,
        %get3A_409 = vector.shape_cast %get3A_408 : vector<1x16xf32> to vector<16xf32>
        %add3A_410 = arith.addf %add3A_404, %get3A_409 : vector<16xf32>
        %get3A_411 = arith.constant 28 : i32
        %get3A_412 = arith.index_cast %get3A_411 : i32 to index
        %get3A_413 = arith.index_cast %add3A_393 : i32 to index
        %get3A_414 = tpu.vector_load %arg7[%get3A_412, %get3A_413] {strides = array<i32>} : memref<64x1024xf32, #tpu.memory_space<vmem>>, vector<1x16xf32>,
        %get3A_415 = vector.shape_cast %get3A_414 : vector<1x16xf32> to vector<16xf32>
        %add3A_416 = arith.addf %add3A_410, %get3A_415 : vector<16xf32>
        %get3A_417 = arith.constant 36 : i32
        %get3A_418 = arith.index_cast %get3A_417 : i32 to index
        %get3A_419 = arith.index_cast %add3A_393 : i32 to index
        %get3A_420 = tpu.vector_load %arg7[%get3A_418, %get3A_419] {strides = array<i32>} : memref<64x1024xf32, #tpu.memory_space<vmem>>, vector<1x16xf32>,
        %get3A_421 = vector.shape_cast %get3A_420 : vector<1x16xf32> to vector<16xf32>
        %add3A_422 = arith.addf %add3A_416, %get3A_421 : vector<16xf32>
        %get3A_423 = arith.constant 44 : i32
        %get3A_424 = arith.index_cast %get3A_423 : i32 to index
        %get3A_425 = arith.index_cast %add3A_393 : i32 to index
        %get3A_426 = tpu.vector_load %arg7[%get3A_424, %get3A_425] {strides = array<i32>} : memref<64x1024xf32, #tpu.memory_space<vmem>>, vector<1x16xf32>,
        %get3A_427 = vector.shape_cast %get3A_426 : vector<1x16xf32> to vector<16xf32>
        %add3A_428 = arith.addf %add3A_422, %get3A_427 : vector<16xf32>
        %get3A_429 = arith.constant 52 : i32
        %get3A_430 = arith.index_cast %get3A_429 : i32 to index
        %get3A_431 = arith.index_cast %add3A_393 : i32 to index
        %get3A_432 = tpu.vector_load %arg7[%get3A_430, %get3A_431] {strides = array<i32>} : memref<64x1024xf32, #tpu.memory_space<vmem>>, vector<1x16xf32>,
        %get3A_433 = vector.shape_cast %get3A_432 : vector<1x16xf32> to vector<16xf32>
        %add3A_434 = arith.addf %add3A_428, %get3A_433 : vector<16xf32>
        %get3A_435 = arith.constant 60 : i32
        %get3A_436 = arith.index_cast %get3A_435 : i32 to index
        %get3A_437 = arith.index_cast %add3A_393 : i32 to index
        %get3A_438 = tpu.vector_load %arg7[%get3A_436, %get3A_437] {strides = array<i32>} : memref<64x1024xf32, #tpu.memory_space<vmem>>, vector<1x16xf32>,
        %get3A_439 = vector.shape_cast %get3A_438 : vector<1x16xf32> to vector<16xf32>
        %add3A_440 = arith.addf %add3A_434, %get3A_439 : vector<16xf32>
        %swap3A_441 = arith.constant 4 : i32
        %swap3A_442 = arith.index_cast %swap3A_441 : i32 to index
        %swap3A_443 = arith.index_cast %add3A_393 : i32 to index
        %swap3A_444 = tpu.vector_load %arg8[%swap3A_442, %swap3A_443] {strides = array<i32>} : memref<8x1024xf32, #tpu.memory_space<vmem>>, vector<1x16xf32>,
        %swap3A_445 = vector.shape_cast %swap3A_444 : vector<1x16xf32> to vector<16xf32>
        %swap3A_446 = vector.shape_cast %add3A_440 : vector<16xf32> to vector<1x16xf32>
        tpu.vector_store %arg8[%swap3A_442, %swap3A_443], %swap3A_446 {add = true, strides = array<i32>} : memref<8x1024xf32, #tpu.memory_space<vmem>>, vector<1x16xf32>,
      }
      %scan3A_207 = arith.constant 16 : i32
      %scan3A_208 = arith.constant 0 : i32
      %scan3A_209 = arith.constant 0 : i32
      %scan3A_210 = arith.constant 16 : i32
      %scan3A_211 = arith.addi %scan3A_209, %scan3A_210 : i32
      %scan3A_212 = arith.constant 1 : i32
      scf.for %scan3A_226 = %scan3A_209 to %scan3A_211 step %scan3A_212  : i32 {
        %mul3A_227 = arith.constant 64 : i32
        %mul3A_228 = arith.muli %scan3A_226, %mul3A_227 : i32
        %add3A_229 = arith.constant 0 : i32
        %add3A_230 = arith.addi %mul3A_228, %add3A_229 : i32
        %get3A = arith.constant 5 : i32
        %get3A_231 = arith.index_cast %get3A : i32 to index
        %get3A_232 = arith.index_cast %add3A_230 : i32 to index
        %get3A_233 = tpu.vector_load %arg7[%get3A_231, %get3A_232] {strides = array<i32>} : memref<64x1024xf32, #tpu.memory_space<vmem>>, vector<1x16xf32>,
        %get3A_234 = vector.shape_cast %get3A_233 : vector<1x16xf32> to vector<16xf32>
        %get3A_235 = arith.constant 13 : i32
        %get3A_236 = arith.index_cast %get3A_235 : i32 to index
        %get3A_237 = arith.index_cast %add3A_230 : i32 to index
        %get3A_238 = tpu.vector_load %arg7[%get3A_236, %get3A_237] {strides = array<i32>} : memref<64x1024xf32, #tpu.memory_space<vmem>>, vector<1x16xf32>,
        %get3A_239 = vector.shape_cast %get3A_238 : vector<1x16xf32> to vector<16xf32>
        %add3A_240 = arith.addf %get3A_234, %get3A_239 : vector<16xf32>
        %get3A_241 = arith.constant 21 : i32
        %get3A_242 = arith.index_cast %get3A_241 : i32 to index
        %get3A_243 = arith.index_cast %add3A_230 : i32 to index
        %get3A_244 = tpu.vector_load %arg7[%get3A_242, %get3A_243] {strides = array<i32>} : memref<64x1024xf32, #tpu.memory_space<vmem>>, vector<1x16xf32>,
        %get3A_245 = vector.shape_cast %get3A_244 : vector<1x16xf32> to vector<16xf32>
        %add3A_246 = arith.addf %add3A_240, %get3A_245 : vector<16xf32>
        %get3A_247 = arith.constant 29 : i32
        %get3A_248 = arith.index_cast %get3A_247 : i32 to index
        %get3A_249 = arith.index_cast %add3A_230 : i32 to index
        %get3A_250 = tpu.vector_load %arg7[%get3A_248, %get3A_249] {strides = array<i32>} : memref<64x1024xf32, #tpu.memory_space<vmem>>, vector<1x16xf32>,
        %get3A_251 = vector.shape_cast %get3A_250 : vector<1x16xf32> to vector<16xf32>
        %add3A_252 = arith.addf %add3A_246, %get3A_251 : vector<16xf32>
        %get3A_253 = arith.constant 37 : i32
        %get3A_254 = arith.index_cast %get3A_253 : i32 to index
        %get3A_255 = arith.index_cast %add3A_230 : i32 to index
        %get3A_256 = tpu.vector_load %arg7[%get3A_254, %get3A_255] {strides = array<i32>} : memref<64x1024xf32, #tpu.memory_space<vmem>>, vector<1x16xf32>,
        %get3A_257 = vector.shape_cast %get3A_256 : vector<1x16xf32> to vector<16xf32>
        %add3A_258 = arith.addf %add3A_252, %get3A_257 : vector<16xf32>
        %get3A_259 = arith.constant 45 : i32
        %get3A_260 = arith.index_cast %get3A_259 : i32 to index
        %get3A_261 = arith.index_cast %add3A_230 : i32 to index
        %get3A_262 = tpu.vector_load %arg7[%get3A_260, %get3A_261] {strides = array<i32>} : memref<64x1024xf32, #tpu.memory_space<vmem>>, vector<1x16xf32>,
        %get3A_263 = vector.shape_cast %get3A_262 : vector<1x16xf32> to vector<16xf32>
        %add3A_264 = arith.addf %add3A_258, %get3A_263 : vector<16xf32>
        %get3A_265 = arith.constant 53 : i32
        %get3A_266 = arith.index_cast %get3A_265 : i32 to index
        %get3A_267 = arith.index_cast %add3A_230 : i32 to index
        %get3A_268 = tpu.vector_load %arg7[%get3A_266, %get3A_267] {strides = array<i32>} : memref<64x1024xf32, #tpu.memory_space<vmem>>, vector<1x16xf32>,
        %get3A_269 = vector.shape_cast %get3A_268 : vector<1x16xf32> to vector<16xf32>
        %add3A_270 = arith.addf %add3A_264, %get3A_269 : vector<16xf32>
        %get3A_271 = arith.constant 61 : i32
        %get3A_272 = arith.index_cast %get3A_271 : i32 to index
        %get3A_273 = arith.index_cast %add3A_230 : i32 to index
        %get3A_274 = tpu.vector_load %arg7[%get3A_272, %get3A_273] {strides = array<i32>} : memref<64x1024xf32, #tpu.memory_space<vmem>>, vector<1x16xf32>,
        %get3A_275 = vector.shape_cast %get3A_274 : vector<1x16xf32> to vector<16xf32>
        %add3A_276 = arith.addf %add3A_270, %get3A_275 : vector<16xf32>
        %swap3A = arith.constant 5 : i32
        %swap3A_277 = arith.index_cast %swap3A : i32 to index
        %swap3A_278 = arith.index_cast %add3A_230 : i32 to index
        %swap3A_279 = tpu.vector_load %arg8[%swap3A_277, %swap3A_278] {strides = array<i32>} : memref<8x1024xf32, #tpu.memory_space<vmem>>, vector<1x16xf32>,
        %swap3A_280 = vector.shape_cast %swap3A_279 : vector<1x16xf32> to vector<16xf32>
        %swap3A_281 = vector.shape_cast %add3A_276 : vector<16xf32> to vector<1x16xf32>
        tpu.vector_store %arg8[%swap3A_277, %swap3A_278], %swap3A_281 {add = true, strides = array<i32>} : memref<8x1024xf32, #tpu.memory_space<vmem>>, vector<1x16xf32>,
        %add3A_282 = arith.constant 16 : i32
        %add3A_283 = arith.addi %mul3A_228, %add3A_282 : i32
        %get3A_284 = arith.constant 5 : i32
        %get3A_285 = arith.index_cast %get3A_284 : i32 to index
        %get3A_286 = arith.index_cast %add3A_283 : i32 to index
        %get3A_287 = tpu.vector_load %arg7[%get3A_285, %get3A_286] {strides = array<i32>} : memref<64x1024xf32, #tpu.memory_space<vmem>>, vector<1x16xf32>,
        %get3A_288 = vector.shape_cast %get3A_287 : vector<1x16xf32> to vector<16xf32>
        %get3A_289 = arith.constant 13 : i32
        %get3A_290 = arith.index_cast %get3A_289 : i32 to index
        %get3A_291 = arith.index_cast %add3A_283 : i32 to index
        %get3A_292 = tpu.vector_load %arg7[%get3A_290, %get3A_291] {strides = array<i32>} : memref<64x1024xf32, #tpu.memory_space<vmem>>, vector<1x16xf32>,
        %get3A_293 = vector.shape_cast %get3A_292 : vector<1x16xf32> to vector<16xf32>
        %add3A_294 = arith.addf %get3A_288, %get3A_293 : vector<16xf32>
        %get3A_295 = arith.constant 21 : i32
        %get3A_296 = arith.index_cast %get3A_295 : i32 to index
        %get3A_297 = arith.index_cast %add3A_283 : i32 to index
        %get3A_298 = tpu.vector_load %arg7[%get3A_296, %get3A_297] {strides = array<i32>} : memref<64x1024xf32, #tpu.memory_space<vmem>>, vector<1x16xf32>,
        %get3A_299 = vector.shape_cast %get3A_298 : vector<1x16xf32> to vector<16xf32>
        %add3A_300 = arith.addf %add3A_294, %get3A_299 : vector<16xf32>
        %get3A_301 = arith.constant 29 : i32
        %get3A_302 = arith.index_cast %get3A_301 : i32 to index
        %get3A_303 = arith.index_cast %add3A_283 : i32 to index
        %get3A_304 = tpu.vector_load %arg7[%get3A_302, %get3A_303] {strides = array<i32>} : memref<64x1024xf32, #tpu.memory_space<vmem>>, vector<1x16xf32>,
        %get3A_305 = vector.shape_cast %get3A_304 : vector<1x16xf32> to vector<16xf32>
        %add3A_306 = arith.addf %add3A_300, %get3A_305 : vector<16xf32>
        %get3A_307 = arith.constant 37 : i32
        %get3A_308 = arith.index_cast %get3A_307 : i32 to index
        %get3A_309 = arith.index_cast %add3A_283 : i32 to index
        %get3A_310 = tpu.vector_load %arg7[%get3A_308, %get3A_309] {strides = array<i32>} : memref<64x1024xf32, #tpu.memory_space<vmem>>, vector<1x16xf32>,
        %get3A_311 = vector.shape_cast %get3A_310 : vector<1x16xf32> to vector<16xf32>
        %add3A_312 = arith.addf %add3A_306, %get3A_311 : vector<16xf32>
        %get3A_313 = arith.constant 45 : i32
        %get3A_314 = arith.index_cast %get3A_313 : i32 to index
        %get3A_315 = arith.index_cast %add3A_283 : i32 to index
        %get3A_316 = tpu.vector_load %arg7[%get3A_314, %get3A_315] {strides = array<i32>} : memref<64x1024xf32, #tpu.memory_space<vmem>>, vector<1x16xf32>,
        %get3A_317 = vector.shape_cast %get3A_316 : vector<1x16xf32> to vector<16xf32>
        %add3A_318 = arith.addf %add3A_312, %get3A_317 : vector<16xf32>
        %get3A_319 = arith.constant 53 : i32
        %get3A_320 = arith.index_cast %get3A_319 : i32 to index
        %get3A_321 = arith.index_cast %add3A_283 : i32 to index
        %get3A_322 = tpu.vector_load %arg7[%get3A_320, %get3A_321] {strides = array<i32>} : memref<64x1024xf32, #tpu.memory_space<vmem>>, vector<1x16xf32>,
        %get3A_323 = vector.shape_cast %get3A_322 : vector<1x16xf32> to vector<16xf32>
        %add3A_324 = arith.addf %add3A_318, %get3A_323 : vector<16xf32>
        %get3A_325 = arith.constant 61 : i32
        %get3A_326 = arith.index_cast %get3A_325 : i32 to index
        %get3A_327 = arith.index_cast %add3A_283 : i32 to index
        %get3A_328 = tpu.vector_load %arg7[%get3A_326, %get3A_327] {strides = array<i32>} : memref<64x1024xf32, #tpu.memory_space<vmem>>, vector<1x16xf32>,
        %get3A_329 = vector.shape_cast %get3A_328 : vector<1x16xf32> to vector<16xf32>
        %add3A_330 = arith.addf %add3A_324, %get3A_329 : vector<16xf32>
        %swap3A_331 = arith.constant 5 : i32
        %swap3A_332 = arith.index_cast %swap3A_331 : i32 to index
        %swap3A_333 = arith.index_cast %add3A_283 : i32 to index
        %swap3A_334 = tpu.vector_load %arg8[%swap3A_332, %swap3A_333] {strides = array<i32>} : memref<8x1024xf32, #tpu.memory_space<vmem>>, vector<1x16xf32>,
        %swap3A_335 = vector.shape_cast %swap3A_334 : vector<1x16xf32> to vector<16xf32>
        %swap3A_336 = vector.shape_cast %add3A_330 : vector<16xf32> to vector<1x16xf32>
        tpu.vector_store %arg8[%swap3A_332, %swap3A_333], %swap3A_336 {add = true, strides = array<i32>} : memref<8x1024xf32, #tpu.memory_space<vmem>>, vector<1x16xf32>,
        %add3A_337 = arith.constant 32 : i32
        %add3A_338 = arith.addi %mul3A_228, %add3A_337 : i32
        %get3A_339 = arith.constant 5 : i32
        %get3A_340 = arith.index_cast %get3A_339 : i32 to index
        %get3A_341 = arith.index_cast %add3A_338 : i32 to index
        %get3A_342 = tpu.vector_load %arg7[%get3A_340, %get3A_341] {strides = array<i32>} : memref<64x1024xf32, #tpu.memory_space<vmem>>, vector<1x16xf32>,
        %get3A_343 = vector.shape_cast %get3A_342 : vector<1x16xf32> to vector<16xf32>
        %get3A_344 = arith.constant 13 : i32
        %get3A_345 = arith.index_cast %get3A_344 : i32 to index
        %get3A_346 = arith.index_cast %add3A_338 : i32 to index
        %get3A_347 = tpu.vector_load %arg7[%get3A_345, %get3A_346] {strides = array<i32>} : memref<64x1024xf32, #tpu.memory_space<vmem>>, vector<1x16xf32>,
        %get3A_348 = vector.shape_cast %get3A_347 : vector<1x16xf32> to vector<16xf32>
        %add3A_349 = arith.addf %get3A_343, %get3A_348 : vector<16xf32>
        %get3A_350 = arith.constant 21 : i32
        %get3A_351 = arith.index_cast %get3A_350 : i32 to index
        %get3A_352 = arith.index_cast %add3A_338 : i32 to index
        %get3A_353 = tpu.vector_load %arg7[%get3A_351, %get3A_352] {strides = array<i32>} : memref<64x1024xf32, #tpu.memory_space<vmem>>, vector<1x16xf32>,
        %get3A_354 = vector.shape_cast %get3A_353 : vector<1x16xf32> to vector<16xf32>
        %add3A_355 = arith.addf %add3A_349, %get3A_354 : vector<16xf32>
        %get3A_356 = arith.constant 29 : i32
        %get3A_357 = arith.index_cast %get3A_356 : i32 to index
        %get3A_358 = arith.index_cast %add3A_338 : i32 to index
        %get3A_359 = tpu.vector_load %arg7[%get3A_357, %get3A_358] {strides = array<i32>} : memref<64x1024xf32, #tpu.memory_space<vmem>>, vector<1x16xf32>,
        %get3A_360 = vector.shape_cast %get3A_359 : vector<1x16xf32> to vector<16xf32>
        %add3A_361 = arith.addf %add3A_355, %get3A_360 : vector<16xf32>
        %get3A_362 = arith.constant 37 : i32
        %get3A_363 = arith.index_cast %get3A_362 : i32 to index
        %get3A_364 = arith.index_cast %add3A_338 : i32 to index
        %get3A_365 = tpu.vector_load %arg7[%get3A_363, %get3A_364] {strides = array<i32>} : memref<64x1024xf32, #tpu.memory_space<vmem>>, vector<1x16xf32>,
        %get3A_366 = vector.shape_cast %get3A_365 : vector<1x16xf32> to vector<16xf32>
        %add3A_367 = arith.addf %add3A_361, %get3A_366 : vector<16xf32>
        %get3A_368 = arith.constant 45 : i32
        %get3A_369 = arith.index_cast %get3A_368 : i32 to index
        %get3A_370 = arith.index_cast %add3A_338 : i32 to index
        %get3A_371 = tpu.vector_load %arg7[%get3A_369, %get3A_370] {strides = array<i32>} : memref<64x1024xf32, #tpu.memory_space<vmem>>, vector<1x16xf32>,
        %get3A_372 = vector.shape_cast %get3A_371 : vector<1x16xf32> to vector<16xf32>
        %add3A_373 = arith.addf %add3A_367, %get3A_372 : vector<16xf32>
        %get3A_374 = arith.constant 53 : i32
        %get3A_375 = arith.index_cast %get3A_374 : i32 to index
        %get3A_376 = arith.index_cast %add3A_338 : i32 to index
        %get3A_377 = tpu.vector_load %arg7[%get3A_375, %get3A_376] {strides = array<i32>} : memref<64x1024xf32, #tpu.memory_space<vmem>>, vector<1x16xf32>,
        %get3A_378 = vector.shape_cast %get3A_377 : vector<1x16xf32> to vector<16xf32>
        %add3A_379 = arith.addf %add3A_373, %get3A_378 : vector<16xf32>
        %get3A_380 = arith.constant 61 : i32
        %get3A_381 = arith.index_cast %get3A_380 : i32 to index
        %get3A_382 = arith.index_cast %add3A_338 : i32 to index
        %get3A_383 = tpu.vector_load %arg7[%get3A_381, %get3A_382] {strides = array<i32>} : memref<64x1024xf32, #tpu.memory_space<vmem>>, vector<1x16xf32>,
        %get3A_384 = vector.shape_cast %get3A_383 : vector<1x16xf32> to vector<16xf32>
        %add3A_385 = arith.addf %add3A_379, %get3A_384 : vector<16xf32>
        %swap3A_386 = arith.constant 5 : i32
        %swap3A_387 = arith.index_cast %swap3A_386 : i32 to index
        %swap3A_388 = arith.index_cast %add3A_338 : i32 to index
        %swap3A_389 = tpu.vector_load %arg8[%swap3A_387, %swap3A_388] {strides = array<i32>} : memref<8x1024xf32, #tpu.memory_space<vmem>>, vector<1x16xf32>,
        %swap3A_390 = vector.shape_cast %swap3A_389 : vector<1x16xf32> to vector<16xf32>
        %swap3A_391 = vector.shape_cast %add3A_385 : vector<16xf32> to vector<1x16xf32>
        tpu.vector_store %arg8[%swap3A_387, %swap3A_388], %swap3A_391 {add = true, strides = array<i32>} : memref<8x1024xf32, #tpu.memory_space<vmem>>, vector<1x16xf32>,
        %add3A_392 = arith.constant 48 : i32
        %add3A_393 = arith.addi %mul3A_228, %add3A_392 : i32
        %get3A_394 = arith.constant 5 : i32
        %get3A_395 = arith.index_cast %get3A_394 : i32 to index
        %get3A_396 = arith.index_cast %add3A_393 : i32 to index
        %get3A_397 = tpu.vector_load %arg7[%get3A_395, %get3A_396] {strides = array<i32>} : memref<64x1024xf32, #tpu.memory_space<vmem>>, vector<1x16xf32>,
        %get3A_398 = vector.shape_cast %get3A_397 : vector<1x16xf32> to vector<16xf32>
        %get3A_399 = arith.constant 13 : i32
        %get3A_400 = arith.index_cast %get3A_399 : i32 to index
        %get3A_401 = arith.index_cast %add3A_393 : i32 to index
        %get3A_402 = tpu.vector_load %arg7[%get3A_400, %get3A_401] {strides = array<i32>} : memref<64x1024xf32, #tpu.memory_space<vmem>>, vector<1x16xf32>,
        %get3A_403 = vector.shape_cast %get3A_402 : vector<1x16xf32> to vector<16xf32>
        %add3A_404 = arith.addf %get3A_398, %get3A_403 : vector<16xf32>
        %get3A_405 = arith.constant 21 : i32
        %get3A_406 = arith.index_cast %get3A_405 : i32 to index
        %get3A_407 = arith.index_cast %add3A_393 : i32 to index
        %get3A_408 = tpu.vector_load %arg7[%get3A_406, %get3A_407] {strides = array<i32>} : memref<64x1024xf32, #tpu.memory_space<vmem>>, vector<1x16xf32>,
        %get3A_409 = vector.shape_cast %get3A_408 : vector<1x16xf32> to vector<16xf32>
        %add3A_410 = arith.addf %add3A_404, %get3A_409 : vector<16xf32>
        %get3A_411 = arith.constant 29 : i32
        %get3A_412 = arith.index_cast %get3A_411 : i32 to index
        %get3A_413 = arith.index_cast %add3A_393 : i32 to index
        %get3A_414 = tpu.vector_load %arg7[%get3A_412, %get3A_413] {strides = array<i32>} : memref<64x1024xf32, #tpu.memory_space<vmem>>, vector<1x16xf32>,
        %get3A_415 = vector.shape_cast %get3A_414 : vector<1x16xf32> to vector<16xf32>
        %add3A_416 = arith.addf %add3A_410, %get3A_415 : vector<16xf32>
        %get3A_417 = arith.constant 37 : i32
        %get3A_418 = arith.index_cast %get3A_417 : i32 to index
        %get3A_419 = arith.index_cast %add3A_393 : i32 to index
        %get3A_420 = tpu.vector_load %arg7[%get3A_418, %get3A_419] {strides = array<i32>} : memref<64x1024xf32, #tpu.memory_space<vmem>>, vector<1x16xf32>,
        %get3A_421 = vector.shape_cast %get3A_420 : vector<1x16xf32> to vector<16xf32>
        %add3A_422 = arith.addf %add3A_416, %get3A_421 : vector<16xf32>
        %get3A_423 = arith.constant 45 : i32
        %get3A_424 = arith.index_cast %get3A_423 : i32 to index
        %get3A_425 = arith.index_cast %add3A_393 : i32 to index
        %get3A_426 = tpu.vector_load %arg7[%get3A_424, %get3A_425] {strides = array<i32>} : memref<64x1024xf32, #tpu.memory_space<vmem>>, vector<1x16xf32>,
        %get3A_427 = vector.shape_cast %get3A_426 : vector<1x16xf32> to vector<16xf32>
        %add3A_428 = arith.addf %add3A_422, %get3A_427 : vector<16xf32>
        %get3A_429 = arith.constant 53 : i32
        %get3A_430 = arith.index_cast %get3A_429 : i32 to index
        %get3A_431 = arith.index_cast %add3A_393 : i32 to index
        %get3A_432 = tpu.vector_load %arg7[%get3A_430, %get3A_431] {strides = array<i32>} : memref<64x1024xf32, #tpu.memory_space<vmem>>, vector<1x16xf32>,
        %get3A_433 = vector.shape_cast %get3A_432 : vector<1x16xf32> to vector<16xf32>
        %add3A_434 = arith.addf %add3A_428, %get3A_433 : vector<16xf32>
        %get3A_435 = arith.constant 61 : i32
        %get3A_436 = arith.index_cast %get3A_435 : i32 to index
        %get3A_437 = arith.index_cast %add3A_393 : i32 to index
        %get3A_438 = tpu.vector_load %arg7[%get3A_436, %get3A_437] {strides = array<i32>} : memref<64x1024xf32, #tpu.memory_space<vmem>>, vector<1x16xf32>,
        %get3A_439 = vector.shape_cast %get3A_438 : vector<1x16xf32> to vector<16xf32>
        %add3A_440 = arith.addf %add3A_434, %get3A_439 : vector<16xf32>
        %swap3A_441 = arith.constant 5 : i32
        %swap3A_442 = arith.index_cast %swap3A_441 : i32 to index
        %swap3A_443 = arith.index_cast %add3A_393 : i32 to index
        %swap3A_444 = tpu.vector_load %arg8[%swap3A_442, %swap3A_443] {strides = array<i32>} : memref<8x1024xf32, #tpu.memory_space<vmem>>, vector<1x16xf32>,
        %swap3A_445 = vector.shape_cast %swap3A_444 : vector<1x16xf32> to vector<16xf32>
        %swap3A_446 = vector.shape_cast %add3A_440 : vector<16xf32> to vector<1x16xf32>
        tpu.vector_store %arg8[%swap3A_442, %swap3A_443], %swap3A_446 {add = true, strides = array<i32>} : memref<8x1024xf32, #tpu.memory_space<vmem>>, vector<1x16xf32>,
      }
      %scan3A_213 = arith.constant 16 : i32
      %scan3A_214 = arith.constant 0 : i32
      %scan3A_215 = arith.constant 0 : i32
      %scan3A_216 = arith.constant 16 : i32
      %scan3A_217 = arith.addi %scan3A_215, %scan3A_216 : i32
      %scan3A_218 = arith.constant 1 : i32
      scf.for %scan3A_226 = %scan3A_215 to %scan3A_217 step %scan3A_218  : i32 {
        %mul3A_227 = arith.constant 64 : i32
        %mul3A_228 = arith.muli %scan3A_226, %mul3A_227 : i32
        %add3A_229 = arith.constant 0 : i32
        %add3A_230 = arith.addi %mul3A_228, %add3A_229 : i32
        %get3A = arith.constant 6 : i32
        %get3A_231 = arith.index_cast %get3A : i32 to index
        %get3A_232 = arith.index_cast %add3A_230 : i32 to index
        %get3A_233 = tpu.vector_load %arg7[%get3A_231, %get3A_232] {strides = array<i32>} : memref<64x1024xf32, #tpu.memory_space<vmem>>, vector<1x16xf32>,
        %get3A_234 = vector.shape_cast %get3A_233 : vector<1x16xf32> to vector<16xf32>
        %get3A_235 = arith.constant 14 : i32
        %get3A_236 = arith.index_cast %get3A_235 : i32 to index
        %get3A_237 = arith.index_cast %add3A_230 : i32 to index
        %get3A_238 = tpu.vector_load %arg7[%get3A_236, %get3A_237] {strides = array<i32>} : memref<64x1024xf32, #tpu.memory_space<vmem>>, vector<1x16xf32>,
        %get3A_239 = vector.shape_cast %get3A_238 : vector<1x16xf32> to vector<16xf32>
        %add3A_240 = arith.addf %get3A_234, %get3A_239 : vector<16xf32>
        %get3A_241 = arith.constant 22 : i32
        %get3A_242 = arith.index_cast %get3A_241 : i32 to index
        %get3A_243 = arith.index_cast %add3A_230 : i32 to index
        %get3A_244 = tpu.vector_load %arg7[%get3A_242, %get3A_243] {strides = array<i32>} : memref<64x1024xf32, #tpu.memory_space<vmem>>, vector<1x16xf32>,
        %get3A_245 = vector.shape_cast %get3A_244 : vector<1x16xf32> to vector<16xf32>
        %add3A_246 = arith.addf %add3A_240, %get3A_245 : vector<16xf32>
        %get3A_247 = arith.constant 30 : i32
        %get3A_248 = arith.index_cast %get3A_247 : i32 to index
        %get3A_249 = arith.index_cast %add3A_230 : i32 to index
        %get3A_250 = tpu.vector_load %arg7[%get3A_248, %get3A_249] {strides = array<i32>} : memref<64x1024xf32, #tpu.memory_space<vmem>>, vector<1x16xf32>,
        %get3A_251 = vector.shape_cast %get3A_250 : vector<1x16xf32> to vector<16xf32>
        %add3A_252 = arith.addf %add3A_246, %get3A_251 : vector<16xf32>
        %get3A_253 = arith.constant 38 : i32
        %get3A_254 = arith.index_cast %get3A_253 : i32 to index
        %get3A_255 = arith.index_cast %add3A_230 : i32 to index
        %get3A_256 = tpu.vector_load %arg7[%get3A_254, %get3A_255] {strides = array<i32>} : memref<64x1024xf32, #tpu.memory_space<vmem>>, vector<1x16xf32>,
        %get3A_257 = vector.shape_cast %get3A_256 : vector<1x16xf32> to vector<16xf32>
        %add3A_258 = arith.addf %add3A_252, %get3A_257 : vector<16xf32>
        %get3A_259 = arith.constant 46 : i32
        %get3A_260 = arith.index_cast %get3A_259 : i32 to index
        %get3A_261 = arith.index_cast %add3A_230 : i32 to index
        %get3A_262 = tpu.vector_load %arg7[%get3A_260, %get3A_261] {strides = array<i32>} : memref<64x1024xf32, #tpu.memory_space<vmem>>, vector<1x16xf32>,
        %get3A_263 = vector.shape_cast %get3A_262 : vector<1x16xf32> to vector<16xf32>
        %add3A_264 = arith.addf %add3A_258, %get3A_263 : vector<16xf32>
        %get3A_265 = arith.constant 54 : i32
        %get3A_266 = arith.index_cast %get3A_265 : i32 to index
        %get3A_267 = arith.index_cast %add3A_230 : i32 to index
        %get3A_268 = tpu.vector_load %arg7[%get3A_266, %get3A_267] {strides = array<i32>} : memref<64x1024xf32, #tpu.memory_space<vmem>>, vector<1x16xf32>,
        %get3A_269 = vector.shape_cast %get3A_268 : vector<1x16xf32> to vector<16xf32>
        %add3A_270 = arith.addf %add3A_264, %get3A_269 : vector<16xf32>
        %get3A_271 = arith.constant 62 : i32
        %get3A_272 = arith.index_cast %get3A_271 : i32 to index
        %get3A_273 = arith.index_cast %add3A_230 : i32 to index
        %get3A_274 = tpu.vector_load %arg7[%get3A_272, %get3A_273] {strides = array<i32>} : memref<64x1024xf32, #tpu.memory_space<vmem>>, vector<1x16xf32>,
        %get3A_275 = vector.shape_cast %get3A_274 : vector<1x16xf32> to vector<16xf32>
        %add3A_276 = arith.addf %add3A_270, %get3A_275 : vector<16xf32>
        %swap3A = arith.constant 6 : i32
        %swap3A_277 = arith.index_cast %swap3A : i32 to index
        %swap3A_278 = arith.index_cast %add3A_230 : i32 to index
        %swap3A_279 = tpu.vector_load %arg8[%swap3A_277, %swap3A_278] {strides = array<i32>} : memref<8x1024xf32, #tpu.memory_space<vmem>>, vector<1x16xf32>,
        %swap3A_280 = vector.shape_cast %swap3A_279 : vector<1x16xf32> to vector<16xf32>
        %swap3A_281 = vector.shape_cast %add3A_276 : vector<16xf32> to vector<1x16xf32>
        tpu.vector_store %arg8[%swap3A_277, %swap3A_278], %swap3A_281 {add = true, strides = array<i32>} : memref<8x1024xf32, #tpu.memory_space<vmem>>, vector<1x16xf32>,
        %add3A_282 = arith.constant 16 : i32
        %add3A_283 = arith.addi %mul3A_228, %add3A_282 : i32
        %get3A_284 = arith.constant 6 : i32
        %get3A_285 = arith.index_cast %get3A_284 : i32 to index
        %get3A_286 = arith.index_cast %add3A_283 : i32 to index
        %get3A_287 = tpu.vector_load %arg7[%get3A_285, %get3A_286] {strides = array<i32>} : memref<64x1024xf32, #tpu.memory_space<vmem>>, vector<1x16xf32>,
        %get3A_288 = vector.shape_cast %get3A_287 : vector<1x16xf32> to vector<16xf32>
        %get3A_289 = arith.constant 14 : i32
        %get3A_290 = arith.index_cast %get3A_289 : i32 to index
        %get3A_291 = arith.index_cast %add3A_283 : i32 to index
        %get3A_292 = tpu.vector_load %arg7[%get3A_290, %get3A_291] {strides = array<i32>} : memref<64x1024xf32, #tpu.memory_space<vmem>>, vector<1x16xf32>,
        %get3A_293 = vector.shape_cast %get3A_292 : vector<1x16xf32> to vector<16xf32>
        %add3A_294 = arith.addf %get3A_288, %get3A_293 : vector<16xf32>
        %get3A_295 = arith.constant 22 : i32
        %get3A_296 = arith.index_cast %get3A_295 : i32 to index
        %get3A_297 = arith.index_cast %add3A_283 : i32 to index
        %get3A_298 = tpu.vector_load %arg7[%get3A_296, %get3A_297] {strides = array<i32>} : memref<64x1024xf32, #tpu.memory_space<vmem>>, vector<1x16xf32>,
        %get3A_299 = vector.shape_cast %get3A_298 : vector<1x16xf32> to vector<16xf32>
        %add3A_300 = arith.addf %add3A_294, %get3A_299 : vector<16xf32>
        %get3A_301 = arith.constant 30 : i32
        %get3A_302 = arith.index_cast %get3A_301 : i32 to index
        %get3A_303 = arith.index_cast %add3A_283 : i32 to index
        %get3A_304 = tpu.vector_load %arg7[%get3A_302, %get3A_303] {strides = array<i32>} : memref<64x1024xf32, #tpu.memory_space<vmem>>, vector<1x16xf32>,
        %get3A_305 = vector.shape_cast %get3A_304 : vector<1x16xf32> to vector<16xf32>
        %add3A_306 = arith.addf %add3A_300, %get3A_305 : vector<16xf32>
        %get3A_307 = arith.constant 38 : i32
        %get3A_308 = arith.index_cast %get3A_307 : i32 to index
        %get3A_309 = arith.index_cast %add3A_283 : i32 to index
        %get3A_310 = tpu.vector_load %arg7[%get3A_308, %get3A_309] {strides = array<i32>} : memref<64x1024xf32, #tpu.memory_space<vmem>>, vector<1x16xf32>,
        %get3A_311 = vector.shape_cast %get3A_310 : vector<1x16xf32> to vector<16xf32>
        %add3A_312 = arith.addf %add3A_306, %get3A_311 : vector<16xf32>
        %get3A_313 = arith.constant 46 : i32
        %get3A_314 = arith.index_cast %get3A_313 : i32 to index
        %get3A_315 = arith.index_cast %add3A_283 : i32 to index
        %get3A_316 = tpu.vector_load %arg7[%get3A_314, %get3A_315] {strides = array<i32>} : memref<64x1024xf32, #tpu.memory_space<vmem>>, vector<1x16xf32>,
        %get3A_317 = vector.shape_cast %get3A_316 : vector<1x16xf32> to vector<16xf32>
        %add3A_318 = arith.addf %add3A_312, %get3A_317 : vector<16xf32>
        %get3A_319 = arith.constant 54 : i32
        %get3A_320 = arith.index_cast %get3A_319 : i32 to index
        %get3A_321 = arith.index_cast %add3A_283 : i32 to index
        %get3A_322 = tpu.vector_load %arg7[%get3A_320, %get3A_321] {strides = array<i32>} : memref<64x1024xf32, #tpu.memory_space<vmem>>, vector<1x16xf32>,
        %get3A_323 = vector.shape_cast %get3A_322 : vector<1x16xf32> to vector<16xf32>
        %add3A_324 = arith.addf %add3A_318, %get3A_323 : vector<16xf32>
        %get3A_325 = arith.constant 62 : i32
        %get3A_326 = arith.index_cast %get3A_325 : i32 to index
        %get3A_327 = arith.index_cast %add3A_283 : i32 to index
        %get3A_328 = tpu.vector_load %arg7[%get3A_326, %get3A_327] {strides = array<i32>} : memref<64x1024xf32, #tpu.memory_space<vmem>>, vector<1x16xf32>,
        %get3A_329 = vector.shape_cast %get3A_328 : vector<1x16xf32> to vector<16xf32>
        %add3A_330 = arith.addf %add3A_324, %get3A_329 : vector<16xf32>
        %swap3A_331 = arith.constant 6 : i32
        %swap3A_332 = arith.index_cast %swap3A_331 : i32 to index
        %swap3A_333 = arith.index_cast %add3A_283 : i32 to index
        %swap3A_334 = tpu.vector_load %arg8[%swap3A_332, %swap3A_333] {strides = array<i32>} : memref<8x1024xf32, #tpu.memory_space<vmem>>, vector<1x16xf32>,
        %swap3A_335 = vector.shape_cast %swap3A_334 : vector<1x16xf32> to vector<16xf32>
        %swap3A_336 = vector.shape_cast %add3A_330 : vector<16xf32> to vector<1x16xf32>
        tpu.vector_store %arg8[%swap3A_332, %swap3A_333], %swap3A_336 {add = true, strides = array<i32>} : memref<8x1024xf32, #tpu.memory_space<vmem>>, vector<1x16xf32>,
        %add3A_337 = arith.constant 32 : i32
        %add3A_338 = arith.addi %mul3A_228, %add3A_337 : i32
        %get3A_339 = arith.constant 6 : i32
        %get3A_340 = arith.index_cast %get3A_339 : i32 to index
        %get3A_341 = arith.index_cast %add3A_338 : i32 to index
        %get3A_342 = tpu.vector_load %arg7[%get3A_340, %get3A_341] {strides = array<i32>} : memref<64x1024xf32, #tpu.memory_space<vmem>>, vector<1x16xf32>,
        %get3A_343 = vector.shape_cast %get3A_342 : vector<1x16xf32> to vector<16xf32>
        %get3A_344 = arith.constant 14 : i32
        %get3A_345 = arith.index_cast %get3A_344 : i32 to index
        %get3A_346 = arith.index_cast %add3A_338 : i32 to index
        %get3A_347 = tpu.vector_load %arg7[%get3A_345, %get3A_346] {strides = array<i32>} : memref<64x1024xf32, #tpu.memory_space<vmem>>, vector<1x16xf32>,
        %get3A_348 = vector.shape_cast %get3A_347 : vector<1x16xf32> to vector<16xf32>
        %add3A_349 = arith.addf %get3A_343, %get3A_348 : vector<16xf32>
        %get3A_350 = arith.constant 22 : i32
        %get3A_351 = arith.index_cast %get3A_350 : i32 to index
        %get3A_352 = arith.index_cast %add3A_338 : i32 to index
        %get3A_353 = tpu.vector_load %arg7[%get3A_351, %get3A_352] {strides = array<i32>} : memref<64x1024xf32, #tpu.memory_space<vmem>>, vector<1x16xf32>,
        %get3A_354 = vector.shape_cast %get3A_353 : vector<1x16xf32> to vector<16xf32>
        %add3A_355 = arith.addf %add3A_349, %get3A_354 : vector<16xf32>
        %get3A_356 = arith.constant 30 : i32
        %get3A_357 = arith.index_cast %get3A_356 : i32 to index
        %get3A_358 = arith.index_cast %add3A_338 : i32 to index
        %get3A_359 = tpu.vector_load %arg7[%get3A_357, %get3A_358] {strides = array<i32>} : memref<64x1024xf32, #tpu.memory_space<vmem>>, vector<1x16xf32>,
        %get3A_360 = vector.shape_cast %get3A_359 : vector<1x16xf32> to vector<16xf32>
        %add3A_361 = arith.addf %add3A_355, %get3A_360 : vector<16xf32>
        %get3A_362 = arith.constant 38 : i32
        %get3A_363 = arith.index_cast %get3A_362 : i32 to index
        %get3A_364 = arith.index_cast %add3A_338 : i32 to index
        %get3A_365 = tpu.vector_load %arg7[%get3A_363, %get3A_364] {strides = array<i32>} : memref<64x1024xf32, #tpu.memory_space<vmem>>, vector<1x16xf32>,
        %get3A_366 = vector.shape_cast %get3A_365 : vector<1x16xf32> to vector<16xf32>
        %add3A_367 = arith.addf %add3A_361, %get3A_366 : vector<16xf32>
        %get3A_368 = arith.constant 46 : i32
        %get3A_369 = arith.index_cast %get3A_368 : i32 to index
        %get3A_370 = arith.index_cast %add3A_338 : i32 to index
        %get3A_371 = tpu.vector_load %arg7[%get3A_369, %get3A_370] {strides = array<i32>} : memref<64x1024xf32, #tpu.memory_space<vmem>>, vector<1x16xf32>,
        %get3A_372 = vector.shape_cast %get3A_371 : vector<1x16xf32> to vector<16xf32>
        %add3A_373 = arith.addf %add3A_367, %get3A_372 : vector<16xf32>
        %get3A_374 = arith.constant 54 : i32
        %get3A_375 = arith.index_cast %get3A_374 : i32 to index
        %get3A_376 = arith.index_cast %add3A_338 : i32 to index
        %get3A_377 = tpu.vector_load %arg7[%get3A_375, %get3A_376] {strides = array<i32>} : memref<64x1024xf32, #tpu.memory_space<vmem>>, vector<1x16xf32>,
        %get3A_378 = vector.shape_cast %get3A_377 : vector<1x16xf32> to vector<16xf32>
        %add3A_379 = arith.addf %add3A_373, %get3A_378 : vector<16xf32>
        %get3A_380 = arith.constant 62 : i32
        %get3A_381 = arith.index_cast %get3A_380 : i32 to index
        %get3A_382 = arith.index_cast %add3A_338 : i32 to index
        %get3A_383 = tpu.vector_load %arg7[%get3A_381, %get3A_382] {strides = array<i32>} : memref<64x1024xf32, #tpu.memory_space<vmem>>, vector<1x16xf32>,
        %get3A_384 = vector.shape_cast %get3A_383 : vector<1x16xf32> to vector<16xf32>
        %add3A_385 = arith.addf %add3A_379, %get3A_384 : vector<16xf32>
        %swap3A_386 = arith.constant 6 : i32
        %swap3A_387 = arith.index_cast %swap3A_386 : i32 to index
        %swap3A_388 = arith.index_cast %add3A_338 : i32 to index
        %swap3A_389 = tpu.vector_load %arg8[%swap3A_387, %swap3A_388] {strides = array<i32>} : memref<8x1024xf32, #tpu.memory_space<vmem>>, vector<1x16xf32>,
        %swap3A_390 = vector.shape_cast %swap3A_389 : vector<1x16xf32> to vector<16xf32>
        %swap3A_391 = vector.shape_cast %add3A_385 : vector<16xf32> to vector<1x16xf32>
        tpu.vector_store %arg8[%swap3A_387, %swap3A_388], %swap3A_391 {add = true, strides = array<i32>} : memref<8x1024xf32, #tpu.memory_space<vmem>>, vector<1x16xf32>,
        %add3A_392 = arith.constant 48 : i32
        %add3A_393 = arith.addi %mul3A_228, %add3A_392 : i32
        %get3A_394 = arith.constant 6 : i32
        %get3A_395 = arith.index_cast %get3A_394 : i32 to index
        %get3A_396 = arith.index_cast %add3A_393 : i32 to index
        %get3A_397 = tpu.vector_load %arg7[%get3A_395, %get3A_396] {strides = array<i32>} : memref<64x1024xf32, #tpu.memory_space<vmem>>, vector<1x16xf32>,
        %get3A_398 = vector.shape_cast %get3A_397 : vector<1x16xf32> to vector<16xf32>
        %get3A_399 = arith.constant 14 : i32
        %get3A_400 = arith.index_cast %get3A_399 : i32 to index
        %get3A_401 = arith.index_cast %add3A_393 : i32 to index
        %get3A_402 = tpu.vector_load %arg7[%get3A_400, %get3A_401] {strides = array<i32>} : memref<64x1024xf32, #tpu.memory_space<vmem>>, vector<1x16xf32>,
        %get3A_403 = vector.shape_cast %get3A_402 : vector<1x16xf32> to vector<16xf32>
        %add3A_404 = arith.addf %get3A_398, %get3A_403 : vector<16xf32>
        %get3A_405 = arith.constant 22 : i32
        %get3A_406 = arith.index_cast %get3A_405 : i32 to index
        %get3A_407 = arith.index_cast %add3A_393 : i32 to index
        %get3A_408 = tpu.vector_load %arg7[%get3A_406, %get3A_407] {strides = array<i32>} : memref<64x1024xf32, #tpu.memory_space<vmem>>, vector<1x16xf32>,
        %get3A_409 = vector.shape_cast %get3A_408 : vector<1x16xf32> to vector<16xf32>
        %add3A_410 = arith.addf %add3A_404, %get3A_409 : vector<16xf32>
        %get3A_411 = arith.constant 30 : i32
        %get3A_412 = arith.index_cast %get3A_411 : i32 to index
        %get3A_413 = arith.index_cast %add3A_393 : i32 to index
        %get3A_414 = tpu.vector_load %arg7[%get3A_412, %get3A_413] {strides = array<i32>} : memref<64x1024xf32, #tpu.memory_space<vmem>>, vector<1x16xf32>,
        %get3A_415 = vector.shape_cast %get3A_414 : vector<1x16xf32> to vector<16xf32>
        %add3A_416 = arith.addf %add3A_410, %get3A_415 : vector<16xf32>
        %get3A_417 = arith.constant 38 : i32
        %get3A_418 = arith.index_cast %get3A_417 : i32 to index
        %get3A_419 = arith.index_cast %add3A_393 : i32 to index
        %get3A_420 = tpu.vector_load %arg7[%get3A_418, %get3A_419] {strides = array<i32>} : memref<64x1024xf32, #tpu.memory_space<vmem>>, vector<1x16xf32>,
        %get3A_421 = vector.shape_cast %get3A_420 : vector<1x16xf32> to vector<16xf32>
        %add3A_422 = arith.addf %add3A_416, %get3A_421 : vector<16xf32>
        %get3A_423 = arith.constant 46 : i32
        %get3A_424 = arith.index_cast %get3A_423 : i32 to index
        %get3A_425 = arith.index_cast %add3A_393 : i32 to index
        %get3A_426 = tpu.vector_load %arg7[%get3A_424, %get3A_425] {strides = array<i32>} : memref<64x1024xf32, #tpu.memory_space<vmem>>, vector<1x16xf32>,
        %get3A_427 = vector.shape_cast %get3A_426 : vector<1x16xf32> to vector<16xf32>
        %add3A_428 = arith.addf %add3A_422, %get3A_427 : vector<16xf32>
        %get3A_429 = arith.constant 54 : i32
        %get3A_430 = arith.index_cast %get3A_429 : i32 to index
        %get3A_431 = arith.index_cast %add3A_393 : i32 to index
        %get3A_432 = tpu.vector_load %arg7[%get3A_430, %get3A_431] {strides = array<i32>} : memref<64x1024xf32, #tpu.memory_space<vmem>>, vector<1x16xf32>,
        %get3A_433 = vector.shape_cast %get3A_432 : vector<1x16xf32> to vector<16xf32>
        %add3A_434 = arith.addf %add3A_428, %get3A_433 : vector<16xf32>
        %get3A_435 = arith.constant 62 : i32
        %get3A_436 = arith.index_cast %get3A_435 : i32 to index
        %get3A_437 = arith.index_cast %add3A_393 : i32 to index
        %get3A_438 = tpu.vector_load %arg7[%get3A_436, %get3A_437] {strides = array<i32>} : memref<64x1024xf32, #tpu.memory_space<vmem>>, vector<1x16xf32>,
        %get3A_439 = vector.shape_cast %get3A_438 : vector<1x16xf32> to vector<16xf32>
        %add3A_440 = arith.addf %add3A_434, %get3A_439 : vector<16xf32>
        %swap3A_441 = arith.constant 6 : i32
        %swap3A_442 = arith.index_cast %swap3A_441 : i32 to index
        %swap3A_443 = arith.index_cast %add3A_393 : i32 to index
        %swap3A_444 = tpu.vector_load %arg8[%swap3A_442, %swap3A_443] {strides = array<i32>} : memref<8x1024xf32, #tpu.memory_space<vmem>>, vector<1x16xf32>,
        %swap3A_445 = vector.shape_cast %swap3A_444 : vector<1x16xf32> to vector<16xf32>
        %swap3A_446 = vector.shape_cast %add3A_440 : vector<16xf32> to vector<1x16xf32>
        tpu.vector_store %arg8[%swap3A_442, %swap3A_443], %swap3A_446 {add = true, strides = array<i32>} : memref<8x1024xf32, #tpu.memory_space<vmem>>, vector<1x16xf32>,
      }
      %scan3A_219 = arith.constant 16 : i32
      %scan3A_220 = arith.constant 0 : i32
      %scan3A_221 = arith.constant 0 : i32
      %scan3A_222 = arith.constant 16 : i32
      %scan3A_223 = arith.addi %scan3A_221, %scan3A_222 : i32
      %scan3A_224 = arith.constant 1 : i32
      scf.for %scan3A_226 = %scan3A_221 to %scan3A_223 step %scan3A_224  : i32 {
        %mul3A_227 = arith.constant 64 : i32
        %mul3A_228 = arith.muli %scan3A_226, %mul3A_227 : i32
        %add3A_229 = arith.constant 0 : i32
        %add3A_230 = arith.addi %mul3A_228, %add3A_229 : i32
        %get3A = arith.constant 7 : i32
        %get3A_231 = arith.index_cast %get3A : i32 to index
        %get3A_232 = arith.index_cast %add3A_230 : i32 to index
        %get3A_233 = tpu.vector_load %arg7[%get3A_231, %get3A_232] {strides = array<i32>} : memref<64x1024xf32, #tpu.memory_space<vmem>>, vector<1x16xf32>,
        %get3A_234 = vector.shape_cast %get3A_233 : vector<1x16xf32> to vector<16xf32>
        %get3A_235 = arith.constant 15 : i32
        %get3A_236 = arith.index_cast %get3A_235 : i32 to index
        %get3A_237 = arith.index_cast %add3A_230 : i32 to index
        %get3A_238 = tpu.vector_load %arg7[%get3A_236, %get3A_237] {strides = array<i32>} : memref<64x1024xf32, #tpu.memory_space<vmem>>, vector<1x16xf32>,
        %get3A_239 = vector.shape_cast %get3A_238 : vector<1x16xf32> to vector<16xf32>
        %add3A_240 = arith.addf %get3A_234, %get3A_239 : vector<16xf32>
        %get3A_241 = arith.constant 23 : i32
        %get3A_242 = arith.index_cast %get3A_241 : i32 to index
        %get3A_243 = arith.index_cast %add3A_230 : i32 to index
        %get3A_244 = tpu.vector_load %arg7[%get3A_242, %get3A_243] {strides = array<i32>} : memref<64x1024xf32, #tpu.memory_space<vmem>>, vector<1x16xf32>,
        %get3A_245 = vector.shape_cast %get3A_244 : vector<1x16xf32> to vector<16xf32>
        %add3A_246 = arith.addf %add3A_240, %get3A_245 : vector<16xf32>
        %get3A_247 = arith.constant 31 : i32
        %get3A_248 = arith.index_cast %get3A_247 : i32 to index
        %get3A_249 = arith.index_cast %add3A_230 : i32 to index
        %get3A_250 = tpu.vector_load %arg7[%get3A_248, %get3A_249] {strides = array<i32>} : memref<64x1024xf32, #tpu.memory_space<vmem>>, vector<1x16xf32>,
        %get3A_251 = vector.shape_cast %get3A_250 : vector<1x16xf32> to vector<16xf32>
        %add3A_252 = arith.addf %add3A_246, %get3A_251 : vector<16xf32>
        %get3A_253 = arith.constant 39 : i32
        %get3A_254 = arith.index_cast %get3A_253 : i32 to index
        %get3A_255 = arith.index_cast %add3A_230 : i32 to index
        %get3A_256 = tpu.vector_load %arg7[%get3A_254, %get3A_255] {strides = array<i32>} : memref<64x1024xf32, #tpu.memory_space<vmem>>, vector<1x16xf32>,
        %get3A_257 = vector.shape_cast %get3A_256 : vector<1x16xf32> to vector<16xf32>
        %add3A_258 = arith.addf %add3A_252, %get3A_257 : vector<16xf32>
        %get3A_259 = arith.constant 47 : i32
        %get3A_260 = arith.index_cast %get3A_259 : i32 to index
        %get3A_261 = arith.index_cast %add3A_230 : i32 to index
        %get3A_262 = tpu.vector_load %arg7[%get3A_260, %get3A_261] {strides = array<i32>} : memref<64x1024xf32, #tpu.memory_space<vmem>>, vector<1x16xf32>,
        %get3A_263 = vector.shape_cast %get3A_262 : vector<1x16xf32> to vector<16xf32>
        %add3A_264 = arith.addf %add3A_258, %get3A_263 : vector<16xf32>
        %get3A_265 = arith.constant 55 : i32
        %get3A_266 = arith.index_cast %get3A_265 : i32 to index
        %get3A_267 = arith.index_cast %add3A_230 : i32 to index
        %get3A_268 = tpu.vector_load %arg7[%get3A_266, %get3A_267] {strides = array<i32>} : memref<64x1024xf32, #tpu.memory_space<vmem>>, vector<1x16xf32>,
        %get3A_269 = vector.shape_cast %get3A_268 : vector<1x16xf32> to vector<16xf32>
        %add3A_270 = arith.addf %add3A_264, %get3A_269 : vector<16xf32>
        %get3A_271 = arith.constant 63 : i32
        %get3A_272 = arith.index_cast %get3A_271 : i32 to index
        %get3A_273 = arith.index_cast %add3A_230 : i32 to index
        %get3A_274 = tpu.vector_load %arg7[%get3A_272, %get3A_273] {strides = array<i32>} : memref<64x1024xf32, #tpu.memory_space<vmem>>, vector<1x16xf32>,
        %get3A_275 = vector.shape_cast %get3A_274 : vector<1x16xf32> to vector<16xf32>
        %add3A_276 = arith.addf %add3A_270, %get3A_275 : vector<16xf32>
        %swap3A = arith.constant 7 : i32
        %swap3A_277 = arith.index_cast %swap3A : i32 to index
        %swap3A_278 = arith.index_cast %add3A_230 : i32 to index
        %swap3A_279 = tpu.vector_load %arg8[%swap3A_277, %swap3A_278] {strides = array<i32>} : memref<8x1024xf32, #tpu.memory_space<vmem>>, vector<1x16xf32>,
        %swap3A_280 = vector.shape_cast %swap3A_279 : vector<1x16xf32> to vector<16xf32>
        %swap3A_281 = vector.shape_cast %add3A_276 : vector<16xf32> to vector<1x16xf32>
        tpu.vector_store %arg8[%swap3A_277, %swap3A_278], %swap3A_281 {add = true, strides = array<i32>} : memref<8x1024xf32, #tpu.memory_space<vmem>>, vector<1x16xf32>,
        %add3A_282 = arith.constant 16 : i32
        %add3A_283 = arith.addi %mul3A_228, %add3A_282 : i32
        %get3A_284 = arith.constant 7 : i32
        %get3A_285 = arith.index_cast %get3A_284 : i32 to index
        %get3A_286 = arith.index_cast %add3A_283 : i32 to index
        %get3A_287 = tpu.vector_load %arg7[%get3A_285, %get3A_286] {strides = array<i32>} : memref<64x1024xf32, #tpu.memory_space<vmem>>, vector<1x16xf32>,
        %get3A_288 = vector.shape_cast %get3A_287 : vector<1x16xf32> to vector<16xf32>
        %get3A_289 = arith.constant 15 : i32
        %get3A_290 = arith.index_cast %get3A_289 : i32 to index
        %get3A_291 = arith.index_cast %add3A_283 : i32 to index
        %get3A_292 = tpu.vector_load %arg7[%get3A_290, %get3A_291] {strides = array<i32>} : memref<64x1024xf32, #tpu.memory_space<vmem>>, vector<1x16xf32>,
        %get3A_293 = vector.shape_cast %get3A_292 : vector<1x16xf32> to vector<16xf32>
        %add3A_294 = arith.addf %get3A_288, %get3A_293 : vector<16xf32>
        %get3A_295 = arith.constant 23 : i32
        %get3A_296 = arith.index_cast %get3A_295 : i32 to index
        %get3A_297 = arith.index_cast %add3A_283 : i32 to index
        %get3A_298 = tpu.vector_load %arg7[%get3A_296, %get3A_297] {strides = array<i32>} : memref<64x1024xf32, #tpu.memory_space<vmem>>, vector<1x16xf32>,
        %get3A_299 = vector.shape_cast %get3A_298 : vector<1x16xf32> to vector<16xf32>
        %add3A_300 = arith.addf %add3A_294, %get3A_299 : vector<16xf32>
        %get3A_301 = arith.constant 31 : i32
        %get3A_302 = arith.index_cast %get3A_301 : i32 to index
        %get3A_303 = arith.index_cast %add3A_283 : i32 to index
        %get3A_304 = tpu.vector_load %arg7[%get3A_302, %get3A_303] {strides = array<i32>} : memref<64x1024xf32, #tpu.memory_space<vmem>>, vector<1x16xf32>,
        %get3A_305 = vector.shape_cast %get3A_304 : vector<1x16xf32> to vector<16xf32>
        %add3A_306 = arith.addf %add3A_300, %get3A_305 : vector<16xf32>
        %get3A_307 = arith.constant 39 : i32
        %get3A_308 = arith.index_cast %get3A_307 : i32 to index
        %get3A_309 = arith.index_cast %add3A_283 : i32 to index
        %get3A_310 = tpu.vector_load %arg7[%get3A_308, %get3A_309] {strides = array<i32>} : memref<64x1024xf32, #tpu.memory_space<vmem>>, vector<1x16xf32>,
        %get3A_311 = vector.shape_cast %get3A_310 : vector<1x16xf32> to vector<16xf32>
        %add3A_312 = arith.addf %add3A_306, %get3A_311 : vector<16xf32>
        %get3A_313 = arith.constant 47 : i32
        %get3A_314 = arith.index_cast %get3A_313 : i32 to index
        %get3A_315 = arith.index_cast %add3A_283 : i32 to index
        %get3A_316 = tpu.vector_load %arg7[%get3A_314, %get3A_315] {strides = array<i32>} : memref<64x1024xf32, #tpu.memory_space<vmem>>, vector<1x16xf32>,
        %get3A_317 = vector.shape_cast %get3A_316 : vector<1x16xf32> to vector<16xf32>
        %add3A_318 = arith.addf %add3A_312, %get3A_317 : vector<16xf32>
        %get3A_319 = arith.constant 55 : i32
        %get3A_320 = arith.index_cast %get3A_319 : i32 to index
        %get3A_321 = arith.index_cast %add3A_283 : i32 to index
        %get3A_322 = tpu.vector_load %arg7[%get3A_320, %get3A_321] {strides = array<i32>} : memref<64x1024xf32, #tpu.memory_space<vmem>>, vector<1x16xf32>,
        %get3A_323 = vector.shape_cast %get3A_322 : vector<1x16xf32> to vector<16xf32>
        %add3A_324 = arith.addf %add3A_318, %get3A_323 : vector<16xf32>
        %get3A_325 = arith.constant 63 : i32
        %get3A_326 = arith.index_cast %get3A_325 : i32 to index
        %get3A_327 = arith.index_cast %add3A_283 : i32 to index
        %get3A_328 = tpu.vector_load %arg7[%get3A_326, %get3A_327] {strides = array<i32>} : memref<64x1024xf32, #tpu.memory_space<vmem>>, vector<1x16xf32>,
        %get3A_329 = vector.shape_cast %get3A_328 : vector<1x16xf32> to vector<16xf32>
        %add3A_330 = arith.addf %add3A_324, %get3A_329 : vector<16xf32>
        %swap3A_331 = arith.constant 7 : i32
        %swap3A_332 = arith.index_cast %swap3A_331 : i32 to index
        %swap3A_333 = arith.index_cast %add3A_283 : i32 to index
        %swap3A_334 = tpu.vector_load %arg8[%swap3A_332, %swap3A_333] {strides = array<i32>} : memref<8x1024xf32, #tpu.memory_space<vmem>>, vector<1x16xf32>,
        %swap3A_335 = vector.shape_cast %swap3A_334 : vector<1x16xf32> to vector<16xf32>
        %swap3A_336 = vector.shape_cast %add3A_330 : vector<16xf32> to vector<1x16xf32>
        tpu.vector_store %arg8[%swap3A_332, %swap3A_333], %swap3A_336 {add = true, strides = array<i32>} : memref<8x1024xf32, #tpu.memory_space<vmem>>, vector<1x16xf32>,
        %add3A_337 = arith.constant 32 : i32
        %add3A_338 = arith.addi %mul3A_228, %add3A_337 : i32
        %get3A_339 = arith.constant 7 : i32
        %get3A_340 = arith.index_cast %get3A_339 : i32 to index
        %get3A_341 = arith.index_cast %add3A_338 : i32 to index
        %get3A_342 = tpu.vector_load %arg7[%get3A_340, %get3A_341] {strides = array<i32>} : memref<64x1024xf32, #tpu.memory_space<vmem>>, vector<1x16xf32>,
        %get3A_343 = vector.shape_cast %get3A_342 : vector<1x16xf32> to vector<16xf32>
        %get3A_344 = arith.constant 15 : i32
        %get3A_345 = arith.index_cast %get3A_344 : i32 to index
        %get3A_346 = arith.index_cast %add3A_338 : i32 to index
        %get3A_347 = tpu.vector_load %arg7[%get3A_345, %get3A_346] {strides = array<i32>} : memref<64x1024xf32, #tpu.memory_space<vmem>>, vector<1x16xf32>,
        %get3A_348 = vector.shape_cast %get3A_347 : vector<1x16xf32> to vector<16xf32>
        %add3A_349 = arith.addf %get3A_343, %get3A_348 : vector<16xf32>
        %get3A_350 = arith.constant 23 : i32
        %get3A_351 = arith.index_cast %get3A_350 : i32 to index
        %get3A_352 = arith.index_cast %add3A_338 : i32 to index
        %get3A_353 = tpu.vector_load %arg7[%get3A_351, %get3A_352] {strides = array<i32>} : memref<64x1024xf32, #tpu.memory_space<vmem>>, vector<1x16xf32>,
        %get3A_354 = vector.shape_cast %get3A_353 : vector<1x16xf32> to vector<16xf32>
        %add3A_355 = arith.addf %add3A_349, %get3A_354 : vector<16xf32>
        %get3A_356 = arith.constant 31 : i32
        %get3A_357 = arith.index_cast %get3A_356 : i32 to index
        %get3A_358 = arith.index_cast %add3A_338 : i32 to index
        %get3A_359 = tpu.vector_load %arg7[%get3A_357, %get3A_358] {strides = array<i32>} : memref<64x1024xf32, #tpu.memory_space<vmem>>, vector<1x16xf32>,
        %get3A_360 = vector.shape_cast %get3A_359 : vector<1x16xf32> to vector<16xf32>
        %add3A_361 = arith.addf %add3A_355, %get3A_360 : vector<16xf32>
        %get3A_362 = arith.constant 39 : i32
        %get3A_363 = arith.index_cast %get3A_362 : i32 to index
        %get3A_364 = arith.index_cast %add3A_338 : i32 to index
        %get3A_365 = tpu.vector_load %arg7[%get3A_363, %get3A_364] {strides = array<i32>} : memref<64x1024xf32, #tpu.memory_space<vmem>>, vector<1x16xf32>,
        %get3A_366 = vector.shape_cast %get3A_365 : vector<1x16xf32> to vector<16xf32>
        %add3A_367 = arith.addf %add3A_361, %get3A_366 : vector<16xf32>
        %get3A_368 = arith.constant 47 : i32
        %get3A_369 = arith.index_cast %get3A_368 : i32 to index
        %get3A_370 = arith.index_cast %add3A_338 : i32 to index
        %get3A_371 = tpu.vector_load %arg7[%get3A_369, %get3A_370] {strides = array<i32>} : memref<64x1024xf32, #tpu.memory_space<vmem>>, vector<1x16xf32>,
        %get3A_372 = vector.shape_cast %get3A_371 : vector<1x16xf32> to vector<16xf32>
        %add3A_373 = arith.addf %add3A_367, %get3A_372 : vector<16xf32>
        %get3A_374 = arith.constant 55 : i32
        %get3A_375 = arith.index_cast %get3A_374 : i32 to index
        %get3A_376 = arith.index_cast %add3A_338 : i32 to index
        %get3A_377 = tpu.vector_load %arg7[%get3A_375, %get3A_376] {strides = array<i32>} : memref<64x1024xf32, #tpu.memory_space<vmem>>, vector<1x16xf32>,
        %get3A_378 = vector.shape_cast %get3A_377 : vector<1x16xf32> to vector<16xf32>
        %add3A_379 = arith.addf %add3A_373, %get3A_378 : vector<16xf32>
        %get3A_380 = arith.constant 63 : i32
        %get3A_381 = arith.index_cast %get3A_380 : i32 to index
        %get3A_382 = arith.index_cast %add3A_338 : i32 to index
        %get3A_383 = tpu.vector_load %arg7[%get3A_381, %get3A_382] {strides = array<i32>} : memref<64x1024xf32, #tpu.memory_space<vmem>>, vector<1x16xf32>,
        %get3A_384 = vector.shape_cast %get3A_383 : vector<1x16xf32> to vector<16xf32>
        %add3A_385 = arith.addf %add3A_379, %get3A_384 : vector<16xf32>
        %swap3A_386 = arith.constant 7 : i32
        %swap3A_387 = arith.index_cast %swap3A_386 : i32 to index
        %swap3A_388 = arith.index_cast %add3A_338 : i32 to index
        %swap3A_389 = tpu.vector_load %arg8[%swap3A_387, %swap3A_388] {strides = array<i32>} : memref<8x1024xf32, #tpu.memory_space<vmem>>, vector<1x16xf32>,
        %swap3A_390 = vector.shape_cast %swap3A_389 : vector<1x16xf32> to vector<16xf32>
        %swap3A_391 = vector.shape_cast %add3A_385 : vector<16xf32> to vector<1x16xf32>
        tpu.vector_store %arg8[%swap3A_387, %swap3A_388], %swap3A_391 {add = true, strides = array<i32>} : memref<8x1024xf32, #tpu.memory_space<vmem>>, vector<1x16xf32>,
        %add3A_392 = arith.constant 48 : i32
        %add3A_393 = arith.addi %mul3A_228, %add3A_392 : i32
        %get3A_394 = arith.constant 7 : i32
        %get3A_395 = arith.index_cast %get3A_394 : i32 to index
        %get3A_396 = arith.index_cast %add3A_393 : i32 to index
        %get3A_397 = tpu.vector_load %arg7[%get3A_395, %get3A_396] {strides = array<i32>} : memref<64x1024xf32, #tpu.memory_space<vmem>>, vector<1x16xf32>,
        %get3A_398 = vector.shape_cast %get3A_397 : vector<1x16xf32> to vector<16xf32>
        %get3A_399 = arith.constant 15 : i32
        %get3A_400 = arith.index_cast %get3A_399 : i32 to index
        %get3A_401 = arith.index_cast %add3A_393 : i32 to index
        %get3A_402 = tpu.vector_load %arg7[%get3A_400, %get3A_401] {strides = array<i32>} : memref<64x1024xf32, #tpu.memory_space<vmem>>, vector<1x16xf32>,
        %get3A_403 = vector.shape_cast %get3A_402 : vector<1x16xf32> to vector<16xf32>
        %add3A_404 = arith.addf %get3A_398, %get3A_403 : vector<16xf32>
        %get3A_405 = arith.constant 23 : i32
        %get3A_406 = arith.index_cast %get3A_405 : i32 to index
        %get3A_407 = arith.index_cast %add3A_393 : i32 to index
        %get3A_408 = tpu.vector_load %arg7[%get3A_406, %get3A_407] {strides = array<i32>} : memref<64x1024xf32, #tpu.memory_space<vmem>>, vector<1x16xf32>,
        %get3A_409 = vector.shape_cast %get3A_408 : vector<1x16xf32> to vector<16xf32>
        %add3A_410 = arith.addf %add3A_404, %get3A_409 : vector<16xf32>
        %get3A_411 = arith.constant 31 : i32
        %get3A_412 = arith.index_cast %get3A_411 : i32 to index
        %get3A_413 = arith.index_cast %add3A_393 : i32 to index
        %get3A_414 = tpu.vector_load %arg7[%get3A_412, %get3A_413] {strides = array<i32>} : memref<64x1024xf32, #tpu.memory_space<vmem>>, vector<1x16xf32>,
        %get3A_415 = vector.shape_cast %get3A_414 : vector<1x16xf32> to vector<16xf32>
        %add3A_416 = arith.addf %add3A_410, %get3A_415 : vector<16xf32>
        %get3A_417 = arith.constant 39 : i32
        %get3A_418 = arith.index_cast %get3A_417 : i32 to index
        %get3A_419 = arith.index_cast %add3A_393 : i32 to index
        %get3A_420 = tpu.vector_load %arg7[%get3A_418, %get3A_419] {strides = array<i32>} : memref<64x1024xf32, #tpu.memory_space<vmem>>, vector<1x16xf32>,
        %get3A_421 = vector.shape_cast %get3A_420 : vector<1x16xf32> to vector<16xf32>
        %add3A_422 = arith.addf %add3A_416, %get3A_421 : vector<16xf32>
        %get3A_423 = arith.constant 47 : i32
        %get3A_424 = arith.index_cast %get3A_423 : i32 to index
        %get3A_425 = arith.index_cast %add3A_393 : i32 to index
        %get3A_426 = tpu.vector_load %arg7[%get3A_424, %get3A_425] {strides = array<i32>} : memref<64x1024xf32, #tpu.memory_space<vmem>>, vector<1x16xf32>,
        %get3A_427 = vector.shape_cast %get3A_426 : vector<1x16xf32> to vector<16xf32>
        %add3A_428 = arith.addf %add3A_422, %get3A_427 : vector<16xf32>
        %get3A_429 = arith.constant 55 : i32
        %get3A_430 = arith.index_cast %get3A_429 : i32 to index
        %get3A_431 = arith.index_cast %add3A_393 : i32 to index
        %get3A_432 = tpu.vector_load %arg7[%get3A_430, %get3A_431] {strides = array<i32>} : memref<64x1024xf32, #tpu.memory_space<vmem>>, vector<1x16xf32>,
        %get3A_433 = vector.shape_cast %get3A_432 : vector<1x16xf32> to vector<16xf32>
        %add3A_434 = arith.addf %add3A_428, %get3A_433 : vector<16xf32>
        %get3A_435 = arith.constant 63 : i32
        %get3A_436 = arith.index_cast %get3A_435 : i32 to index
        %get3A_437 = arith.index_cast %add3A_393 : i32 to index
        %get3A_438 = tpu.vector_load %arg7[%get3A_436, %get3A_437] {strides = array<i32>} : memref<64x1024xf32, #tpu.memory_space<vmem>>, vector<1x16xf32>,
        %get3A_439 = vector.shape_cast %get3A_438 : vector<1x16xf32> to vector<16xf32>
        %add3A_440 = arith.addf %add3A_434, %get3A_439 : vector<16xf32>
        %swap3A_441 = arith.constant 7 : i32
        %swap3A_442 = arith.index_cast %swap3A_441 : i32 to index
        %swap3A_443 = arith.index_cast %add3A_393 : i32 to index
        %swap3A_444 = tpu.vector_load %arg8[%swap3A_442, %swap3A_443] {strides = array<i32>} : memref<8x1024xf32, #tpu.memory_space<vmem>>, vector<1x16xf32>,
        %swap3A_445 = vector.shape_cast %swap3A_444 : vector<1x16xf32> to vector<16xf32>
        %swap3A_446 = vector.shape_cast %add3A_440 : vector<16xf32> to vector<1x16xf32>
        tpu.vector_store %arg8[%swap3A_442, %swap3A_443], %swap3A_446 {add = true, strides = array<i32>} : memref<8x1024xf32, #tpu.memory_space<vmem>>, vector<1x16xf32>,
      }
      %scan3A_225 = arith.constant 16 : i32
      "tpu.region"() ({
        %run_scoped3A = tpu.sem_alloc : memref<!tpu.dma_semaphore, #tpu.memory_space<semaphore_mem>>
        %dma_start3A_226 = arith.constant 0 : i32
        %dma_start3A_227 = tpu.memref_slice %arg5[%add3A_27, %dma_start3A_226] : memref<8192x1024xf32, #tpu.memory_space<hbm>> -> memref<8x1024xf32, #tpu.memory_space<hbm>>
        %dma_start3A_228 = arith.constant 0 : i32
        %dma_start3A_229 = tpu.memref_slice %arg5[%add3A_27, %dma_start3A_228] : memref<8192x1024xf32, #tpu.memory_space<hbm>> -> memref<8x1024xf32, #tpu.memory_space<hbm>>
        tpu.enqueue_dma source(%arg8 : memref<8x1024xf32, #tpu.memory_space<vmem>>) target(%dma_start3A_229 : memref<8x1024xf32, #tpu.memory_space<hbm>>) target_semaphore(%run_scoped3A : memref<!tpu.dma_semaphore, #tpu.memory_space<semaphore_mem>>)
        %dma_wait3A_230 = arith.constant 0 : i32
        %dma_wait3A_231 = tpu.memref_slice %arg5[%add3A_27, %dma_wait3A_230] : memref<8192x1024xf32, #tpu.memory_space<hbm>> -> memref<8x1024xf32, #tpu.memory_space<hbm>>
        %dma_wait3A_232 = arith.constant 0 : i32
        %dma_wait3A_233 = tpu.memref_slice %arg5[%add3A_27, %dma_wait3A_232] : memref<8192x1024xf32, #tpu.memory_space<hbm>> -> memref<8x1024xf32, #tpu.memory_space<hbm>>
        tpu.wait_dma2 semaphore(%run_scoped3A : memref<!tpu.dma_semaphore, #tpu.memory_space<semaphore_mem>>) src(%arg8 : memref<8x1024xf32, #tpu.memory_space<vmem>>) dst(%dma_wait3A_233 : memref<8x1024xf32, #tpu.memory_space<hbm>>)
        tpu.yield
      }) : () -> ()
    }
    %scan3A_23 = arith.constant 32 : i32
    return
  }
}

module attributes {stable_mosaic.version = 14 : i64} {
  func.func @_main_body(%arg0: i32, %arg1: memref<1024x1024xf32, #tpu.memory_space<vmem>>, %arg2: memref<1024x1xf32, #tpu.memory_space<vmem>>, %arg3: memref<64x1024xf32, #tpu.memory_space<vmem>>, %arg4: memref<1024x1024xbf16, #tpu.memory_space<vmem>>, %arg5: memref<1x1024xf32, #tpu.memory_space<vmem>>, %arg6: memref<1024x1024xf32, #tpu.memory_space<vmem>>, %arg7: memref<8x1024xi32, #tpu.memory_space<vmem>>, %arg8: memref<1x1xf32, #tpu.memory_space<vmem>>, %arg9: memref<1xf32, #tpu.memory_space<smem>>) attributes {dimension_semantics = [#tpu.dimension_semantics<arbitrary>], iteration_bounds = array<i64: 8>, scalar_prefetch = 0 : i64, scratch_operands = 1 : i64, tpu.core_type = #tpu.core_type<tc>, window_params = [{transform_indices = @transform_0, window_bounds = array<i64: 1024, 1024>}, {transform_indices = @transform_1, window_bounds = array<i64: 1024, 1>}, {pipeline_mode = #tpu.pipeline_mode<synchronous>, transform_indices = @transform_2, window_bounds = array<i64: 64, 1024>}, {pipeline_mode = #tpu.pipeline_mode<synchronous>, transform_indices = @transform_3, window_bounds = array<i64: 1024, 1024>}, {pipeline_mode = #tpu.pipeline_mode<synchronous>, transform_indices = @transform_4, window_bounds = array<i64: 1, 1024>}, {transform_indices = @transform_5, window_bounds = array<i64: 1024, 1024>}, {transform_indices = @transform_6, window_bounds = array<i64: 8, 1024>}, {pipeline_mode = #tpu.pipeline_mode<synchronous>, transform_indices = @transform_7, window_bounds = array<i64: 1, 1>}]} {
    %get3A = arith.constant 0 : index
    %get3A_0 = arith.constant 0 : index
    %get3A_1 = vector.load %arg1[%get3A, %get3A_0] : memref<1024x1024xf32, #tpu.memory_space<vmem>>, vector<1024x1024xf32>
    %get3A_2 = arith.constant 0 : index
    %get3A_3 = arith.constant 0 : index
    %get3A_4 = vector.load %arg3[%get3A_2, %get3A_3] : memref<64x1024xf32, #tpu.memory_space<vmem>>, vector<64x1024xf32>
    %dot_general3A = arith.constant dense<0.000000e+00> : vector<1024x64xf32>
    %dot_general3A_5 = tpu.matmul %get3A_1, %get3A_4, %dot_general3A {dimension_numbers = #tpu.dot_dimension_numbers<[1], [1], [0], [0], [0, 0, 1, 0], [], []>, transpose_lhs_hint = false} : vector<1024x1024xf32>, vector<64x1024xf32>, vector<1024x64xf32> -> vector<1024x64xf32>
    %convert_element_type3A = arith.truncf %get3A_1 : vector<1024x1024xf32> to vector<1024x1024xbf16>
    %get3A_6 = arith.constant 0 : index
    %get3A_7 = arith.constant 0 : index
    %get3A_8 = vector.load %arg4[%get3A_6, %get3A_7] : memref<1024x1024xbf16, #tpu.memory_space<vmem>>, vector<1024x1024xbf16>
    %dot_general3A_9 = arith.constant dense<0.000000e+00> : vector<1024x1024xf32>
    %dot_general3A_10 = tpu.matmul %convert_element_type3A, %get3A_8, %dot_general3A_9 {dimension_numbers = #tpu.dot_dimension_numbers<[1], [1], [0], [0], [0, 0, 1, 0], [], []>, transpose_lhs_hint = false} : vector<1024x1024xbf16>, vector<1024x1024xbf16>, vector<1024x1024xf32> -> vector<1024x1024xf32>
    %iota3A = tpu.iota {dimensions = array<i32: 1>} : vector<1024x64xi32>
    %convert_element_type3A_11 = arith.sitofp %iota3A : vector<1024x64xi32> to vector<1024x64xf32>
    %broadcast_in_dim3A = arith.constant 0.000000e+00 : f32
    %broadcast_in_dim3A_12 = vector.broadcast %broadcast_in_dim3A : f32 to vector<1024x1xf32>
    %reduce_max3A = arith.constant dense<0xFF800000> : vector<1024xf32>
    %reduce_max3A_13 = vector.multi_reduction <maximumf>, %dot_general3A_5, %reduce_max3A [1] : vector<1024x64xf32> to vector<1024xf32>
    %broadcast_in_dim3A_14 = vector.shape_cast %reduce_max3A_13 : vector<1024xf32> to vector<1024x1xf32>
    %eq3A = vector.broadcast %broadcast_in_dim3A_14 : vector<1024x1xf32> to vector<1024x64xf32>
    %eq3A_15 = arith.cmpf oeq, %dot_general3A_5, %eq3A : vector<1024x64xf32>
    %jit3A = arith.constant 6.400000e+01 : f32
    %broadcast_in_dim3A_16 = vector.broadcast %jit3A : f32 to vector<1024x64xf32>
    %select_n3A = arith.select %eq3A_15, %convert_element_type3A_11, %broadcast_in_dim3A_16 : vector<1024x64xi1>, vector<1024x64xf32>
    %reduce_min3A = arith.constant dense<0x7F800000> : vector<1024xf32>
    %reduce_min3A_17 = vector.multi_reduction <minimumf>, %select_n3A, %reduce_min3A [1] : vector<1024x64xf32> to vector<1024xf32>
    %broadcast_in_dim3A_18 = vector.shape_cast %reduce_min3A_17 : vector<1024xf32> to vector<1024x1xf32>
    %eq3A_19 = vector.broadcast %broadcast_in_dim3A_18 : vector<1024x1xf32> to vector<1024x64xf32>
    %eq3A_20 = arith.cmpf oeq, %convert_element_type3A_11, %eq3A_19 : vector<1024x64xf32>
    %jit3A_21 = arith.constant 0xFF800000 : f32
    %broadcast_in_dim3A_22 = vector.broadcast %jit3A_21 : f32 to vector<1024x64xf32>
    %select_n3A_23 = arith.select %eq3A_20, %broadcast_in_dim3A_22, %dot_general3A_5 : vector<1024x64xi1>, vector<1024x64xf32>
    %add3A = arith.addf %broadcast_in_dim3A_12, %broadcast_in_dim3A_14 : vector<1024x1xf32>
    %squeeze3A = vector.shape_cast %broadcast_in_dim3A_18 : vector<1024x1xf32> to vector<1024xf32>
    %add3A_24 = arith.constant 0.000000e+00 : f32
    %add3A_25 = vector.broadcast %add3A_24 : f32 to vector<1024xf32>
    %add3A_26 = arith.addf %squeeze3A, %add3A_25 : vector<1024xf32>
    %convert_element_type3A_27 = arith.fptosi %add3A_26 : vector<1024xf32> to vector<1024xi32>
    %swap3A = arith.constant 0 : index
    %swap3A_28 = arith.constant 0 : index
    %swap3A_29 = vector.load %arg7[%swap3A, %swap3A_28] : memref<8x1024xi32, #tpu.memory_space<vmem>>, vector<1x1024xi32>
    %swap3A_30 = vector.shape_cast %swap3A_29 : vector<1x1024xi32> to vector<1024xi32>
    %swap3A_31 = vector.shape_cast %convert_element_type3A_27 : vector<1024xi32> to vector<1x1024xi32>
    tpu.vector_store %arg7[%swap3A, %swap3A_28], %swap3A_31 {strides = array<i32>} : memref<8x1024xi32, #tpu.memory_space<vmem>>, vector<1x1024xi32>,
    %reduce_max3A_32 = arith.constant dense<0xFF800000> : vector<1024xf32>
    %reduce_max3A_33 = vector.multi_reduction <maximumf>, %select_n3A_23, %reduce_max3A_32 [1] : vector<1024x64xf32> to vector<1024xf32>
    %broadcast_in_dim3A_34 = vector.shape_cast %reduce_max3A_33 : vector<1024xf32> to vector<1024x1xf32>
    %eq3A_35 = vector.broadcast %broadcast_in_dim3A_34 : vector<1024x1xf32> to vector<1024x64xf32>
    %eq3A_36 = arith.cmpf oeq, %select_n3A_23, %eq3A_35 : vector<1024x64xf32>
    %jit3A_37 = arith.constant 6.400000e+01 : f32
    %broadcast_in_dim3A_38 = vector.broadcast %jit3A_37 : f32 to vector<1024x64xf32>
    %select_n3A_39 = arith.select %eq3A_36, %convert_element_type3A_11, %broadcast_in_dim3A_38 : vector<1024x64xi1>, vector<1024x64xf32>
    %reduce_min3A_40 = arith.constant dense<0x7F800000> : vector<1024xf32>
    %reduce_min3A_41 = vector.multi_reduction <minimumf>, %select_n3A_39, %reduce_min3A_40 [1] : vector<1024x64xf32> to vector<1024xf32>
    %broadcast_in_dim3A_42 = vector.shape_cast %reduce_min3A_41 : vector<1024xf32> to vector<1024x1xf32>
    %eq3A_43 = vector.broadcast %broadcast_in_dim3A_42 : vector<1024x1xf32> to vector<1024x64xf32>
    %eq3A_44 = arith.cmpf oeq, %convert_element_type3A_11, %eq3A_43 : vector<1024x64xf32>
    %jit3A_45 = arith.constant 0xFF800000 : f32
    %broadcast_in_dim3A_46 = vector.broadcast %jit3A_45 : f32 to vector<1024x64xf32>
    %select_n3A_47 = arith.select %eq3A_44, %broadcast_in_dim3A_46, %select_n3A_23 : vector<1024x64xi1>, vector<1024x64xf32>
    %add3A_48 = arith.addf %add3A, %broadcast_in_dim3A_34 : vector<1024x1xf32>
    %squeeze3A_49 = vector.shape_cast %broadcast_in_dim3A_42 : vector<1024x1xf32> to vector<1024xf32>
    %add3A_50 = arith.constant 6.400000e+01 : f32
    %add3A_51 = vector.broadcast %add3A_50 : f32 to vector<1024xf32>
    %add3A_52 = arith.addf %squeeze3A_49, %add3A_51 : vector<1024xf32>
    %convert_element_type3A_53 = arith.fptosi %add3A_52 : vector<1024xf32> to vector<1024xi32>
    %swap3A_54 = arith.constant 1 : index
    %swap3A_55 = arith.constant 0 : index
    %swap3A_56 = vector.load %arg7[%swap3A_54, %swap3A_55] : memref<8x1024xi32, #tpu.memory_space<vmem>>, vector<1x1024xi32>
    %swap3A_57 = vector.shape_cast %swap3A_56 : vector<1x1024xi32> to vector<1024xi32>
    %swap3A_58 = vector.shape_cast %convert_element_type3A_53 : vector<1024xi32> to vector<1x1024xi32>
    tpu.vector_store %arg7[%swap3A_54, %swap3A_55], %swap3A_58 {strides = array<i32>} : memref<8x1024xi32, #tpu.memory_space<vmem>>, vector<1x1024xi32>,
    %reduce_max3A_59 = arith.constant dense<0xFF800000> : vector<1024xf32>
    %reduce_max3A_60 = vector.multi_reduction <maximumf>, %select_n3A_47, %reduce_max3A_59 [1] : vector<1024x64xf32> to vector<1024xf32>
    %broadcast_in_dim3A_61 = vector.shape_cast %reduce_max3A_60 : vector<1024xf32> to vector<1024x1xf32>
    %eq3A_62 = vector.broadcast %broadcast_in_dim3A_61 : vector<1024x1xf32> to vector<1024x64xf32>
    %eq3A_63 = arith.cmpf oeq, %select_n3A_47, %eq3A_62 : vector<1024x64xf32>
    %jit3A_64 = arith.constant 6.400000e+01 : f32
    %broadcast_in_dim3A_65 = vector.broadcast %jit3A_64 : f32 to vector<1024x64xf32>
    %select_n3A_66 = arith.select %eq3A_63, %convert_element_type3A_11, %broadcast_in_dim3A_65 : vector<1024x64xi1>, vector<1024x64xf32>
    %reduce_min3A_67 = arith.constant dense<0x7F800000> : vector<1024xf32>
    %reduce_min3A_68 = vector.multi_reduction <minimumf>, %select_n3A_66, %reduce_min3A_67 [1] : vector<1024x64xf32> to vector<1024xf32>
    %broadcast_in_dim3A_69 = vector.shape_cast %reduce_min3A_68 : vector<1024xf32> to vector<1024x1xf32>
    %eq3A_70 = vector.broadcast %broadcast_in_dim3A_69 : vector<1024x1xf32> to vector<1024x64xf32>
    %eq3A_71 = arith.cmpf oeq, %convert_element_type3A_11, %eq3A_70 : vector<1024x64xf32>
    %jit3A_72 = arith.constant 0xFF800000 : f32
    %broadcast_in_dim3A_73 = vector.broadcast %jit3A_72 : f32 to vector<1024x64xf32>
    %select_n3A_74 = arith.select %eq3A_71, %broadcast_in_dim3A_73, %select_n3A_47 : vector<1024x64xi1>, vector<1024x64xf32>
    %add3A_75 = arith.addf %add3A_48, %broadcast_in_dim3A_61 : vector<1024x1xf32>
    %squeeze3A_76 = vector.shape_cast %broadcast_in_dim3A_69 : vector<1024x1xf32> to vector<1024xf32>
    %add3A_77 = arith.constant 1.280000e+02 : f32
    %add3A_78 = vector.broadcast %add3A_77 : f32 to vector<1024xf32>
    %add3A_79 = arith.addf %squeeze3A_76, %add3A_78 : vector<1024xf32>
    %convert_element_type3A_80 = arith.fptosi %add3A_79 : vector<1024xf32> to vector<1024xi32>
    %swap3A_81 = arith.constant 2 : index
    %swap3A_82 = arith.constant 0 : index
    %swap3A_83 = vector.load %arg7[%swap3A_81, %swap3A_82] : memref<8x1024xi32, #tpu.memory_space<vmem>>, vector<1x1024xi32>
    %swap3A_84 = vector.shape_cast %swap3A_83 : vector<1x1024xi32> to vector<1024xi32>
    %swap3A_85 = vector.shape_cast %convert_element_type3A_80 : vector<1024xi32> to vector<1x1024xi32>
    tpu.vector_store %arg7[%swap3A_81, %swap3A_82], %swap3A_85 {strides = array<i32>} : memref<8x1024xi32, #tpu.memory_space<vmem>>, vector<1x1024xi32>,
    %reduce_max3A_86 = arith.constant dense<0xFF800000> : vector<1024xf32>
    %reduce_max3A_87 = vector.multi_reduction <maximumf>, %select_n3A_74, %reduce_max3A_86 [1] : vector<1024x64xf32> to vector<1024xf32>
    %broadcast_in_dim3A_88 = vector.shape_cast %reduce_max3A_87 : vector<1024xf32> to vector<1024x1xf32>
    %eq3A_89 = vector.broadcast %broadcast_in_dim3A_88 : vector<1024x1xf32> to vector<1024x64xf32>
    %eq3A_90 = arith.cmpf oeq, %select_n3A_74, %eq3A_89 : vector<1024x64xf32>
    %jit3A_91 = arith.constant 6.400000e+01 : f32
    %broadcast_in_dim3A_92 = vector.broadcast %jit3A_91 : f32 to vector<1024x64xf32>
    %select_n3A_93 = arith.select %eq3A_90, %convert_element_type3A_11, %broadcast_in_dim3A_92 : vector<1024x64xi1>, vector<1024x64xf32>
    %reduce_min3A_94 = arith.constant dense<0x7F800000> : vector<1024xf32>
    %reduce_min3A_95 = vector.multi_reduction <minimumf>, %select_n3A_93, %reduce_min3A_94 [1] : vector<1024x64xf32> to vector<1024xf32>
    %broadcast_in_dim3A_96 = vector.shape_cast %reduce_min3A_95 : vector<1024xf32> to vector<1024x1xf32>
    %eq3A_97 = vector.broadcast %broadcast_in_dim3A_96 : vector<1024x1xf32> to vector<1024x64xf32>
    %eq3A_98 = arith.cmpf oeq, %convert_element_type3A_11, %eq3A_97 : vector<1024x64xf32>
    %jit3A_99 = arith.constant 0xFF800000 : f32
    %broadcast_in_dim3A_100 = vector.broadcast %jit3A_99 : f32 to vector<1024x64xf32>
    %select_n3A_101 = arith.select %eq3A_98, %broadcast_in_dim3A_100, %select_n3A_74 : vector<1024x64xi1>, vector<1024x64xf32>
    %add3A_102 = arith.addf %add3A_75, %broadcast_in_dim3A_88 : vector<1024x1xf32>
    %squeeze3A_103 = vector.shape_cast %broadcast_in_dim3A_96 : vector<1024x1xf32> to vector<1024xf32>
    %add3A_104 = arith.constant 1.920000e+02 : f32
    %add3A_105 = vector.broadcast %add3A_104 : f32 to vector<1024xf32>
    %add3A_106 = arith.addf %squeeze3A_103, %add3A_105 : vector<1024xf32>
    %convert_element_type3A_107 = arith.fptosi %add3A_106 : vector<1024xf32> to vector<1024xi32>
    %swap3A_108 = arith.constant 3 : index
    %swap3A_109 = arith.constant 0 : index
    %swap3A_110 = vector.load %arg7[%swap3A_108, %swap3A_109] : memref<8x1024xi32, #tpu.memory_space<vmem>>, vector<1x1024xi32>
    %swap3A_111 = vector.shape_cast %swap3A_110 : vector<1x1024xi32> to vector<1024xi32>
    %swap3A_112 = vector.shape_cast %convert_element_type3A_107 : vector<1024xi32> to vector<1x1024xi32>
    tpu.vector_store %arg7[%swap3A_108, %swap3A_109], %swap3A_112 {strides = array<i32>} : memref<8x1024xi32, #tpu.memory_space<vmem>>, vector<1x1024xi32>,
    %reduce_max3A_113 = arith.constant dense<0xFF800000> : vector<1024xf32>
    %reduce_max3A_114 = vector.multi_reduction <maximumf>, %select_n3A_101, %reduce_max3A_113 [1] : vector<1024x64xf32> to vector<1024xf32>
    %broadcast_in_dim3A_115 = vector.shape_cast %reduce_max3A_114 : vector<1024xf32> to vector<1024x1xf32>
    %eq3A_116 = vector.broadcast %broadcast_in_dim3A_115 : vector<1024x1xf32> to vector<1024x64xf32>
    %eq3A_117 = arith.cmpf oeq, %select_n3A_101, %eq3A_116 : vector<1024x64xf32>
    %jit3A_118 = arith.constant 6.400000e+01 : f32
    %broadcast_in_dim3A_119 = vector.broadcast %jit3A_118 : f32 to vector<1024x64xf32>
    %select_n3A_120 = arith.select %eq3A_117, %convert_element_type3A_11, %broadcast_in_dim3A_119 : vector<1024x64xi1>, vector<1024x64xf32>
    %reduce_min3A_121 = arith.constant dense<0x7F800000> : vector<1024xf32>
    %reduce_min3A_122 = vector.multi_reduction <minimumf>, %select_n3A_120, %reduce_min3A_121 [1] : vector<1024x64xf32> to vector<1024xf32>
    %broadcast_in_dim3A_123 = vector.shape_cast %reduce_min3A_122 : vector<1024xf32> to vector<1024x1xf32>
    %eq3A_124 = vector.broadcast %broadcast_in_dim3A_123 : vector<1024x1xf32> to vector<1024x64xf32>
    %eq3A_125 = arith.cmpf oeq, %convert_element_type3A_11, %eq3A_124 : vector<1024x64xf32>
    %jit3A_126 = arith.constant 0xFF800000 : f32
    %broadcast_in_dim3A_127 = vector.broadcast %jit3A_126 : f32 to vector<1024x64xf32>
    %select_n3A_128 = arith.select %eq3A_125, %broadcast_in_dim3A_127, %select_n3A_101 : vector<1024x64xi1>, vector<1024x64xf32>
    %add3A_129 = arith.addf %add3A_102, %broadcast_in_dim3A_115 : vector<1024x1xf32>
    %squeeze3A_130 = vector.shape_cast %broadcast_in_dim3A_123 : vector<1024x1xf32> to vector<1024xf32>
    %add3A_131 = arith.constant 2.560000e+02 : f32
    %add3A_132 = vector.broadcast %add3A_131 : f32 to vector<1024xf32>
    %add3A_133 = arith.addf %squeeze3A_130, %add3A_132 : vector<1024xf32>
    %convert_element_type3A_134 = arith.fptosi %add3A_133 : vector<1024xf32> to vector<1024xi32>
    %swap3A_135 = arith.constant 4 : index
    %swap3A_136 = arith.constant 0 : index
    %swap3A_137 = vector.load %arg7[%swap3A_135, %swap3A_136] : memref<8x1024xi32, #tpu.memory_space<vmem>>, vector<1x1024xi32>
    %swap3A_138 = vector.shape_cast %swap3A_137 : vector<1x1024xi32> to vector<1024xi32>
    %swap3A_139 = vector.shape_cast %convert_element_type3A_134 : vector<1024xi32> to vector<1x1024xi32>
    tpu.vector_store %arg7[%swap3A_135, %swap3A_136], %swap3A_139 {strides = array<i32>} : memref<8x1024xi32, #tpu.memory_space<vmem>>, vector<1x1024xi32>,
    %reduce_max3A_140 = arith.constant dense<0xFF800000> : vector<1024xf32>
    %reduce_max3A_141 = vector.multi_reduction <maximumf>, %select_n3A_128, %reduce_max3A_140 [1] : vector<1024x64xf32> to vector<1024xf32>
    %broadcast_in_dim3A_142 = vector.shape_cast %reduce_max3A_141 : vector<1024xf32> to vector<1024x1xf32>
    %eq3A_143 = vector.broadcast %broadcast_in_dim3A_142 : vector<1024x1xf32> to vector<1024x64xf32>
    %eq3A_144 = arith.cmpf oeq, %select_n3A_128, %eq3A_143 : vector<1024x64xf32>
    %jit3A_145 = arith.constant 6.400000e+01 : f32
    %broadcast_in_dim3A_146 = vector.broadcast %jit3A_145 : f32 to vector<1024x64xf32>
    %select_n3A_147 = arith.select %eq3A_144, %convert_element_type3A_11, %broadcast_in_dim3A_146 : vector<1024x64xi1>, vector<1024x64xf32>
    %reduce_min3A_148 = arith.constant dense<0x7F800000> : vector<1024xf32>
    %reduce_min3A_149 = vector.multi_reduction <minimumf>, %select_n3A_147, %reduce_min3A_148 [1] : vector<1024x64xf32> to vector<1024xf32>
    %broadcast_in_dim3A_150 = vector.shape_cast %reduce_min3A_149 : vector<1024xf32> to vector<1024x1xf32>
    %eq3A_151 = vector.broadcast %broadcast_in_dim3A_150 : vector<1024x1xf32> to vector<1024x64xf32>
    %eq3A_152 = arith.cmpf oeq, %convert_element_type3A_11, %eq3A_151 : vector<1024x64xf32>
    %jit3A_153 = arith.constant 0xFF800000 : f32
    %broadcast_in_dim3A_154 = vector.broadcast %jit3A_153 : f32 to vector<1024x64xf32>
    %select_n3A_155 = arith.select %eq3A_152, %broadcast_in_dim3A_154, %select_n3A_128 : vector<1024x64xi1>, vector<1024x64xf32>
    %add3A_156 = arith.addf %add3A_129, %broadcast_in_dim3A_142 : vector<1024x1xf32>
    %squeeze3A_157 = vector.shape_cast %broadcast_in_dim3A_150 : vector<1024x1xf32> to vector<1024xf32>
    %add3A_158 = arith.constant 3.200000e+02 : f32
    %add3A_159 = vector.broadcast %add3A_158 : f32 to vector<1024xf32>
    %add3A_160 = arith.addf %squeeze3A_157, %add3A_159 : vector<1024xf32>
    %convert_element_type3A_161 = arith.fptosi %add3A_160 : vector<1024xf32> to vector<1024xi32>
    %swap3A_162 = arith.constant 5 : index
    %swap3A_163 = arith.constant 0 : index
    %swap3A_164 = vector.load %arg7[%swap3A_162, %swap3A_163] : memref<8x1024xi32, #tpu.memory_space<vmem>>, vector<1x1024xi32>
    %swap3A_165 = vector.shape_cast %swap3A_164 : vector<1x1024xi32> to vector<1024xi32>
    %swap3A_166 = vector.shape_cast %convert_element_type3A_161 : vector<1024xi32> to vector<1x1024xi32>
    tpu.vector_store %arg7[%swap3A_162, %swap3A_163], %swap3A_166 {strides = array<i32>} : memref<8x1024xi32, #tpu.memory_space<vmem>>, vector<1x1024xi32>,
    %reduce_max3A_167 = arith.constant dense<0xFF800000> : vector<1024xf32>
    %reduce_max3A_168 = vector.multi_reduction <maximumf>, %select_n3A_155, %reduce_max3A_167 [1] : vector<1024x64xf32> to vector<1024xf32>
    %broadcast_in_dim3A_169 = vector.shape_cast %reduce_max3A_168 : vector<1024xf32> to vector<1024x1xf32>
    %eq3A_170 = vector.broadcast %broadcast_in_dim3A_169 : vector<1024x1xf32> to vector<1024x64xf32>
    %eq3A_171 = arith.cmpf oeq, %select_n3A_155, %eq3A_170 : vector<1024x64xf32>
    %jit3A_172 = arith.constant 6.400000e+01 : f32
    %broadcast_in_dim3A_173 = vector.broadcast %jit3A_172 : f32 to vector<1024x64xf32>
    %select_n3A_174 = arith.select %eq3A_171, %convert_element_type3A_11, %broadcast_in_dim3A_173 : vector<1024x64xi1>, vector<1024x64xf32>
    %reduce_min3A_175 = arith.constant dense<0x7F800000> : vector<1024xf32>
    %reduce_min3A_176 = vector.multi_reduction <minimumf>, %select_n3A_174, %reduce_min3A_175 [1] : vector<1024x64xf32> to vector<1024xf32>
    %broadcast_in_dim3A_177 = vector.shape_cast %reduce_min3A_176 : vector<1024xf32> to vector<1024x1xf32>
    %eq3A_178 = vector.broadcast %broadcast_in_dim3A_177 : vector<1024x1xf32> to vector<1024x64xf32>
    %eq3A_179 = arith.cmpf oeq, %convert_element_type3A_11, %eq3A_178 : vector<1024x64xf32>
    %jit3A_180 = arith.constant 0xFF800000 : f32
    %broadcast_in_dim3A_181 = vector.broadcast %jit3A_180 : f32 to vector<1024x64xf32>
    %select_n3A_182 = arith.select %eq3A_179, %broadcast_in_dim3A_181, %select_n3A_155 : vector<1024x64xi1>, vector<1024x64xf32>
    %add3A_183 = arith.addf %add3A_156, %broadcast_in_dim3A_169 : vector<1024x1xf32>
    %squeeze3A_184 = vector.shape_cast %broadcast_in_dim3A_177 : vector<1024x1xf32> to vector<1024xf32>
    %add3A_185 = arith.constant 3.840000e+02 : f32
    %add3A_186 = vector.broadcast %add3A_185 : f32 to vector<1024xf32>
    %add3A_187 = arith.addf %squeeze3A_184, %add3A_186 : vector<1024xf32>
    %convert_element_type3A_188 = arith.fptosi %add3A_187 : vector<1024xf32> to vector<1024xi32>
    %swap3A_189 = arith.constant 6 : index
    %swap3A_190 = arith.constant 0 : index
    %swap3A_191 = vector.load %arg7[%swap3A_189, %swap3A_190] : memref<8x1024xi32, #tpu.memory_space<vmem>>, vector<1x1024xi32>
    %swap3A_192 = vector.shape_cast %swap3A_191 : vector<1x1024xi32> to vector<1024xi32>
    %swap3A_193 = vector.shape_cast %convert_element_type3A_188 : vector<1024xi32> to vector<1x1024xi32>
    tpu.vector_store %arg7[%swap3A_189, %swap3A_190], %swap3A_193 {strides = array<i32>} : memref<8x1024xi32, #tpu.memory_space<vmem>>, vector<1x1024xi32>,
    %reduce_max3A_194 = arith.constant dense<0xFF800000> : vector<1024xf32>
    %reduce_max3A_195 = vector.multi_reduction <maximumf>, %select_n3A_182, %reduce_max3A_194 [1] : vector<1024x64xf32> to vector<1024xf32>
    %broadcast_in_dim3A_196 = vector.shape_cast %reduce_max3A_195 : vector<1024xf32> to vector<1024x1xf32>
    %eq3A_197 = vector.broadcast %broadcast_in_dim3A_196 : vector<1024x1xf32> to vector<1024x64xf32>
    %eq3A_198 = arith.cmpf oeq, %select_n3A_182, %eq3A_197 : vector<1024x64xf32>
    %jit3A_199 = arith.constant 6.400000e+01 : f32
    %broadcast_in_dim3A_200 = vector.broadcast %jit3A_199 : f32 to vector<1024x64xf32>
    %select_n3A_201 = arith.select %eq3A_198, %convert_element_type3A_11, %broadcast_in_dim3A_200 : vector<1024x64xi1>, vector<1024x64xf32>
    %reduce_min3A_202 = arith.constant dense<0x7F800000> : vector<1024xf32>
    %reduce_min3A_203 = vector.multi_reduction <minimumf>, %select_n3A_201, %reduce_min3A_202 [1] : vector<1024x64xf32> to vector<1024xf32>
    %broadcast_in_dim3A_204 = vector.shape_cast %reduce_min3A_203 : vector<1024xf32> to vector<1024x1xf32>
    %add3A_205 = arith.addf %add3A_183, %broadcast_in_dim3A_196 : vector<1024x1xf32>
    %squeeze3A_206 = vector.shape_cast %broadcast_in_dim3A_204 : vector<1024x1xf32> to vector<1024xf32>
    %add3A_207 = arith.constant 4.480000e+02 : f32
    %add3A_208 = vector.broadcast %add3A_207 : f32 to vector<1024xf32>
    %add3A_209 = arith.addf %squeeze3A_206, %add3A_208 : vector<1024xf32>
    %convert_element_type3A_210 = arith.fptosi %add3A_209 : vector<1024xf32> to vector<1024xi32>
    %swap3A_211 = arith.constant 7 : index
    %swap3A_212 = arith.constant 0 : index
    %swap3A_213 = vector.load %arg7[%swap3A_211, %swap3A_212] : memref<8x1024xi32, #tpu.memory_space<vmem>>, vector<1x1024xi32>
    %swap3A_214 = vector.shape_cast %swap3A_213 : vector<1x1024xi32> to vector<1024xi32>
    %swap3A_215 = vector.shape_cast %convert_element_type3A_210 : vector<1024xi32> to vector<1x1024xi32>
    tpu.vector_store %arg7[%swap3A_211, %swap3A_212], %swap3A_215 {strides = array<i32>} : memref<8x1024xi32, #tpu.memory_space<vmem>>, vector<1x1024xi32>,
    %get3A_216 = arith.constant 0 : index
    %get3A_217 = arith.constant 0 : index
    %get3A_218 = vector.load %arg2[%get3A_216, %get3A_217] : memref<1024x1xf32, #tpu.memory_space<vmem>>, vector<1024x1xf32>
    %mul3A = vector.broadcast %get3A_218 : vector<1024x1xf32> to vector<1024x1024xf32>
    %mul3A_219 = arith.mulf %dot_general3A_10, %mul3A : vector<1024x1024xf32>
    %get3A_220 = arith.constant 0 : index
    %get3A_221 = arith.constant 0 : index
    %get3A_222 = vector.load %arg5[%get3A_220, %get3A_221] : memref<1x1024xf32, #tpu.memory_space<vmem>>, vector<1x1024xf32>
    %add3A_223 = vector.broadcast %get3A_222 : vector<1x1024xf32> to vector<1024x1024xf32>
    %add3A_224 = arith.addf %mul3A_219, %add3A_223 : vector<1024x1024xf32>
    %swap3A_225 = arith.constant 0 : index
    %swap3A_226 = arith.constant 0 : index
    %swap3A_227 = vector.load %arg6[%swap3A_225, %swap3A_226] : memref<1024x1024xf32, #tpu.memory_space<vmem>>, vector<1024x1024xf32>
    tpu.vector_store %arg6[%swap3A_225, %swap3A_226], %add3A_224 {strides = array<i32>} : memref<1024x1024xf32, #tpu.memory_space<vmem>>, vector<1024x1024xf32>,
    %eq3A_228 = arith.constant 0 : i32
    %eq3A_229 = arith.cmpi eq, %arg0, %eq3A_228 : i32
    %convert_element_type3A_230 = arith.extui %eq3A_229 : i1 to i32
    %cond3A = arith.constant 0 : i32
    %cond3A_231 = arith.cmpi ne, %convert_element_type3A_230, %cond3A : i32
    scf.if %cond3A_231 {
      %swap3A_246 = arith.constant 0.000000e+00 : f32
      %swap3A_247 = arith.constant 0 : index
      %swap3A_248 = memref.load %arg9[%swap3A_247] : memref<1xf32, #tpu.memory_space<smem>>
      memref.store %swap3A_246, %arg9[%swap3A_247] : memref<1xf32, #tpu.memory_space<smem>>
    } else {
    }
    %get3A_232 = arith.constant 0 : index
    %get3A_233 = memref.load %arg9[%get3A_232] : memref<1xf32, #tpu.memory_space<smem>>
    %reduce_sum3A = vector.shape_cast %add3A_205 : vector<1024x1xf32> to vector<1x1024x1xf32>
    %reduce_sum3A_234 = arith.constant dense<0.000000e+00> : vector<1xf32>
    %reduce_sum3A_235 = vector.multi_reduction <add>, %reduce_sum3A, %reduce_sum3A_234 [1, 2] : vector<1x1024x1xf32> to vector<1xf32>
    %reduce_sum3A_236 = vector.shape_cast %reduce_sum3A_235 : vector<1xf32> to vector<1x1x1xf32>
    %reduce_sum3A_237 = vector.extract %reduce_sum3A_236[0, 0, 0] : f32 from vector<1x1x1xf32>
    %add3A_238 = arith.addf %get3A_233, %reduce_sum3A_237 : f32
    %swap3A_239 = arith.constant 0 : index
    %swap3A_240 = memref.load %arg9[%swap3A_239] : memref<1xf32, #tpu.memory_space<smem>>
    memref.store %add3A_238, %arg9[%swap3A_239] : memref<1xf32, #tpu.memory_space<smem>>
    %eq3A_241 = arith.constant 7 : i32
    %eq3A_242 = arith.cmpi eq, %arg0, %eq3A_241 : i32
    %convert_element_type3A_243 = arith.extui %eq3A_242 : i1 to i32
    %cond3A_244 = arith.constant 0 : i32
    %cond3A_245 = arith.cmpi ne, %convert_element_type3A_243, %cond3A_244 : i32
    scf.if %cond3A_245 {
      %get3A_246 = arith.constant 0 : index
      %get3A_247 = memref.load %arg9[%get3A_246] : memref<1xf32, #tpu.memory_space<smem>>
      %reshape3A = vector.broadcast %get3A_247 : f32 to vector<1x1xf32>
      %swap3A_248 = arith.constant 0 : index
      %swap3A_249 = arith.constant 0 : index
      %swap3A_250 = vector.load %arg8[%swap3A_248, %swap3A_249] : memref<1x1xf32, #tpu.memory_space<vmem>>, vector<1x1xf32>
      tpu.vector_store %arg8[%swap3A_248, %swap3A_249], %reshape3A {strides = array<i32>} : memref<1x1xf32, #tpu.memory_space<vmem>>, vector<1x1xf32>,
    } else {
    }
    return
  }
  func.func @transform_0(%arg0: i32) -> (i32, i32) {
    %c0_i32 = arith.constant 0 : i32
    %c0_i32_0 = arith.constant 0 : i32
    return %arg0, %c0_i32 : i32, i32
  }
  func.func @transform_1(%arg0: i32) -> (i32, i32) {
    %c0_i32 = arith.constant 0 : i32
    %c0_i32_0 = arith.constant 0 : i32
    return %arg0, %c0_i32 : i32, i32
  }
  func.func @transform_2(%arg0: i32) -> (i32, i32) {
    %c0_i32 = arith.constant 0 : i32
    %c0_i32_0 = arith.constant 0 : i32
    %c0_i32_1 = arith.constant 0 : i32
    return %c0_i32, %c0_i32_0 : i32, i32
  }
  func.func @transform_3(%arg0: i32) -> (i32, i32) {
    %c0_i32 = arith.constant 0 : i32
    %c0_i32_0 = arith.constant 0 : i32
    %c0_i32_1 = arith.constant 0 : i32
    return %c0_i32, %c0_i32_0 : i32, i32
  }
  func.func @transform_4(%arg0: i32) -> (i32, i32) {
    %c0_i32 = arith.constant 0 : i32
    %c0_i32_0 = arith.constant 0 : i32
    %c0_i32_1 = arith.constant 0 : i32
    return %c0_i32, %c0_i32_0 : i32, i32
  }
  func.func @transform_5(%arg0: i32) -> (i32, i32) {
    %c0_i32 = arith.constant 0 : i32
    %c0_i32_0 = arith.constant 0 : i32
    return %arg0, %c0_i32 : i32, i32
  }
  func.func @transform_6(%arg0: i32) -> (i32, i32) {
    %c0_i32 = arith.constant 0 : i32
    %c0_i32_0 = arith.constant 0 : i32
    return %c0_i32, %arg0 : i32, i32
  }
  func.func @transform_7(%arg0: i32) -> (i32, i32) {
    %c0_i32 = arith.constant 0 : i32
    %c0_i32_0 = arith.constant 0 : i32
    %c0_i32_1 = arith.constant 0 : i32
    return %c0_i32, %c0_i32_0 : i32, i32
  }
}

module attributes {stable_mosaic.version = 14 : i64} {
  func.func @_vw_body(%arg0: i32, %arg1: memref<64x1024xf32, #tpu.memory_space<vmem>>, %arg2: memref<1024x1024xf32, #tpu.memory_space<vmem>>, %arg3: memref<64x1024xf32, #tpu.memory_space<vmem>>) attributes {dimension_semantics = [#tpu.dimension_semantics<arbitrary>], iteration_bounds = array<i64: 8>, scalar_prefetch = 0 : i64, scratch_operands = 0 : i64, tpu.core_type = #tpu.core_type<tc>, window_params = [{pipeline_mode = #tpu.pipeline_mode<synchronous>, transform_indices = @transform_0, window_bounds = array<i64: 64, 1024>}, {transform_indices = @transform_1, window_bounds = array<i64: 1024, 1024>}, {transform_indices = @transform_2, window_bounds = array<i64: 64, 1024>}]} {
    %get3A = arith.constant 0 : index
    %get3A_0 = arith.constant 0 : index
    %get3A_1 = vector.load %arg1[%get3A, %get3A_0] : memref<64x1024xf32, #tpu.memory_space<vmem>>, vector<64x1024xf32>
    %get3A_2 = arith.constant 0 : index
    %get3A_3 = arith.constant 0 : index
    %get3A_4 = vector.load %arg2[%get3A_2, %get3A_3] : memref<1024x1024xf32, #tpu.memory_space<vmem>>, vector<1024x1024xf32>
    %dot_general3A = arith.constant dense<0.000000e+00> : vector<64x1024xf32>
    %dot_general3A_5 = tpu.matmul %get3A_1, %get3A_4, %dot_general3A {dimension_numbers = #tpu.dot_dimension_numbers<[1], [1], [0], [0], [0, 0, 1, 0], [], []>, transpose_lhs_hint = false} : vector<64x1024xf32>, vector<1024x1024xf32>, vector<64x1024xf32> -> vector<64x1024xf32>
    %swap3A = arith.constant 0 : index
    %swap3A_6 = arith.constant 0 : index
    %swap3A_7 = vector.load %arg3[%swap3A, %swap3A_6] : memref<64x1024xf32, #tpu.memory_space<vmem>>, vector<64x1024xf32>
    tpu.vector_store %arg3[%swap3A, %swap3A_6], %dot_general3A_5 {strides = array<i32>} : memref<64x1024xf32, #tpu.memory_space<vmem>>, vector<64x1024xf32>,
    return
  }
  func.func @transform_0(%arg0: i32) -> (i32, i32) {
    %c0_i32 = arith.constant 0 : i32
    %c0_i32_0 = arith.constant 0 : i32
    %c0_i32_1 = arith.constant 0 : i32
    return %c0_i32, %c0_i32_0 : i32, i32
  }
  func.func @transform_1(%arg0: i32) -> (i32, i32) {
    %add3A = arith.constant 1 : i32
    %add3A_0 = arith.addi %arg0, %add3A : i32
    %c0_i32 = arith.constant 0 : i32
    %c0_i32_1 = arith.constant 0 : i32
    return %c0_i32, %add3A_0 : i32, i32
  }
  func.func @transform_2(%arg0: i32) -> (i32, i32) {
    %c0_i32 = arith.constant 0 : i32
    %c0_i32_0 = arith.constant 0 : i32
    return %arg0, %c0_i32 : i32, i32
  }
}

</mosaic_0001>

<sc_bundles>
// kernel: kernel.5.cloned.1.call-start
scs
__scs_entry_jumppad:
0x0: {  	(pc) =	sbr.rel $0x88, $3  }
0x1: {  	(tag) =	ssettag $0x0;
	lr =	simm.s32 $0x1  }
0x2: {  	[smem:$0x3F9C] =	sst lr;
	_ =	strace $0xD0000000  }
0x3: {  	_ = 	snop  }
0x4: {  	_ = 	snop  }
0x5: {  	_ = 	snop  }
0x6: {  	_ = 	snop  }
0x7: {  	_ = 	snop  }
__scs_overlays_trampoline_lowered:
0x8: {  	[smem:$0x3FAB] =	sst s0  }
0x9: {  	[smem:$0x3FAC] =	sst s1  }
0xa: {  	[smem:$0x3FAD] =	sst s2  }
0xb: {  	[smem:$0x3FAE] =	sst s3  }
0xc: {  	[smem:$0x3FAF] =	sst s4  }
0xd: {  	[smem:$0x3FB0] =	sst s5  }
0xe: {  	[smem:$0x3FB1] =	sst s6  }
0xf: {  	[smem:$0x3FB2] =	sst s7  }
0x10: {  	[smem:$0x3FB3] =	sst s8  }
0x11: {  	[smem:$0x3FB4] =	sst s9;
	s0 =	simm.s32 @!p0 $0x0  }
0x12: {  	s1 =	sld [smem:$0x3F9A];
	s0 =	simm.s32 @p0 $0x1  }
0x13: {  	[smem:$0x3FB5] =	sst s0;
	s0 =	simm.s32 @!p1 $0x0  }
0x14: {  	s2 =	sld [smem:$0x3F99];
	s0 =	simm.s32 @p1 $0x1  }
0x15: {  	[smem:$0x3FB6] =	sst s0;
	s0 =	simm.s32 @!p2 $0x0  }
0x16: {  	s3 =	sld [smem:$0x3FDB];
	s0 =	simm.s32 @p2 $0x1  }
0x17: {  	s4 =	simm.s32 $0x1BF5;
	[smem:$0x3FB8] =	sst s0  }
0x18: {  	s0 =	sld [smem:$0x3F9B];
	_ =	swait.ge [sflag:s4], $0x0  }
0x19: {  	s7 =	sld [smem:$0x3F9C]  }
0x1a: {  	s8 =	sadd.s32 $0xFFFFE003, lr  }
0x1b: {  	s9 =	sadd.s32 $0xFFFFFEF7, lr;
	s5 =	simm.s32 $0xFFFFFFFF;
	p2 =	slt.u32 s8, $0xFFFFF086  }
0x1c: {  	p1 =	slt.u32 s9, $0xF7A;
	s5 =	simm.s32 @!p2 $0x0  }
0x1d: {  	s5 =	simm.s32 @p1 $0x1;
	p0 =	seq.s32 s7, s2  }
0x1e: {  	s7 =	smul.u32 @!p0 $0xF7A, s2;
	p2 =	seq.s32 @!p0 s5, $0x0  }
0x1f: {  	s9 =	smul.u32 $0xF7A, s1;
	s8 =	simm.s32 @!p0 $0x1BF5;
	p2 =	por !p2, p0  }
0x20: {  	[sflag:s8] =	ssyncset.s32 @!p0 $0xFFFFF086;
	s6 =	sadd.s32 @!p0 s3, s7;
	s7 =	simm.s32 @!p0 $0x108  }
0x21: {  	s3 =	sadd.s32 s3, s9;
	s6 =	sadd.s32 @!p0 $0x88, s6;
	s7 =	simm.s32 @p2 $0x1082  }
0x22: {  	[simem:s7], [sflag:s8] =	dma.local @!p0 [hbm:s6], $0xF7A  }
0x23: {  	s9 =	sor.u32 $0xD0000000, s2;
	s6 =	simm.s32 $0x108;
	_ =	swait.ge @!p0 [sflag:s8], $0x0  }
0x24: {  	s3 =	sadd.s32 $0x88, s3;
	s6 =	simm.s32 @!p1 $0x1082;
	[sflag:s4] =	ssyncset.s32 $0xFFFFF086  }
0x25: {  	[simem:s6], [sflag:s4] =	dma.local [hbm:s3], $0xF7A  }
0x26: {  	[smem:$0x3F9C] =	sst s1;
	(tag) =	ssettag s2;
	_ =	strace s9  }
0x27: {  	s1 =	sld [smem:$0x3FAC]  }
0x28: {  	s2 =	sld [smem:$0x3FAD]  }
0x29: {  	s4 =	sld [smem:$0x3FAF]  }
0x2a: {  	p0 =	seq.s32 s5, $0x0;
	s5 =	sld [smem:$0x3FB0]  }
0x2b: {  	s6 =	sld [smem:$0x3FB1]  }
0x2c: {  	s7 =	sld [smem:$0x3FB2]  }
0x2d: {  	s3 =	simm.s32 $0x108;
	s8 =	sld [smem:$0x3FB3]  }
0x2e: {  	s3 =	simm.s32 @!p0 $0x1082;
	s9 =	sld [smem:$0x3FB4]  }
0x2f: {  	lr =	sadd.s32 s0, s3;
	s0 =	sld [smem:$0x3FAB]  }
0x30: {  	s3 =	sld [smem:$0x3FAE]  }
0x31: {  	[smem:$0x3FB7] =	sst s10  }
0x32: {  	s10 =	sld [smem:$0x3FB5];
	_ =	sdelay $0x3  }
0x33: {  	p0 =	seq.s32 s10, $0x1;
	s10 =	sld [smem:$0x3FB7];
	_ =	sdelay $0x3  }
0x34: {  	[smem:$0x3FB7] =	sst s10  }
0x35: {  	s10 =	sld [smem:$0x3FB6];
	_ =	sdelay $0x3  }
0x36: {  	p1 =	seq.s32 s10, $0x1;
	s10 =	sld [smem:$0x3FB7];
	_ =	sdelay $0x3  }
0x37: {  	[smem:$0x3FB7] =	sst s10  }
0x38: {  	s10 =	sld [smem:$0x3FB8]  }
0x39: {  	_ = 	snop;
	(pc) =	sbr.ind lr, $3  }
0x3a: {  	_ = 	snop  }
0x3b: {  	_ = 	snop  }
0x3c: {  	p2 =	seq.s32 s10, $0x1;
	s10 =	sld [smem:$0x3FB7]  }
0x3d: {  	_ =	shalt  }
0x3e: {  	_ =	shalt  }
0x3f: {  	_ =	shalt  }
0x40: {  	_ =	shalt  }
0x41: {  	_ =	shalt  }
0x42: {  	_ =	shalt  }
0x43: {  	_ =	shalt  }
0x44: {  	_ =	shalt  }
0x45: {  	_ =	shalt  }
0x46: {  	_ =	shalt  }
0x47: {  	_ =	shalt  }
0x48: {  	_ =	shalt  }
0x49: {  	_ =	shalt  }
0x4a: {  	_ =	shalt  }
0x4b: {  	_ =	shalt  }
0x4c: {  	_ =	shalt  }
0x4d: {  	_ =	shalt  }
0x4e: {  	_ =	shalt  }
0x4f: {  	_ =	shalt  }
0x50: {  	_ =	shalt  }
0x51: {  	_ =	shalt  }
0x52: {  	_ =	shalt  }
0x53: {  	_ =	shalt  }
0x54: {  	_ =	shalt  }
0x55: {  	_ =	shalt  }
0x56: {  	_ =	shalt  }
0x57: {  	_ =	shalt  }
0x58: {  	_ =	shalt  }
0x59: {  	_ =	shalt  }
0x5a: {  	_ =	shalt  }
0x5b: {  	_ =	shalt  }
0x5c: {  	_ =	shalt  }
0x5d: {  	_ =	shalt  }
0x5e: {  	_ =	shalt  }
0x5f: {  	_ =	shalt  }
0x60: {  	_ =	shalt  }
0x61: {  	_ =	shalt  }
0x62: {  	_ =	shalt  }
0x63: {  	_ =	shalt  }
0x64: {  	_ =	shalt  }
0x65: {  	_ =	shalt  }
0x66: {  	_ =	shalt  }
0x67: {  	_ =	shalt  }
0x68: {  	_ =	shalt  }
0x69: {  	_ =	shalt  }
0x6a: {  	_ =	shalt  }
0x6b: {  	_ =	shalt  }
0x6c: {  	_ =	shalt  }
0x6d: {  	_ =	shalt  }
0x6e: {  	_ =	shalt  }
0x6f: {  	_ =	shalt  }
0x70: {  	_ =	shalt  }
0x71: {  	_ =	shalt  }
0x72: {  	_ =	shalt  }
0x73: {  	_ =	shalt  }
0x74: {  	_ =	shalt  }
0x75: {  	_ =	shalt  }
0x76: {  	_ =	shalt  }
0x77: {  	_ =	shalt  }
0x78: {  	_ =	shalt  }
0x79: {  	_ =	shalt  }
0x7a: {  	_ =	shalt  }
0x7b: {  	_ =	shalt  }
0x7c: {  	_ =	shalt  }
0x7d: {  	_ =	shalt  }
0x7e: {  	_ =	shalt  }
0x7f: {  	_ =	shalt  }
0x80: {  	_ =	shalt  }
0x81: {  	_ =	shalt  }
0x82: {  	_ =	shalt  }
0x83: {  	_ =	shalt  }
0x84: {  	_ =	shalt  }
0x85: {  	_ =	shalt  }
0x86: {  	_ =	shalt  }
0x87: {  	_ =	shalt  }
.Lfunc_end0:
.L_simem_size_0:
called_computation_lowered:
.L_overlay_start_0:
0x88: {  	s2 =	sld [smem:$0x3FD9]  }
0x89: {  	s3 =	sld [smem:$0x3FFE];
	_ =	sdelay $0x1  }
0x8a: {  	s1 =	srdreg.scid  }
0x8b: {  	s0 =	sand.u32 $0x1, s1  }
0x8c: {  	s14 =	sshll.u32 s0, $0xA;
	s2 =	sadd.s32 s3, s2  }
0x8d: {  	s2 =	sadd.s32 s2, s14  }
0x8e: {  	[smem:$0x3FC3] =	sst s2  }
0x8f: {  	_ = 	snop  }
0x90: {  	s2 =	sld [smem:$0x3FD0];
	_ =	sdelay $0x2  }
0x91: {  	s15 =	simm.s32 $0xA;
	s4 =	simm.s32 $0x10  }
0x92: {  	[smem:s4], [sflag:s15] =	dma.local [hbm:s2], $0x1  }
0x93: {  	_ =	swait.eq [sflag:s15], $0x1  }
0x94: {  	[sflag:s15] =	ssyncset.done $0x0  }
0x95: {  	[sflag:s15] =	ssyncadd.s32 $0xFFFFFFFF  }
0x96: {  	s16 =	sld [smem:$0x10];
	(tm) =	ssettm $0x1  }
0x97: {  	s17 =	sld [smem:$0x3FFB];
	_ =	sdelay $0x3  }
0x98: {  	_ =	strace s17  }
0x99: {  	s3 =	sld [smem:$0x3FFC];
	_ =	sdelay $0x3  }
0x9a: {  	_ =	strace s3  }
0x9b: {  	s3 =	sld [smem:$0x3FFD];
	_ =	sdelay $0x3  }
0x9c: {  	_ =	strace s3  }
0x9d: {  	_ =	strace $0x8FFFFFFF  }
0x9e: {  	s18 =	sld [smem:$0x3FDB];
	_ =	sdelay $0x1  }
0x9f: {  	s19 =	simm.s32 $_scs_section_size  }
0xa0: {  	s5 =	simm.s32 $_size__tile_overlayer_lowered;
	s6 =	simm.s32 $_tile_overlayer_lowered  }
0xa1: {  	s22 =	simm.s32 $0x1BFF;
	s21 =	sshll.u32 s6, $0x1;
	s3 =	sadd.s32 s19, s18  }
0xa2: {  	s7 =	simm.s32 $0x0;
	s20 =	sshll.u32 s5, $0x1;
	s5 =	sadd.s32 s21, s3  }
0xa3: {  	[timem:s7], [sflag:s22] =	dma.local [hbm:s5], s20  }
0xa4: {  	_ =	swait.ge [sflag:s22], s20  }
0xa5: {  	s4 =	ssub.s32 $0x0, s20;
	[sflag:s22] =	ssyncset.done $0x0  }
0xa6: {  	[sflag:s22] =	ssyncadd.s32 s4;
	_ =	sdelay $0x1  }
0xa7: {  	s23 =	simm.s32 $0x1B8B  }
0xa8: {  	_ =	swait.ge [sflag:s23], $0x1  }
0xa9: {  	[sflag:s23] =	ssyncset.done $0x0  }
0xaa: {  	s25 =	simm.s32 $0x1B8E;
	s24 =	sld [smem:$0x3FFE];
	[sflag:s23] =	ssyncadd.s32 $0xFFFFFFFF  }
0xab: {  	s26 =	simm.s32 $execute0_lowered;
	[smem:$0x3FD2] =	sst s25  }
0xac: {  	s5 =	sshll.u32 s26, $0x1;
	_ =	strace $0x80000046;
	[dreg:$0x1] =	wrdreg $0xFFFFFFFF  }
0xad: {  	s28 =	simm.s32 $_size_execute0_lowered;
	s3 =	sadd.s32 s3, s5;
	[dreg:$0x0] =	wrdreg $0x0  }
0xae: {  	s5 =	sshll.u32 s28, $0x1;
	[dreg:$0x2] =	wrdreg s3  }
0xaf: {  	[dreg:$0x3] =	wrdreg s5  }
0xb0: {  	[dreg:$0x4] =	wrdreg $0xC0  }
0xb1: {  	_ =	task [dreg:s7], $0x5FFFF  }
0xb2: {  	[dreg:$0x1] =	wrdreg $0xFFFFFFFF  }
0xb3: {  	[dreg:$0x0] =	wrdreg $0x60  }
0xb4: {  	[dreg:$0x2] =	wrdreg s24  }
0xb5: {  	[dreg:$0x3] =	wrdreg s16  }
0xb6: {  	[dreg:$0x4] =	wrdreg $0x9  }
0xb7: {  	_ =	task.clear_ibuf [dreg:s7], $0x5FFFF;
	_ =	strace $0x90000046  }
0xb8: {  	s29 =	simm.s32 $0x9;
	_ =	strace $0x80000048  }
0xb9: {  	_ =	swait.ge [sflag:s29], $0x1  }
0xba: {  	[sflag:s29] =	ssyncadd.s32 $0xFFFFFFFF  }
0xbb: {  	_ =	strace $0x90000048  }
0xbc: {  	_ =	sfence  }
0xbd: {  	s30 =	sld [smem:$0x0];
	_ =	sdelay $0x2  }
0xbe: {  	s31 =	sshll.u32 s1, $0xD;
	s1 =	sshrl.u32 s1, $0x2  }
0xbf: {  	s3 =	sand.u32 $0x4000, s31;
	s1 =	sadd.s32 s1, s30  }
0xc0: {  	s0 =	sor.u32 s3, s0;
	s1 =	sshll.u32 s1, $0x11  }
0xc1: {  	s0 =	sor.u32 s1, s0  }
0xc2: {  	s0 =	sadd.s32 $0x8F2B, s0  }
0xc3: {  	[sflag:s0] =	ssyncadd.remote.s32 $0x1  }
0xc4: {  	_ =	sfence.sel $0xFFFF  }
0xc5: {  	[dreg:$0x0] =	wrdreg $0xFFFFFFFF;
	(pc) =	sbr.abs _section_cstart, $3  }
0xc6: {  	[dreg:$0x1] =	wrdreg $0xFFFFFFFF  }
0xc7: {  	_ =	task.clear_ibuf [dreg:s7], $0x2FFFF;
	_ =	strace $0x9FFFFFFF  }
0xc8: {  	(tm) =	ssettm $0x7FFFFFFF  }
0xc9: {  	_ =	shalt  }
tec
execute0_lowered:
.L_overlay_start_1:
0x0: {  	(tag) =	ssettag $0x1  }
0x1: {  	s0 =	srdreg.scid  }
0x2: {  	s1 =	rddreg [dreg:$0x0];
	s2 =	stileid.u32;
	s0 =	sand.u32 $0x1, s0  }
0x3: {  	s4 =	simm.s32 $0x0;
	s2 =	sshll.u32 s2, $0x9;
	s3 =	sshll.u32 s0, $0x8  }
0x4: {  	[smem:$0x7FF] =	sst s4;
	s19 =	sadd.s32 $0x102600, s1;
	s2 =	sor.u32 s3, s2  }
0x5: {  	s20 =	sadd.s32 $0x600, s1;
	s30 =	sadd.s32 $0x102700, s1;
	[dreg:$0x7] =	wrdreg s2  }
0x6: {  	s0 =	ssub.s32 $0x2, s0;
	_ =	strace $0x80000047;
	[dreg:$0x8] =	wrdreg s19  }
0x7: {  	s31 =	sadd.s32 $0x102800, s1;
	s28 =	sshrl.u32 s0, $0x1;
	[dreg:$0x9] =	wrdreg s20  }
0x8: {  	s2 =	sshrl.u32 s2, $0x3;
	s0 =	ssub.s32 s0, s28;
	[dreg:$0x12] =	wrdreg s30  }
0x9: {  	s2 =	sadd.s32 s2, s1;
	[dreg:$0x13] =	wrdreg s31;
	s1 =	sadd.s32 $0x102900, s1  }
0xa: {  	s0 =	smax.u32 s0, $0x1;
	[dreg:$0x14] =	wrdreg s1  }
0xb: {  	s21 =	sadd.s32 $0x100600, s2;
	[dreg:$0x15] =	wrdreg s0  }
0xc: {  	s22 =	sadd.s32 $0x100A00, s2;
	[dreg:$0xa] =	wrdreg s21  }
0xd: {  	s23 =	sadd.s32 $0x100E00, s2;
	[dreg:$0xb] =	wrdreg s22  }
0xe: {  	s24 =	sadd.s32 $0x101200, s2;
	[dreg:$0xc] =	wrdreg s23  }
0xf: {  	s25 =	sadd.s32 $0x101600, s2;
	[dreg:$0xd] =	wrdreg s24  }
0x10: {  	s26 =	sadd.s32 $0x101A00, s2;
	[dreg:$0xe] =	wrdreg s25  }
0x11: {  	v0 =	vlaneseq.u32;
	s29 =	sadd.s32 $0x101E00, s2;
	[dreg:$0xf] =	wrdreg s26  }
0x12: {  	v1 =	vshrl.u32 v0, $0x3;
	s2 =	sadd.s32 $0x102200, s2;
	[dreg:$0x10] =	wrdreg s29  }
0x13: {  	vm0 =	vmmov $0xffff;
	s4 =	simm.s32 $0x10800;
	v0 =	vand.u32 $0x7, v0;
	v1 =	vmul.u32 $0x8, v1;
	s1 =	simm.s32 $0x0;
	[dreg:$0x11] =	wrdreg s2  }
.LBB2_1:
0x14: {  	[dreg:$0x16] =	wrdreg s1  }
0x15: {  	s0 =	simm.s32 $0x0;
	s17 =	rddreg [dreg:$0xa];
	s2 =	simm.s32 $0x2  }
0x16: {  	[tilespmem:s0], [sflag:$0x2] =	stream.linear.gather [hbm4b:s17+s0], $0x100, $0x38;
	[tilespmem:$0x12800] =	vst v63  }
0x17: {  	_ =	swait.ge [sflag:s2], $0x100  }
0x18: {  	[sflag:s2] =	ssyncset.done $0x0  }
0x19: {  	s3 =	simm.s32 $0x100;
	s18 =	rddreg [dreg:$0xb];
	[sflag:s2] =	ssyncadd.s32 $0xFFFFFF00  }
0x1a: {  	[tilespmem:s3], [sflag:$0x2] =	stream.linear.gather [hbm4b:s18+s0], $0x100, $0x38;
	[tilespmem:$0x12800] =	vst v63  }
0x1b: {  	_ =	swait.ge [sflag:s2], $0x100  }
0x1c: {  	[sflag:s2] =	ssyncset.done $0x0  }
0x1d: {  	s20 =	simm.s32 $0x200;
	s19 =	rddreg [dreg:$0xc];
	[sflag:s2] =	ssyncadd.s32 $0xFFFFFF00  }
0x1e: {  	[tilespmem:s20], [sflag:$0x2] =	stream.linear.gather [hbm4b:s19+s0], $0x100, $0x38;
	[tilespmem:$0x12800] =	vst v63  }
0x1f: {  	_ =	swait.ge [sflag:s2], $0x100  }
0x20: {  	[sflag:s2] =	ssyncset.done $0x0  }
0x21: {  	s22 =	simm.s32 $0x300;
	s21 =	rddreg [dreg:$0xd];
	[sflag:s2] =	ssyncadd.s32 $0xFFFFFF00  }
0x22: {  	[tilespmem:s22], [sflag:$0x2] =	stream.linear.gather [hbm4b:s21+s0], $0x100, $0x38;
	[tilespmem:$0x12800] =	vst v63  }
0x23: {  	_ =	swait.ge [sflag:s2], $0x100  }
0x24: {  	[sflag:s2] =	ssyncset.done $0x0  }
0x25: {  	s24 =	simm.s32 $0x400;
	s23 =	rddreg [dreg:$0xe];
	[sflag:s2] =	ssyncadd.s32 $0xFFFFFF00  }
0x26: {  	[tilespmem:s24], [sflag:$0x2] =	stream.linear.gather [hbm4b:s23+s0], $0x100, $0x38;
	[tilespmem:$0x12800] =	vst v63  }
0x27: {  	_ =	swait.ge [sflag:s2], $0x100  }
0x28: {  	[sflag:s2] =	ssyncset.done $0x0  }
0x29: {  	s26 =	simm.s32 $0x500;
	s25 =	rddreg [dreg:$0xf];
	[sflag:s2] =	ssyncadd.s32 $0xFFFFFF00  }
0x2a: {  	[tilespmem:s26], [sflag:$0x2] =	stream.linear.gather [hbm4b:s25+s0], $0x100, $0x38;
	[tilespmem:$0x12800] =	vst v63  }
0x2b: {  	_ =	swait.ge [sflag:s2], $0x100  }
0x2c: {  	[sflag:s2] =	ssyncset.done $0x0  }
0x2d: {  	s29 =	simm.s32 $0x600;
	s28 =	rddreg [dreg:$0x10];
	[sflag:s2] =	ssyncadd.s32 $0xFFFFFF00  }
0x2e: {  	[tilespmem:s29], [sflag:$0x2] =	stream.linear.gather [hbm4b:s28+s0], $0x100, $0x38;
	[tilespmem:$0x12800] =	vst v63  }
0x2f: {  	_ =	swait.ge [sflag:s2], $0x100  }
0x30: {  	[sflag:s2] =	ssyncset.done $0x0  }
0x31: {  	s31 =	simm.s32 $0x700;
	s30 =	rddreg [dreg:$0x11];
	[sflag:s2] =	ssyncadd.s32 $0xFFFFFF00  }
0x32: {  	[tilespmem:s31], [sflag:$0x2] =	stream.linear.gather [hbm4b:s30+s0], $0x100, $0x38;
	[tilespmem:$0x12800] =	vst v63  }
0x33: {  	_ =	swait.ge [sflag:s2], $0x100  }
0x34: {  	[sflag:s2] =	ssyncset.done $0x0  }
0x35: {  	s1 =	simm.s32 $0x0;
	[sflag:s2] =	ssyncadd.s32 $0xFFFFFF00  }
.LBB2_2:
0x36: {  	s0 =	sshll.u32 s1, $0x3;
	s14 =	rddreg [dreg:$0x7]  }
0x37: {  	[dreg:$0x17] =	wrdreg s1;
	s1 =	sor.u32 s14, s0  }
0x38: {  	s15 =	rddreg [dreg:$0x9];
	s2 =	sshll.u32 s1, $0x7  }
0x39: {  	s6 =	simm.s32 $0x0;
	s1 =	sadd.s32 s15, s2  }
0x3a: {  	[tilespmem:s4], [sflag:$0x1] =	stream.linear.gather [hbm4b:s1+s6], $0x2000, $0x38;
	[tilespmem:$0x12800] =	vst v63  }
0x3b: {  	v2 =	vld.msk [tilespmem:s0+$0x0], $0xff;
	_ =	sdelay $0x4  }
0x3c: {  	v3 =	vshll.u32 v2, $0x3  }
0x3d: {  	v2 =	vand.u32 $0x7, v2;
	v3 =	vand.u32 $0xFFFFFFC0, v3  }
0x3e: {  	v2 =	vor.u32 v2, v3  }
0x3f: {  	v2 =	vperm.xlane v2, v0;
	_ =	sdelay $0x1  }
0x40: {  	v2 =	vadd.s32 v1, v2;
	_ =	sdelay $0x2  }
0x41: {  	[dreg:$0x18] =	wrdreg s2  }
0x42: {  	s16 =	simm.s32 $0x800;
	s1 =	rddreg [dreg:$0x8]  }
0x43: {  	[tilespmem:s16], [sflag:$0x1] =	stream.indirect_vreg.gather [hbm4b:s1+s6], $0x80, v2, vm0, $0xb8;
	[tilespmem:$0x12800] =	vst v63  }
0x44: {  	s3 =	simm.s32 $0x1000;
	s2 =	rddreg [dreg:$0x12]  }
0x45: {  	[tilespmem:s3], [sflag:$0x1] =	stream.indirect_vreg.gather [hbm4b:s2+s6], $0x80, v2, vm0, $0xb8;
	[tilespmem:$0x12800] =	vst v63  }
0x46: {  	s17 =	simm.s32 $0x1800;
	s3 =	rddreg [dreg:$0x13]  }
0x47: {  	[tilespmem:s17], [sflag:$0x1] =	stream.indirect_vreg.gather [hbm4b:s3+s6], $0x80, v2, vm0, $0xb8;
	[tilespmem:$0x12800] =	vst v63  }
0x48: {  	s5 =	simm.s32 $0x2000;
	s4 =	rddreg [dreg:$0x14]  }
0x49: {  	[tilespmem:s5], [sflag:$0x1] =	stream.indirect_vreg.gather [hbm4b:s4+s6], $0x80, v2, vm0, $0xb8;
	[tilespmem:$0x12800] =	vst v63  }
0x4a: {  	v2 =	vld.msk [tilespmem:s0+$0x100], $0xff;
	_ =	sdelay $0x4  }
0x4b: {  	v3 =	vshll.u32 v2, $0x3  }
0x4c: {  	v2 =	vand.u32 $0x7, v2;
	v3 =	vand.u32 $0xFFFFFFC0, v3  }
0x4d: {  	v2 =	vor.u32 v2, v3  }
0x4e: {  	v2 =	vperm.xlane v2, v0;
	_ =	sdelay $0x1  }
0x4f: {  	v2 =	vadd.s32 v1, v2;
	_ =	sdelay $0x3  }
0x50: {  	s18 =	simm.s32 $0x2800  }
0x51: {  	[tilespmem:s18], [sflag:$0x1] =	stream.indirect_vreg.gather [hbm4b:s1+s6], $0x80, v2, vm0, $0xb8;
	[tilespmem:$0x12800] =	vst v63  }
0x52: {  	s19 =	simm.s32 $0x3000  }
0x53: {  	[tilespmem:s19], [sflag:$0x1] =	stream.indirect_vreg.gather [hbm4b:s2+s6], $0x80, v2, vm0, $0xb8;
	[tilespmem:$0x12800] =	vst v63  }
0x54: {  	s20 =	simm.s32 $0x3800  }
0x55: {  	[tilespmem:s20], [sflag:$0x1] =	stream.indirect_vreg.gather [hbm4b:s3+s6], $0x80, v2, vm0, $0xb8;
	[tilespmem:$0x12800] =	vst v63  }
0x56: {  	s21 =	simm.s32 $0x4000  }
0x57: {  	[tilespmem:s21], [sflag:$0x1] =	stream.indirect_vreg.gather [hbm4b:s4+s6], $0x80, v2, vm0, $0xb8;
	[tilespmem:$0x12800] =	vst v63  }
0x58: {  	v2 =	vld.msk [tilespmem:s0+$0x200], $0xff;
	_ =	sdelay $0x4  }
0x59: {  	v3 =	vshll.u32 v2, $0x3  }
0x5a: {  	v2 =	vand.u32 $0x7, v2;
	v3 =	vand.u32 $0xFFFFFFC0, v3  }
0x5b: {  	v2 =	vor.u32 v2, v3  }
0x5c: {  	v2 =	vperm.xlane v2, v0;
	_ =	sdelay $0x1  }
0x5d: {  	v2 =	vadd.s32 v1, v2;
	_ =	sdelay $0x3  }
0x5e: {  	s22 =	simm.s32 $0x4800  }
0x5f: {  	[tilespmem:s22], [sflag:$0x1] =	stream.indirect_vreg.gather [hbm4b:s1+s6], $0x80, v2, vm0, $0xb8;
	[tilespmem:$0x12800] =	vst v63  }
0x60: {  	s23 =	simm.s32 $0x5000  }
0x61: {  	[tilespmem:s23], [sflag:$0x1] =	stream.indirect_vreg.gather [hbm4b:s2+s6], $0x80, v2, vm0, $0xb8;
	[tilespmem:$0x12800] =	vst v63  }
0x62: {  	s24 =	simm.s32 $0x5800  }
0x63: {  	[tilespmem:s24], [sflag:$0x1] =	stream.indirect_vreg.gather [hbm4b:s3+s6], $0x80, v2, vm0, $0xb8;
	[tilespmem:$0x12800] =	vst v63  }
0x64: {  	s25 =	simm.s32 $0x6000  }
0x65: {  	[tilespmem:s25], [sflag:$0x1] =	stream.indirect_vreg.gather [hbm4b:s4+s6], $0x80, v2, vm0, $0xb8;
	[tilespmem:$0x12800] =	vst v63  }
0x66: {  	v2 =	vld.msk [tilespmem:s0+$0x300], $0xff;
	_ =	sdelay $0x4  }
0x67: {  	v3 =	vshll.u32 v2, $0x3  }
0x68: {  	v2 =	vand.u32 $0x7, v2;
	v3 =	vand.u32 $0xFFFFFFC0, v3  }
0x69: {  	v2 =	vor.u32 v2, v3  }
0x6a: {  	v2 =	vperm.xlane v2, v0;
	_ =	sdelay $0x1  }
0x6b: {  	v2 =	vadd.s32 v1, v2;
	_ =	sdelay $0x3  }
0x6c: {  	s26 =	simm.s32 $0x6800  }
0x6d: {  	[tilespmem:s26], [sflag:$0x1] =	stream.indirect_vreg.gather [hbm4b:s1+s6], $0x80, v2, vm0, $0xb8;
	[tilespmem:$0x12800] =	vst v63  }
0x6e: {  	s28 =	simm.s32 $0x7000  }
0x6f: {  	[tilespmem:s28], [sflag:$0x1] =	stream.indirect_vreg.gather [hbm4b:s2+s6], $0x80, v2, vm0, $0xb8;
	[tilespmem:$0x12800] =	vst v63  }
0x70: {  	s29 =	simm.s32 $0x7800  }
0x71: {  	[tilespmem:s29], [sflag:$0x1] =	stream.indirect_vreg.gather [hbm4b:s3+s6], $0x80, v2, vm0, $0xb8;
	[tilespmem:$0x12800] =	vst v63  }
0x72: {  	s30 =	simm.s32 $0x8000  }
0x73: {  	[tilespmem:s30], [sflag:$0x1] =	stream.indirect_vreg.gather [hbm4b:s4+s6], $0x80, v2, vm0, $0xb8;
	[tilespmem:$0x12800] =	vst v63  }
0x74: {  	v2 =	vld.msk [tilespmem:s0+$0x400], $0xff;
	_ =	sdelay $0x4  }
0x75: {  	v3 =	vshll.u32 v2, $0x3  }
0x76: {  	v2 =	vand.u32 $0x7, v2;
	v3 =	vand.u32 $0xFFFFFFC0, v3  }
0x77: {  	v2 =	vor.u32 v2, v3  }
0x78: {  	v2 =	vperm.xlane v2, v0;
	_ =	sdelay $0x1  }
0x79: {  	v2 =	vadd.s32 v1, v2;
	_ =	sdelay $0x3  }
0x7a: {  	s31 =	simm.s32 $0x8800  }
0x7b: {  	[tilespmem:s31], [sflag:$0x1] =	stream.indirect_vreg.gather [hbm4b:s1+s6], $0x80, v2, vm0, $0xb8;
	[tilespmem:$0x12800] =	vst v63  }
0x7c: {  	s7 =	simm.s32 $0x9000  }
0x7d: {  	[tilespmem:s7], [sflag:$0x1] =	stream.indirect_vreg.gather [hbm4b:s2+s6], $0x80, v2, vm0, $0xb8;
	[tilespmem:$0x12800] =	vst v63  }
0x7e: {  	s8 =	simm.s32 $0x9800  }
0x7f: {  	[tilespmem:s8], [sflag:$0x1] =	stream.indirect_vreg.gather [hbm4b:s3+s6], $0x80, v2, vm0, $0xb8;
	[tilespmem:$0x12800] =	vst v63  }
0x80: {  	s9 =	simm.s32 $0xA000  }
0x81: {  	[tilespmem:s9], [sflag:$0x1] =	stream.indirect_vreg.gather [hbm4b:s4+s6], $0x80, v2, vm0, $0xb8;
	[tilespmem:$0x12800] =	vst v63  }
0x82: {  	v2 =	vld.msk [tilespmem:s0+$0x500], $0xff;
	_ =	sdelay $0x4  }
0x83: {  	v3 =	vshll.u32 v2, $0x3  }
0x84: {  	v2 =	vand.u32 $0x7, v2;
	v3 =	vand.u32 $0xFFFFFFC0, v3  }
0x85: {  	v2 =	vor.u32 v2, v3  }
0x86: {  	v2 =	vperm.xlane v2, v0;
	_ =	sdelay $0x1  }
0x87: {  	v2 =	vadd.s32 v1, v2;
	_ =	sdelay $0x3  }
0x88: {  	s10 =	simm.s32 $0xA800  }
0x89: {  	[tilespmem:s10], [sflag:$0x1] =	stream.indirect_vreg.gather [hbm4b:s1+s6], $0x80, v2, vm0, $0xb8;
	[tilespmem:$0x12800] =	vst v63  }
0x8a: {  	s11 =	simm.s32 $0xB000  }
0x8b: {  	[tilespmem:s11], [sflag:$0x1] =	stream.indirect_vreg.gather [hbm4b:s2+s6], $0x80, v2, vm0, $0xb8;
	[tilespmem:$0x12800] =	vst v63  }
0x8c: {  	s12 =	simm.s32 $0xB800  }
0x8d: {  	[tilespmem:s12], [sflag:$0x1] =	stream.indirect_vreg.gather [hbm4b:s3+s6], $0x80, v2, vm0, $0xb8;
	[tilespmem:$0x12800] =	vst v63  }
0x8e: {  	s13 =	simm.s32 $0xC000  }
0x8f: {  	[tilespmem:s13], [sflag:$0x1] =	stream.indirect_vreg.gather [hbm4b:s4+s6], $0x80, v2, vm0, $0xb8;
	[tilespmem:$0x12800] =	vst v63  }
0x90: {  	v2 =	vld.msk [tilespmem:s0+$0x600], $0xff;
	_ =	sdelay $0x4  }
0x91: {  	v3 =	vshll.u32 v2, $0x3  }
0x92: {  	v2 =	vand.u32 $0x7, v2;
	v3 =	vand.u32 $0xFFFFFFC0, v3  }
0x93: {  	v2 =	vor.u32 v2, v3  }
0x94: {  	v2 =	vperm.xlane v2, v0;
	_ =	sdelay $0x1  }
0x95: {  	v2 =	vadd.s32 v1, v2;
	_ =	sdelay $0x3  }
0x96: {  	s14 =	simm.s32 $0xC800  }
0x97: {  	[tilespmem:s14], [sflag:$0x1] =	stream.indirect_vreg.gather [hbm4b:s1+s6], $0x80, v2, vm0, $0xb8;
	[tilespmem:$0x12800] =	vst v63  }
0x98: {  	s15 =	simm.s32 $0xD000  }
0x99: {  	[tilespmem:s15], [sflag:$0x1] =	stream.indirect_vreg.gather [hbm4b:s2+s6], $0x80, v2, vm0, $0xb8;
	[tilespmem:$0x12800] =	vst v63  }
0x9a: {  	s16 =	simm.s32 $0xD800  }
0x9b: {  	[tilespmem:s16], [sflag:$0x1] =	stream.indirect_vreg.gather [hbm4b:s3+s6], $0x80, v2, vm0, $0xb8;
	[tilespmem:$0x12800] =	vst v63  }
0x9c: {  	s17 =	simm.s32 $0xE000  }
0x9d: {  	[tilespmem:s17], [sflag:$0x1] =	stream.indirect_vreg.gather [hbm4b:s4+s6], $0x80, v2, vm0, $0xb8;
	[tilespmem:$0x12800] =	vst v63  }
0x9e: {  	v2 =	vld.msk [tilespmem:s0+$0x700], $0xff;
	_ =	sdelay $0x4  }
0x9f: {  	v3 =	vshll.u32 v2, $0x3  }
0xa0: {  	v2 =	vand.u32 $0x7, v2;
	v3 =	vand.u32 $0xFFFFFFC0, v3  }
0xa1: {  	v2 =	vor.u32 v2, v3  }
0xa2: {  	v2 =	vperm.xlane v2, v0;
	_ =	sdelay $0x1  }
0xa3: {  	v2 =	vadd.s32 v1, v2;
	_ =	sdelay $0x3  }
0xa4: {  	s18 =	simm.s32 $0xE800  }
0xa5: {  	[tilespmem:s18], [sflag:$0x1] =	stream.indirect_vreg.gather [hbm4b:s1+s6], $0x80, v2, vm0, $0xb8;
	[tilespmem:$0x12800] =	vst v63  }
0xa6: {  	s19 =	simm.s32 $0xF000  }
0xa7: {  	[tilespmem:s19], [sflag:$0x1] =	stream.indirect_vreg.gather [hbm4b:s2+s6], $0x80, v2, vm0, $0xb8;
	[tilespmem:$0x12800] =	vst v63  }
0xa8: {  	s20 =	simm.s32 $0xF800  }
0xa9: {  	[tilespmem:s20], [sflag:$0x1] =	stream.indirect_vreg.gather [hbm4b:s3+s6], $0x80, v2, vm0, $0xb8;
	[tilespmem:$0x12800] =	vst v63  }
0xaa: {  	s21 =	simm.s32 $0x10000;
	s22 =	simm.s32 $0x1  }
0xab: {  	[tilespmem:s21], [sflag:$0x1] =	stream.indirect_vreg.gather [hbm4b:s4+s6], $0x80, v2, vm0, $0xb8;
	[tilespmem:$0x12800] =	vst v63  }
0xac: {  	_ =	swait.ge [sflag:s22], $0x2000  }
0xad: {  	[sflag:s22] =	ssyncset.done $0x0  }
0xae: {  	[sflag:s22] =	ssyncadd.s32 $0xFFFFE000  }
0xaf: {  	_ =	swait.ge [sflag:s22], $0x2000  }
0xb0: {  	[sflag:s22] =	ssyncset.done $0x0  }
0xb1: {  	[sflag:s22] =	ssyncadd.s32 $0xFFFFE000  }
0xb2: {  	_ =	swait.ge [sflag:s22], $0x2000  }
0xb3: {  	[sflag:s22] =	ssyncset.done $0x0  }
0xb4: {  	[sflag:s22] =	ssyncadd.s32 $0xFFFFE000  }
0xb5: {  	_ =	swait.ge [sflag:s22], $0x2000  }
0xb6: {  	[sflag:s22] =	ssyncset.done $0x0  }
0xb7: {  	[sflag:s22] =	ssyncadd.s32 $0xFFFFE000  }
0xb8: {  	_ =	swait.ge [sflag:s22], $0x2000  }
0xb9: {  	[sflag:s22] =	ssyncset.done $0x0  }
0xba: {  	[sflag:s22] =	ssyncadd.s32 $0xFFFFE000  }
0xbb: {  	_ =	swait.ge [sflag:s22], $0x2000  }
0xbc: {  	[sflag:s22] =	ssyncset.done $0x0  }
0xbd: {  	[sflag:s22] =	ssyncadd.s32 $0xFFFFE000  }
0xbe: {  	_ =	swait.ge [sflag:s22], $0x2000  }
0xbf: {  	[sflag:s22] =	ssyncset.done $0x0  }
0xc0: {  	[sflag:s22] =	ssyncadd.s32 $0xFFFFE000  }
0xc1: {  	_ =	swait.ge [sflag:s22], $0x2000  }
0xc2: {  	[sflag:s22] =	ssyncset.done $0x0  }
0xc3: {  	[sflag:s22] =	ssyncadd.s32 $0xFFFFE000  }
0xc4: {  	s8 =	sand.u32 $0x1C00, s6;
	_ =	swait.ge [sflag:s22], $0x2000  }
0xc5: {  	s10 =	sand.u32 $0x40, s6;
	s0 =	sadd.s32 $0x2800, s8;
	[sflag:s22] =	ssyncset.done $0x0  }
0xc6: {  	s23 =	sor.u32 s10, s0;
	[sflag:s22] =	ssyncadd.s32 $0xFFFFE000  }
0xc7: {  	s9 =	sor.u32 s10, s8;
	v2 =	vld [tilespmem:s23+$0x0]  }
0xc8: {  	s1 =	sadd.s32 $0x4800, s8;
	v3 =	vld [tilespmem:s9+$0x800]  }
0xc9: {  	s24 =	sor.u32 s10, s1  }
0xca: {  	s2 =	sadd.s32 $0x6800, s8;
	v4 =	vld [tilespmem:s24+$0x0]  }
0xcb: {  	s25 =	sor.u32 s10, s2  }
0xcc: {  	s3 =	sadd.s32 $0x8800, s8;
	v5 =	vld [tilespmem:s25+$0x0]  }
0xcd: {  	s26 =	sor.u32 s10, s3;
	v2 =	vadd.f32 v2, v3  }
0xce: {  	s4 =	sadd.s32 $0xA800, s8;
	v3 =	vld [tilespmem:s26+$0x0]  }
0xcf: {  	s6 =	sor.u32 s10, s4;
	v2 =	vadd.f32 v4, v2  }
0xd0: {  	s5 =	sadd.s32 $0xC800, s8;
	v4 =	vld [tilespmem:s6+$0x0]  }
0xd1: {  	s7 =	sor.u32 s10, s5;
	v2 =	vadd.f32 v5, v2  }
0xd2: {  	s6 =	sadd.s32 $0xE800, s8;
	v5 =	vld [tilespmem:s7+$0x0]  }
0xd3: {  	s28 =	sor.u32 s10, s6;
	v2 =	vadd.f32 v3, v2  }
0xd4: {  	v3 =	vld [tilespmem:s28+$0x0]  }
0xd5: {  	v2 =	vadd.f32 v4, v2;
	_ =	sdelay $0x1  }
0xd6: {  	v2 =	vadd.f32 v5, v2;
	_ =	sdelay $0x1  }
0xd7: {  	v2 =	vadd.f32 v3, v2  }
0xd8: {  	s11 =	sor.u32 $0x10, s10  }
0xd9: {  	s29 =	sor.u32 s8, s11;
	[tilespmem:s9+$0x10800] =	vst.add.f32.msk $0xffff, v2  }
0xda: {  	s13 =	sor.u32 s11, s0;
	v2 =	vld [tilespmem:s29+$0x800]  }
0xdb: {  	v3 =	vld [tilespmem:s13+$0x0]  }
0xdc: {  	s30 =	sor.u32 s11, s1  }
0xdd: {  	v4 =	vld [tilespmem:s30+$0x0]  }
0xde: {  	s31 =	sor.u32 s11, s2  }
0xdf: {  	v5 =	vld [tilespmem:s31+$0x0]  }
0xe0: {  	[smem:$0x7F9] =	sst s9;
	s9 =	sor.u32 s11, s3;
	v2 =	vadd.f32 v3, v2  }
0xe1: {  	v3 =	vld [tilespmem:s9+$0x0]  }
0xe2: {  	s12 =	sor.u32 s11, s4;
	v2 =	vadd.f32 v4, v2  }
0xe3: {  	v4 =	vld [tilespmem:s12+$0x0]  }
0xe4: {  	s14 =	sor.u32 s11, s5;
	v2 =	vadd.f32 v5, v2  }
0xe5: {  	v5 =	vld [tilespmem:s14+$0x0]  }
0xe6: {  	s15 =	sor.u32 s11, s6;
	v2 =	vadd.f32 v3, v2  }
0xe7: {  	v3 =	vld [tilespmem:s15+$0x0]  }
0xe8: {  	v2 =	vadd.f32 v4, v2;
	_ =	sdelay $0x1  }
0xe9: {  	v2 =	vadd.f32 v5, v2;
	_ =	sdelay $0x1  }
0xea: {  	v2 =	vadd.f32 v3, v2  }
0xeb: {  	s16 =	sor.u32 $0x20, s10  }
0xec: {  	s17 =	sor.u32 s8, s16;
	[tilespmem:s29+$0x10800] =	vst.add.f32.msk $0xffff, v2  }
0xed: {  	s14 =	sor.u32 s16, s0;
	v2 =	vld [tilespmem:s17+$0x800]  }
0xee: {  	v3 =	vld [tilespmem:s14+$0x0]  }
0xef: {  	s18 =	sor.u32 s16, s1  }
0xf0: {  	v4 =	vld [tilespmem:s18+$0x0]  }
0xf1: {  	s19 =	sor.u32 s16, s2  }
0xf2: {  	v5 =	vld [tilespmem:s19+$0x0]  }
0xf3: {  	s20 =	sor.u32 s16, s3;
	v2 =	vadd.f32 v3, v2  }
0xf4: {  	v3 =	vld [tilespmem:s20+$0x0]  }
0xf5: {  	s21 =	sor.u32 s16, s4;
	v2 =	vadd.f32 v4, v2  }
0xf6: {  	v4 =	vld [tilespmem:s21+$0x0]  }
0xf7: {  	s22 =	sor.u32 s16, s5;
	v2 =	vadd.f32 v5, v2  }
0xf8: {  	v5 =	vld [tilespmem:s22+$0x0]  }
0xf9: {  	s23 =	sor.u32 s16, s6;
	v2 =	vadd.f32 v3, v2  }
0xfa: {  	v3 =	vld [tilespmem:s23+$0x0]  }
0xfb: {  	v2 =	vadd.f32 v4, v2;
	_ =	sdelay $0x1  }
0xfc: {  	v2 =	vadd.f32 v5, v2;
	_ =	sdelay $0x1  }
0xfd: {  	v2 =	vadd.f32 v3, v2  }
0xfe: {  	s24 =	sor.u32 $0x30, s10  }
0xff: {  	s0 =	sor.u32 s24, s0;
	[tilespmem:s17+$0x10800] =	vst.add.f32.msk $0xffff, v2  }
0x100: {  	s7 =	sor.u32 s8, s24;
	v2 =	vld [tilespmem:s0+$0x0]  }
0x101: {  	v3 =	vld [tilespmem:s7+$0x800]  }
0x102: {  	s25 =	sor.u32 s24, s1  }
0x103: {  	v4 =	vld [tilespmem:s25+$0x0]  }
0x104: {  	s26 =	sor.u32 s24, s2  }
0x105: {  	v5 =	vld [tilespmem:s26+$0x0]  }
0x106: {  	s28 =	sor.u32 s24, s3;
	v2 =	vadd.f32 v2, v3  }
0x107: {  	v3 =	vld [tilespmem:s28+$0x0]  }
0x108: {  	v2 =	vadd.f32 v4, v2  }
0x109: {  	s29 =	sor.u32 s24, s4  }
0x10a: {  	v4 =	vld [tilespmem:s29+$0x0];
	v2 =	vadd.f32 v5, v2  }
0x10b: {  	[dreg:$0x19] =	wrdreg s8;
	s30 =	sor.u32 s24, s5  }
0x10c: {  	[smem:$0x7FA] =	sst s11;
	v5 =	vadd.f32 v3, v2;
	v3 =	vld [tilespmem:s30+$0x0]  }
0x10d: {  	[smem:$0x7FB] =	sst s16;
	s31 =	sor.u32 s24, s6  }
0x10e: {  	[smem:$0x7FC] =	sst s10;
	v2 =	vld [tilespmem:s31+$0x0]  }
0x10f: {  	[smem:$0x7FD] =	sst s24;
	s2 =	simm.s32 $0x40;
	s18 =	simm.s32 $0x0;
	v4 =	vadd.f32 v4, v5  }
.LBB2_3:
0x110: {  	p0 =	sne.s32 s2, $0x3C0  }
0x111: {  	s18 =	sadd.s32 $0x200, s18;
	s0 =	smov.u32 s2;
	s2 =	sadd.s32 $0x40, s2;
	v3 =	vadd.f32 v3, v4  }
0x112: {  	_ = 	snop  }
0x113: {  	s29 =	sand.u32 $0x1C00, s18;
	v2 =	vadd.f32 v2, v3  }
0x114: {  	s0 =	sand.u32 $0x40, s0;
	s20 =	sadd.s32 $0x2800, s29;
	s21 =	sadd.s32 $0x4800, s29  }
0x115: {  	s17 =	sor.u32 s0, s29;
	s1 =	sor.u32 s0, s20;
	s3 =	sor.u32 s0, s21;
	[tilespmem:s7+$0x10800] =	vst.add.f32.msk $0xffff, v2  }
0x116: {  	s23 =	sadd.s32 $0x6800, s29;
	s30 =	sadd.s32 $0x8800, s29;
	s31 =	sadd.s32 $0xA800, s29;
	v2 =	vld [tilespmem:s1+$0x0]  }
0x117: {  	s4 =	sor.u32 s0, s30;
	s22 =	sor.u32 s0, s31;
	s1 =	sor.u32 s0, s23;
	v3 =	vld [tilespmem:s17+$0x800]  }
0x118: {  	s10 =	sadd.s32 $0xC800, s29;
	s12 =	sadd.s32 $0xE800, s29;
	s13 =	sor.u32 $0x10, s0  }
0x119: {  	s14 =	sor.u32 s0, s10;
	s9 =	sor.u32 s0, s12;
	s11 =	sor.u32 s13, s20;
	v4 =	vld [tilespmem:s3+$0x0]  }
0x11a: {  	s8 =	sor.u32 s13, s21;
	s28 =	sor.u32 s13, s30;
	s3 =	sor.u32 s13, s23  }
0x11b: {  	s26 =	sor.u32 s13, s31;
	s25 =	sor.u32 s13, s10;
	s24 =	sor.u32 s13, s12;
	v5 =	vld [tilespmem:s1+$0x0]  }
0x11c: {  	s16 =	sor.u32 $0x20, s0;
	s1 =	sor.u32 $0x30, s0;
	v2 =	vadd.f32 v2, v3  }
0x11d: {  	s19 =	sor.u32 s16, s20;
	s15 =	sor.u32 s16, s21;
	s5 =	sor.u32 s16, s23;
	v3 =	vld [tilespmem:s4+$0x0]  }
0x11e: {  	s6 =	sor.u32 s16, s31;
	s7 =	sor.u32 s16, s30;
	s4 =	sor.u32 s16, s10;
	v2 =	vadd.f32 v4, v2  }
0x11f: {  	s0 =	sor.u32 s16, s12;
	v4 =	vld [tilespmem:s22+$0x0];
	s22 =	sor.u32 s1, s20;
	s20 =	sor.u32 s1, s21  }
0x120: {  	s23 =	sor.u32 s1, s23;
	s21 =	sor.u32 s1, s30;
	s30 =	sor.u32 s1, s31;
	v2 =	vadd.f32 v5, v2  }
0x121: {  	s31 =	sor.u32 s1, s10;
	s10 =	sor.u32 s1, s12;
	v5 =	vld [tilespmem:s14+$0x0]  }
0x122: {  	v2 =	vadd.f32 v3, v2  }
0x123: {  	v3 =	vld [tilespmem:s9+$0x0]  }
0x124: {  	v2 =	vadd.f32 v4, v2;
	_ =	sdelay $0x1  }
0x125: {  	v2 =	vadd.f32 v5, v2;
	_ =	sdelay $0x1  }
0x126: {  	v2 =	vadd.f32 v3, v2;
	_ =	sdelay $0x1  }
0x127: {  	s9 =	sor.u32 s29, s13;
	[tilespmem:s17+$0x10800] =	vst.add.f32.msk $0xffff, v2  }
0x128: {  	v2 =	vld [tilespmem:s9+$0x800]  }
0x129: {  	v3 =	vld [tilespmem:s11+$0x0];
	_ =	sdelay $0x1  }
0x12a: {  	v4 =	vld [tilespmem:s8+$0x0];
	_ =	sdelay $0x1  }
0x12b: {  	v5 =	vld [tilespmem:s3+$0x0]  }
0x12c: {  	v2 =	vadd.f32 v3, v2  }
0x12d: {  	v3 =	vld [tilespmem:s28+$0x0]  }
0x12e: {  	v2 =	vadd.f32 v4, v2  }
0x12f: {  	v4 =	vld [tilespmem:s26+$0x0]  }
0x130: {  	v2 =	vadd.f32 v5, v2  }
0x131: {  	v5 =	vld [tilespmem:s25+$0x0]  }
0x132: {  	v2 =	vadd.f32 v3, v2  }
0x133: {  	v3 =	vld [tilespmem:s24+$0x0]  }
0x134: {  	v2 =	vadd.f32 v4, v2;
	_ =	sdelay $0x1  }
0x135: {  	v2 =	vadd.f32 v5, v2;
	_ =	sdelay $0x1  }
0x136: {  	v2 =	vadd.f32 v3, v2;
	_ =	sdelay $0x1  }
0x137: {  	s3 =	sor.u32 s29, s16;
	[tilespmem:s9+$0x10800] =	vst.add.f32.msk $0xffff, v2  }
0x138: {  	v2 =	vld [tilespmem:s3+$0x800]  }
0x139: {  	v3 =	vld [tilespmem:s19+$0x0];
	_ =	sdelay $0x1  }
0x13a: {  	v4 =	vld [tilespmem:s15+$0x0];
	_ =	sdelay $0x1  }
0x13b: {  	v5 =	vld [tilespmem:s5+$0x0]  }
0x13c: {  	v2 =	vadd.f32 v3, v2  }
0x13d: {  	v3 =	vld [tilespmem:s7+$0x0]  }
0x13e: {  	v2 =	vadd.f32 v4, v2  }
0x13f: {  	v4 =	vld [tilespmem:s6+$0x0]  }
0x140: {  	v2 =	vadd.f32 v5, v2  }
0x141: {  	v5 =	vld [tilespmem:s4+$0x0]  }
0x142: {  	v2 =	vadd.f32 v3, v2  }
0x143: {  	v3 =	vld [tilespmem:s0+$0x0]  }
0x144: {  	v2 =	vadd.f32 v4, v2;
	_ =	sdelay $0x1  }
0x145: {  	v2 =	vadd.f32 v5, v2;
	_ =	sdelay $0x1  }
0x146: {  	v2 =	vadd.f32 v3, v2;
	_ =	sdelay $0x1  }
0x147: {  	s7 =	sor.u32 s29, s1;
	[tilespmem:s3+$0x10800] =	vst.add.f32.msk $0xffff, v2  }
0x148: {  	v2 =	vld [tilespmem:s7+$0x800]  }
0x149: {  	v3 =	vld [tilespmem:s22+$0x0]  }
0x14a: {  	v4 =	vld [tilespmem:s20+$0x0]  }
0x14b: {  	v5 =	vld [tilespmem:s23+$0x0]  }
0x14c: {  	v6 =	vld [tilespmem:s21+$0x0]  }
0x14d: {  	v7 =	vld [tilespmem:s30+$0x0]  }
0x14e: {  	v8 =	vadd.f32 v3, v2;
	v3 =	vld [tilespmem:s31+$0x0]  }
0x14f: {  	v2 =	vld [tilespmem:s10+$0x0]  }
0x150: {  	v4 =	vadd.f32 v4, v8;
	_ =	sdelay $0x1  }
.Ltmp0:
0x151: {  	v4 =	vadd.f32 v5, v4;
	(pc) =	sbr.rel @p0 .LBB2_3-.Ltmp0, $3  }
0x152: {  	_ = 	snop  }
0x153: {  	v4 =	vadd.f32 v6, v4;
	_ =	sdelay $0x1  }
0x154: {  	v4 =	vadd.f32 v7, v4  }
0x155: {  	_ = 	snop  }
0x156: {  	v3 =	vadd.f32 v3, v4  }
0x157: {  	s10 =	sld [smem:$0x7FC]  }
0x158: {  	s9 =	rddreg [dreg:$0x19];
	v2 =	vadd.f32 v2, v3  }
0x159: {  	s8 =	sld [smem:$0x7F9];
	s0 =	sadd.s32 $0x2880, s9  }
0x15a: {  	s1 =	sor.u32 s10, s0;
	[tilespmem:s7+$0x10800] =	vst.add.f32.msk $0xffff, v2  }
0x15b: {  	v2 =	vld [tilespmem:s1+$0x0]  }
0x15c: {  	s1 =	sadd.s32 $0x4880, s9;
	v3 =	vld [tilespmem:s8+$0x880]  }
0x15d: {  	s3 =	sor.u32 s10, s1  }
0x15e: {  	s2 =	sadd.s32 $0x6880, s9;
	v4 =	vld [tilespmem:s3+$0x0]  }
0x15f: {  	s21 =	sor.u32 s10, s2  }
0x160: {  	s4 =	sadd.s32 $0x8880, s9;
	v5 =	vld [tilespmem:s21+$0x0]  }
0x161: {  	s22 =	sor.u32 s10, s4;
	v2 =	vadd.f32 v2, v3  }
0x162: {  	s5 =	sadd.s32 $0xA880, s9;
	v3 =	vld [tilespmem:s22+$0x0]  }
0x163: {  	s23 =	sor.u32 s10, s5;
	v2 =	vadd.f32 v4, v2  }
0x164: {  	s6 =	sadd.s32 $0xC880, s9;
	v4 =	vld [tilespmem:s23+$0x0]  }
0x165: {  	s24 =	sor.u32 s10, s6;
	v2 =	vadd.f32 v5, v2  }
0x166: {  	s7 =	sadd.s32 $0xE880, s9;
	v5 =	vld [tilespmem:s24+$0x0]  }
0x167: {  	s25 =	sor.u32 s10, s7;
	v2 =	vadd.f32 v3, v2  }
0x168: {  	v3 =	vld [tilespmem:s25+$0x0]  }
0x169: {  	v2 =	vadd.f32 v4, v2;
	_ =	sdelay $0x1  }
0x16a: {  	v2 =	vadd.f32 v5, v2  }
0x16b: {  	s26 =	sld [smem:$0x7FA]  }
0x16c: {  	v2 =	vadd.f32 v3, v2;
	_ =	sdelay $0x1  }
0x16d: {  	s28 =	sor.u32 s26, s9;
	[tilespmem:s8+$0x10880] =	vst.add.f32.msk $0xffff, v2  }
0x16e: {  	s29 =	sor.u32 s26, s0;
	v2 =	vld [tilespmem:s28+$0x880]  }
0x16f: {  	v3 =	vld [tilespmem:s29+$0x0]  }
0x170: {  	s30 =	sor.u32 s26, s1  }
0x171: {  	v4 =	vld [tilespmem:s30+$0x0]  }
0x172: {  	s31 =	sor.u32 s26, s2  }
0x173: {  	v5 =	vld [tilespmem:s31+$0x0]  }
0x174: {  	s11 =	sor.u32 s26, s4;
	v2 =	vadd.f32 v3, v2  }
0x175: {  	v3 =	vld [tilespmem:s11+$0x0]  }
0x176: {  	s12 =	sor.u32 s26, s5;
	v2 =	vadd.f32 v4, v2  }
0x177: {  	v4 =	vld [tilespmem:s12+$0x0]  }
0x178: {  	s13 =	sor.u32 s26, s6;
	v2 =	vadd.f32 v5, v2  }
0x179: {  	v5 =	vld [tilespmem:s13+$0x0]  }
0x17a: {  	s14 =	sor.u32 s26, s7;
	v2 =	vadd.f32 v3, v2  }
0x17b: {  	v3 =	vld [tilespmem:s14+$0x0]  }
0x17c: {  	v2 =	vadd.f32 v4, v2;
	_ =	sdelay $0x1  }
0x17d: {  	v2 =	vadd.f32 v5, v2  }
0x17e: {  	s15 =	sld [smem:$0x7FB]  }
0x17f: {  	v2 =	vadd.f32 v3, v2;
	_ =	sdelay $0x1  }
0x180: {  	s16 =	sor.u32 s15, s9;
	[tilespmem:s28+$0x10880] =	vst.add.f32.msk $0xffff, v2  }
0x181: {  	s17 =	sor.u32 s15, s0;
	v2 =	vld [tilespmem:s16+$0x880]  }
0x182: {  	v3 =	vld [tilespmem:s17+$0x0]  }
0x183: {  	s18 =	sor.u32 s15, s1  }
0x184: {  	v4 =	vld [tilespmem:s18+$0x0]  }
0x185: {  	s19 =	sor.u32 s15, s2  }
0x186: {  	v5 =	vld [tilespmem:s19+$0x0]  }
0x187: {  	s20 =	sor.u32 s15, s4;
	v2 =	vadd.f32 v3, v2  }
0x188: {  	v3 =	vld [tilespmem:s20+$0x0]  }
0x189: {  	s21 =	sor.u32 s15, s5;
	v2 =	vadd.f32 v4, v2  }
0x18a: {  	v4 =	vld [tilespmem:s21+$0x0]  }
0x18b: {  	s22 =	sor.u32 s15, s6;
	v2 =	vadd.f32 v5, v2  }
0x18c: {  	v5 =	vld [tilespmem:s22+$0x0]  }
0x18d: {  	s23 =	sor.u32 s15, s7;
	v2 =	vadd.f32 v3, v2  }
0x18e: {  	v3 =	vld [tilespmem:s23+$0x0]  }
0x18f: {  	v2 =	vadd.f32 v4, v2;
	_ =	sdelay $0x1  }
0x190: {  	v2 =	vadd.f32 v5, v2  }
0x191: {  	s24 =	sld [smem:$0x7FD]  }
0x192: {  	v2 =	vadd.f32 v3, v2;
	_ =	sdelay $0x1  }
0x193: {  	s0 =	sor.u32 s24, s0;
	[tilespmem:s16+$0x10880] =	vst.add.f32.msk $0xffff, v2  }
0x194: {  	s3 =	sor.u32 s24, s9;
	v2 =	vld [tilespmem:s0+$0x0]  }
0x195: {  	v3 =	vld [tilespmem:s3+$0x880]  }
0x196: {  	s25 =	sor.u32 s24, s1  }
0x197: {  	v4 =	vld [tilespmem:s25+$0x0]  }
0x198: {  	s26 =	sor.u32 s24, s2  }
0x199: {  	v5 =	vld [tilespmem:s26+$0x0]  }
0x19a: {  	s28 =	sor.u32 s24, s4;
	v2 =	vadd.f32 v2, v3  }
0x19b: {  	v3 =	vld [tilespmem:s28+$0x0]  }
0x19c: {  	v2 =	vadd.f32 v4, v2  }
0x19d: {  	s29 =	sor.u32 s24, s5  }
0x19e: {  	v4 =	vld [tilespmem:s29+$0x0];
	v2 =	vadd.f32 v5, v2  }
0x19f: {  	s30 =	sor.u32 s24, s6  }
0x1a0: {  	v5 =	vadd.f32 v3, v2;
	v3 =	vld [tilespmem:s30+$0x0]  }
0x1a1: {  	s31 =	sor.u32 s24, s7  }
0x1a2: {  	v2 =	vld [tilespmem:s31+$0x0]  }
0x1a3: {  	s2 =	simm.s32 $0x40;
	s18 =	simm.s32 $0x0;
	v4 =	vadd.f32 v4, v5  }
.LBB2_5:
0x1a4: {  	p0 =	sne.s32 s2, $0x3C0  }
0x1a5: {  	v3 =	vadd.f32 v3, v4;
	s18 =	sadd.s32 $0x200, s18;
	s0 =	smov.u32 s2;
	s2 =	sadd.s32 $0x40, s2  }
0x1a6: {  	_ = 	snop  }
0x1a7: {  	s9 =	sand.u32 $0x1C00, s18;
	v2 =	vadd.f32 v2, v3  }
0x1a8: {  	s0 =	sand.u32 $0x40, s0;
	s8 =	sadd.s32 $0x2880, s9;
	s10 =	sadd.s32 $0x4880, s9  }
0x1a9: {  	s17 =	sor.u32 s0, s9;
	s1 =	sor.u32 s0, s8;
	s4 =	sor.u32 s0, s10;
	[tilespmem:s3+$0x10880] =	vst.add.f32.msk $0xffff, v2  }
0x1aa: {  	s11 =	sadd.s32 $0x6880, s9;
	s13 =	sadd.s32 $0x8880, s9;
	s24 =	sadd.s32 $0xA880, s9;
	v2 =	vld [tilespmem:s1+$0x0]  }
0x1ab: {  	s12 =	sor.u32 s0, s24;
	s3 =	sor.u32 s0, s13;
	s1 =	sor.u32 s0, s11;
	v3 =	vld [tilespmem:s17+$0x880]  }
0x1ac: {  	s25 =	sadd.s32 $0xC880, s9;
	s26 =	sadd.s32 $0xE880, s9;
	s28 =	sor.u32 $0x10, s0  }
0x1ad: {  	s29 =	sor.u32 s0, s25;
	s30 =	sor.u32 s0, s26;
	s31 =	sor.u32 s28, s8;
	v4 =	vld [tilespmem:s4+$0x0]  }
0x1ae: {  	s14 =	sor.u32 s28, s10;
	s23 =	sor.u32 s28, s13;
	s4 =	sor.u32 s28, s11  }
0x1af: {  	s22 =	sor.u32 s28, s24;
	s21 =	sor.u32 s28, s25;
	s20 =	sor.u32 s28, s26;
	v5 =	vld [tilespmem:s1+$0x0]  }
0x1b0: {  	s16 =	sor.u32 $0x20, s0;
	s1 =	sor.u32 $0x30, s0;
	v2 =	vadd.f32 v2, v3  }
0x1b1: {  	s19 =	sor.u32 s16, s8;
	s15 =	sor.u32 s16, s10;
	s5 =	sor.u32 s16, s11;
	v3 =	vld [tilespmem:s3+$0x0]  }
0x1b2: {  	s7 =	sor.u32 s16, s13;
	s6 =	sor.u32 s16, s24;
	s0 =	sor.u32 s16, s25;
	v2 =	vadd.f32 v4, v2  }
0x1b3: {  	s8 =	sor.u32 s1, s8;
	s3 =	sor.u32 s16, s26;
	v4 =	vld [tilespmem:s12+$0x0];
	s12 =	sor.u32 s1, s10  }
0x1b4: {  	s13 =	sor.u32 s1, s13;
	s24 =	sor.u32 s1, s24;
	s10 =	sor.u32 s1, s11;
	v2 =	vadd.f32 v5, v2  }
0x1b5: {  	s11 =	sor.u32 s1, s25;
	s25 =	sor.u32 s1, s26;
	v5 =	vld [tilespmem:s29+$0x0]  }
0x1b6: {  	v2 =	vadd.f32 v3, v2  }
0x1b7: {  	v3 =	vld [tilespmem:s30+$0x0]  }
0x1b8: {  	v2 =	vadd.f32 v4, v2;
	_ =	sdelay $0x1  }
0x1b9: {  	v2 =	vadd.f32 v5, v2;
	_ =	sdelay $0x1  }
0x1ba: {  	v2 =	vadd.f32 v3, v2;
	_ =	sdelay $0x1  }
0x1bb: {  	[tilespmem:s17+$0x10880] =	vst.add.f32.msk $0xffff, v2;
	s17 =	sor.u32 s28, s9  }
0x1bc: {  	v2 =	vld [tilespmem:s17+$0x880]  }
0x1bd: {  	v3 =	vld [tilespmem:s31+$0x0];
	_ =	sdelay $0x1  }
0x1be: {  	v4 =	vld [tilespmem:s14+$0x0];
	_ =	sdelay $0x1  }
0x1bf: {  	v5 =	vld [tilespmem:s4+$0x0]  }
0x1c0: {  	v2 =	vadd.f32 v3, v2  }
0x1c1: {  	v3 =	vld [tilespmem:s23+$0x0]  }
0x1c2: {  	v2 =	vadd.f32 v4, v2  }
0x1c3: {  	v4 =	vld [tilespmem:s22+$0x0]  }
0x1c4: {  	v2 =	vadd.f32 v5, v2  }
0x1c5: {  	v5 =	vld [tilespmem:s21+$0x0]  }
0x1c6: {  	v2 =	vadd.f32 v3, v2  }
0x1c7: {  	v3 =	vld [tilespmem:s20+$0x0]  }
0x1c8: {  	v2 =	vadd.f32 v4, v2;
	_ =	sdelay $0x1  }
0x1c9: {  	v2 =	vadd.f32 v5, v2;
	_ =	sdelay $0x1  }
0x1ca: {  	v2 =	vadd.f32 v3, v2;
	_ =	sdelay $0x1  }
0x1cb: {  	s4 =	sor.u32 s16, s9;
	[tilespmem:s17+$0x10880] =	vst.add.f32.msk $0xffff, v2  }
0x1cc: {  	v2 =	vld [tilespmem:s4+$0x880]  }
0x1cd: {  	v3 =	vld [tilespmem:s19+$0x0];
	_ =	sdelay $0x1  }
0x1ce: {  	v4 =	vld [tilespmem:s15+$0x0];
	_ =	sdelay $0x1  }
0x1cf: {  	v5 =	vld [tilespmem:s5+$0x0]  }
0x1d0: {  	v2 =	vadd.f32 v3, v2  }
0x1d1: {  	v3 =	vld [tilespmem:s7+$0x0]  }
0x1d2: {  	v2 =	vadd.f32 v4, v2  }
0x1d3: {  	v4 =	vld [tilespmem:s6+$0x0]  }
0x1d4: {  	v2 =	vadd.f32 v5, v2  }
0x1d5: {  	v5 =	vld [tilespmem:s0+$0x0]  }
0x1d6: {  	v2 =	vadd.f32 v3, v2  }
0x1d7: {  	v3 =	vld [tilespmem:s3+$0x0]  }
0x1d8: {  	v2 =	vadd.f32 v4, v2;
	_ =	sdelay $0x1  }
0x1d9: {  	v2 =	vadd.f32 v5, v2;
	_ =	sdelay $0x1  }
0x1da: {  	v2 =	vadd.f32 v3, v2;
	_ =	sdelay $0x1  }
0x1db: {  	s3 =	sor.u32 s1, s9;
	[tilespmem:s4+$0x10880] =	vst.add.f32.msk $0xffff, v2  }
0x1dc: {  	v2 =	vld [tilespmem:s3+$0x880]  }
0x1dd: {  	v3 =	vld [tilespmem:s8+$0x0]  }
0x1de: {  	v4 =	vld [tilespmem:s12+$0x0]  }
0x1df: {  	v5 =	vld [tilespmem:s10+$0x0]  }
0x1e0: {  	v6 =	vld [tilespmem:s13+$0x0]  }
0x1e1: {  	v7 =	vld [tilespmem:s24+$0x0]  }
0x1e2: {  	v8 =	vadd.f32 v3, v2;
	v3 =	vld [tilespmem:s11+$0x0]  }
0x1e3: {  	v2 =	vld [tilespmem:s25+$0x0]  }
0x1e4: {  	v4 =	vadd.f32 v4, v8;
	_ =	sdelay $0x1  }
0x1e5: {  	v4 =	vadd.f32 v5, v4  }
.Ltmp1:
0x1e6: {  	(pc) =	sbr.rel @p0 .LBB2_5-.Ltmp1, $3  }
0x1e7: {  	v4 =	vadd.f32 v6, v4;
	_ =	sdelay $0x1  }
0x1e8: {  	v4 =	vadd.f32 v7, v4  }
0x1e9: {  	s0 =	simm.s32 $0x0  }
0x1ea: {  	v3 =	vadd.f32 v3, v4;
	_ =	sdelay $0x1  }
0x1eb: {  	s8 =	sand.u32 $0x1C00, s0;
	v2 =	vadd.f32 v2, v3  }
0x1ec: {  	s10 =	sand.u32 $0x40, s0;
	s0 =	sadd.s32 $0x2900, s8  }
0x1ed: {  	s1 =	sor.u32 s10, s0;
	[tilespmem:s3+$0x10880] =	vst.add.f32.msk $0xffff, v2  }
0x1ee: {  	s9 =	sor.u32 s10, s8;
	v2 =	vld [tilespmem:s1+$0x0]  }
0x1ef: {  	s1 =	sadd.s32 $0x4900, s8;
	v3 =	vld [tilespmem:s9+$0x900]  }
0x1f0: {  	s2 =	sor.u32 s10, s1  }
0x1f1: {  	s3 =	sadd.s32 $0x6900, s8;
	v4 =	vld [tilespmem:s2+$0x0]  }
0x1f2: {  	s17 =	sor.u32 s10, s3  }
0x1f3: {  	s4 =	sadd.s32 $0x8900, s8;
	v5 =	vld [tilespmem:s17+$0x0]  }
0x1f4: {  	s18 =	sor.u32 s10, s4;
	v2 =	vadd.f32 v2, v3  }
0x1f5: {  	s5 =	sadd.s32 $0xA900, s8;
	v3 =	vld [tilespmem:s18+$0x0]  }
0x1f6: {  	s19 =	sor.u32 s10, s5;
	v2 =	vadd.f32 v4, v2  }
0x1f7: {  	s6 =	sadd.s32 $0xC900, s8;
	v4 =	vld [tilespmem:s19+$0x0]  }
0x1f8: {  	s20 =	sor.u32 s10, s6;
	v2 =	vadd.f32 v5, v2  }
0x1f9: {  	s7 =	sadd.s32 $0xE900, s8;
	v5 =	vld [tilespmem:s20+$0x0]  }
0x1fa: {  	s21 =	sor.u32 s10, s7;
	v2 =	vadd.f32 v3, v2  }
0x1fb: {  	v3 =	vld [tilespmem:s21+$0x0]  }
0x1fc: {  	v2 =	vadd.f32 v4, v2;
	_ =	sdelay $0x1  }
0x1fd: {  	v2 =	vadd.f32 v5, v2;
	_ =	sdelay $0x1  }
0x1fe: {  	v2 =	vadd.f32 v3, v2  }
0x1ff: {  	s11 =	sor.u32 $0x10, s10  }
0x200: {  	s22 =	sor.u32 s11, s8;
	[tilespmem:s9+$0x10900] =	vst.add.f32.msk $0xffff, v2  }
0x201: {  	s23 =	sor.u32 s11, s0;
	v2 =	vld [tilespmem:s22+$0x900]  }
0x202: {  	v3 =	vld [tilespmem:s23+$0x0]  }
0x203: {  	s24 =	sor.u32 s11, s1  }
0x204: {  	v4 =	vld [tilespmem:s24+$0x0]  }
0x205: {  	s25 =	sor.u32 s11, s3  }
0x206: {  	v5 =	vld [tilespmem:s25+$0x0]  }
0x207: {  	s26 =	sor.u32 s11, s4;
	v2 =	vadd.f32 v3, v2  }
0x208: {  	v3 =	vld [tilespmem:s26+$0x0]  }
0x209: {  	s28 =	sor.u32 s11, s5;
	v2 =	vadd.f32 v4, v2  }
0x20a: {  	v4 =	vld [tilespmem:s28+$0x0]  }
0x20b: {  	s31 =	sor.u32 s11, s6;
	v2 =	vadd.f32 v5, v2  }
0x20c: {  	v5 =	vld [tilespmem:s31+$0x0]  }
0x20d: {  	s12 =	sor.u32 s11, s7;
	v2 =	vadd.f32 v3, v2  }
0x20e: {  	v3 =	vld [tilespmem:s12+$0x0]  }
0x20f: {  	v2 =	vadd.f32 v4, v2;
	_ =	sdelay $0x1  }
0x210: {  	v2 =	vadd.f32 v5, v2;
	_ =	sdelay $0x1  }
0x211: {  	v2 =	vadd.f32 v3, v2  }
0x212: {  	s13 =	sor.u32 $0x20, s10  }
0x213: {  	s14 =	sor.u32 s13, s8;
	[tilespmem:s22+$0x10900] =	vst.add.f32.msk $0xffff, v2  }
0x214: {  	s15 =	sor.u32 s13, s0;
	v2 =	vld [tilespmem:s14+$0x900]  }
0x215: {  	v3 =	vld [tilespmem:s15+$0x0]  }
0x216: {  	s16 =	sor.u32 s13, s1  }
0x217: {  	v4 =	vld [tilespmem:s16+$0x0]  }
0x218: {  	s17 =	sor.u32 s13, s3  }
0x219: {  	v5 =	vld [tilespmem:s17+$0x0]  }
0x21a: {  	s18 =	sor.u32 s13, s4;
	v2 =	vadd.f32 v3, v2  }
0x21b: {  	v3 =	vld [tilespmem:s18+$0x0]  }
0x21c: {  	s19 =	sor.u32 s13, s5;
	v2 =	vadd.f32 v4, v2  }
0x21d: {  	v4 =	vld [tilespmem:s19+$0x0]  }
0x21e: {  	s20 =	sor.u32 s13, s6;
	v2 =	vadd.f32 v5, v2  }
0x21f: {  	v5 =	vld [tilespmem:s20+$0x0]  }
0x220: {  	s21 =	sor.u32 s13, s7;
	v2 =	vadd.f32 v3, v2  }
0x221: {  	v3 =	vld [tilespmem:s21+$0x0]  }
0x222: {  	v2 =	vadd.f32 v4, v2;
	_ =	sdelay $0x1  }
0x223: {  	v2 =	vadd.f32 v5, v2;
	_ =	sdelay $0x1  }
0x224: {  	v2 =	vadd.f32 v3, v2  }
0x225: {  	[smem:$0x7F4] =	sst s22;
	s22 =	sor.u32 $0x30, s10  }
0x226: {  	s0 =	sor.u32 s22, s0;
	[tilespmem:s14+$0x10900] =	vst.add.f32.msk $0xffff, v2  }
0x227: {  	s15 =	sor.u32 s22, s8;
	v2 =	vld [tilespmem:s0+$0x0]  }
0x228: {  	v3 =	vld [tilespmem:s15+$0x900]  }
0x229: {  	s23 =	sor.u32 s22, s1  }
0x22a: {  	v4 =	vld [tilespmem:s23+$0x0]  }
0x22b: {  	s24 =	sor.u32 s22, s3  }
0x22c: {  	v5 =	vld [tilespmem:s24+$0x0]  }
0x22d: {  	s25 =	sor.u32 s22, s4;
	v2 =	vadd.f32 v2, v3  }
0x22e: {  	v3 =	vld [tilespmem:s25+$0x0]  }
0x22f: {  	v2 =	vadd.f32 v4, v2  }
0x230: {  	[smem:$0x7F6] =	sst s10;
	s26 =	sor.u32 s22, s5  }
0x231: {  	[dreg:$0x1a] =	wrdreg s8;
	v4 =	vld [tilespmem:s26+$0x0];
	v2 =	vadd.f32 v5, v2  }
0x232: {  	[smem:$0x7F2] =	sst s9;
	s28 =	sor.u32 s22, s6  }
0x233: {  	[smem:$0x7F3] =	sst s11;
	v5 =	vadd.f32 v3, v2;
	v3 =	vld [tilespmem:s28+$0x0]  }
0x234: {  	[smem:$0x7F5] =	sst s13;
	s31 =	sor.u32 s22, s7  }
0x235: {  	[smem:$0x7F7] =	sst s14;
	v2 =	vld [tilespmem:s31+$0x0]  }
0x236: {  	s29 =	simm.s32 $0x40;
	s30 =	simm.s32 $0x0;
	[smem:$0x7F8] =	sst s22;
	v4 =	vadd.f32 v4, v5  }
.LBB2_7:
0x237: {  	p0 =	sne.s32 s29, $0x3C0  }
0x238: {  	s30 =	sadd.s32 $0x200, s30;
	s0 =	smov.u32 s29;
	s29 =	sadd.s32 $0x40, s29;
	v3 =	vadd.f32 v3, v4  }
0x239: {  	_ = 	snop  }
0x23a: {  	s31 =	sand.u32 $0x1C00, s30;
	v2 =	vadd.f32 v2, v3  }
0x23b: {  	s0 =	sand.u32 $0x40, s0;
	s3 =	sadd.s32 $0x2900, s31;
	s20 =	sadd.s32 $0x4900, s31  }
0x23c: {  	s17 =	sor.u32 s0, s31;
	s1 =	sor.u32 s0, s3;
	s4 =	sor.u32 s0, s20;
	[tilespmem:s15+$0x10900] =	vst.add.f32.msk $0xffff, v2  }
0x23d: {  	s21 =	sadd.s32 $0x6900, s31;
	s23 =	sadd.s32 $0x8900, s31;
	s13 =	sadd.s32 $0xA900, s31;
	v2 =	vld [tilespmem:s1+$0x0]  }
0x23e: {  	s5 =	sor.u32 s0, s23;
	s22 =	sor.u32 s0, s13;
	s1 =	sor.u32 s0, s21;
	v3 =	vld [tilespmem:s17+$0x900]  }
0x23f: {  	s14 =	sadd.s32 $0xC900, s31;
	s18 =	sadd.s32 $0xE900, s31;
	s8 =	sor.u32 $0x10, s0  }
0x240: {  	s2 =	sor.u32 s0, s14;
	s11 =	sor.u32 s0, s18;
	s9 =	sor.u32 s8, s3;
	v4 =	vld [tilespmem:s4+$0x0]  }
0x241: {  	s24 =	sor.u32 s8, s20;
	s12 =	sor.u32 s8, s23;
	s4 =	sor.u32 s8, s21  }
0x242: {  	s10 =	sor.u32 s8, s13;
	s25 =	sor.u32 s8, s14;
	s26 =	sor.u32 s8, s18;
	v5 =	vld [tilespmem:s1+$0x0]  }
0x243: {  	s16 =	sor.u32 $0x20, s0;
	s1 =	sor.u32 $0x30, s0;
	v2 =	vadd.f32 v2, v3  }
0x244: {  	s28 =	sor.u32 s16, s3;
	s15 =	sor.u32 s16, s20;
	v3 =	vld [tilespmem:s5+$0x0];
	s5 =	sor.u32 s16, s21  }
0x245: {  	s7 =	sor.u32 s16, s23;
	s19 =	sor.u32 s16, s13;
	s6 =	sor.u32 s16, s14;
	v2 =	vadd.f32 v4, v2  }
0x246: {  	s0 =	sor.u32 s16, s18;
	s20 =	sor.u32 s1, s20;
	v4 =	vld [tilespmem:s22+$0x0];
	s22 =	sor.u32 s1, s3  }
0x247: {  	s23 =	sor.u32 s1, s23;
	s13 =	sor.u32 s1, s13;
	s3 =	sor.u32 s1, s21;
	v2 =	vadd.f32 v5, v2  }
0x248: {  	s21 =	sor.u32 s1, s14;
	v5 =	vld [tilespmem:s2+$0x0];
	s2 =	sor.u32 s1, s18  }
0x249: {  	v2 =	vadd.f32 v3, v2  }
0x24a: {  	v3 =	vld [tilespmem:s11+$0x0]  }
0x24b: {  	v2 =	vadd.f32 v4, v2;
	_ =	sdelay $0x1  }
0x24c: {  	v2 =	vadd.f32 v5, v2;
	_ =	sdelay $0x1  }
0x24d: {  	v2 =	vadd.f32 v3, v2;
	_ =	sdelay $0x1  }
0x24e: {  	s8 =	sor.u32 s8, s31;
	[tilespmem:s17+$0x10900] =	vst.add.f32.msk $0xffff, v2  }
0x24f: {  	v2 =	vld [tilespmem:s8+$0x900]  }
0x250: {  	v3 =	vld [tilespmem:s9+$0x0];
	_ =	sdelay $0x1  }
0x251: {  	v4 =	vld [tilespmem:s24+$0x0];
	_ =	sdelay $0x1  }
0x252: {  	v5 =	vld [tilespmem:s4+$0x0]  }
0x253: {  	v2 =	vadd.f32 v3, v2  }
0x254: {  	v3 =	vld [tilespmem:s12+$0x0]  }
0x255: {  	v2 =	vadd.f32 v4, v2  }
0x256: {  	v4 =	vld [tilespmem:s10+$0x0]  }
0x257: {  	v2 =	vadd.f32 v5, v2  }
0x258: {  	v5 =	vld [tilespmem:s25+$0x0]  }
0x259: {  	v2 =	vadd.f32 v3, v2  }
0x25a: {  	v3 =	vld [tilespmem:s26+$0x0]  }
0x25b: {  	v2 =	vadd.f32 v4, v2;
	_ =	sdelay $0x1  }
0x25c: {  	v2 =	vadd.f32 v5, v2;
	_ =	sdelay $0x1  }
0x25d: {  	v2 =	vadd.f32 v3, v2;
	_ =	sdelay $0x1  }
0x25e: {  	s4 =	sor.u32 s16, s31;
	[tilespmem:s8+$0x10900] =	vst.add.f32.msk $0xffff, v2  }
0x25f: {  	v2 =	vld [tilespmem:s4+$0x900]  }
0x260: {  	v3 =	vld [tilespmem:s28+$0x0];
	_ =	sdelay $0x1  }
0x261: {  	v4 =	vld [tilespmem:s15+$0x0];
	_ =	sdelay $0x1  }
0x262: {  	v5 =	vld [tilespmem:s5+$0x0]  }
0x263: {  	v2 =	vadd.f32 v3, v2  }
0x264: {  	v3 =	vld [tilespmem:s7+$0x0]  }
0x265: {  	v2 =	vadd.f32 v4, v2  }
0x266: {  	v4 =	vld [tilespmem:s19+$0x0]  }
0x267: {  	v2 =	vadd.f32 v5, v2  }
0x268: {  	v5 =	vld [tilespmem:s6+$0x0]  }
0x269: {  	v2 =	vadd.f32 v3, v2  }
0x26a: {  	v3 =	vld [tilespmem:s0+$0x0]  }
0x26b: {  	v2 =	vadd.f32 v4, v2;
	_ =	sdelay $0x1  }
0x26c: {  	v2 =	vadd.f32 v5, v2;
	_ =	sdelay $0x1  }
0x26d: {  	v2 =	vadd.f32 v3, v2;
	_ =	sdelay $0x1  }
0x26e: {  	s15 =	sor.u32 s1, s31;
	[tilespmem:s4+$0x10900] =	vst.add.f32.msk $0xffff, v2  }
0x26f: {  	v2 =	vld [tilespmem:s15+$0x900]  }
0x270: {  	v3 =	vld [tilespmem:s22+$0x0]  }
0x271: {  	v4 =	vld [tilespmem:s20+$0x0]  }
0x272: {  	v5 =	vld [tilespmem:s3+$0x0]  }
0x273: {  	v6 =	vld [tilespmem:s23+$0x0]  }
0x274: {  	v7 =	vld [tilespmem:s13+$0x0]  }
0x275: {  	v8 =	vadd.f32 v3, v2;
	v3 =	vld [tilespmem:s21+$0x0]  }
0x276: {  	v2 =	vld [tilespmem:s2+$0x0]  }
0x277: {  	v4 =	vadd.f32 v4, v8;
	_ =	sdelay $0x1  }
.Ltmp2:
0x278: {  	v4 =	vadd.f32 v5, v4;
	(pc) =	sbr.rel @p0 .LBB2_7-.Ltmp2, $3  }
0x279: {  	_ = 	snop  }
0x27a: {  	v4 =	vadd.f32 v6, v4;
	_ =	sdelay $0x1  }
0x27b: {  	v4 =	vadd.f32 v7, v4  }
0x27c: {  	_ = 	snop  }
0x27d: {  	v3 =	vadd.f32 v3, v4  }
0x27e: {  	s9 =	sld [smem:$0x7F6]  }
0x27f: {  	s2 =	rddreg [dreg:$0x1a];
	v2 =	vadd.f32 v2, v3  }
0x280: {  	s8 =	sld [smem:$0x7F2];
	s0 =	sadd.s32 $0x2980, s2  }
0x281: {  	s1 =	sor.u32 s9, s0;
	[tilespmem:s15+$0x10900] =	vst.add.f32.msk $0xffff, v2  }
0x282: {  	v2 =	vld [tilespmem:s1+$0x0]  }
0x283: {  	s3 =	sadd.s32 $0x4980, s2;
	v3 =	vld [tilespmem:s8+$0x980]  }
0x284: {  	s20 =	sor.u32 s9, s3  }
0x285: {  	s4 =	sadd.s32 $0x6980, s2;
	v4 =	vld [tilespmem:s20+$0x0]  }
0x286: {  	s21 =	sor.u32 s9, s4  }
0x287: {  	s5 =	sadd.s32 $0x8980, s2;
	v5 =	vld [tilespmem:s21+$0x0]  }
0x288: {  	s22 =	sor.u32 s9, s5;
	v2 =	vadd.f32 v2, v3  }
0x289: {  	s6 =	sadd.s32 $0xA980, s2;
	v3 =	vld [tilespmem:s22+$0x0]  }
0x28a: {  	s23 =	sor.u32 s9, s6;
	v2 =	vadd.f32 v4, v2  }
0x28b: {  	s7 =	sadd.s32 $0xC980, s2;
	v4 =	vld [tilespmem:s23+$0x0]  }
0x28c: {  	s24 =	sor.u32 s9, s7;
	v2 =	vadd.f32 v5, v2  }
0x28d: {  	s15 =	sadd.s32 $0xE980, s2;
	v5 =	vld [tilespmem:s24+$0x0]  }
0x28e: {  	s25 =	sor.u32 s9, s15;
	v2 =	vadd.f32 v3, v2  }
0x28f: {  	v3 =	vld [tilespmem:s25+$0x0]  }
0x290: {  	v2 =	vadd.f32 v4, v2;
	_ =	sdelay $0x1  }
0x291: {  	v2 =	vadd.f32 v5, v2  }
0x292: {  	s26 =	sld [smem:$0x7F3]  }
0x293: {  	s29 =	sld [smem:$0x7F4];
	v2 =	vadd.f32 v3, v2;
	_ =	sdelay $0x1  }
0x294: {  	[tilespmem:s8+$0x10980] =	vst.add.f32.msk $0xffff, v2  }
0x295: {  	s28 =	sor.u32 s26, s0;
	v2 =	vld [tilespmem:s29+$0x980]  }
0x296: {  	v3 =	vld [tilespmem:s28+$0x0]  }
0x297: {  	s30 =	sor.u32 s26, s3  }
0x298: {  	v4 =	vld [tilespmem:s30+$0x0]  }
0x299: {  	s31 =	sor.u32 s26, s4  }
0x29a: {  	v5 =	vld [tilespmem:s31+$0x0]  }
0x29b: {  	s10 =	sor.u32 s26, s5;
	v2 =	vadd.f32 v3, v2  }
0x29c: {  	v3 =	vld [tilespmem:s10+$0x0]  }
0x29d: {  	s11 =	sor.u32 s26, s6;
	v2 =	vadd.f32 v4, v2  }
0x29e: {  	v4 =	vld [tilespmem:s11+$0x0]  }
0x29f: {  	s12 =	sor.u32 s26, s7;
	v2 =	vadd.f32 v5, v2  }
0x2a0: {  	v5 =	vld [tilespmem:s12+$0x0]  }
0x2a1: {  	s13 =	sor.u32 s26, s15;
	v2 =	vadd.f32 v3, v2  }
0x2a2: {  	v3 =	vld [tilespmem:s13+$0x0]  }
0x2a3: {  	v2 =	vadd.f32 v4, v2;
	_ =	sdelay $0x1  }
0x2a4: {  	v2 =	vadd.f32 v5, v2  }
0x2a5: {  	s14 =	sld [smem:$0x7F5]  }
0x2a6: {  	s17 =	sld [smem:$0x7F7];
	v2 =	vadd.f32 v3, v2;
	_ =	sdelay $0x1  }
0x2a7: {  	[tilespmem:s29+$0x10980] =	vst.add.f32.msk $0xffff, v2  }
0x2a8: {  	s16 =	sor.u32 s14, s0;
	v2 =	vld [tilespmem:s17+$0x980]  }
0x2a9: {  	v3 =	vld [tilespmem:s16+$0x0]  }
0x2aa: {  	s18 =	sor.u32 s14, s3  }
0x2ab: {  	v4 =	vld [tilespmem:s18+$0x0]  }
0x2ac: {  	s19 =	sor.u32 s14, s4  }
0x2ad: {  	v5 =	vld [tilespmem:s19+$0x0]  }
0x2ae: {  	s20 =	sor.u32 s14, s5;
	v2 =	vadd.f32 v3, v2  }
0x2af: {  	v3 =	vld [tilespmem:s20+$0x0]  }
0x2b0: {  	s21 =	sor.u32 s14, s6;
	v2 =	vadd.f32 v4, v2  }
0x2b1: {  	v4 =	vld [tilespmem:s21+$0x0]  }
0x2b2: {  	s22 =	sor.u32 s14, s7;
	v2 =	vadd.f32 v5, v2  }
0x2b3: {  	v5 =	vld [tilespmem:s22+$0x0]  }
0x2b4: {  	s23 =	sor.u32 s14, s15;
	v2 =	vadd.f32 v3, v2  }
0x2b5: {  	v3 =	vld [tilespmem:s23+$0x0]  }
0x2b6: {  	v2 =	vadd.f32 v4, v2;
	_ =	sdelay $0x1  }
0x2b7: {  	v2 =	vadd.f32 v5, v2  }
0x2b8: {  	s24 =	sld [smem:$0x7F8]  }
0x2b9: {  	v2 =	vadd.f32 v3, v2;
	_ =	sdelay $0x1  }
0x2ba: {  	s0 =	sor.u32 s24, s0;
	[tilespmem:s17+$0x10980] =	vst.add.f32.msk $0xffff, v2  }
0x2bb: {  	s1 =	sor.u32 s24, s2;
	v2 =	vld [tilespmem:s0+$0x0]  }
0x2bc: {  	v3 =	vld [tilespmem:s1+$0x980]  }
0x2bd: {  	s25 =	sor.u32 s24, s3  }
0x2be: {  	v4 =	vld [tilespmem:s25+$0x0]  }
0x2bf: {  	s26 =	sor.u32 s24, s4  }
0x2c0: {  	v5 =	vld [tilespmem:s26+$0x0]  }
0x2c1: {  	s28 =	sor.u32 s24, s5;
	v2 =	vadd.f32 v2, v3  }
0x2c2: {  	v3 =	vld [tilespmem:s28+$0x0]  }
0x2c3: {  	v2 =	vadd.f32 v4, v2  }
0x2c4: {  	s29 =	sor.u32 s24, s6  }
0x2c5: {  	v4 =	vld [tilespmem:s29+$0x0];
	v2 =	vadd.f32 v5, v2  }
0x2c6: {  	s30 =	sor.u32 s24, s7  }
0x2c7: {  	v5 =	vadd.f32 v3, v2;
	v3 =	vld [tilespmem:s30+$0x0]  }
0x2c8: {  	s31 =	sor.u32 s24, s15  }
0x2c9: {  	v2 =	vld [tilespmem:s31+$0x0]  }
0x2ca: {  	p0 =	por $0x0, $0x0;
	s2 =	simm.s32 $0x40;
	s6 =	simm.s32 $0x0;
	v4 =	vadd.f32 v4, v5  }
.LBB2_9:
0x2cb: {  	p1 =	sne.s32 s2, $0x3C0  }
0x2cc: {  	v3 =	vadd.f32 v3, v4;
	s6 =	sadd.s32 $0x200, s6;
	s0 =	smov.u32 s2;
	s2 =	sadd.s32 $0x40, s2  }
0x2cd: {  	_ = 	snop  }
0x2ce: {  	s8 =	sand.u32 $0x1C00, s6;
	v2 =	vadd.f32 v2, v3  }
0x2cf: {  	s0 =	sand.u32 $0x40, s0;
	s3 =	sadd.s32 $0x2980, s8;
	s9 =	sadd.s32 $0x4980, s8  }
0x2d0: {  	s17 =	sor.u32 s0, s8;
	s4 =	sor.u32 s0, s3;
	s5 =	sor.u32 s0, s9;
	[tilespmem:s1+$0x10980] =	vst.add.f32.msk $0xffff, v2  }
0x2d1: {  	s10 =	sadd.s32 $0x6980, s8;
	s12 =	sadd.s32 $0x8980, s8;
	s14 =	sadd.s32 $0xA980, s8;
	v2 =	vld [tilespmem:s4+$0x0]  }
0x2d2: {  	s11 =	sor.u32 s0, s14;
	s1 =	sor.u32 s0, s10;
	s4 =	sor.u32 s0, s12;
	v3 =	vld [tilespmem:s17+$0x980]  }
0x2d3: {  	s24 =	sadd.s32 $0xC980, s8;
	s25 =	sadd.s32 $0xE980, s8;
	s26 =	sor.u32 $0x10, s0  }
0x2d4: {  	s28 =	sor.u32 s0, s24;
	s29 =	sor.u32 s0, s25;
	s30 =	sor.u32 s26, s3;
	v4 =	vld [tilespmem:s5+$0x0]  }
0x2d5: {  	s31 =	sor.u32 s26, s9;
	s13 =	sor.u32 s26, s10;
	s23 =	sor.u32 s26, s12  }
0x2d6: {  	s22 =	sor.u32 s26, s14;
	s21 =	sor.u32 s26, s24;
	s20 =	sor.u32 s26, s25;
	v5 =	vld [tilespmem:s1+$0x0]  }
0x2d7: {  	s16 =	sor.u32 $0x20, s0;
	s1 =	sor.u32 $0x30, s0;
	v2 =	vadd.f32 v2, v3  }
0x2d8: {  	s19 =	sor.u32 s16, s3;
	s15 =	sor.u32 s16, s9;
	s5 =	sor.u32 s16, s10;
	v3 =	vld [tilespmem:s4+$0x0]  }
0x2d9: {  	s7 =	sor.u32 s16, s12;
	s18 =	sor.u32 s16, s14;
	s0 =	sor.u32 s16, s24;
	v2 =	vadd.f32 v4, v2  }
0x2da: {  	s3 =	sor.u32 s1, s3;
	s4 =	sor.u32 s16, s25;
	v4 =	vld [tilespmem:s11+$0x0];
	s11 =	sor.u32 s1, s9  }
0x2db: {  	s12 =	sor.u32 s1, s12;
	s9 =	sor.u32 s1, s10;
	s10 =	sor.u32 s1, s24;
	v2 =	vadd.f32 v5, v2  }
0x2dc: {  	s14 =	sor.u32 s1, s14;
	s24 =	sor.u32 s1, s25;
	v5 =	vld [tilespmem:s28+$0x0]  }
0x2dd: {  	v2 =	vadd.f32 v3, v2  }
0x2de: {  	v3 =	vld [tilespmem:s29+$0x0]  }
0x2df: {  	v2 =	vadd.f32 v4, v2;
	_ =	sdelay $0x1  }
0x2e0: {  	v2 =	vadd.f32 v5, v2;
	_ =	sdelay $0x1  }
0x2e1: {  	v2 =	vadd.f32 v3, v2;
	_ =	sdelay $0x1  }
0x2e2: {  	[tilespmem:s17+$0x10980] =	vst.add.f32.msk $0xffff, v2;
	s17 =	sor.u32 s26, s8  }
0x2e3: {  	v2 =	vld [tilespmem:s17+$0x980]  }
0x2e4: {  	v3 =	vld [tilespmem:s30+$0x0];
	_ =	sdelay $0x1  }
0x2e5: {  	v4 =	vld [tilespmem:s31+$0x0];
	_ =	sdelay $0x1  }
0x2e6: {  	v5 =	vld [tilespmem:s13+$0x0]  }
0x2e7: {  	v2 =	vadd.f32 v3, v2  }
0x2e8: {  	v3 =	vld [tilespmem:s23+$0x0]  }
0x2e9: {  	v2 =	vadd.f32 v4, v2  }
0x2ea: {  	v4 =	vld [tilespmem:s22+$0x0]  }
0x2eb: {  	v2 =	vadd.f32 v5, v2  }
0x2ec: {  	v5 =	vld [tilespmem:s21+$0x0]  }
0x2ed: {  	v2 =	vadd.f32 v3, v2  }
0x2ee: {  	v3 =	vld [tilespmem:s20+$0x0]  }
0x2ef: {  	v2 =	vadd.f32 v4, v2;
	_ =	sdelay $0x1  }
0x2f0: {  	v2 =	vadd.f32 v5, v2;
	_ =	sdelay $0x1  }
0x2f1: {  	v2 =	vadd.f32 v3, v2;
	_ =	sdelay $0x1  }
0x2f2: {  	s13 =	sor.u32 s16, s8;
	[tilespmem:s17+$0x10980] =	vst.add.f32.msk $0xffff, v2  }
0x2f3: {  	v2 =	vld [tilespmem:s13+$0x980]  }
0x2f4: {  	v3 =	vld [tilespmem:s19+$0x0];
	_ =	sdelay $0x1  }
0x2f5: {  	v4 =	vld [tilespmem:s15+$0x0];
	_ =	sdelay $0x1  }
0x2f6: {  	v5 =	vld [tilespmem:s5+$0x0]  }
0x2f7: {  	v2 =	vadd.f32 v3, v2  }
0x2f8: {  	v3 =	vld [tilespmem:s7+$0x0]  }
0x2f9: {  	v2 =	vadd.f32 v4, v2  }
0x2fa: {  	v4 =	vld [tilespmem:s18+$0x0]  }
0x2fb: {  	v2 =	vadd.f32 v5, v2  }
0x2fc: {  	v5 =	vld [tilespmem:s0+$0x0]  }
0x2fd: {  	v2 =	vadd.f32 v3, v2  }
0x2fe: {  	v3 =	vld [tilespmem:s4+$0x0]  }
0x2ff: {  	v2 =	vadd.f32 v4, v2;
	_ =	sdelay $0x1  }
0x300: {  	v2 =	vadd.f32 v5, v2;
	_ =	sdelay $0x1  }
0x301: {  	v2 =	vadd.f32 v3, v2;
	_ =	sdelay $0x1  }
0x302: {  	s1 =	sor.u32 s1, s8;
	[tilespmem:s13+$0x10980] =	vst.add.f32.msk $0xffff, v2  }
0x303: {  	v2 =	vld [tilespmem:s1+$0x980]  }
0x304: {  	v3 =	vld [tilespmem:s3+$0x0]  }
0x305: {  	v4 =	vld [tilespmem:s11+$0x0]  }
0x306: {  	v5 =	vld [tilespmem:s9+$0x0]  }
0x307: {  	v6 =	vld [tilespmem:s12+$0x0]  }
0x308: {  	v7 =	vld [tilespmem:s14+$0x0]  }
0x309: {  	v8 =	vadd.f32 v3, v2;
	v3 =	vld [tilespmem:s10+$0x0]  }
0x30a: {  	v2 =	vld [tilespmem:s24+$0x0]  }
0x30b: {  	v4 =	vadd.f32 v4, v8;
	_ =	sdelay $0x1  }
0x30c: {  	v4 =	vadd.f32 v5, v4  }
.Ltmp3:
0x30d: {  	(pc) =	sbr.rel @p1 .LBB2_9-.Ltmp3, $3  }
0x30e: {  	v4 =	vadd.f32 v6, v4;
	_ =	sdelay $0x1  }
0x30f: {  	v4 =	vadd.f32 v7, v4  }
0x310: {  	s3 =	simm.s32 $0x0  }
0x311: {  	v3 =	vadd.f32 v3, v4;
	s0 =	simm.s32 $0x1  }
0x312: {  	s0 =	simm.s32 @!p0 $0x0  }
0x313: {  	v2 =	vadd.f32 v2, v3;
	s0 =	sshll.u32 s0, $0x6  }
0x314: {  	s8 =	sand.u32 $0x1C00, s3;
	s10 =	sadd.s32 $0x0, s0  }
0x315: {  	s9 =	sand.u32 $0x40, s3;
	s0 =	sadd.s32 $0x2A00, s8;
	[tilespmem:s1+$0x10980] =	vst.add.f32.msk $0xffff, v2;
	s2 =	sor.u32 $0x200, s10  }
0x316: {  	s3 =	sor.u32 s9, s0;
	v2 =	vld [tilespmem:s2+$0x800]  }
0x317: {  	s1 =	sadd.s32 $0x4A00, s8;
	v3 =	vld [tilespmem:s3+$0x0]  }
0x318: {  	s4 =	sor.u32 s9, s1  }
0x319: {  	s3 =	sadd.s32 $0x6A00, s8;
	v4 =	vld [tilespmem:s4+$0x0]  }
0x31a: {  	s5 =	sor.u32 s9, s3  }
0x31b: {  	s4 =	sadd.s32 $0x8A00, s8;
	v5 =	vld [tilespmem:s5+$0x0]  }
0x31c: {  	s6 =	sor.u32 s9, s4;
	v2 =	vadd.f32 v3, v2  }
0x31d: {  	s5 =	sadd.s32 $0xAA00, s8;
	v3 =	vld [tilespmem:s6+$0x0]  }
0x31e: {  	s7 =	sor.u32 s9, s5;
	v2 =	vadd.f32 v4, v2  }
0x31f: {  	s6 =	sadd.s32 $0xCA00, s8;
	v4 =	vld [tilespmem:s7+$0x0]  }
0x320: {  	s17 =	sor.u32 s9, s6;
	v2 =	vadd.f32 v5, v2  }
0x321: {  	s15 =	sadd.s32 $0xEA00, s8;
	v5 =	vld [tilespmem:s17+$0x0]  }
0x322: {  	s18 =	sor.u32 s9, s15;
	v2 =	vadd.f32 v3, v2  }
0x323: {  	v3 =	vld [tilespmem:s18+$0x0]  }
0x324: {  	v2 =	vadd.f32 v4, v2;
	_ =	sdelay $0x1  }
0x325: {  	v2 =	vadd.f32 v5, v2;
	_ =	sdelay $0x1  }
0x326: {  	v2 =	vadd.f32 v3, v2  }
0x327: {  	s19 =	sadd.s32 $0x10, s10  }
0x328: {  	s20 =	sor.u32 $0x10, s9;
	s21 =	sor.u32 $0x200, s19;
	[tilespmem:s2+$0x10800] =	vst.add.f32.msk $0xffff, v2  }
0x329: {  	s22 =	sor.u32 s20, s0;
	v2 =	vld [tilespmem:s21+$0x800]  }
0x32a: {  	v3 =	vld [tilespmem:s22+$0x0]  }
0x32b: {  	s23 =	sor.u32 s20, s1  }
0x32c: {  	v4 =	vld [tilespmem:s23+$0x0]  }
0x32d: {  	s24 =	sor.u32 s20, s3  }
0x32e: {  	v5 =	vld [tilespmem:s24+$0x0]  }
0x32f: {  	s25 =	sor.u32 s20, s4;
	v2 =	vadd.f32 v3, v2  }
0x330: {  	v3 =	vld [tilespmem:s25+$0x0]  }
0x331: {  	s26 =	sor.u32 s20, s5;
	v2 =	vadd.f32 v4, v2  }
0x332: {  	v4 =	vld [tilespmem:s26+$0x0]  }
0x333: {  	s28 =	sor.u32 s20, s6;
	v2 =	vadd.f32 v5, v2  }
0x334: {  	v5 =	vld [tilespmem:s28+$0x0]  }
0x335: {  	s29 =	sor.u32 s20, s15;
	v2 =	vadd.f32 v3, v2  }
0x336: {  	v3 =	vld [tilespmem:s29+$0x0]  }
0x337: {  	v2 =	vadd.f32 v4, v2;
	_ =	sdelay $0x1  }
0x338: {  	v2 =	vadd.f32 v5, v2;
	_ =	sdelay $0x1  }
0x339: {  	v2 =	vadd.f32 v3, v2  }
0x33a: {  	[dreg:$0x1c] =	wrdreg s8;
	s8 =	sadd.s32 $0x20, s10  }
0x33b: {  	s11 =	sor.u32 $0x20, s9;
	s12 =	sor.u32 $0x200, s8;
	[tilespmem:s21+$0x10800] =	vst.add.f32.msk $0xffff, v2  }
0x33c: {  	s13 =	sor.u32 s11, s0;
	v2 =	vld [tilespmem:s12+$0x800]  }
0x33d: {  	v3 =	vld [tilespmem:s13+$0x0]  }
0x33e: {  	s14 =	sor.u32 s11, s1  }
0x33f: {  	v4 =	vld [tilespmem:s14+$0x0]  }
0x340: {  	s16 =	sor.u32 s11, s3  }
0x341: {  	v5 =	vld [tilespmem:s16+$0x0]  }
0x342: {  	s17 =	sor.u32 s11, s4;
	v2 =	vadd.f32 v3, v2  }
0x343: {  	v3 =	vld [tilespmem:s17+$0x0]  }
0x344: {  	s18 =	sor.u32 s11, s5;
	v2 =	vadd.f32 v4, v2  }
0x345: {  	v4 =	vld [tilespmem:s18+$0x0]  }
0x346: {  	[smem:$0x7EB] =	sst s19;
	s19 =	sor.u32 s11, s6;
	v2 =	vadd.f32 v5, v2  }
0x347: {  	v5 =	vld [tilespmem:s19+$0x0]  }
0x348: {  	[smem:$0x7EC] =	sst s20;
	s20 =	sor.u32 s11, s15;
	v2 =	vadd.f32 v3, v2  }
0x349: {  	v3 =	vld [tilespmem:s20+$0x0]  }
0x34a: {  	v2 =	vadd.f32 v4, v2;
	_ =	sdelay $0x1  }
0x34b: {  	v2 =	vadd.f32 v5, v2;
	_ =	sdelay $0x1  }
0x34c: {  	v2 =	vadd.f32 v3, v2  }
0x34d: {  	s21 =	sor.u32 $0x30, s9  }
0x34e: {  	s22 =	sadd.s32 $0x30, s10;
	s0 =	sor.u32 s21, s0;
	[tilespmem:s12+$0x10800] =	vst.add.f32.msk $0xffff, v2  }
0x34f: {  	s7 =	sor.u32 $0x200, s22;
	v2 =	vld [tilespmem:s0+$0x0]  }
0x350: {  	v3 =	vld [tilespmem:s7+$0x800]  }
0x351: {  	s23 =	sor.u32 s21, s1  }
0x352: {  	v4 =	vld [tilespmem:s23+$0x0]  }
0x353: {  	s24 =	sor.u32 s21, s3  }
0x354: {  	v5 =	vld [tilespmem:s24+$0x0]  }
0x355: {  	s25 =	sor.u32 s21, s4;
	v2 =	vadd.f32 v2, v3  }
0x356: {  	v3 =	vld [tilespmem:s25+$0x0]  }
0x357: {  	s26 =	sor.u32 s21, s5;
	v2 =	vadd.f32 v4, v2  }
0x358: {  	[dreg:$0x1e] =	wrdreg s9;
	v4 =	vld [tilespmem:s26+$0x0]  }
0x359: {  	[smem:$0x7EE] =	sst s11;
	v2 =	vadd.f32 v5, v2  }
0x35a: {  	[smem:$0x7EF] =	sst s10  }
0x35b: {  	[smem:$0x7ED] =	sst s8;
	s28 =	sor.u32 s21, s6;
	v5 =	vadd.f32 v3, v2  }
0x35c: {  	s30 =	simm.s32 $0x40;
	[smem:$0x7F0] =	sst s22;
	s29 =	sor.u32 s21, s15;
	v3 =	vld [tilespmem:s28+$0x0]  }
0x35d: {  	s31 =	simm.s32 $0x0;
	p1 =	por $0x0, $0x0;
	[smem:$0x7F1] =	sst s21;
	v2 =	vld [tilespmem:s29+$0x0];
	v4 =	vadd.f32 v4, v5  }
.LBB2_11:
0x35e: {  	_ =	sdelay $0x2  }
0x35f: {  	p1 =	por !p1, !p1;
	s1 =	simm.s32 $0x1;
	v3 =	vadd.f32 v3, v4  }
0x360: {  	s1 =	simm.s32 @!p1 $0x0  }
0x361: {  	s31 =	sadd.s32 $0x200, s31;
	s1 =	sshll.u32 s1, $0x6;
	v2 =	vadd.f32 v2, v3  }
0x362: {  	s0 =	smov.u32 s30;
	s2 =	sand.u32 $0x1C00, s31;
	s1 =	sadd.s32 s1, s31  }
0x363: {  	s0 =	sand.u32 $0x40, s0;
	s3 =	sadd.s32 $0x2A00, s2;
	s17 =	sor.u32 $0x200, s1;
	[tilespmem:s7+$0x10800] =	vst.add.f32.msk $0xffff, v2  }
0x364: {  	s4 =	sor.u32 s0, s3;
	v2 =	vld [tilespmem:s17+$0x800]  }
0x365: {  	s20 =	sadd.s32 $0x4A00, s2;
	v3 =	vld [tilespmem:s4+$0x0]  }
0x366: {  	s5 =	sor.u32 s0, s20  }
0x367: {  	s21 =	sadd.s32 $0x6A00, s2;
	v4 =	vld [tilespmem:s5+$0x0]  }
0x368: {  	s6 =	sor.u32 s0, s21  }
0x369: {  	s23 =	sadd.s32 $0x8A00, s2;
	v5 =	vld [tilespmem:s6+$0x0]  }
0x36a: {  	s19 =	sor.u32 s0, s23;
	v2 =	vadd.f32 v3, v2  }
0x36b: {  	s18 =	sadd.s32 $0xAA00, s2;
	v3 =	vld [tilespmem:s19+$0x0]  }
0x36c: {  	s22 =	sor.u32 s0, s18;
	v2 =	vadd.f32 v4, v2  }
0x36d: {  	s29 =	sadd.s32 $0xCA00, s2;
	v4 =	vld [tilespmem:s22+$0x0]  }
0x36e: {  	s14 =	sor.u32 s0, s29;
	v2 =	vadd.f32 v5, v2  }
0x36f: {  	s9 =	sadd.s32 $0xEA00, s2;
	v5 =	vld [tilespmem:s14+$0x0]  }
0x370: {  	s12 =	sor.u32 s0, s9;
	v2 =	vadd.f32 v3, v2  }
0x371: {  	v3 =	vld [tilespmem:s12+$0x0]  }
0x372: {  	v2 =	vadd.f32 v4, v2;
	_ =	sdelay $0x1  }
0x373: {  	v2 =	vadd.f32 v5, v2  }
0x374: {  	s28 =	sor.u32 $0x10, s0  }
0x375: {  	s2 =	sor.u32 s28, s18;
	v2 =	vadd.f32 v3, v2  }
0x376: {  	s11 =	sadd.s32 $0x10, s1;
	s5 =	sor.u32 $0x20, s0;
	s0 =	sor.u32 $0x30, s0  }
0x377: {  	s19 =	sor.u32 s5, s18;
	s14 =	sor.u32 s0, s18;
	s18 =	sor.u32 $0x200, s11;
	[tilespmem:s17+$0x10800] =	vst.add.f32.msk $0xffff, v2  }
0x378: {  	s13 =	sor.u32 s28, s3;
	v2 =	vld [tilespmem:s18+$0x800]  }
0x379: {  	v3 =	vld [tilespmem:s13+$0x0]  }
0x37a: {  	s10 =	sor.u32 s28, s20  }
0x37b: {  	v4 =	vld [tilespmem:s10+$0x0]  }
0x37c: {  	s8 =	sor.u32 s28, s21  }
0x37d: {  	v5 =	vld [tilespmem:s8+$0x0]  }
0x37e: {  	s24 =	sor.u32 s28, s23;
	v2 =	vadd.f32 v3, v2  }
0x37f: {  	v3 =	vld [tilespmem:s24+$0x0]  }
0x380: {  	v2 =	vadd.f32 v4, v2  }
0x381: {  	v4 =	vld [tilespmem:s2+$0x0]  }
0x382: {  	s25 =	sor.u32 s28, s29;
	v2 =	vadd.f32 v5, v2  }
0x383: {  	v5 =	vld [tilespmem:s25+$0x0]  }
0x384: {  	s26 =	sor.u32 s28, s9;
	v2 =	vadd.f32 v3, v2  }
0x385: {  	v3 =	vld [tilespmem:s26+$0x0]  }
0x386: {  	v2 =	vadd.f32 v4, v2;
	_ =	sdelay $0x1  }
0x387: {  	v2 =	vadd.f32 v5, v2;
	_ =	sdelay $0x1  }
0x388: {  	v2 =	vadd.f32 v3, v2  }
0x389: {  	s4 =	sadd.s32 $0x20, s1  }
0x38a: {  	s26 =	sor.u32 $0x200, s4;
	[tilespmem:s18+$0x10800] =	vst.add.f32.msk $0xffff, v2  }
0x38b: {  	s16 =	sor.u32 s5, s3;
	v2 =	vld [tilespmem:s26+$0x800]  }
0x38c: {  	v3 =	vld [tilespmem:s16+$0x0]  }
0x38d: {  	s15 =	sor.u32 s5, s20  }
0x38e: {  	v4 =	vld [tilespmem:s15+$0x0]  }
0x38f: {  	s7 =	sor.u32 s5, s21  }
0x390: {  	s1 =	sadd.s32 $0x30, s1;
	v5 =	vld [tilespmem:s7+$0x0]  }
0x391: {  	[dreg:$0x3] =	wrdreg s1;
	s1 =	sor.u32 s5, s23;
	v2 =	vadd.f32 v3, v2  }
0x392: {  	v3 =	vld [tilespmem:s1+$0x0]  }
0x393: {  	v2 =	vadd.f32 v4, v2  }
0x394: {  	v4 =	vld [tilespmem:s19+$0x0]  }
0x395: {  	s28 =	sor.u32 s5, s29;
	v2 =	vadd.f32 v5, v2  }
0x396: {  	v5 =	vld [tilespmem:s28+$0x0]  }
0x397: {  	s6 =	sor.u32 s5, s9;
	v2 =	vadd.f32 v3, v2  }
0x398: {  	v3 =	vld [tilespmem:s6+$0x0]  }
0x399: {  	v2 =	vadd.f32 v4, v2;
	_ =	sdelay $0x1  }
0x39a: {  	v2 =	vadd.f32 v5, v2;
	_ =	sdelay $0x1  }
0x39b: {  	s22 =	sor.u32 s0, s3;
	v2 =	vadd.f32 v3, v2  }
0x39c: {  	s3 =	sor.u32 s0, s20;
	s20 =	sor.u32 s0, s29;
	s29 =	rddreg [dreg:$0x3]  }
0x39d: {  	s7 =	sor.u32 $0x200, s29;
	[tilespmem:s26+$0x10800] =	vst.add.f32.msk $0xffff, v2  }
0x39e: {  	v2 =	vld [tilespmem:s7+$0x800]  }
0x39f: {  	v3 =	vld [tilespmem:s22+$0x0];
	_ =	sdelay $0x1  }
0x3a0: {  	v4 =	vld [tilespmem:s3+$0x0]  }
0x3a1: {  	s21 =	sor.u32 s0, s21  }
0x3a2: {  	v5 =	vld [tilespmem:s21+$0x0]  }
0x3a3: {  	s23 =	sor.u32 s0, s23;
	v8 =	vadd.f32 v3, v2  }
0x3a4: {  	v6 =	vld [tilespmem:s23+$0x0]  }
0x3a5: {  	v4 =	vadd.f32 v4, v8  }
0x3a6: {  	p2 =	sne.s32 s30, $0x3C0;
	v7 =	vld [tilespmem:s14+$0x0]  }
.Ltmp4:
0x3a7: {  	v4 =	vadd.f32 v5, v4;
	(pc) =	sbr.rel @p2 .LBB2_11-.Ltmp4, $4  }
0x3a8: {  	_ = 	snop  }
0x3a9: {  	v4 =	vadd.f32 v6, v4  }
0x3aa: {  	s9 =	sor.u32 s0, s9;
	v3 =	vld [tilespmem:s20+$0x0]  }
0x3ab: {  	s30 =	sadd.s32 $0x40, s30;
	v2 =	vld [tilespmem:s9+$0x0];
	v4 =	vadd.f32 v7, v4  }
0x3ac: {  	_ =	sdelay $0x2  }
0x3ad: {  	v3 =	vadd.f32 v3, v4  }
0x3ae: {  	s1 =	sld [smem:$0x7EF]  }
0x3af: {  	v2 =	vadd.f32 v2, v3  }
0x3b0: {  	s8 =	rddreg [dreg:$0x1c]  }
0x3b1: {  	s10 =	rddreg [dreg:$0x1e];
	s0 =	sadd.s32 $0x2A80, s8;
	s1 =	sor.u32 $0x280, s1;
	[tilespmem:s7+$0x10800] =	vst.add.f32.msk $0xffff, v2  }
0x3b2: {  	s2 =	sor.u32 s10, s0;
	v2 =	vld [tilespmem:s1+$0x800]  }
0x3b3: {  	s3 =	sadd.s32 $0x4A80, s8;
	v3 =	vld [tilespmem:s2+$0x0]  }
0x3b4: {  	s21 =	sor.u32 s10, s3  }
0x3b5: {  	s4 =	sadd.s32 $0x6A80, s8;
	v4 =	vld [tilespmem:s21+$0x0]  }
0x3b6: {  	s22 =	sor.u32 s10, s4  }
0x3b7: {  	s5 =	sadd.s32 $0x8A80, s8;
	v5 =	vld [tilespmem:s22+$0x0]  }
0x3b8: {  	s23 =	sor.u32 s10, s5;
	v2 =	vadd.f32 v3, v2  }
0x3b9: {  	s6 =	sadd.s32 $0xAA80, s8;
	v3 =	vld [tilespmem:s23+$0x0]  }
0x3ba: {  	s24 =	sor.u32 s10, s6;
	v2 =	vadd.f32 v4, v2  }
0x3bb: {  	s7 =	sadd.s32 $0xCA80, s8;
	v4 =	vld [tilespmem:s24+$0x0]  }
0x3bc: {  	s25 =	sor.u32 s10, s7;
	v2 =	vadd.f32 v5, v2  }
0x3bd: {  	s9 =	sadd.s32 $0xEA80, s8;
	v5 =	vld [tilespmem:s25+$0x0]  }
0x3be: {  	s26 =	sor.u32 s10, s9;
	v2 =	vadd.f32 v3, v2  }
0x3bf: {  	v3 =	vld [tilespmem:s26+$0x0]  }
0x3c0: {  	v2 =	vadd.f32 v4, v2;
	_ =	sdelay $0x1  }
0x3c1: {  	v2 =	vadd.f32 v5, v2  }
0x3c2: {  	s28 =	sld [smem:$0x7EB]  }
0x3c3: {  	s29 =	sld [smem:$0x7EC];
	v2 =	vadd.f32 v3, v2;
	_ =	sdelay $0x1  }
0x3c4: {  	[tilespmem:s1+$0x10800] =	vst.add.f32.msk $0xffff, v2;
	s1 =	sor.u32 $0x280, s28  }
0x3c5: {  	s30 =	sor.u32 s29, s0;
	v2 =	vld [tilespmem:s1+$0x800]  }
0x3c6: {  	v3 =	vld [tilespmem:s30+$0x0]  }
0x3c7: {  	s31 =	sor.u32 s29, s3  }
0x3c8: {  	v4 =	vld [tilespmem:s31+$0x0]  }
0x3c9: {  	s10 =	sor.u32 s29, s4  }
0x3ca: {  	v5 =	vld [tilespmem:s10+$0x0]  }
0x3cb: {  	s11 =	sor.u32 s29, s5;
	v2 =	vadd.f32 v3, v2  }
0x3cc: {  	v3 =	vld [tilespmem:s11+$0x0]  }
0x3cd: {  	s12 =	sor.u32 s29, s6;
	v2 =	vadd.f32 v4, v2  }
0x3ce: {  	v4 =	vld [tilespmem:s12+$0x0]  }
0x3cf: {  	s13 =	sor.u32 s29, s7;
	v2 =	vadd.f32 v5, v2  }
0x3d0: {  	v5 =	vld [tilespmem:s13+$0x0]  }
0x3d1: {  	s14 =	sor.u32 s29, s9;
	v2 =	vadd.f32 v3, v2  }
0x3d2: {  	v3 =	vld [tilespmem:s14+$0x0]  }
0x3d3: {  	v2 =	vadd.f32 v4, v2;
	_ =	sdelay $0x1  }
0x3d4: {  	v2 =	vadd.f32 v5, v2  }
0x3d5: {  	s15 =	sld [smem:$0x7ED]  }
0x3d6: {  	s16 =	sld [smem:$0x7EE];
	v2 =	vadd.f32 v3, v2;
	_ =	sdelay $0x1  }
0x3d7: {  	[tilespmem:s1+$0x10800] =	vst.add.f32.msk $0xffff, v2;
	s1 =	sor.u32 $0x280, s15  }
0x3d8: {  	s17 =	sor.u32 s16, s0;
	v2 =	vld [tilespmem:s1+$0x800]  }
0x3d9: {  	v3 =	vld [tilespmem:s17+$0x0]  }
0x3da: {  	s18 =	sor.u32 s16, s3  }
0x3db: {  	v4 =	vld [tilespmem:s18+$0x0]  }
0x3dc: {  	s19 =	sor.u32 s16, s4  }
0x3dd: {  	v5 =	vld [tilespmem:s19+$0x0]  }
0x3de: {  	s20 =	sor.u32 s16, s5;
	v2 =	vadd.f32 v3, v2  }
0x3df: {  	v3 =	vld [tilespmem:s20+$0x0]  }
0x3e0: {  	s21 =	sor.u32 s16, s6;
	v2 =	vadd.f32 v4, v2  }
0x3e1: {  	v4 =	vld [tilespmem:s21+$0x0]  }
0x3e2: {  	s22 =	sor.u32 s16, s7;
	v2 =	vadd.f32 v5, v2  }
0x3e3: {  	v5 =	vld [tilespmem:s22+$0x0]  }
0x3e4: {  	s23 =	sor.u32 s16, s9;
	v2 =	vadd.f32 v3, v2  }
0x3e5: {  	v3 =	vld [tilespmem:s23+$0x0]  }
0x3e6: {  	v2 =	vadd.f32 v4, v2;
	_ =	sdelay $0x1  }
0x3e7: {  	v2 =	vadd.f32 v5, v2  }
0x3e8: {  	s24 =	sld [smem:$0x7F1]  }
0x3e9: {  	s25 =	sld [smem:$0x7F0];
	v2 =	vadd.f32 v3, v2;
	_ =	sdelay $0x1  }
0x3ea: {  	s0 =	sor.u32 s24, s0;
	[tilespmem:s1+$0x10800] =	vst.add.f32.msk $0xffff, v2  }
0x3eb: {  	s1 =	sor.u32 $0x280, s25;
	v2 =	vld [tilespmem:s0+$0x0]  }
0x3ec: {  	v3 =	vld [tilespmem:s1+$0x800]  }
0x3ed: {  	s26 =	sor.u32 s24, s3  }
0x3ee: {  	v4 =	vld [tilespmem:s26+$0x0]  }
0x3ef: {  	s28 =	sor.u32 s24, s4  }
0x3f0: {  	v5 =	vld [tilespmem:s28+$0x0]  }
0x3f1: {  	s29 =	sor.u32 s24, s5;
	v2 =	vadd.f32 v2, v3  }
0x3f2: {  	v3 =	vld [tilespmem:s29+$0x0]  }
0x3f3: {  	s30 =	sor.u32 s24, s6;
	v2 =	vadd.f32 v4, v2  }
0x3f4: {  	v4 =	vld [tilespmem:s30+$0x0]  }
0x3f5: {  	v2 =	vadd.f32 v5, v2;
	_ =	sdelay $0x1  }
0x3f6: {  	s31 =	sor.u32 s24, s7;
	v5 =	vadd.f32 v3, v2  }
0x3f7: {  	s2 =	sor.u32 s24, s9;
	v3 =	vld [tilespmem:s31+$0x0]  }
0x3f8: {  	s13 =	simm.s32 $0x0;
	v2 =	vld [tilespmem:s2+$0x0];
	s2 =	simm.s32 $0x40;
	v4 =	vadd.f32 v4, v5  }
.LBB2_13:
0x3f9: {  	_ =	sdelay $0x2  }
0x3fa: {  	p0 =	por !p0, !p0;
	s3 =	simm.s32 $0x1;
	v3 =	vadd.f32 v3, v4  }
0x3fb: {  	s3 =	simm.s32 @!p0 $0x0  }
0x3fc: {  	s13 =	sadd.s32 $0x200, s13;
	s3 =	sshll.u32 s3, $0x6;
	v2 =	vadd.f32 v2, v3  }
0x3fd: {  	s0 =	smov.u32 s2;
	s4 =	sand.u32 $0x1C00, s13;
	s3 =	sadd.s32 s3, s13  }
0x3fe: {  	s0 =	sand.u32 $0x40, s0;
	s8 =	sadd.s32 $0x2A80, s4;
	s17 =	sor.u32 $0x280, s3;
	[tilespmem:s1+$0x10800] =	vst.add.f32.msk $0xffff, v2  }
0x3ff: {  	s5 =	sor.u32 s0, s8;
	v2 =	vld [tilespmem:s17+$0x800]  }
0x400: {  	s9 =	sadd.s32 $0x4A80, s4;
	v3 =	vld [tilespmem:s5+$0x0]  }
0x401: {  	s6 =	sor.u32 s0, s9  }
0x402: {  	s10 =	sadd.s32 $0x6A80, s4;
	v4 =	vld [tilespmem:s6+$0x0]  }
0x403: {  	s16 =	sor.u32 s0, s10  }
0x404: {  	s12 =	sadd.s32 $0x8A80, s4;
	v5 =	vld [tilespmem:s16+$0x0]  }
0x405: {  	s18 =	sor.u32 s0, s12;
	v2 =	vadd.f32 v3, v2  }
0x406: {  	s22 =	sadd.s32 $0xAA80, s4;
	v3 =	vld [tilespmem:s18+$0x0]  }
0x407: {  	s11 =	sor.u32 s0, s22;
	v2 =	vadd.f32 v4, v2  }
0x408: {  	s23 =	sadd.s32 $0xCA80, s4;
	v4 =	vld [tilespmem:s11+$0x0]  }
0x409: {  	s24 =	sor.u32 s0, s23;
	v2 =	vadd.f32 v5, v2  }
0x40a: {  	s25 =	sadd.s32 $0xEA80, s4;
	v5 =	vld [tilespmem:s24+$0x0]  }
0x40b: {  	s28 =	sor.u32 s0, s25;
	v2 =	vadd.f32 v3, v2  }
0x40c: {  	v3 =	vld [tilespmem:s28+$0x0]  }
0x40d: {  	v2 =	vadd.f32 v4, v2;
	_ =	sdelay $0x1  }
0x40e: {  	v2 =	vadd.f32 v5, v2;
	_ =	sdelay $0x1  }
0x40f: {  	v2 =	vadd.f32 v3, v2  }
0x410: {  	s26 =	sadd.s32 $0x10, s3  }
0x411: {  	s19 =	sor.u32 $0x10, s0;
	s28 =	sor.u32 $0x280, s26;
	[tilespmem:s17+$0x10800] =	vst.add.f32.msk $0xffff, v2  }
0x412: {  	s29 =	sor.u32 s19, s8;
	v2 =	vld [tilespmem:s28+$0x800]  }
0x413: {  	v3 =	vld [tilespmem:s29+$0x0]  }
0x414: {  	s30 =	sor.u32 s19, s9  }
0x415: {  	v4 =	vld [tilespmem:s30+$0x0]  }
0x416: {  	s31 =	sor.u32 s19, s10  }
0x417: {  	v5 =	vld [tilespmem:s31+$0x0]  }
0x418: {  	s1 =	sor.u32 s19, s12;
	v2 =	vadd.f32 v3, v2  }
0x419: {  	v3 =	vld [tilespmem:s1+$0x0]  }
0x41a: {  	s21 =	sor.u32 s19, s22;
	v2 =	vadd.f32 v4, v2  }
0x41b: {  	v4 =	vld [tilespmem:s21+$0x0]  }
0x41c: {  	s20 =	sor.u32 s19, s23;
	v2 =	vadd.f32 v5, v2  }
0x41d: {  	v5 =	vld [tilespmem:s20+$0x0]  }
0x41e: {  	s19 =	sor.u32 s19, s25;
	v2 =	vadd.f32 v3, v2  }
0x41f: {  	v3 =	vld [tilespmem:s19+$0x0]  }
0x420: {  	v2 =	vadd.f32 v4, v2;
	_ =	sdelay $0x1  }
0x421: {  	v2 =	vadd.f32 v5, v2;
	_ =	sdelay $0x1  }
0x422: {  	v2 =	vadd.f32 v3, v2  }
0x423: {  	s4 =	sadd.s32 $0x20, s3  }
0x424: {  	s6 =	sor.u32 $0x20, s0;
	s30 =	sor.u32 $0x280, s4;
	[tilespmem:s28+$0x10800] =	vst.add.f32.msk $0xffff, v2  }
0x425: {  	s16 =	sor.u32 s6, s8;
	v2 =	vld [tilespmem:s30+$0x800]  }
0x426: {  	v3 =	vld [tilespmem:s16+$0x0]  }
0x427: {  	s15 =	sor.u32 s6, s9  }
0x428: {  	s3 =	sadd.s32 $0x30, s3;
	v4 =	vld [tilespmem:s15+$0x0]  }
0x429: {  	[dreg:$0x4] =	wrdreg s3;
	s3 =	sor.u32 s6, s10  }
0x42a: {  	v5 =	vld [tilespmem:s3+$0x0]  }
0x42b: {  	s7 =	sor.u32 s6, s12;
	v2 =	vadd.f32 v3, v2  }
0x42c: {  	v3 =	vld [tilespmem:s7+$0x0]  }
0x42d: {  	s18 =	sor.u32 s6, s22;
	v2 =	vadd.f32 v4, v2  }
0x42e: {  	v4 =	vld [tilespmem:s18+$0x0]  }
0x42f: {  	s14 =	sor.u32 s6, s23;
	v2 =	vadd.f32 v5, v2  }
0x430: {  	v5 =	vld [tilespmem:s14+$0x0]  }
0x431: {  	s6 =	sor.u32 s6, s25;
	v2 =	vadd.f32 v3, v2  }
0x432: {  	v3 =	vld [tilespmem:s6+$0x0]  }
0x433: {  	v2 =	vadd.f32 v4, v2;
	_ =	sdelay $0x1  }
0x434: {  	v2 =	vadd.f32 v5, v2;
	_ =	sdelay $0x1  }
0x435: {  	v2 =	vadd.f32 v3, v2  }
0x436: {  	s31 =	rddreg [dreg:$0x4]  }
0x437: {  	s0 =	sor.u32 $0x30, s0;
	s1 =	sor.u32 $0x280, s31;
	[tilespmem:s30+$0x10800] =	vst.add.f32.msk $0xffff, v2  }
0x438: {  	s8 =	sor.u32 s0, s8;
	v2 =	vld [tilespmem:s1+$0x800]  }
0x439: {  	v3 =	vld [tilespmem:s8+$0x0]  }
0x43a: {  	s9 =	sor.u32 s0, s9  }
0x43b: {  	v4 =	vld [tilespmem:s9+$0x0]  }
0x43c: {  	s10 =	sor.u32 s0, s10  }
0x43d: {  	v5 =	vld [tilespmem:s10+$0x0]  }
0x43e: {  	s12 =	sor.u32 s0, s12;
	v8 =	vadd.f32 v3, v2  }
0x43f: {  	v6 =	vld [tilespmem:s12+$0x0]  }
0x440: {  	s22 =	sor.u32 s0, s22;
	v4 =	vadd.f32 v4, v8  }
0x441: {  	p2 =	sne.s32 s2, $0x3C0;
	v7 =	vld [tilespmem:s22+$0x0]  }
.Ltmp5:
0x442: {  	v4 =	vadd.f32 v5, v4;
	(pc) =	sbr.rel @p2 .LBB2_13-.Ltmp5, $4  }
0x443: {  	_ = 	snop  }
0x444: {  	s24 =	sor.u32 s0, s23;
	v4 =	vadd.f32 v6, v4  }
0x445: {  	s25 =	sor.u32 s0, s25;
	v3 =	vld [tilespmem:s24+$0x0]  }
0x446: {  	s2 =	sadd.s32 $0x40, s2;
	p1 =	por $0x0, $0x0;
	v2 =	vld [tilespmem:s25+$0x0];
	s24 =	simm.s32 $0x0;
	v4 =	vadd.f32 v7, v4  }
0x447: {  	_ =	sdelay $0x2  }
0x448: {  	s0 =	simm.s32 $0x1;
	v3 =	vadd.f32 v3, v4  }
0x449: {  	s0 =	simm.s32 @!p1 $0x0  }
0x44a: {  	s0 =	sshll.u32 s0, $0x6;
	v2 =	vadd.f32 v2, v3  }
0x44b: {  	s8 =	sand.u32 $0x1C00, s24;
	s0 =	sadd.s32 $0x0, s0  }
0x44c: {  	s9 =	sand.u32 $0x40, s24;
	s2 =	sor.u32 $0x300, s0;
	[tilespmem:s1+$0x10800] =	vst.add.f32.msk $0xffff, v2;
	s1 =	sadd.s32 $0x2B00, s8  }
0x44d: {  	s4 =	sor.u32 s9, s1;
	v2 =	vld [tilespmem:s2+$0x800]  }
0x44e: {  	s3 =	sadd.s32 $0x4B00, s8;
	v3 =	vld [tilespmem:s4+$0x0]  }
0x44f: {  	s5 =	sor.u32 s9, s3  }
0x450: {  	v4 =	vld [tilespmem:s5+$0x0];
	s4 =	sadd.s32 $0x6B00, s8  }
0x451: {  	s6 =	sor.u32 s9, s4  }
0x452: {  	s5 =	sadd.s32 $0x8B00, s8;
	v5 =	vld [tilespmem:s6+$0x0]  }
0x453: {  	s7 =	sor.u32 s9, s5;
	v2 =	vadd.f32 v3, v2  }
0x454: {  	s6 =	sadd.s32 $0xAB00, s8;
	v3 =	vld [tilespmem:s7+$0x0]  }
0x455: {  	s11 =	sor.u32 s9, s6;
	v2 =	vadd.f32 v4, v2  }
0x456: {  	s7 =	sadd.s32 $0xCB00, s8;
	v4 =	vld [tilespmem:s11+$0x0]  }
0x457: {  	s16 =	sor.u32 s9, s7;
	v2 =	vadd.f32 v5, v2  }
0x458: {  	s15 =	sadd.s32 $0xEB00, s8;
	v5 =	vld [tilespmem:s16+$0x0]  }
0x459: {  	s17 =	sor.u32 s9, s15;
	v2 =	vadd.f32 v3, v2  }
0x45a: {  	v3 =	vld [tilespmem:s17+$0x0]  }
0x45b: {  	v2 =	vadd.f32 v4, v2;
	_ =	sdelay $0x1  }
0x45c: {  	v2 =	vadd.f32 v5, v2;
	_ =	sdelay $0x1  }
0x45d: {  	v2 =	vadd.f32 v3, v2  }
0x45e: {  	s10 =	sadd.s32 $0x10, s0  }
0x45f: {  	s18 =	sor.u32 $0x10, s9;
	s13 =	sor.u32 $0x300, s10;
	[tilespmem:s2+$0x10800] =	vst.add.f32.msk $0xffff, v2  }
0x460: {  	s19 =	sor.u32 s18, s1;
	v2 =	vld [tilespmem:s13+$0x800]  }
0x461: {  	v3 =	vld [tilespmem:s19+$0x0]  }
0x462: {  	s20 =	sor.u32 s18, s3  }
0x463: {  	v4 =	vld [tilespmem:s20+$0x0]  }
0x464: {  	s21 =	sor.u32 s18, s4  }
0x465: {  	v5 =	vld [tilespmem:s21+$0x0]  }
0x466: {  	s22 =	sor.u32 s18, s5;
	v2 =	vadd.f32 v3, v2  }
0x467: {  	v3 =	vld [tilespmem:s22+$0x0]  }
0x468: {  	s23 =	sor.u32 s18, s6;
	v2 =	vadd.f32 v4, v2  }
0x469: {  	v4 =	vld [tilespmem:s23+$0x0]  }
0x46a: {  	s25 =	sor.u32 s18, s7;
	v2 =	vadd.f32 v5, v2  }
0x46b: {  	v5 =	vld [tilespmem:s25+$0x0]  }
0x46c: {  	s26 =	sor.u32 s18, s15;
	v2 =	vadd.f32 v3, v2  }
0x46d: {  	v3 =	vld [tilespmem:s26+$0x0]  }
0x46e: {  	v2 =	vadd.f32 v4, v2;
	_ =	sdelay $0x1  }
0x46f: {  	v2 =	vadd.f32 v5, v2;
	_ =	sdelay $0x1  }
0x470: {  	v2 =	vadd.f32 v3, v2  }
0x471: {  	s28 =	sadd.s32 $0x20, s0  }
0x472: {  	s31 =	sor.u32 $0x20, s9;
	s16 =	sor.u32 $0x300, s28;
	[tilespmem:s13+$0x10800] =	vst.add.f32.msk $0xffff, v2  }
0x473: {  	[dreg:$0x1b] =	wrdreg s8;
	s8 =	sor.u32 s31, s1;
	v2 =	vld [tilespmem:s16+$0x800]  }
0x474: {  	v3 =	vld [tilespmem:s8+$0x0]  }
0x475: {  	[smem:$0x7E6] =	sst s10;
	s10 =	sor.u32 s31, s3  }
0x476: {  	v4 =	vld [tilespmem:s10+$0x0]  }
0x477: {  	s11 =	sor.u32 s31, s4  }
0x478: {  	v5 =	vld [tilespmem:s11+$0x0]  }
0x479: {  	s12 =	sor.u32 s31, s5;
	v2 =	vadd.f32 v3, v2  }
0x47a: {  	v3 =	vld [tilespmem:s12+$0x0]  }
0x47b: {  	s14 =	sor.u32 s31, s6;
	v2 =	vadd.f32 v4, v2  }
0x47c: {  	v4 =	vld [tilespmem:s14+$0x0]  }
0x47d: {  	s17 =	sor.u32 s31, s7;
	v2 =	vadd.f32 v5, v2  }
0x47e: {  	v5 =	vld [tilespmem:s17+$0x0]  }
0x47f: {  	[dreg:$0x1f] =	wrdreg s18;
	s18 =	sor.u32 s31, s15;
	v2 =	vadd.f32 v3, v2  }
0x480: {  	v3 =	vld [tilespmem:s18+$0x0]  }
0x481: {  	v2 =	vadd.f32 v4, v2;
	_ =	sdelay $0x1  }
0x482: {  	v2 =	vadd.f32 v5, v2;
	_ =	sdelay $0x1  }
0x483: {  	v2 =	vadd.f32 v3, v2  }
0x484: {  	s19 =	sor.u32 $0x30, s9  }
0x485: {  	s20 =	sadd.s32 $0x30, s0;
	s21 =	sor.u32 s19, s1;
	[tilespmem:s16+$0x10800] =	vst.add.f32.msk $0xffff, v2  }
0x486: {  	s1 =	sor.u32 $0x300, s20;
	v2 =	vld [tilespmem:s21+$0x0]  }
0x487: {  	v3 =	vld [tilespmem:s1+$0x800]  }
0x488: {  	s22 =	sor.u32 s19, s3  }
0x489: {  	v4 =	vld [tilespmem:s22+$0x0]  }
0x48a: {  	s23 =	sor.u32 s19, s4  }
0x48b: {  	v5 =	vld [tilespmem:s23+$0x0]  }
0x48c: {  	s25 =	sor.u32 s19, s5;
	v2 =	vadd.f32 v2, v3  }
0x48d: {  	v3 =	vld [tilespmem:s25+$0x0]  }
0x48e: {  	s26 =	sor.u32 s19, s6;
	v2 =	vadd.f32 v4, v2  }
0x48f: {  	v4 =	vld [tilespmem:s26+$0x0]  }
0x490: {  	[dreg:$0x1d] =	wrdreg s9;
	v2 =	vadd.f32 v5, v2  }
0x491: {  	[smem:$0x7E8] =	sst s31  }
0x492: {  	[smem:$0x7E7] =	sst s28;
	s28 =	sor.u32 s19, s7;
	v5 =	vadd.f32 v3, v2  }
0x493: {  	s29 =	simm.s32 $0x40;
	[smem:$0x7E9] =	sst s20;
	s31 =	sor.u32 s19, s15;
	v3 =	vld [tilespmem:s28+$0x0]  }
0x494: {  	s30 =	simm.s32 $0x0;
	p0 =	por $0x0, $0x0;
	[smem:$0x7EA] =	sst s19;
	v2 =	vld [tilespmem:s31+$0x0];
	v4 =	vadd.f32 v4, v5  }
.LBB2_15:
0x495: {  	_ =	sdelay $0x2  }
0x496: {  	p0 =	por !p0, !p0;
	s3 =	simm.s32 $0x1;
	v3 =	vadd.f32 v3, v4  }
0x497: {  	s3 =	simm.s32 @!p0 $0x0  }
0x498: {  	s30 =	sadd.s32 $0x200, s30;
	s3 =	sshll.u32 s3, $0x6;
	v2 =	vadd.f32 v2, v3  }
0x499: {  	s0 =	smov.u32 s29;
	s4 =	sand.u32 $0x1C00, s30;
	s3 =	sadd.s32 s3, s30  }
0x49a: {  	s0 =	sand.u32 $0x40, s0;
	s20 =	sadd.s32 $0x2B00, s4;
	s17 =	sor.u32 $0x300, s3;
	[tilespmem:s1+$0x10800] =	vst.add.f32.msk $0xffff, v2  }
0x49b: {  	s5 =	sor.u32 s0, s20;
	v2 =	vld [tilespmem:s17+$0x800]  }
0x49c: {  	s21 =	sadd.s32 $0x4B00, s4;
	v3 =	vld [tilespmem:s5+$0x0]  }
0x49d: {  	s6 =	sor.u32 s0, s21  }
0x49e: {  	s23 =	sadd.s32 $0x6B00, s4;
	v4 =	vld [tilespmem:s6+$0x0]  }
0x49f: {  	s16 =	sor.u32 s0, s23  }
0x4a0: {  	s14 =	sadd.s32 $0x8B00, s4;
	v5 =	vld [tilespmem:s16+$0x0]  }
0x4a1: {  	s19 =	sor.u32 s0, s14;
	v2 =	vadd.f32 v3, v2  }
0x4a2: {  	s2 =	sadd.s32 $0xAB00, s4;
	v3 =	vld [tilespmem:s19+$0x0]  }
0x4a3: {  	s22 =	sor.u32 s0, s2;
	v2 =	vadd.f32 v4, v2  }
0x4a4: {  	s18 =	sadd.s32 $0xCB00, s4;
	v4 =	vld [tilespmem:s22+$0x0]  }
0x4a5: {  	s8 =	sor.u32 s0, s18;
	v2 =	vadd.f32 v5, v2  }
0x4a6: {  	s11 =	sadd.s32 $0xEB00, s4;
	v5 =	vld [tilespmem:s8+$0x0]  }
0x4a7: {  	s13 =	sor.u32 s0, s11;
	v2 =	vadd.f32 v3, v2  }
0x4a8: {  	s28 =	sor.u32 $0x10, s0;
	v3 =	vld [tilespmem:s13+$0x0]  }
0x4a9: {  	s10 =	sor.u32 s28, s20;
	s4 =	sor.u32 s28, s21;
	s9 =	sor.u32 s28, s23;
	v2 =	vadd.f32 v4, v2  }
0x4aa: {  	s25 =	sor.u32 s28, s18;
	s26 =	sor.u32 s28, s11;
	s31 =	sadd.s32 $0x20, s3  }
0x4ab: {  	s12 =	sadd.s32 $0x10, s3;
	s3 =	sadd.s32 $0x30, s3;
	[dreg:$0x6] =	wrdreg s31;
	v2 =	vadd.f32 v5, v2  }
0x4ac: {  	s31 =	sor.u32 s28, s2;
	[dreg:$0x5] =	wrdreg s3;
	s6 =	sor.u32 $0x20, s0  }
0x4ad: {  	s1 =	sor.u32 s28, s14;
	s0 =	sor.u32 $0x30, s0;
	s15 =	sor.u32 s6, s21;
	v2 =	vadd.f32 v3, v2  }
0x4ae: {  	s7 =	sor.u32 s6, s14;
	s28 =	sor.u32 s6, s18;
	s3 =	sor.u32 s0, s21  }
0x4af: {  	s21 =	sor.u32 s0, s14;
	s14 =	sor.u32 s0, s18;
	s18 =	sor.u32 $0x300, s12;
	[tilespmem:s17+$0x10800] =	vst.add.f32.msk $0xffff, v2  }
0x4b0: {  	v2 =	vld [tilespmem:s18+$0x800]  }
0x4b1: {  	v3 =	vld [tilespmem:s10+$0x0];
	_ =	sdelay $0x1  }
0x4b2: {  	v4 =	vld [tilespmem:s4+$0x0];
	_ =	sdelay $0x1  }
0x4b3: {  	v5 =	vld [tilespmem:s9+$0x0]  }
0x4b4: {  	v2 =	vadd.f32 v3, v2  }
0x4b5: {  	v3 =	vld [tilespmem:s1+$0x0]  }
0x4b6: {  	v2 =	vadd.f32 v4, v2  }
0x4b7: {  	v4 =	vld [tilespmem:s31+$0x0]  }
0x4b8: {  	v2 =	vadd.f32 v5, v2  }
0x4b9: {  	v5 =	vld [tilespmem:s25+$0x0]  }
0x4ba: {  	v2 =	vadd.f32 v3, v2  }
0x4bb: {  	v3 =	vld [tilespmem:s26+$0x0]  }
0x4bc: {  	v2 =	vadd.f32 v4, v2;
	_ =	sdelay $0x1  }
0x4bd: {  	v2 =	vadd.f32 v5, v2;
	_ =	sdelay $0x1  }
0x4be: {  	v2 =	vadd.f32 v3, v2  }
0x4bf: {  	s26 =	rddreg [dreg:$0x6]  }
0x4c0: {  	s1 =	sor.u32 $0x300, s26;
	[tilespmem:s18+$0x10800] =	vst.add.f32.msk $0xffff, v2  }
0x4c1: {  	s16 =	sor.u32 s6, s20;
	v2 =	vld [tilespmem:s1+$0x800]  }
0x4c2: {  	v3 =	vld [tilespmem:s16+$0x0];
	_ =	sdelay $0x1  }
0x4c3: {  	v4 =	vld [tilespmem:s15+$0x0]  }
0x4c4: {  	s5 =	sor.u32 s6, s23  }
0x4c5: {  	v5 =	vld [tilespmem:s5+$0x0]  }
0x4c6: {  	v2 =	vadd.f32 v3, v2  }
0x4c7: {  	v3 =	vld [tilespmem:s7+$0x0]  }
0x4c8: {  	s19 =	sor.u32 s6, s2;
	v2 =	vadd.f32 v4, v2  }
0x4c9: {  	v4 =	vld [tilespmem:s19+$0x0]  }
0x4ca: {  	v2 =	vadd.f32 v5, v2  }
0x4cb: {  	v5 =	vld [tilespmem:s28+$0x0]  }
0x4cc: {  	s6 =	sor.u32 s6, s11;
	v2 =	vadd.f32 v3, v2  }
0x4cd: {  	v3 =	vld [tilespmem:s6+$0x0]  }
0x4ce: {  	v2 =	vadd.f32 v4, v2;
	_ =	sdelay $0x1  }
0x4cf: {  	v2 =	vadd.f32 v5, v2;
	_ =	sdelay $0x1  }
0x4d0: {  	v2 =	vadd.f32 v3, v2  }
0x4d1: {  	s31 =	rddreg [dreg:$0x5]  }
0x4d2: {  	[tilespmem:s1+$0x10800] =	vst.add.f32.msk $0xffff, v2;
	s1 =	sor.u32 $0x300, s31  }
0x4d3: {  	s20 =	sor.u32 s0, s20;
	v2 =	vld [tilespmem:s1+$0x800]  }
0x4d4: {  	v3 =	vld [tilespmem:s20+$0x0];
	_ =	sdelay $0x1  }
0x4d5: {  	v4 =	vld [tilespmem:s3+$0x0]  }
0x4d6: {  	s23 =	sor.u32 s0, s23  }
0x4d7: {  	v5 =	vld [tilespmem:s23+$0x0]  }
0x4d8: {  	v8 =	vadd.f32 v3, v2  }
0x4d9: {  	v6 =	vld [tilespmem:s21+$0x0]  }
0x4da: {  	s2 =	sor.u32 s0, s2;
	v4 =	vadd.f32 v4, v8  }
0x4db: {  	p2 =	sne.s32 s29, $0x3C0;
	v7 =	vld [tilespmem:s2+$0x0]  }
.Ltmp6:
0x4dc: {  	v4 =	vadd.f32 v5, v4;
	(pc) =	sbr.rel @p2 .LBB2_15-.Ltmp6, $4  }
0x4dd: {  	_ = 	snop  }
0x4de: {  	v4 =	vadd.f32 v6, v4  }
0x4df: {  	s0 =	sor.u32 s0, s11;
	v3 =	vld [tilespmem:s14+$0x0]  }
0x4e0: {  	s29 =	sadd.s32 $0x40, s29;
	v2 =	vld [tilespmem:s0+$0x0];
	v4 =	vadd.f32 v7, v4  }
0x4e1: {  	_ =	sdelay $0x2  }
0x4e2: {  	v3 =	vadd.f32 v3, v4;
	_ =	sdelay $0x1  }
0x4e3: {  	s7 =	rddreg [dreg:$0x1b];
	v2 =	vadd.f32 v2, v3  }
0x4e4: {  	s9 =	rddreg [dreg:$0x1d];
	s0 =	sadd.s32 $0x2B80, s7  }
0x4e5: {  	s19 =	sor.u32 s24, s24;
	s2 =	sor.u32 s9, s0;
	[tilespmem:s1+$0x10800] =	vst.add.f32.msk $0xffff, v2  }
0x4e6: {  	s8 =	sor.u32 $0x380, s19;
	v2 =	vld [tilespmem:s2+$0x0]  }
0x4e7: {  	s1 =	sadd.s32 $0x4B80, s7;
	v3 =	vld [tilespmem:s8+$0x800]  }
0x4e8: {  	s20 =	sor.u32 s9, s1  }
0x4e9: {  	s3 =	sadd.s32 $0x6B80, s7;
	v4 =	vld [tilespmem:s20+$0x0]  }
0x4ea: {  	s21 =	sor.u32 s9, s3  }
0x4eb: {  	s4 =	sadd.s32 $0x8B80, s7;
	v5 =	vld [tilespmem:s21+$0x0]  }
0x4ec: {  	s22 =	sor.u32 s9, s4;
	v2 =	vadd.f32 v2, v3  }
0x4ed: {  	s5 =	sadd.s32 $0xAB80, s7;
	v3 =	vld [tilespmem:s22+$0x0]  }
0x4ee: {  	s23 =	sor.u32 s9, s5;
	v2 =	vadd.f32 v4, v2  }
0x4ef: {  	s6 =	sadd.s32 $0xCB80, s7;
	v4 =	vld [tilespmem:s23+$0x0]  }
0x4f0: {  	s25 =	sor.u32 s9, s6;
	v2 =	vadd.f32 v5, v2  }
0x4f1: {  	s7 =	sadd.s32 $0xEB80, s7;
	v5 =	vld [tilespmem:s25+$0x0]  }
0x4f2: {  	s26 =	sor.u32 s9, s7;
	v2 =	vadd.f32 v3, v2  }
0x4f3: {  	v3 =	vld [tilespmem:s26+$0x0]  }
0x4f4: {  	v2 =	vadd.f32 v4, v2;
	_ =	sdelay $0x1  }
0x4f5: {  	v2 =	vadd.f32 v5, v2  }
0x4f6: {  	s28 =	sld [smem:$0x7E6]  }
0x4f7: {  	v2 =	vadd.f32 v3, v2;
	_ =	sdelay $0x1  }
0x4f8: {  	s29 =	rddreg [dreg:$0x1f];
	s2 =	sor.u32 $0x380, s28;
	[tilespmem:s8+$0x10800] =	vst.add.f32.msk $0xffff, v2  }
0x4f9: {  	s30 =	sor.u32 s29, s0;
	v2 =	vld [tilespmem:s2+$0x800]  }
0x4fa: {  	v3 =	vld [tilespmem:s30+$0x0]  }
0x4fb: {  	s31 =	sor.u32 s29, s1  }
0x4fc: {  	v4 =	vld [tilespmem:s31+$0x0]  }
0x4fd: {  	s10 =	sor.u32 s29, s3  }
0x4fe: {  	v5 =	vld [tilespmem:s10+$0x0]  }
0x4ff: {  	s11 =	sor.u32 s29, s4;
	v2 =	vadd.f32 v3, v2  }
0x500: {  	v3 =	vld [tilespmem:s11+$0x0]  }
0x501: {  	s12 =	sor.u32 s29, s5;
	v2 =	vadd.f32 v4, v2  }
0x502: {  	v4 =	vld [tilespmem:s12+$0x0]  }
0x503: {  	s13 =	sor.u32 s29, s6;
	v2 =	vadd.f32 v5, v2  }
0x504: {  	v5 =	vld [tilespmem:s13+$0x0]  }
0x505: {  	s14 =	sor.u32 s29, s7;
	v2 =	vadd.f32 v3, v2  }
0x506: {  	v3 =	vld [tilespmem:s14+$0x0]  }
0x507: {  	v2 =	vadd.f32 v4, v2;
	_ =	sdelay $0x1  }
0x508: {  	v2 =	vadd.f32 v5, v2  }
0x509: {  	s15 =	sld [smem:$0x7E7]  }
0x50a: {  	s16 =	sld [smem:$0x7E8];
	v2 =	vadd.f32 v3, v2;
	_ =	sdelay $0x1  }
0x50b: {  	[tilespmem:s2+$0x10800] =	vst.add.f32.msk $0xffff, v2;
	s2 =	sor.u32 $0x380, s15  }
0x50c: {  	s17 =	sor.u32 s16, s0;
	v2 =	vld [tilespmem:s2+$0x800]  }
0x50d: {  	v3 =	vld [tilespmem:s17+$0x0]  }
0x50e: {  	s18 =	sor.u32 s16, s1  }
0x50f: {  	v4 =	vld [tilespmem:s18+$0x0]  }
0x510: {  	s19 =	sor.u32 s16, s3  }
0x511: {  	v5 =	vld [tilespmem:s19+$0x0]  }
0x512: {  	s20 =	sor.u32 s16, s4;
	v2 =	vadd.f32 v3, v2  }
0x513: {  	v3 =	vld [tilespmem:s20+$0x0]  }
0x514: {  	s21 =	sor.u32 s16, s5;
	v2 =	vadd.f32 v4, v2  }
0x515: {  	v4 =	vld [tilespmem:s21+$0x0]  }
0x516: {  	s22 =	sor.u32 s16, s6;
	v2 =	vadd.f32 v5, v2  }
0x517: {  	v5 =	vld [tilespmem:s22+$0x0]  }
0x518: {  	s23 =	sor.u32 s16, s7;
	v2 =	vadd.f32 v3, v2  }
0x519: {  	v3 =	vld [tilespmem:s23+$0x0]  }
0x51a: {  	v2 =	vadd.f32 v4, v2;
	_ =	sdelay $0x1  }
0x51b: {  	v2 =	vadd.f32 v5, v2  }
0x51c: {  	s25 =	sld [smem:$0x7EA]  }
0x51d: {  	s26 =	sld [smem:$0x7E9];
	v2 =	vadd.f32 v3, v2;
	_ =	sdelay $0x1  }
0x51e: {  	s0 =	sor.u32 s25, s0;
	[tilespmem:s2+$0x10800] =	vst.add.f32.msk $0xffff, v2  }
0x51f: {  	v2 =	vld [tilespmem:s0+$0x0];
	s0 =	sor.u32 $0x380, s26  }
0x520: {  	v3 =	vld [tilespmem:s0+$0x800]  }
0x521: {  	s1 =	sor.u32 s25, s1  }
0x522: {  	v4 =	vld [tilespmem:s1+$0x0]  }
0x523: {  	s28 =	sor.u32 s25, s3  }
0x524: {  	v5 =	vld [tilespmem:s28+$0x0]  }
0x525: {  	s29 =	sor.u32 s25, s4;
	v2 =	vadd.f32 v2, v3  }
0x526: {  	v3 =	vld [tilespmem:s29+$0x0]  }
0x527: {  	v2 =	vadd.f32 v4, v2  }
0x528: {  	s30 =	sor.u32 s25, s5  }
0x529: {  	v4 =	vld [tilespmem:s30+$0x0];
	v2 =	vadd.f32 v5, v2  }
0x52a: {  	s31 =	sor.u32 s25, s6  }
0x52b: {  	v5 =	vadd.f32 v3, v2;
	v3 =	vld [tilespmem:s31+$0x0]  }
0x52c: {  	s2 =	sor.u32 s25, s7  }
0x52d: {  	v2 =	vld [tilespmem:s2+$0x0]  }
0x52e: {  	s2 =	simm.s32 $0x40;
	v4 =	vadd.f32 v4, v5  }
.LBB2_17:
0x52f: {  	_ = 	snop  }
0x530: {  	p0 =	sne.s32 s2, $0x3C0;
	s24 =	sadd.s32 $0x200, s24;
	p1 =	por !p1, !p1;
	v3 =	vadd.f32 v3, v4  }
0x531: {  	s1 =	smov.u32 s2;
	s2 =	sadd.s32 $0x40, s2  }
0x532: {  	s3 =	sand.u32 $0x1C00, s24;
	v2 =	vadd.f32 v2, v3  }
0x533: {  	s4 =	sand.u32 $0x40, s1;
	s5 =	sadd.s32 $0x2B80, s3;
	s8 =	sadd.s32 $0x4B80, s3  }
0x534: {  	s1 =	sor.u32 s1, s24;
	s6 =	sor.u32 s4, s5;
	s7 =	sor.u32 s4, s8;
	[tilespmem:s0+$0x10800] =	vst.add.f32.msk $0xffff, v2  }
0x535: {  	s15 =	sor.u32 $0x380, s1;
	s1 =	sadd.s32 $0x6B80, s3;
	s9 =	sadd.s32 $0x8B80, s3;
	v2 =	vld [tilespmem:s6+$0x0]  }
0x536: {  	s10 =	sadd.s32 $0xAB80, s3;
	s0 =	sor.u32 s4, s1;
	s6 =	sor.u32 s4, s9;
	v3 =	vld [tilespmem:s15+$0x800]  }
0x537: {  	s25 =	sadd.s32 $0xCB80, s3;
	s26 =	sadd.s32 $0xEB80, s3;
	s11 =	sor.u32 s4, s10  }
0x538: {  	s3 =	sor.u32 $0x10, s4;
	s28 =	sor.u32 s4, s25;
	s29 =	sor.u32 s4, s26;
	v4 =	vld [tilespmem:s7+$0x0]  }
0x539: {  	s30 =	sor.u32 s3, s5;
	s23 =	sor.u32 s3, s8;
	s22 =	sor.u32 s3, s1  }
0x53a: {  	s21 =	sor.u32 s3, s9;
	s20 =	sor.u32 s3, s10;
	s17 =	sor.u32 s3, s25;
	v5 =	vld [tilespmem:s0+$0x0]  }
0x53b: {  	s31 =	sor.u32 $0x30, s4;
	s16 =	sor.u32 s3, s26;
	s0 =	sor.u32 $0x20, s4;
	v2 =	vadd.f32 v2, v3  }
0x53c: {  	s7 =	sor.u32 s0, s5;
	s19 =	sor.u32 s0, s8;
	s18 =	sor.u32 s0, s1;
	v3 =	vld [tilespmem:s6+$0x0]  }
0x53d: {  	s4 =	sor.u32 s0, s10;
	s3 =	sor.u32 s0, s25;
	s6 =	sor.u32 s0, s9;
	v2 =	vadd.f32 v4, v2  }
0x53e: {  	s13 =	sor.u32 s31, s5;
	s0 =	sor.u32 s0, s26;
	v4 =	vld [tilespmem:s11+$0x0];
	s11 =	sor.u32 s31, s8  }
0x53f: {  	s14 =	sor.u32 s31, s1;
	s12 =	sor.u32 s31, s9;
	s8 =	sor.u32 s31, s10;
	v2 =	vadd.f32 v5, v2  }
0x540: {  	s1 =	sor.u32 s31, s26;
	s10 =	sor.u32 s31, s25;
	v5 =	vld [tilespmem:s28+$0x0]  }
0x541: {  	v2 =	vadd.f32 v3, v2  }
0x542: {  	v3 =	vld [tilespmem:s29+$0x0]  }
0x543: {  	v2 =	vadd.f32 v4, v2  }
0x544: {  	s5 =	simm.s32 $0x1  }
0x545: {  	s5 =	simm.s32 @!p1 $0x0;
	v2 =	vadd.f32 v5, v2  }
0x546: {  	s5 =	sshll.u32 s5, $0x6  }
0x547: {  	s5 =	sadd.s32 s5, s24;
	v2 =	vadd.f32 v3, v2  }
0x548: {  	s9 =	sadd.s32 $0x10, s5  }
0x549: {  	s9 =	sor.u32 $0x380, s9;
	[tilespmem:s15+$0x10800] =	vst.add.f32.msk $0xffff, v2  }
0x54a: {  	v2 =	vld [tilespmem:s9+$0x800]  }
0x54b: {  	v3 =	vld [tilespmem:s30+$0x0];
	_ =	sdelay $0x1  }
0x54c: {  	v4 =	vld [tilespmem:s23+$0x0];
	_ =	sdelay $0x1  }
0x54d: {  	v5 =	vld [tilespmem:s22+$0x0]  }
0x54e: {  	v2 =	vadd.f32 v3, v2  }
0x54f: {  	v3 =	vld [tilespmem:s21+$0x0]  }
0x550: {  	v2 =	vadd.f32 v4, v2  }
0x551: {  	v4 =	vld [tilespmem:s20+$0x0]  }
0x552: {  	v2 =	vadd.f32 v5, v2  }
0x553: {  	v5 =	vld [tilespmem:s17+$0x0]  }
0x554: {  	v2 =	vadd.f32 v3, v2  }
0x555: {  	v3 =	vld [tilespmem:s16+$0x0]  }
0x556: {  	v2 =	vadd.f32 v4, v2;
	_ =	sdelay $0x1  }
0x557: {  	v2 =	vadd.f32 v5, v2;
	_ =	sdelay $0x1  }
0x558: {  	v2 =	vadd.f32 v3, v2  }
0x559: {  	s15 =	sadd.s32 $0x20, s5  }
0x55a: {  	[tilespmem:s9+$0x10800] =	vst.add.f32.msk $0xffff, v2;
	s9 =	sor.u32 $0x380, s15  }
0x55b: {  	v2 =	vld [tilespmem:s9+$0x800]  }
0x55c: {  	v3 =	vld [tilespmem:s7+$0x0];
	_ =	sdelay $0x1  }
0x55d: {  	v4 =	vld [tilespmem:s19+$0x0];
	_ =	sdelay $0x1  }
0x55e: {  	v5 =	vld [tilespmem:s18+$0x0]  }
0x55f: {  	v2 =	vadd.f32 v3, v2  }
0x560: {  	v3 =	vld [tilespmem:s6+$0x0]  }
0x561: {  	v2 =	vadd.f32 v4, v2  }
0x562: {  	v4 =	vld [tilespmem:s4+$0x0]  }
0x563: {  	v2 =	vadd.f32 v5, v2  }
0x564: {  	v5 =	vld [tilespmem:s3+$0x0]  }
0x565: {  	v2 =	vadd.f32 v3, v2  }
0x566: {  	v3 =	vld [tilespmem:s0+$0x0]  }
0x567: {  	v2 =	vadd.f32 v4, v2;
	_ =	sdelay $0x1  }
0x568: {  	v2 =	vadd.f32 v5, v2;
	_ =	sdelay $0x1  }
0x569: {  	v2 =	vadd.f32 v3, v2  }
0x56a: {  	s0 =	sadd.s32 $0x30, s5  }
0x56b: {  	s0 =	sor.u32 $0x380, s0;
	[tilespmem:s9+$0x10800] =	vst.add.f32.msk $0xffff, v2  }
0x56c: {  	v2 =	vld [tilespmem:s0+$0x800]  }
0x56d: {  	v3 =	vld [tilespmem:s13+$0x0]  }
0x56e: {  	v4 =	vld [tilespmem:s11+$0x0]  }
0x56f: {  	v5 =	vld [tilespmem:s14+$0x0]  }
0x570: {  	v6 =	vld [tilespmem:s12+$0x0]  }
0x571: {  	v7 =	vld [tilespmem:s8+$0x0]  }
0x572: {  	v8 =	vadd.f32 v3, v2;
	v3 =	vld [tilespmem:s10+$0x0]  }
0x573: {  	v2 =	vld [tilespmem:s1+$0x0]  }
0x574: {  	v4 =	vadd.f32 v4, v8;
	_ =	sdelay $0x1  }
.Ltmp7:
0x575: {  	v4 =	vadd.f32 v5, v4;
	(pc) =	sbr.rel @p0 .LBB2_17-.Ltmp7, $3  }
0x576: {  	_ = 	snop  }
0x577: {  	v4 =	vadd.f32 v6, v4;
	_ =	sdelay $0x1  }
0x578: {  	v4 =	vadd.f32 v7, v4  }
0x579: {  	_ = 	snop  }
0x57a: {  	v3 =	vadd.f32 v3, v4;
	_ =	sdelay $0x1  }
0x57b: {  	s28 =	rddreg [dreg:$0x1];
	v2 =	vadd.f32 v2, v3  }
0x57c: {  	s1 =	rddreg [dreg:$0x18];
	s29 =	simm.s32 $0x0  }
0x57d: {  	s4 =	simm.s32 $0x10800;
	s30 =	simm.s32 $0x2;
	[tilespmem:s0+$0x10800] =	vst.add.f32.msk $0xffff, v2;
	s0 =	sadd.s32 s28, s1  }
0x57e: {  	[hbm4b:s0+s29] =	stream.linear.scatter [tilespmem:s4], [sflag:$0x2], $0x2000, $0x38;
	[tilespmem:$0x12800] =	vst v63  }
0x57f: {  	_ =	swait.ge [sflag:s30], $0x2000  }
0x580: {  	s31 =	rddreg [dreg:$0x17]  }
0x581: {  	s1 =	sadd.s32 $0x1, s31  }
0x582: {  	p0 =	sne.s32 s1, $0x20  }
.Ltmp8:
0x583: {  	_ = 	snop;
	(pc) =	sbr.rel @p0 .LBB2_2-.Ltmp8, $3  }
0x584: {  	_ =	sdelay $0x1  }
0x585: {  	[sflag:s30] =	ssyncset.done $0x0  }
0x586: {  	[sflag:s30] =	ssyncadd.s32 $0xFFFFE000  }
0x587: {  	s1 =	rddreg [dreg:$0x16]  }
0x588: {  	s0 =	rddreg [dreg:$0x15];
	s1 =	sadd.s32 $0x1, s1  }
0x589: {  	p0 =	sne.s32 s1, s0  }
.Ltmp9:
0x58a: {  	_ = 	snop;
	(pc) =	sbr.rel @p0 .LBB2_1-.Ltmp9, $1  }
0x58b: {  	_ =	sdelay $0x3  }
0x58c: {  	_ =	sfence.sel $0x180000  }
0x58d: {  	[bflag:$0x0] =	sbarrier.arrive $0xFFFF  }
0x58e: {  	_ =	strace $0x90000047  }
0x58f: {  	s0 =	stileid.u32;
	[bflag:$0x2] =	sbarrier.arrive $0xFFFF  }
0x590: {  	p0 =	sne.s32 s0, $0x0;
	s0 =	rddreg [dreg:$0x2]  }
0x591: {  	s0 =	sadd.s32 @!p0 $0x100000, s0  }
0x592: {  	[sflag:s0] =	ssyncadd.tile.s32 @!p0 $0x1;
	_ =	shalt  }
.Lfunc_end2:
_tile_overlayer_lowered:
.L_overlay_start_2:
0x593: {  	(tag) =	ssettag $0x2  }
0x594: {  	s0 =	rddreg [dreg:$0x0];
	s2 =	stileid.u32  }
0x595: {  	s1 =	rddreg [dreg:$0x1];
	p0 =	sne.s32 s2, $0x0  }
0x596: {  	s3 =	rddreg [dreg:$0x2];
	[bflag:$0x3] =	sbarrier.arrive $0xFFFF;
	s2 =	simm.s32 @!p0 $0x1C02  }
0x597: {  	[timem:s3], [sflag:s2] =	dma.local @!p0 [hbm:s0], s1  }
0x598: {  	s0 =	simm.s32 @!p0 $0x2  }
0x599: {  	_ =	swait.ge @!p0 [sflag:s0], s1  }
0x59a: {  	s1 =	ssub.s32 @!p0 $0x0, s1;
	[sflag:s0] =	ssyncset.done @!p0 $0x0  }
0x59b: {  	[sflag:s0] =	ssyncadd.s32 @!p0 s1  }
0x59c: {  	[bflag:$0x3] =	sbarrier.arrive $0xFFFF  }
0x59d: {  	_ =	shalt  }

</sc_bundles>
